<compile_context>
chip_gen: v7x
topology: tpu7x:2x2x1
jax: 0.10.2.dev20260603
libtpu: 0.0.44.dev20260713+nightly
codegen_flags: <defaults>
</compile_context>

<pallas_src>
import functools

import jax
import jax.numpy as jnp
from jax import lax
from jax.experimental import pallas as pl
from jax.experimental.pallas import tpu as pltpu
from jax.experimental.pallas import tpu_sc as plsc

N = 10000
NPAD = 10240
IN = 128
OUT = 32
D4 = 4
RK = 10
DK = 16
NEG = 0.2

NC = 2
NS = 16
NW = NC * NS
NT = NPAD // NW
NG = NT // 16
DCH = 32
NDCH = NT // DCH
RLEN = D4 * NT
NQ = OUT // 4
QI = NQ // 2


def _leaky(x):
    return jnp.where(x >= 0, x, NEG * x)


def _sigmoid(x):
    return 1.0 / (1.0 + jnp.exp(-x))



BN = 1024


def _pack_rows(lo, hi):
    u_lo = lax.bitcast_convert_type(lo.astype(jnp.bfloat16), jnp.uint16)
    u_hi = lax.bitcast_convert_type(hi.astype(jnp.bfloat16), jnp.uint16)
    return u_lo.astype(jnp.int32) | (u_hi.astype(jnp.int32) << 16)


def _tc_body(h_ref, wc_ref, bm_ref, whp_ref, wdp_ref, st_ref):
    PT = lax.dot_general(wc_ref[...], h_ref[...], (((0,), (1,)), ((), ())),
                         preferred_element_type=jnp.float32)
    whp_ref[...] = _pack_rows(PT[0:16], PT[16:32])
    wdp_ref[...] = _pack_rows(PT[32:48], PT[48:64])
    st_ref[...] = lax.dot_general(bm_ref[...], PT, (((0,), (0,)), ((), ())),
                                  preferred_element_type=jnp.float32)


def _tc_project(h_pad, Wc, Bmat):
    return pl.pallas_call(
        _tc_body,
        grid=(NPAD // BN,),
        in_specs=[
            pl.BlockSpec((BN, IN), lambda i: (i, 0)),
            pl.BlockSpec((IN, 2 * OUT), lambda i: (0, 0)),
            pl.BlockSpec((2 * OUT, 8), lambda i: (0, 0)),
        ],
        out_specs=[
            pl.BlockSpec((OUT // 2, BN), lambda i: (0, i)),
            pl.BlockSpec((OUT // 2, BN), lambda i: (0, i)),
            pl.BlockSpec((8, BN), lambda i: (0, i)),
        ],
        out_shape=[
            jax.ShapeDtypeStruct((OUT // 2, NPAD), jnp.int32),
            jax.ShapeDtypeStruct((OUT // 2, NPAD), jnp.int32),
            jax.ShapeDtypeStruct((8, NPAD), jnp.float32),
        ],
    )(h_pad, Wc, Bmat)



def _make_sc_kernel():
    mesh = plsc.VectorSubcoreMesh(core_axis_name="c", subcore_axis_name="s",
                                  num_cores=NC, num_subcores=NS)
    scratch = [
        pltpu.VMEM((NPAD,), jnp.int32),
        pltpu.VMEM((NT,), jnp.float32),
        pltpu.VMEM((NT,), jnp.float32),
        pltpu.VMEM((RK * RLEN,), jnp.int32),
        pltpu.VMEM((NT * DK,), jnp.int32),
        pltpu.VMEM((2 * NPAD,), jnp.int32),
        pltpu.VMEM((2 * NPAD,), jnp.int32),
        pltpu.VMEM((2 * NPAD,), jnp.int32),
        pltpu.VMEM((2 * NPAD,), jnp.int32),
        pltpu.VMEM((D4, NT), jnp.float32),
        pltpu.VMEM((DK, NT), jnp.float32),
        pltpu.VMEM((4 * NT,), jnp.float32),
        pltpu.SemaphoreType.DMA,
        pltpu.SemaphoreType.DMA,
    ]

    @functools.partial(
        pl.kernel,
        out_type=jax.ShapeDtypeStruct((OUT * NPAD,), jnp.float32),
        mesh=mesh,
        scratch_types=scratch,
        compiler_params=pltpu.CompilerParams(needs_layout_passes=False,
                                             use_tc_tiling_on_sc=False),
    )
    def sc_kernel(whp_hbm, wdp_hbm, st_hbm, tpk_hbm, ridx_hbm, didx_hbm,
                  out_hbm, tpk_v, s1_v, s2_v, ridx_v, didx_v,
                  qwA, qdA, qwB, qdB, alpha_v, ad_v, outq_v,
                  sem_a, sem_b):
        sid = lax.axis_index("s")
        wid = sid * NC + lax.axis_index("c")
        base = wid * NT

        def _unlo(w):
            return plsc.bitcast(w << 16, jnp.float32)

        def _unhi(w):
            return plsc.bitcast(w & jnp.int32(-65536), jnp.float32)

        pltpu.sync_copy(tpk_hbm, tpk_v)
        pltpu.sync_copy(st_hbm.at[pl.ds(base, NT)], s1_v)
        pltpu.sync_copy(st_hbm.at[pl.ds(2 * NPAD + base, NT)], s2_v)
        pltpu.sync_copy(ridx_hbm.at[pl.ds(wid * (RK * RLEN), RK * RLEN)],
                        ridx_v)
        pltpu.sync_copy(didx_hbm.at[pl.ds(wid * (NT * DK), NT * DK)], didx_v)

        pre = [pltpu.async_copy(whp_hbm.at[pl.ds(0, 2 * NPAD)], qwA, sem_a),
               pltpu.async_copy(wdp_hbm.at[pl.ds(0, 2 * NPAD)], qdA, sem_a),
               pltpu.async_copy(whp_hbm.at[pl.ds(2 * NPAD, 2 * NPAD)], qwB,
                                sem_b),
               pltpu.async_copy(wdp_hbm.at[pl.ds(2 * NPAD, 2 * NPAD)], qdB,
                                sem_b)]

        def attn_group(g, carry):
            goff = g * 16
            s1 = s1_v[pl.ds(goff, 16)]
            es = []
            for d in range(D4):
                acc = None
                for k in range(RK):
                    t = _unlo(plsc.load_gather(
                        tpk_v,
                        [ridx_v[pl.ds(k * RLEN + d * NT + goff, 16)]]))
                    acc = t if acc is None else acc + t
                es.append(_leaky(s1 + (1.0 / RK) * acc))
            m = jnp.maximum(jnp.maximum(es[0], es[1]),
                            jnp.maximum(es[2], es[3]))
            ex = [jnp.exp(e - m) for e in es]
            inv = (1.0 / RK) / ((ex[0] + ex[1]) + (ex[2] + ex[3]))
            for d in range(D4):
                alpha_v[d, pl.ds(goff, 16)] = ex[d] * inv

            s2 = s2_v[pl.ds(goff, 16)]
            doff = (g >> 1) * (DK * DCH) + (g & 1) * 16
            eds = []
            for k in range(DK):
                eds.append(_leaky(s2 + _unhi(plsc.load_gather(
                    tpk_v, [didx_v[pl.ds(doff + k * DCH, 16)]]))))
            m2 = functools.reduce(jnp.maximum, eds)
            ex2 = [jnp.exp(e - m2) for e in eds]
            inv2 = 1.0 / functools.reduce(lambda a, b: a + b, ex2)
            for k in range(DK):
                ad_v[k, pl.ds(goff, 16)] = ex2[k] * inv2
            return carry

        lax.fori_loop(0, NG, attn_group, 0)

        def make_quad_compute(col_wh, col_wd):
            def gbody(g, carry):
                goff = g * 16
                nloc = goff + lax.iota(jnp.int32, 16)
                als = [alpha_v[d, pl.ds(goff, 16)] for d in range(D4)]
                accR = [None] * 4
                for d in range(D4):
                    ts = [None] * 4
                    for k in range(RK):
                        iv = ridx_v[pl.ds(k * RLEN + d * NT + goff, 16)]
                        w0 = plsc.load_gather(col_wh, [iv])
                        w1 = plsc.load_gather(col_wh, [iv + NPAD])
                        for j, part in enumerate(
                                (_unlo(w0), _unhi(w0), _unlo(w1), _unhi(w1))):
                            ts[j] = part if ts[j] is None else ts[j] + part
                    for j in range(4):
                        wv = als[d] * ts[j]
                        accR[j] = wv if accR[j] is None else accR[j] + wv
                doff = (g >> 1) * (DK * DCH) + (g & 1) * 16
                accD = [None] * 4
                for k in range(DK):
                    iv = didx_v[pl.ds(doff + k * DCH, 16)]
                    w0 = plsc.load_gather(col_wd, [iv])
                    w1 = plsc.load_gather(col_wd, [iv + NPAD])
                    adk = ad_v[k, pl.ds(goff, 16)]
                    for j, part in enumerate(
                            (_unlo(w0), _unhi(w0), _unlo(w1), _unhi(w1))):
                        wv = adk * part
                        accD[j] = wv if accD[j] is None else accD[j] + wv
                for j in range(4):
                    val = 0.5 * (_sigmoid(accR[j]) + _sigmoid(accD[j]))
                    plsc.store_scatter(outq_v, [j * NT + nloc], val)
                return carry

            return gbody

        gbody_A = make_quad_compute(qwA, qdA)
        gbody_B = make_quad_compute(qwB, qdB)

        def _flush(q):
            for j in range(4):
                pltpu.sync_copy(
                    outq_v.at[pl.ds(j * NT, NT)],
                    out_hbm.at[pl.ds((4 * q + j) * NPAD + base, NT)])

        def pair_body(p, carry):
            qA = 2 * p
            qB = 2 * p + 1
            pre[0].wait()
            pre[1].wait()
            lax.fori_loop(0, NG, gbody_A, 0)
            _flush(qA)

            @pl.when(p + 1 < QI)
            def _next_a():
                pltpu.async_copy(
                    whp_hbm.at[pl.ds(2 * (qA + 2) * NPAD, 2 * NPAD)],
                    qwA, sem_a)
                pltpu.async_copy(
                    wdp_hbm.at[pl.ds(2 * (qA + 2) * NPAD, 2 * NPAD)],
                    qdA, sem_a)

            pre[2].wait()
            pre[3].wait()
            lax.fori_loop(0, NG, gbody_B, 0)
            _flush(qB)

            @pl.when(p + 1 < QI)
            def _next_b():
                pltpu.async_copy(
                    whp_hbm.at[pl.ds(2 * (qB + 2) * NPAD, 2 * NPAD)],
                    qwB, sem_b)
                pltpu.async_copy(
                    wdp_hbm.at[pl.ds(2 * (qB + 2) * NPAD, 2 * NPAD)],
                    qdB, sem_b)

            return carry

        lax.fori_loop(0, QI, pair_body, 0)

    return sc_kernel


_sc_kernel = _make_sc_kernel()


def kernel(h, W_ref, a_ref, W_dir, a_dir, ref_neighbors, dir_neighbors):
    h_pad = jnp.pad(h, ((0, NPAD - N), (0, 0)))
    Wc = jnp.concatenate([W_ref, W_dir], axis=1)
    a1 = a_ref[:OUT, 0]
    a2 = a_ref[OUT:, 0]
    b1 = a_dir[:OUT, 0]
    b2 = a_dir[OUT:, 0]
    z = jnp.zeros((OUT,), jnp.float32)
    Bmat = jnp.stack(
        [jnp.concatenate([a1, z]), jnp.concatenate([a2, z]),
         jnp.concatenate([z, b1]), jnp.concatenate([z, b2]),
         jnp.zeros((2 * OUT,), jnp.float32), jnp.zeros((2 * OUT,), jnp.float32),
         jnp.zeros((2 * OUT,), jnp.float32), jnp.zeros((2 * OUT,), jnp.float32)],
        axis=1)

    perm = [2 * i for i in range(16)] + [2 * i + 1 for i in range(16)]
    cperm = jnp.asarray(perm + [32 + p for p in perm], jnp.int32)
    whp, wdp, st = _tc_project(h_pad, Wc[:, cperm], Bmat[cperm])

    rn = jnp.pad(ref_neighbors.astype(jnp.int32),
                 ((0, NPAD - N), (0, 0), (0, 0)))
    ridx = rn.reshape(NW, NT, D4, RK).transpose(0, 3, 2, 1).reshape(-1)
    dn = jnp.pad(dir_neighbors.astype(jnp.int32), ((0, NPAD - N), (0, 0)))
    didx = dn.reshape(NW, NDCH, DCH, DK).transpose(0, 1, 3, 2).reshape(-1)

    tpk = lax.bitcast_convert_type(
        jnp.stack([st[1].astype(jnp.bfloat16), st[3].astype(jnp.bfloat16)],
                  axis=-1), jnp.int32)

    out_pad = _sc_kernel(whp.reshape(-1), wdp.reshape(-1),
                         st.reshape(8 * NPAD), tpk, ridx, didx)
    return jnp.transpose(out_pad.reshape(OUT, NPAD))[:N]

# --- scband reference (transcript-rebuilt; emitter-appended) ---
"""Pipeline reference for scband-rdgatlayer-68590627717475 (READ-ONLY COPY).

The authoritative reference and input builder live on the scoring server;
editing this copy changes nothing except your own understanding.
"""

import jax, jax.numpy as jnp
import numpy as np

N = 10000
IN = 128
OUT = 32
DEPTH = 3
REF_K = 10
DIR_K = 16
ALPHA = 0.2


def setup_inputs(seed: int = 0) -> dict:
    key = jax.random.key(seed)
    k1, k2, k3, k4, k5 = jax.random.split(key, 5)
    h = jax.random.normal(k1, (N, IN), dtype=jnp.float32)
    W_ref = jax.random.normal(k2, (IN, OUT), dtype=jnp.float32) * 0.1
    a_ref = jax.random.normal(k3, (2 * OUT, 1), dtype=jnp.float32) * 0.1
    W_dir = jax.random.normal(k4, (IN, OUT), dtype=jnp.float32) * 0.1
    a_dir = jax.random.normal(k5, (2 * OUT, 1), dtype=jnp.float32) * 0.1
    rng = np.random.RandomState(0)
    ref_neighbors = jnp.asarray(rng.randint(0, N, size=(N, DEPTH + 1, REF_K)), dtype=jnp.int32)
    dir_neighbors = jnp.asarray(rng.randint(0, N, size=(N, DIR_K)), dtype=jnp.int32)
    return {"h": h, "W_ref": W_ref, "a_ref": a_ref, "W_dir": W_dir, "a_dir": a_dir,
            "ref_neighbors": ref_neighbors, "dir_neighbors": dir_neighbors}


def _leakyrelu(x):
    return jnp.where(x >= 0, x, ALPHA * x)


def reference(h, W_ref, a_ref, W_dir, a_dir, ref_neighbors, dir_neighbors):
    # ---- forward_ref (vectorized over nodes) ----
    Wh = h @ W_ref                                   # [N, OUT]
    # f_ref[n, d] = mean of Wh over sampled depth-d neighbors (10 per depth)
    f_ref = jnp.mean(jnp.take(Wh, ref_neighbors, axis=0), axis=2)  # [N, D+1, OUT]
    a1 = a_ref[:OUT, 0]
    a2 = a_ref[OUT:, 0]
    # e[n, d] = leakyrelu(cat(Wh[n], f_ref[n,d]) @ a_ref)
    e = _leakyrelu((Wh @ a1)[:, None] + f_ref @ a2)  # [N, D+1]
    alpha = jax.nn.softmax(e, axis=1)
    r_ref = jax.nn.sigmoid(jnp.sum(f_ref * alpha[:, :, None], axis=1))  # [N, OUT]

    # ---- forward_dir (vectorized over nodes) ----
    Whd = h @ W_dir                                  # [N, OUT]
    nb = jnp.take(Whd, dir_neighbors, axis=0)        # [N, K, OUT]
    b1 = a_dir[:OUT, 0]
    b2 = a_dir[OUT:, 0]
    ed = _leakyrelu((Whd @ b1)[:, None] + nb @ b2)   # [N, K]
    ad = jax.nn.softmax(ed, axis=1)
    r_dir = jax.nn.sigmoid(jnp.sum(nb * ad[:, :, None], axis=1))  # [N, OUT]

    # mode == 'mean'
    return (r_ref + r_dir) / 2.0

if __name__ == "__main__":
    import jax
    _d = setup_inputs()
    print(jax.jit(kernel)(*tuple(_d.values())))

</pallas_src>

<mosaic_0001>
#map = affine_map<(d0, d1) -> (0)>
module attributes {stable_mosaic.version = 14 : i64} {
  func.func @sc_kernel(%arg0: i32, %arg1: i32, %arg2: memref<163840xi32, #tpu.memory_space<hbm>>, %arg3: memref<163840xi32, #tpu.memory_space<hbm>>, %arg4: memref<81920xf32, #tpu.memory_space<hbm>>, %arg5: memref<10240xi32, #tpu.memory_space<hbm>>, %arg6: memref<409600xi32, #tpu.memory_space<hbm>>, %arg7: memref<163840xi32, #tpu.memory_space<hbm>>, %arg8: memref<327680xf32, #tpu.memory_space<hbm>>, %arg9: memref<10240xi32, #tpu.memory_space<vmem>>, %arg10: memref<320xf32, #tpu.memory_space<vmem>>, %arg11: memref<320xf32, #tpu.memory_space<vmem>>, %arg12: memref<12800xi32, #tpu.memory_space<vmem>>, %arg13: memref<5120xi32, #tpu.memory_space<vmem>>, %arg14: memref<20480xi32, #tpu.memory_space<vmem>>, %arg15: memref<20480xi32, #tpu.memory_space<vmem>>, %arg16: memref<20480xi32, #tpu.memory_space<vmem>>, %arg17: memref<20480xi32, #tpu.memory_space<vmem>>, %arg18: memref<4x320xf32, #tpu.memory_space<vmem>>, %arg19: memref<16x320xf32, #tpu.memory_space<vmem>>, %arg20: memref<1280xf32, #tpu.memory_space<vmem>>, %arg21: memref<!tpu.dma_semaphore, #tpu.memory_space<semaphore_mem>>, %arg22: memref<!tpu.dma_semaphore, #tpu.memory_space<semaphore_mem>>) attributes {dimension_semantics = [#tpu.dimension_semantics<core_parallel>, #tpu.dimension_semantics<subcore_parallel>], iteration_bounds = array<i64: 2, 16>, scalar_prefetch = 0 : i64, scratch_operands = 14 : i64, tpu.core_type = #tpu.core_type<sc_vector_subcore>, window_params = [{transform_indices = #map}, {transform_indices = #map}, {transform_indices = #map}, {transform_indices = #map}, {transform_indices = #map}, {transform_indices = #map}, {transform_indices = #map}]} {
    %mul3A = arith.constant 2 : i32
    %mul3A_0 = arith.muli %arg1, %mul3A : i32
    %add3A = arith.addi %mul3A_0, %arg0 : i32
    %mul3A_1 = arith.constant 320 : i32
    %mul3A_2 = arith.muli %add3A, %mul3A_1 : i32
    "tpu.region"() ({
      %run_scoped3A = tpu.sem_alloc : memref<!tpu.dma_semaphore, #tpu.memory_space<semaphore_mem>>
      tpu.enqueue_dma source(%arg5 : memref<10240xi32, #tpu.memory_space<hbm>>) target(%arg9 : memref<10240xi32, #tpu.memory_space<vmem>>) target_semaphore(%run_scoped3A : memref<!tpu.dma_semaphore, #tpu.memory_space<semaphore_mem>>)
      tpu.wait_dma2 semaphore(%run_scoped3A : memref<!tpu.dma_semaphore, #tpu.memory_space<semaphore_mem>>) src(%arg5 : memref<10240xi32, #tpu.memory_space<hbm>>) dst(%arg9 : memref<10240xi32, #tpu.memory_space<vmem>>)
      tpu.yield
    }) : () -> ()
    "tpu.region"() ({
      %run_scoped3A = tpu.sem_alloc : memref<!tpu.dma_semaphore, #tpu.memory_space<semaphore_mem>>
      %dma_start3A_35 = tpu.memref_slice %arg4[%mul3A_2] : memref<81920xf32, #tpu.memory_space<hbm>> -> memref<320xf32, #tpu.memory_space<hbm>>
      %dma_start3A_36 = tpu.memref_slice %arg4[%mul3A_2] : memref<81920xf32, #tpu.memory_space<hbm>> -> memref<320xf32, #tpu.memory_space<hbm>>
      tpu.enqueue_dma source(%dma_start3A_36 : memref<320xf32, #tpu.memory_space<hbm>>) target(%arg10 : memref<320xf32, #tpu.memory_space<vmem>>) target_semaphore(%run_scoped3A : memref<!tpu.dma_semaphore, #tpu.memory_space<semaphore_mem>>)
      %dma_wait3A = tpu.memref_slice %arg4[%mul3A_2] : memref<81920xf32, #tpu.memory_space<hbm>> -> memref<320xf32, #tpu.memory_space<hbm>>
      %dma_wait3A_37 = tpu.memref_slice %arg4[%mul3A_2] : memref<81920xf32, #tpu.memory_space<hbm>> -> memref<320xf32, #tpu.memory_space<hbm>>
      tpu.wait_dma2 semaphore(%run_scoped3A : memref<!tpu.dma_semaphore, #tpu.memory_space<semaphore_mem>>) src(%dma_wait3A_37 : memref<320xf32, #tpu.memory_space<hbm>>) dst(%arg10 : memref<320xf32, #tpu.memory_space<vmem>>)
      tpu.yield
    }) : () -> ()
    %add3A_3 = arith.constant 20480 : i32
    %add3A_4 = arith.addi %add3A_3, %mul3A_2 : i32
    "tpu.region"() ({
      %run_scoped3A = tpu.sem_alloc : memref<!tpu.dma_semaphore, #tpu.memory_space<semaphore_mem>>
      %dma_start3A_35 = tpu.memref_slice %arg4[%add3A_4] : memref<81920xf32, #tpu.memory_space<hbm>> -> memref<320xf32, #tpu.memory_space<hbm>>
      %dma_start3A_36 = tpu.memref_slice %arg4[%add3A_4] : memref<81920xf32, #tpu.memory_space<hbm>> -> memref<320xf32, #tpu.memory_space<hbm>>
      tpu.enqueue_dma source(%dma_start3A_36 : memref<320xf32, #tpu.memory_space<hbm>>) target(%arg11 : memref<320xf32, #tpu.memory_space<vmem>>) target_semaphore(%run_scoped3A : memref<!tpu.dma_semaphore, #tpu.memory_space<semaphore_mem>>)
      %dma_wait3A = tpu.memref_slice %arg4[%add3A_4] : memref<81920xf32, #tpu.memory_space<hbm>> -> memref<320xf32, #tpu.memory_space<hbm>>
      %dma_wait3A_37 = tpu.memref_slice %arg4[%add3A_4] : memref<81920xf32, #tpu.memory_space<hbm>> -> memref<320xf32, #tpu.memory_space<hbm>>
      tpu.wait_dma2 semaphore(%run_scoped3A : memref<!tpu.dma_semaphore, #tpu.memory_space<semaphore_mem>>) src(%dma_wait3A_37 : memref<320xf32, #tpu.memory_space<hbm>>) dst(%arg11 : memref<320xf32, #tpu.memory_space<vmem>>)
      tpu.yield
    }) : () -> ()
    %mul3A_5 = arith.constant 12800 : i32
    %mul3A_6 = arith.muli %add3A, %mul3A_5 : i32
    "tpu.region"() ({
      %run_scoped3A = tpu.sem_alloc : memref<!tpu.dma_semaphore, #tpu.memory_space<semaphore_mem>>
      %dma_start3A_35 = tpu.memref_slice %arg6[%mul3A_6] : memref<409600xi32, #tpu.memory_space<hbm>> -> memref<12800xi32, #tpu.memory_space<hbm>>
      %dma_start3A_36 = tpu.memref_slice %arg6[%mul3A_6] : memref<409600xi32, #tpu.memory_space<hbm>> -> memref<12800xi32, #tpu.memory_space<hbm>>
      tpu.enqueue_dma source(%dma_start3A_36 : memref<12800xi32, #tpu.memory_space<hbm>>) target(%arg12 : memref<12800xi32, #tpu.memory_space<vmem>>) target_semaphore(%run_scoped3A : memref<!tpu.dma_semaphore, #tpu.memory_space<semaphore_mem>>)
      %dma_wait3A = tpu.memref_slice %arg6[%mul3A_6] : memref<409600xi32, #tpu.memory_space<hbm>> -> memref<12800xi32, #tpu.memory_space<hbm>>
      %dma_wait3A_37 = tpu.memref_slice %arg6[%mul3A_6] : memref<409600xi32, #tpu.memory_space<hbm>> -> memref<12800xi32, #tpu.memory_space<hbm>>
      tpu.wait_dma2 semaphore(%run_scoped3A : memref<!tpu.dma_semaphore, #tpu.memory_space<semaphore_mem>>) src(%dma_wait3A_37 : memref<12800xi32, #tpu.memory_space<hbm>>) dst(%arg12 : memref<12800xi32, #tpu.memory_space<vmem>>)
      tpu.yield
    }) : () -> ()
    %mul3A_7 = arith.constant 5120 : i32
    %mul3A_8 = arith.muli %add3A, %mul3A_7 : i32
    "tpu.region"() ({
      %run_scoped3A = tpu.sem_alloc : memref<!tpu.dma_semaphore, #tpu.memory_space<semaphore_mem>>
      %dma_start3A_35 = tpu.memref_slice %arg7[%mul3A_8] : memref<163840xi32, #tpu.memory_space<hbm>> -> memref<5120xi32, #tpu.memory_space<hbm>>
      %dma_start3A_36 = tpu.memref_slice %arg7[%mul3A_8] : memref<163840xi32, #tpu.memory_space<hbm>> -> memref<5120xi32, #tpu.memory_space<hbm>>
      tpu.enqueue_dma source(%dma_start3A_36 : memref<5120xi32, #tpu.memory_space<hbm>>) target(%arg13 : memref<5120xi32, #tpu.memory_space<vmem>>) target_semaphore(%run_scoped3A : memref<!tpu.dma_semaphore, #tpu.memory_space<semaphore_mem>>)
      %dma_wait3A = tpu.memref_slice %arg7[%mul3A_8] : memref<163840xi32, #tpu.memory_space<hbm>> -> memref<5120xi32, #tpu.memory_space<hbm>>
      %dma_wait3A_37 = tpu.memref_slice %arg7[%mul3A_8] : memref<163840xi32, #tpu.memory_space<hbm>> -> memref<5120xi32, #tpu.memory_space<hbm>>
      tpu.wait_dma2 semaphore(%run_scoped3A : memref<!tpu.dma_semaphore, #tpu.memory_space<semaphore_mem>>) src(%dma_wait3A_37 : memref<5120xi32, #tpu.memory_space<hbm>>) dst(%arg13 : memref<5120xi32, #tpu.memory_space<vmem>>)
      tpu.yield
    }) : () -> ()
    %dma_start3A = arith.constant 0 : i32
    %dma_start3A_9 = tpu.memref_slice %arg2[%dma_start3A] : memref<163840xi32, #tpu.memory_space<hbm>> -> memref<20480xi32, #tpu.memory_space<hbm>>
    %dma_start3A_10 = arith.constant 0 : i32
    %dma_start3A_11 = tpu.memref_slice %arg2[%dma_start3A_10] : memref<163840xi32, #tpu.memory_space<hbm>> -> memref<20480xi32, #tpu.memory_space<hbm>>
    tpu.enqueue_dma source(%dma_start3A_11 : memref<20480xi32, #tpu.memory_space<hbm>>) target(%arg14 : memref<20480xi32, #tpu.memory_space<vmem>>) target_semaphore(%arg21 : memref<!tpu.dma_semaphore, #tpu.memory_space<semaphore_mem>>)
    %dma_start3A_12 = arith.constant 0 : i32
    %dma_start3A_13 = tpu.memref_slice %arg3[%dma_start3A_12] : memref<163840xi32, #tpu.memory_space<hbm>> -> memref<20480xi32, #tpu.memory_space<hbm>>
    %dma_start3A_14 = arith.constant 0 : i32
    %dma_start3A_15 = tpu.memref_slice %arg3[%dma_start3A_14] : memref<163840xi32, #tpu.memory_space<hbm>> -> memref<20480xi32, #tpu.memory_space<hbm>>
    tpu.enqueue_dma source(%dma_start3A_15 : memref<20480xi32, #tpu.memory_space<hbm>>) target(%arg15 : memref<20480xi32, #tpu.memory_space<vmem>>) target_semaphore(%arg21 : memref<!tpu.dma_semaphore, #tpu.memory_space<semaphore_mem>>)
    %dma_start3A_16 = arith.constant 20480 : i32
    %dma_start3A_17 = tpu.memref_slice %arg2[%dma_start3A_16] : memref<163840xi32, #tpu.memory_space<hbm>> -> memref<20480xi32, #tpu.memory_space<hbm>>
    %dma_start3A_18 = arith.constant 20480 : i32
    %dma_start3A_19 = tpu.memref_slice %arg2[%dma_start3A_18] : memref<163840xi32, #tpu.memory_space<hbm>> -> memref<20480xi32, #tpu.memory_space<hbm>>
    tpu.enqueue_dma source(%dma_start3A_19 : memref<20480xi32, #tpu.memory_space<hbm>>) target(%arg16 : memref<20480xi32, #tpu.memory_space<vmem>>) target_semaphore(%arg22 : memref<!tpu.dma_semaphore, #tpu.memory_space<semaphore_mem>>)
    %dma_start3A_20 = arith.constant 20480 : i32
    %dma_start3A_21 = tpu.memref_slice %arg3[%dma_start3A_20] : memref<163840xi32, #tpu.memory_space<hbm>> -> memref<20480xi32, #tpu.memory_space<hbm>>
    %dma_start3A_22 = arith.constant 20480 : i32
    %dma_start3A_23 = tpu.memref_slice %arg3[%dma_start3A_22] : memref<163840xi32, #tpu.memory_space<hbm>> -> memref<20480xi32, #tpu.memory_space<hbm>>
    tpu.enqueue_dma source(%dma_start3A_23 : memref<20480xi32, #tpu.memory_space<hbm>>) target(%arg17 : memref<20480xi32, #tpu.memory_space<vmem>>) target_semaphore(%arg22 : memref<!tpu.dma_semaphore, #tpu.memory_space<semaphore_mem>>)
    %scan3A = arith.constant 0 : i32
    %scan3A_24 = arith.constant 0 : i32
    %scan3A_25 = arith.constant 20 : i32
    %scan3A_26 = arith.addi %scan3A_24, %scan3A_25 : i32
    %scan3A_27 = arith.constant 1 : i32
    scf.for %scan3A_35 = %scan3A_24 to %scan3A_26 step %scan3A_27  : i32 {
      %mul3A_36 = arith.constant 16 : i32
      %mul3A_37 = arith.muli %scan3A_35, %mul3A_36 : i32
      %get3A = arith.index_cast %mul3A_37 : i32 to index
      %get3A_38 = tpu.vector_load %arg10[%get3A] {strides = array<i32>} : memref<320xf32, #tpu.memory_space<vmem>>, vector<16xf32>,
      %add3A_39 = arith.constant 0 : i32
      %add3A_40 = arith.addi %add3A_39, %mul3A_37 : i32
      %get3A_41 = arith.index_cast %add3A_40 : i32 to index
      %get3A_42 = tpu.vector_load %arg12[%get3A_41] {strides = array<i32>} : memref<12800xi32, #tpu.memory_space<vmem>>, vector<16xi32>,
      %gather3A = tpu.vector_load_idx %arg9[%get3A_42] : memref<10240xi32, #tpu.memory_space<vmem>>[vector<16xi32>], vector<16xi32>,
      %shift_left3A = arith.constant 16 : i32
      %shift_left3A_43 = vector.broadcast %shift_left3A : i32 to vector<16xi32>
      %shift_left3A_44 = arith.shli %gather3A, %shift_left3A_43 : vector<16xi32>
      %bitcast3A = vector.bitcast %shift_left3A_44 : vector<16xi32> to vector<16xf32>
      %add3A_45 = arith.constant 1280 : i32
      %add3A_46 = arith.addi %add3A_45, %mul3A_37 : i32
      %get3A_47 = arith.index_cast %add3A_46 : i32 to index
      %get3A_48 = tpu.vector_load %arg12[%get3A_47] {strides = array<i32>} : memref<12800xi32, #tpu.memory_space<vmem>>, vector<16xi32>,
      %gather3A_49 = tpu.vector_load_idx %arg9[%get3A_48] : memref<10240xi32, #tpu.memory_space<vmem>>[vector<16xi32>], vector<16xi32>,
      %shift_left3A_50 = arith.constant 16 : i32
      %shift_left3A_51 = vector.broadcast %shift_left3A_50 : i32 to vector<16xi32>
      %shift_left3A_52 = arith.shli %gather3A_49, %shift_left3A_51 : vector<16xi32>
      %bitcast3A_53 = vector.bitcast %shift_left3A_52 : vector<16xi32> to vector<16xf32>
      %add3A_54 = arith.addf %bitcast3A, %bitcast3A_53 : vector<16xf32>
      %add3A_55 = arith.constant 2560 : i32
      %add3A_56 = arith.addi %add3A_55, %mul3A_37 : i32
      %get3A_57 = arith.index_cast %add3A_56 : i32 to index
      %get3A_58 = tpu.vector_load %arg12[%get3A_57] {strides = array<i32>} : memref<12800xi32, #tpu.memory_space<vmem>>, vector<16xi32>,
      %gather3A_59 = tpu.vector_load_idx %arg9[%get3A_58] : memref<10240xi32, #tpu.memory_space<vmem>>[vector<16xi32>], vector<16xi32>,
      %shift_left3A_60 = arith.constant 16 : i32
      %shift_left3A_61 = vector.broadcast %shift_left3A_60 : i32 to vector<16xi32>
      %shift_left3A_62 = arith.shli %gather3A_59, %shift_left3A_61 : vector<16xi32>
      %bitcast3A_63 = vector.bitcast %shift_left3A_62 : vector<16xi32> to vector<16xf32>
      %add3A_64 = arith.addf %add3A_54, %bitcast3A_63 : vector<16xf32>
      %add3A_65 = arith.constant 3840 : i32
      %add3A_66 = arith.addi %add3A_65, %mul3A_37 : i32
      %get3A_67 = arith.index_cast %add3A_66 : i32 to index
      %get3A_68 = tpu.vector_load %arg12[%get3A_67] {strides = array<i32>} : memref<12800xi32, #tpu.memory_space<vmem>>, vector<16xi32>,
      %gather3A_69 = tpu.vector_load_idx %arg9[%get3A_68] : memref<10240xi32, #tpu.memory_space<vmem>>[vector<16xi32>], vector<16xi32>,
      %shift_left3A_70 = arith.constant 16 : i32
      %shift_left3A_71 = vector.broadcast %shift_left3A_70 : i32 to vector<16xi32>
      %shift_left3A_72 = arith.shli %gather3A_69, %shift_left3A_71 : vector<16xi32>
      %bitcast3A_73 = vector.bitcast %shift_left3A_72 : vector<16xi32> to vector<16xf32>
      %add3A_74 = arith.addf %add3A_64, %bitcast3A_73 : vector<16xf32>
      %add3A_75 = arith.constant 5120 : i32
      %add3A_76 = arith.addi %add3A_75, %mul3A_37 : i32
      %get3A_77 = arith.index_cast %add3A_76 : i32 to index
      %get3A_78 = tpu.vector_load %arg12[%get3A_77] {strides = array<i32>} : memref<12800xi32, #tpu.memory_space<vmem>>, vector<16xi32>,
      %gather3A_79 = tpu.vector_load_idx %arg9[%get3A_78] : memref<10240xi32, #tpu.memory_space<vmem>>[vector<16xi32>], vector<16xi32>,
      %shift_left3A_80 = arith.constant 16 : i32
      %shift_left3A_81 = vector.broadcast %shift_left3A_80 : i32 to vector<16xi32>
      %shift_left3A_82 = arith.shli %gather3A_79, %shift_left3A_81 : vector<16xi32>
      %bitcast3A_83 = vector.bitcast %shift_left3A_82 : vector<16xi32> to vector<16xf32>
      %add3A_84 = arith.addf %add3A_74, %bitcast3A_83 : vector<16xf32>
      %add3A_85 = arith.constant 6400 : i32
      %add3A_86 = arith.addi %add3A_85, %mul3A_37 : i32
      %get3A_87 = arith.index_cast %add3A_86 : i32 to index
      %get3A_88 = tpu.vector_load %arg12[%get3A_87] {strides = array<i32>} : memref<12800xi32, #tpu.memory_space<vmem>>, vector<16xi32>,
      %gather3A_89 = tpu.vector_load_idx %arg9[%get3A_88] : memref<10240xi32, #tpu.memory_space<vmem>>[vector<16xi32>], vector<16xi32>,
      %shift_left3A_90 = arith.constant 16 : i32
      %shift_left3A_91 = vector.broadcast %shift_left3A_90 : i32 to vector<16xi32>
      %shift_left3A_92 = arith.shli %gather3A_89, %shift_left3A_91 : vector<16xi32>
      %bitcast3A_93 = vector.bitcast %shift_left3A_92 : vector<16xi32> to vector<16xf32>
      %add3A_94 = arith.addf %add3A_84, %bitcast3A_93 : vector<16xf32>
      %add3A_95 = arith.constant 7680 : i32
      %add3A_96 = arith.addi %add3A_95, %mul3A_37 : i32
      %get3A_97 = arith.index_cast %add3A_96 : i32 to index
      %get3A_98 = tpu.vector_load %arg12[%get3A_97] {strides = array<i32>} : memref<12800xi32, #tpu.memory_space<vmem>>, vector<16xi32>,
      %gather3A_99 = tpu.vector_load_idx %arg9[%get3A_98] : memref<10240xi32, #tpu.memory_space<vmem>>[vector<16xi32>], vector<16xi32>,
      %shift_left3A_100 = arith.constant 16 : i32
      %shift_left3A_101 = vector.broadcast %shift_left3A_100 : i32 to vector<16xi32>
      %shift_left3A_102 = arith.shli %gather3A_99, %shift_left3A_101 : vector<16xi32>
      %bitcast3A_103 = vector.bitcast %shift_left3A_102 : vector<16xi32> to vector<16xf32>
      %add3A_104 = arith.addf %add3A_94, %bitcast3A_103 : vector<16xf32>
      %add3A_105 = arith.constant 8960 : i32
      %add3A_106 = arith.addi %add3A_105, %mul3A_37 : i32
      %get3A_107 = arith.index_cast %add3A_106 : i32 to index
      %get3A_108 = tpu.vector_load %arg12[%get3A_107] {strides = array<i32>} : memref<12800xi32, #tpu.memory_space<vmem>>, vector<16xi32>,
      %gather3A_109 = tpu.vector_load_idx %arg9[%get3A_108] : memref<10240xi32, #tpu.memory_space<vmem>>[vector<16xi32>], vector<16xi32>,
      %shift_left3A_110 = arith.constant 16 : i32
      %shift_left3A_111 = vector.broadcast %shift_left3A_110 : i32 to vector<16xi32>
      %shift_left3A_112 = arith.shli %gather3A_109, %shift_left3A_111 : vector<16xi32>
      %bitcast3A_113 = vector.bitcast %shift_left3A_112 : vector<16xi32> to vector<16xf32>
      %add3A_114 = arith.addf %add3A_104, %bitcast3A_113 : vector<16xf32>
      %add3A_115 = arith.constant 10240 : i32
      %add3A_116 = arith.addi %add3A_115, %mul3A_37 : i32
      %get3A_117 = arith.index_cast %add3A_116 : i32 to index
      %get3A_118 = tpu.vector_load %arg12[%get3A_117] {strides = array<i32>} : memref<12800xi32, #tpu.memory_space<vmem>>, vector<16xi32>,
      %gather3A_119 = tpu.vector_load_idx %arg9[%get3A_118] : memref<10240xi32, #tpu.memory_space<vmem>>[vector<16xi32>], vector<16xi32>,
      %shift_left3A_120 = arith.constant 16 : i32
      %shift_left3A_121 = vector.broadcast %shift_left3A_120 : i32 to vector<16xi32>
      %shift_left3A_122 = arith.shli %gather3A_119, %shift_left3A_121 : vector<16xi32>
      %bitcast3A_123 = vector.bitcast %shift_left3A_122 : vector<16xi32> to vector<16xf32>
      %add3A_124 = arith.addf %add3A_114, %bitcast3A_123 : vector<16xf32>
      %add3A_125 = arith.constant 11520 : i32
      %add3A_126 = arith.addi %add3A_125, %mul3A_37 : i32
      %get3A_127 = arith.index_cast %add3A_126 : i32 to index
      %get3A_128 = tpu.vector_load %arg12[%get3A_127] {strides = array<i32>} : memref<12800xi32, #tpu.memory_space<vmem>>, vector<16xi32>,
      %gather3A_129 = tpu.vector_load_idx %arg9[%get3A_128] : memref<10240xi32, #tpu.memory_space<vmem>>[vector<16xi32>], vector<16xi32>,
      %shift_left3A_130 = arith.constant 16 : i32
      %shift_left3A_131 = vector.broadcast %shift_left3A_130 : i32 to vector<16xi32>
      %shift_left3A_132 = arith.shli %gather3A_129, %shift_left3A_131 : vector<16xi32>
      %bitcast3A_133 = vector.bitcast %shift_left3A_132 : vector<16xi32> to vector<16xf32>
      %add3A_134 = arith.addf %add3A_124, %bitcast3A_133 : vector<16xf32>
      %mul3A_135 = arith.constant 1.000000e-01 : f32
      %mul3A_136 = vector.broadcast %mul3A_135 : f32 to vector<16xf32>
      %mul3A_137 = arith.mulf %mul3A_136, %add3A_134 : vector<16xf32>
      %add3A_138 = arith.addf %get3A_38, %mul3A_137 : vector<16xf32>
      %ge3A = arith.constant 0.000000e+00 : f32
      %ge3A_139 = vector.broadcast %ge3A : f32 to vector<16xf32>
      %ge3A_140 = arith.cmpf oge, %add3A_138, %ge3A_139 : vector<16xf32>
      %mul3A_141 = arith.constant 2.000000e-01 : f32
      %mul3A_142 = vector.broadcast %mul3A_141 : f32 to vector<16xf32>
      %mul3A_143 = arith.mulf %mul3A_142, %add3A_138 : vector<16xf32>
      %select_n3A = arith.select %ge3A_140, %add3A_138, %mul3A_143 : vector<16xi1>, vector<16xf32>
      %add3A_144 = arith.constant 320 : i32
      %add3A_145 = arith.addi %add3A_144, %mul3A_37 : i32
      %get3A_146 = arith.index_cast %add3A_145 : i32 to index
      %get3A_147 = tpu.vector_load %arg12[%get3A_146] {strides = array<i32>} : memref<12800xi32, #tpu.memory_space<vmem>>, vector<16xi32>,
      %gather3A_148 = tpu.vector_load_idx %arg9[%get3A_147] : memref<10240xi32, #tpu.memory_space<vmem>>[vector<16xi32>], vector<16xi32>,
      %shift_left3A_149 = arith.constant 16 : i32
      %shift_left3A_150 = vector.broadcast %shift_left3A_149 : i32 to vector<16xi32>
      %shift_left3A_151 = arith.shli %gather3A_148, %shift_left3A_150 : vector<16xi32>
      %bitcast3A_152 = vector.bitcast %shift_left3A_151 : vector<16xi32> to vector<16xf32>
      %add3A_153 = arith.constant 1600 : i32
      %add3A_154 = arith.addi %add3A_153, %mul3A_37 : i32
      %get3A_155 = arith.index_cast %add3A_154 : i32 to index
      %get3A_156 = tpu.vector_load %arg12[%get3A_155] {strides = array<i32>} : memref<12800xi32, #tpu.memory_space<vmem>>, vector<16xi32>,
      %gather3A_157 = tpu.vector_load_idx %arg9[%get3A_156] : memref<10240xi32, #tpu.memory_space<vmem>>[vector<16xi32>], vector<16xi32>,
      %shift_left3A_158 = arith.constant 16 : i32
      %shift_left3A_159 = vector.broadcast %shift_left3A_158 : i32 to vector<16xi32>
      %shift_left3A_160 = arith.shli %gather3A_157, %shift_left3A_159 : vector<16xi32>
      %bitcast3A_161 = vector.bitcast %shift_left3A_160 : vector<16xi32> to vector<16xf32>
      %add3A_162 = arith.addf %bitcast3A_152, %bitcast3A_161 : vector<16xf32>
      %add3A_163 = arith.constant 2880 : i32
      %add3A_164 = arith.addi %add3A_163, %mul3A_37 : i32
      %get3A_165 = arith.index_cast %add3A_164 : i32 to index
      %get3A_166 = tpu.vector_load %arg12[%get3A_165] {strides = array<i32>} : memref<12800xi32, #tpu.memory_space<vmem>>, vector<16xi32>,
      %gather3A_167 = tpu.vector_load_idx %arg9[%get3A_166] : memref<10240xi32, #tpu.memory_space<vmem>>[vector<16xi32>], vector<16xi32>,
      %shift_left3A_168 = arith.constant 16 : i32
      %shift_left3A_169 = vector.broadcast %shift_left3A_168 : i32 to vector<16xi32>
      %shift_left3A_170 = arith.shli %gather3A_167, %shift_left3A_169 : vector<16xi32>
      %bitcast3A_171 = vector.bitcast %shift_left3A_170 : vector<16xi32> to vector<16xf32>
      %add3A_172 = arith.addf %add3A_162, %bitcast3A_171 : vector<16xf32>
      %add3A_173 = arith.constant 4160 : i32
      %add3A_174 = arith.addi %add3A_173, %mul3A_37 : i32
      %get3A_175 = arith.index_cast %add3A_174 : i32 to index
      %get3A_176 = tpu.vector_load %arg12[%get3A_175] {strides = array<i32>} : memref<12800xi32, #tpu.memory_space<vmem>>, vector<16xi32>,
      %gather3A_177 = tpu.vector_load_idx %arg9[%get3A_176] : memref<10240xi32, #tpu.memory_space<vmem>>[vector<16xi32>], vector<16xi32>,
      %shift_left3A_178 = arith.constant 16 : i32
      %shift_left3A_179 = vector.broadcast %shift_left3A_178 : i32 to vector<16xi32>
      %shift_left3A_180 = arith.shli %gather3A_177, %shift_left3A_179 : vector<16xi32>
      %bitcast3A_181 = vector.bitcast %shift_left3A_180 : vector<16xi32> to vector<16xf32>
      %add3A_182 = arith.addf %add3A_172, %bitcast3A_181 : vector<16xf32>
      %add3A_183 = arith.constant 5440 : i32
      %add3A_184 = arith.addi %add3A_183, %mul3A_37 : i32
      %get3A_185 = arith.index_cast %add3A_184 : i32 to index
      %get3A_186 = tpu.vector_load %arg12[%get3A_185] {strides = array<i32>} : memref<12800xi32, #tpu.memory_space<vmem>>, vector<16xi32>,
      %gather3A_187 = tpu.vector_load_idx %arg9[%get3A_186] : memref<10240xi32, #tpu.memory_space<vmem>>[vector<16xi32>], vector<16xi32>,
      %shift_left3A_188 = arith.constant 16 : i32
      %shift_left3A_189 = vector.broadcast %shift_left3A_188 : i32 to vector<16xi32>
      %shift_left3A_190 = arith.shli %gather3A_187, %shift_left3A_189 : vector<16xi32>
      %bitcast3A_191 = vector.bitcast %shift_left3A_190 : vector<16xi32> to vector<16xf32>
      %add3A_192 = arith.addf %add3A_182, %bitcast3A_191 : vector<16xf32>
      %add3A_193 = arith.constant 6720 : i32
      %add3A_194 = arith.addi %add3A_193, %mul3A_37 : i32
      %get3A_195 = arith.index_cast %add3A_194 : i32 to index
      %get3A_196 = tpu.vector_load %arg12[%get3A_195] {strides = array<i32>} : memref<12800xi32, #tpu.memory_space<vmem>>, vector<16xi32>,
      %gather3A_197 = tpu.vector_load_idx %arg9[%get3A_196] : memref<10240xi32, #tpu.memory_space<vmem>>[vector<16xi32>], vector<16xi32>,
      %shift_left3A_198 = arith.constant 16 : i32
      %shift_left3A_199 = vector.broadcast %shift_left3A_198 : i32 to vector<16xi32>
      %shift_left3A_200 = arith.shli %gather3A_197, %shift_left3A_199 : vector<16xi32>
      %bitcast3A_201 = vector.bitcast %shift_left3A_200 : vector<16xi32> to vector<16xf32>
      %add3A_202 = arith.addf %add3A_192, %bitcast3A_201 : vector<16xf32>
      %add3A_203 = arith.constant 8000 : i32
      %add3A_204 = arith.addi %add3A_203, %mul3A_37 : i32
      %get3A_205 = arith.index_cast %add3A_204 : i32 to index
      %get3A_206 = tpu.vector_load %arg12[%get3A_205] {strides = array<i32>} : memref<12800xi32, #tpu.memory_space<vmem>>, vector<16xi32>,
      %gather3A_207 = tpu.vector_load_idx %arg9[%get3A_206] : memref<10240xi32, #tpu.memory_space<vmem>>[vector<16xi32>], vector<16xi32>,
      %shift_left3A_208 = arith.constant 16 : i32
      %shift_left3A_209 = vector.broadcast %shift_left3A_208 : i32 to vector<16xi32>
      %shift_left3A_210 = arith.shli %gather3A_207, %shift_left3A_209 : vector<16xi32>
      %bitcast3A_211 = vector.bitcast %shift_left3A_210 : vector<16xi32> to vector<16xf32>
      %add3A_212 = arith.addf %add3A_202, %bitcast3A_211 : vector<16xf32>
      %add3A_213 = arith.constant 9280 : i32
      %add3A_214 = arith.addi %add3A_213, %mul3A_37 : i32
      %get3A_215 = arith.index_cast %add3A_214 : i32 to index
      %get3A_216 = tpu.vector_load %arg12[%get3A_215] {strides = array<i32>} : memref<12800xi32, #tpu.memory_space<vmem>>, vector<16xi32>,
      %gather3A_217 = tpu.vector_load_idx %arg9[%get3A_216] : memref<10240xi32, #tpu.memory_space<vmem>>[vector<16xi32>], vector<16xi32>,
      %shift_left3A_218 = arith.constant 16 : i32
      %shift_left3A_219 = vector.broadcast %shift_left3A_218 : i32 to vector<16xi32>
      %shift_left3A_220 = arith.shli %gather3A_217, %shift_left3A_219 : vector<16xi32>
      %bitcast3A_221 = vector.bitcast %shift_left3A_220 : vector<16xi32> to vector<16xf32>
      %add3A_222 = arith.addf %add3A_212, %bitcast3A_221 : vector<16xf32>
      %add3A_223 = arith.constant 10560 : i32
      %add3A_224 = arith.addi %add3A_223, %mul3A_37 : i32
      %get3A_225 = arith.index_cast %add3A_224 : i32 to index
      %get3A_226 = tpu.vector_load %arg12[%get3A_225] {strides = array<i32>} : memref<12800xi32, #tpu.memory_space<vmem>>, vector<16xi32>,
      %gather3A_227 = tpu.vector_load_idx %arg9[%get3A_226] : memref<10240xi32, #tpu.memory_space<vmem>>[vector<16xi32>], vector<16xi32>,
      %shift_left3A_228 = arith.constant 16 : i32
      %shift_left3A_229 = vector.broadcast %shift_left3A_228 : i32 to vector<16xi32>
      %shift_left3A_230 = arith.shli %gather3A_227, %shift_left3A_229 : vector<16xi32>
      %bitcast3A_231 = vector.bitcast %shift_left3A_230 : vector<16xi32> to vector<16xf32>
      %add3A_232 = arith.addf %add3A_222, %bitcast3A_231 : vector<16xf32>
      %add3A_233 = arith.constant 11840 : i32
      %add3A_234 = arith.addi %add3A_233, %mul3A_37 : i32
      %get3A_235 = arith.index_cast %add3A_234 : i32 to index
      %get3A_236 = tpu.vector_load %arg12[%get3A_235] {strides = array<i32>} : memref<12800xi32, #tpu.memory_space<vmem>>, vector<16xi32>,
      %gather3A_237 = tpu.vector_load_idx %arg9[%get3A_236] : memref<10240xi32, #tpu.memory_space<vmem>>[vector<16xi32>], vector<16xi32>,
      %shift_left3A_238 = arith.constant 16 : i32
      %shift_left3A_239 = vector.broadcast %shift_left3A_238 : i32 to vector<16xi32>
      %shift_left3A_240 = arith.shli %gather3A_237, %shift_left3A_239 : vector<16xi32>
      %bitcast3A_241 = vector.bitcast %shift_left3A_240 : vector<16xi32> to vector<16xf32>
      %add3A_242 = arith.addf %add3A_232, %bitcast3A_241 : vector<16xf32>
      %mul3A_243 = arith.constant 1.000000e-01 : f32
      %mul3A_244 = vector.broadcast %mul3A_243 : f32 to vector<16xf32>
      %mul3A_245 = arith.mulf %mul3A_244, %add3A_242 : vector<16xf32>
      %add3A_246 = arith.addf %get3A_38, %mul3A_245 : vector<16xf32>
      %ge3A_247 = arith.constant 0.000000e+00 : f32
      %ge3A_248 = vector.broadcast %ge3A_247 : f32 to vector<16xf32>
      %ge3A_249 = arith.cmpf oge, %add3A_246, %ge3A_248 : vector<16xf32>
      %mul3A_250 = arith.constant 2.000000e-01 : f32
      %mul3A_251 = vector.broadcast %mul3A_250 : f32 to vector<16xf32>
      %mul3A_252 = arith.mulf %mul3A_251, %add3A_246 : vector<16xf32>
      %select_n3A_253 = arith.select %ge3A_249, %add3A_246, %mul3A_252 : vector<16xi1>, vector<16xf32>
      %add3A_254 = arith.constant 640 : i32
      %add3A_255 = arith.addi %add3A_254, %mul3A_37 : i32
      %get3A_256 = arith.index_cast %add3A_255 : i32 to index
      %get3A_257 = tpu.vector_load %arg12[%get3A_256] {strides = array<i32>} : memref<12800xi32, #tpu.memory_space<vmem>>, vector<16xi32>,
      %gather3A_258 = tpu.vector_load_idx %arg9[%get3A_257] : memref<10240xi32, #tpu.memory_space<vmem>>[vector<16xi32>], vector<16xi32>,
      %shift_left3A_259 = arith.constant 16 : i32
      %shift_left3A_260 = vector.broadcast %shift_left3A_259 : i32 to vector<16xi32>
      %shift_left3A_261 = arith.shli %gather3A_258, %shift_left3A_260 : vector<16xi32>
      %bitcast3A_262 = vector.bitcast %shift_left3A_261 : vector<16xi32> to vector<16xf32>
      %add3A_263 = arith.constant 1920 : i32
      %add3A_264 = arith.addi %add3A_263, %mul3A_37 : i32
      %get3A_265 = arith.index_cast %add3A_264 : i32 to index
      %get3A_266 = tpu.vector_load %arg12[%get3A_265] {strides = array<i32>} : memref<12800xi32, #tpu.memory_space<vmem>>, vector<16xi32>,
      %gather3A_267 = tpu.vector_load_idx %arg9[%get3A_266] : memref<10240xi32, #tpu.memory_space<vmem>>[vector<16xi32>], vector<16xi32>,
      %shift_left3A_268 = arith.constant 16 : i32
      %shift_left3A_269 = vector.broadcast %shift_left3A_268 : i32 to vector<16xi32>
      %shift_left3A_270 = arith.shli %gather3A_267, %shift_left3A_269 : vector<16xi32>
      %bitcast3A_271 = vector.bitcast %shift_left3A_270 : vector<16xi32> to vector<16xf32>
      %add3A_272 = arith.addf %bitcast3A_262, %bitcast3A_271 : vector<16xf32>
      %add3A_273 = arith.constant 3200 : i32
      %add3A_274 = arith.addi %add3A_273, %mul3A_37 : i32
      %get3A_275 = arith.index_cast %add3A_274 : i32 to index
      %get3A_276 = tpu.vector_load %arg12[%get3A_275] {strides = array<i32>} : memref<12800xi32, #tpu.memory_space<vmem>>, vector<16xi32>,
      %gather3A_277 = tpu.vector_load_idx %arg9[%get3A_276] : memref<10240xi32, #tpu.memory_space<vmem>>[vector<16xi32>], vector<16xi32>,
      %shift_left3A_278 = arith.constant 16 : i32
      %shift_left3A_279 = vector.broadcast %shift_left3A_278 : i32 to vector<16xi32>
      %shift_left3A_280 = arith.shli %gather3A_277, %shift_left3A_279 : vector<16xi32>
      %bitcast3A_281 = vector.bitcast %shift_left3A_280 : vector<16xi32> to vector<16xf32>
      %add3A_282 = arith.addf %add3A_272, %bitcast3A_281 : vector<16xf32>
      %add3A_283 = arith.constant 4480 : i32
      %add3A_284 = arith.addi %add3A_283, %mul3A_37 : i32
      %get3A_285 = arith.index_cast %add3A_284 : i32 to index
      %get3A_286 = tpu.vector_load %arg12[%get3A_285] {strides = array<i32>} : memref<12800xi32, #tpu.memory_space<vmem>>, vector<16xi32>,
      %gather3A_287 = tpu.vector_load_idx %arg9[%get3A_286] : memref<10240xi32, #tpu.memory_space<vmem>>[vector<16xi32>], vector<16xi32>,
      %shift_left3A_288 = arith.constant 16 : i32
      %shift_left3A_289 = vector.broadcast %shift_left3A_288 : i32 to vector<16xi32>
      %shift_left3A_290 = arith.shli %gather3A_287, %shift_left3A_289 : vector<16xi32>
      %bitcast3A_291 = vector.bitcast %shift_left3A_290 : vector<16xi32> to vector<16xf32>
      %add3A_292 = arith.addf %add3A_282, %bitcast3A_291 : vector<16xf32>
      %add3A_293 = arith.constant 5760 : i32
      %add3A_294 = arith.addi %add3A_293, %mul3A_37 : i32
      %get3A_295 = arith.index_cast %add3A_294 : i32 to index
      %get3A_296 = tpu.vector_load %arg12[%get3A_295] {strides = array<i32>} : memref<12800xi32, #tpu.memory_space<vmem>>, vector<16xi32>,
      %gather3A_297 = tpu.vector_load_idx %arg9[%get3A_296] : memref<10240xi32, #tpu.memory_space<vmem>>[vector<16xi32>], vector<16xi32>,
      %shift_left3A_298 = arith.constant 16 : i32
      %shift_left3A_299 = vector.broadcast %shift_left3A_298 : i32 to vector<16xi32>
      %shift_left3A_300 = arith.shli %gather3A_297, %shift_left3A_299 : vector<16xi32>
      %bitcast3A_301 = vector.bitcast %shift_left3A_300 : vector<16xi32> to vector<16xf32>
      %add3A_302 = arith.addf %add3A_292, %bitcast3A_301 : vector<16xf32>
      %add3A_303 = arith.constant 7040 : i32
      %add3A_304 = arith.addi %add3A_303, %mul3A_37 : i32
      %get3A_305 = arith.index_cast %add3A_304 : i32 to index
      %get3A_306 = tpu.vector_load %arg12[%get3A_305] {strides = array<i32>} : memref<12800xi32, #tpu.memory_space<vmem>>, vector<16xi32>,
      %gather3A_307 = tpu.vector_load_idx %arg9[%get3A_306] : memref<10240xi32, #tpu.memory_space<vmem>>[vector<16xi32>], vector<16xi32>,
      %shift_left3A_308 = arith.constant 16 : i32
      %shift_left3A_309 = vector.broadcast %shift_left3A_308 : i32 to vector<16xi32>
      %shift_left3A_310 = arith.shli %gather3A_307, %shift_left3A_309 : vector<16xi32>
      %bitcast3A_311 = vector.bitcast %shift_left3A_310 : vector<16xi32> to vector<16xf32>
      %add3A_312 = arith.addf %add3A_302, %bitcast3A_311 : vector<16xf32>
      %add3A_313 = arith.constant 8320 : i32
      %add3A_314 = arith.addi %add3A_313, %mul3A_37 : i32
      %get3A_315 = arith.index_cast %add3A_314 : i32 to index
      %get3A_316 = tpu.vector_load %arg12[%get3A_315] {strides = array<i32>} : memref<12800xi32, #tpu.memory_space<vmem>>, vector<16xi32>,
      %gather3A_317 = tpu.vector_load_idx %arg9[%get3A_316] : memref<10240xi32, #tpu.memory_space<vmem>>[vector<16xi32>], vector<16xi32>,
      %shift_left3A_318 = arith.constant 16 : i32
      %shift_left3A_319 = vector.broadcast %shift_left3A_318 : i32 to vector<16xi32>
      %shift_left3A_320 = arith.shli %gather3A_317, %shift_left3A_319 : vector<16xi32>
      %bitcast3A_321 = vector.bitcast %shift_left3A_320 : vector<16xi32> to vector<16xf32>
      %add3A_322 = arith.addf %add3A_312, %bitcast3A_321 : vector<16xf32>
      %add3A_323 = arith.constant 9600 : i32
      %add3A_324 = arith.addi %add3A_323, %mul3A_37 : i32
      %get3A_325 = arith.index_cast %add3A_324 : i32 to index
      %get3A_326 = tpu.vector_load %arg12[%get3A_325] {strides = array<i32>} : memref<12800xi32, #tpu.memory_space<vmem>>, vector<16xi32>,
      %gather3A_327 = tpu.vector_load_idx %arg9[%get3A_326] : memref<10240xi32, #tpu.memory_space<vmem>>[vector<16xi32>], vector<16xi32>,
      %shift_left3A_328 = arith.constant 16 : i32
      %shift_left3A_329 = vector.broadcast %shift_left3A_328 : i32 to vector<16xi32>
      %shift_left3A_330 = arith.shli %gather3A_327, %shift_left3A_329 : vector<16xi32>
      %bitcast3A_331 = vector.bitcast %shift_left3A_330 : vector<16xi32> to vector<16xf32>
      %add3A_332 = arith.addf %add3A_322, %bitcast3A_331 : vector<16xf32>
      %add3A_333 = arith.constant 10880 : i32
      %add3A_334 = arith.addi %add3A_333, %mul3A_37 : i32
      %get3A_335 = arith.index_cast %add3A_334 : i32 to index
      %get3A_336 = tpu.vector_load %arg12[%get3A_335] {strides = array<i32>} : memref<12800xi32, #tpu.memory_space<vmem>>, vector<16xi32>,
      %gather3A_337 = tpu.vector_load_idx %arg9[%get3A_336] : memref<10240xi32, #tpu.memory_space<vmem>>[vector<16xi32>], vector<16xi32>,
      %shift_left3A_338 = arith.constant 16 : i32
      %shift_left3A_339 = vector.broadcast %shift_left3A_338 : i32 to vector<16xi32>
      %shift_left3A_340 = arith.shli %gather3A_337, %shift_left3A_339 : vector<16xi32>
      %bitcast3A_341 = vector.bitcast %shift_left3A_340 : vector<16xi32> to vector<16xf32>
      %add3A_342 = arith.addf %add3A_332, %bitcast3A_341 : vector<16xf32>
      %add3A_343 = arith.constant 12160 : i32
      %add3A_344 = arith.addi %add3A_343, %mul3A_37 : i32
      %get3A_345 = arith.index_cast %add3A_344 : i32 to index
      %get3A_346 = tpu.vector_load %arg12[%get3A_345] {strides = array<i32>} : memref<12800xi32, #tpu.memory_space<vmem>>, vector<16xi32>,
      %gather3A_347 = tpu.vector_load_idx %arg9[%get3A_346] : memref<10240xi32, #tpu.memory_space<vmem>>[vector<16xi32>], vector<16xi32>,
      %shift_left3A_348 = arith.constant 16 : i32
      %shift_left3A_349 = vector.broadcast %shift_left3A_348 : i32 to vector<16xi32>
      %shift_left3A_350 = arith.shli %gather3A_347, %shift_left3A_349 : vector<16xi32>
      %bitcast3A_351 = vector.bitcast %shift_left3A_350 : vector<16xi32> to vector<16xf32>
      %add3A_352 = arith.addf %add3A_342, %bitcast3A_351 : vector<16xf32>
      %mul3A_353 = arith.constant 1.000000e-01 : f32
      %mul3A_354 = vector.broadcast %mul3A_353 : f32 to vector<16xf32>
      %mul3A_355 = arith.mulf %mul3A_354, %add3A_352 : vector<16xf32>
      %add3A_356 = arith.addf %get3A_38, %mul3A_355 : vector<16xf32>
      %ge3A_357 = arith.constant 0.000000e+00 : f32
      %ge3A_358 = vector.broadcast %ge3A_357 : f32 to vector<16xf32>
      %ge3A_359 = arith.cmpf oge, %add3A_356, %ge3A_358 : vector<16xf32>
      %mul3A_360 = arith.constant 2.000000e-01 : f32
      %mul3A_361 = vector.broadcast %mul3A_360 : f32 to vector<16xf32>
      %mul3A_362 = arith.mulf %mul3A_361, %add3A_356 : vector<16xf32>
      %select_n3A_363 = arith.select %ge3A_359, %add3A_356, %mul3A_362 : vector<16xi1>, vector<16xf32>
      %add3A_364 = arith.constant 960 : i32
      %add3A_365 = arith.addi %add3A_364, %mul3A_37 : i32
      %get3A_366 = arith.index_cast %add3A_365 : i32 to index
      %get3A_367 = tpu.vector_load %arg12[%get3A_366] {strides = array<i32>} : memref<12800xi32, #tpu.memory_space<vmem>>, vector<16xi32>,
      %gather3A_368 = tpu.vector_load_idx %arg9[%get3A_367] : memref<10240xi32, #tpu.memory_space<vmem>>[vector<16xi32>], vector<16xi32>,
      %shift_left3A_369 = arith.constant 16 : i32
      %shift_left3A_370 = vector.broadcast %shift_left3A_369 : i32 to vector<16xi32>
      %shift_left3A_371 = arith.shli %gather3A_368, %shift_left3A_370 : vector<16xi32>
      %bitcast3A_372 = vector.bitcast %shift_left3A_371 : vector<16xi32> to vector<16xf32>
      %add3A_373 = arith.constant 2240 : i32
      %add3A_374 = arith.addi %add3A_373, %mul3A_37 : i32
      %get3A_375 = arith.index_cast %add3A_374 : i32 to index
      %get3A_376 = tpu.vector_load %arg12[%get3A_375] {strides = array<i32>} : memref<12800xi32, #tpu.memory_space<vmem>>, vector<16xi32>,
      %gather3A_377 = tpu.vector_load_idx %arg9[%get3A_376] : memref<10240xi32, #tpu.memory_space<vmem>>[vector<16xi32>], vector<16xi32>,
      %shift_left3A_378 = arith.constant 16 : i32
      %shift_left3A_379 = vector.broadcast %shift_left3A_378 : i32 to vector<16xi32>
      %shift_left3A_380 = arith.shli %gather3A_377, %shift_left3A_379 : vector<16xi32>
      %bitcast3A_381 = vector.bitcast %shift_left3A_380 : vector<16xi32> to vector<16xf32>
      %add3A_382 = arith.addf %bitcast3A_372, %bitcast3A_381 : vector<16xf32>
      %add3A_383 = arith.constant 3520 : i32
      %add3A_384 = arith.addi %add3A_383, %mul3A_37 : i32
      %get3A_385 = arith.index_cast %add3A_384 : i32 to index
      %get3A_386 = tpu.vector_load %arg12[%get3A_385] {strides = array<i32>} : memref<12800xi32, #tpu.memory_space<vmem>>, vector<16xi32>,
      %gather3A_387 = tpu.vector_load_idx %arg9[%get3A_386] : memref<10240xi32, #tpu.memory_space<vmem>>[vector<16xi32>], vector<16xi32>,
      %shift_left3A_388 = arith.constant 16 : i32
      %shift_left3A_389 = vector.broadcast %shift_left3A_388 : i32 to vector<16xi32>
      %shift_left3A_390 = arith.shli %gather3A_387, %shift_left3A_389 : vector<16xi32>
      %bitcast3A_391 = vector.bitcast %shift_left3A_390 : vector<16xi32> to vector<16xf32>
      %add3A_392 = arith.addf %add3A_382, %bitcast3A_391 : vector<16xf32>
      %add3A_393 = arith.constant 4800 : i32
      %add3A_394 = arith.addi %add3A_393, %mul3A_37 : i32
      %get3A_395 = arith.index_cast %add3A_394 : i32 to index
      %get3A_396 = tpu.vector_load %arg12[%get3A_395] {strides = array<i32>} : memref<12800xi32, #tpu.memory_space<vmem>>, vector<16xi32>,
      %gather3A_397 = tpu.vector_load_idx %arg9[%get3A_396] : memref<10240xi32, #tpu.memory_space<vmem>>[vector<16xi32>], vector<16xi32>,
      %shift_left3A_398 = arith.constant 16 : i32
      %shift_left3A_399 = vector.broadcast %shift_left3A_398 : i32 to vector<16xi32>
      %shift_left3A_400 = arith.shli %gather3A_397, %shift_left3A_399 : vector<16xi32>
      %bitcast3A_401 = vector.bitcast %shift_left3A_400 : vector<16xi32> to vector<16xf32>
      %add3A_402 = arith.addf %add3A_392, %bitcast3A_401 : vector<16xf32>
      %add3A_403 = arith.constant 6080 : i32
      %add3A_404 = arith.addi %add3A_403, %mul3A_37 : i32
      %get3A_405 = arith.index_cast %add3A_404 : i32 to index
      %get3A_406 = tpu.vector_load %arg12[%get3A_405] {strides = array<i32>} : memref<12800xi32, #tpu.memory_space<vmem>>, vector<16xi32>,
      %gather3A_407 = tpu.vector_load_idx %arg9[%get3A_406] : memref<10240xi32, #tpu.memory_space<vmem>>[vector<16xi32>], vector<16xi32>,
      %shift_left3A_408 = arith.constant 16 : i32
      %shift_left3A_409 = vector.broadcast %shift_left3A_408 : i32 to vector<16xi32>
      %shift_left3A_410 = arith.shli %gather3A_407, %shift_left3A_409 : vector<16xi32>
      %bitcast3A_411 = vector.bitcast %shift_left3A_410 : vector<16xi32> to vector<16xf32>
      %add3A_412 = arith.addf %add3A_402, %bitcast3A_411 : vector<16xf32>
      %add3A_413 = arith.constant 7360 : i32
      %add3A_414 = arith.addi %add3A_413, %mul3A_37 : i32
      %get3A_415 = arith.index_cast %add3A_414 : i32 to index
      %get3A_416 = tpu.vector_load %arg12[%get3A_415] {strides = array<i32>} : memref<12800xi32, #tpu.memory_space<vmem>>, vector<16xi32>,
      %gather3A_417 = tpu.vector_load_idx %arg9[%get3A_416] : memref<10240xi32, #tpu.memory_space<vmem>>[vector<16xi32>], vector<16xi32>,
      %shift_left3A_418 = arith.constant 16 : i32
      %shift_left3A_419 = vector.broadcast %shift_left3A_418 : i32 to vector<16xi32>
      %shift_left3A_420 = arith.shli %gather3A_417, %shift_left3A_419 : vector<16xi32>
      %bitcast3A_421 = vector.bitcast %shift_left3A_420 : vector<16xi32> to vector<16xf32>
      %add3A_422 = arith.addf %add3A_412, %bitcast3A_421 : vector<16xf32>
      %add3A_423 = arith.constant 8640 : i32
      %add3A_424 = arith.addi %add3A_423, %mul3A_37 : i32
      %get3A_425 = arith.index_cast %add3A_424 : i32 to index
      %get3A_426 = tpu.vector_load %arg12[%get3A_425] {strides = array<i32>} : memref<12800xi32, #tpu.memory_space<vmem>>, vector<16xi32>,
      %gather3A_427 = tpu.vector_load_idx %arg9[%get3A_426] : memref<10240xi32, #tpu.memory_space<vmem>>[vector<16xi32>], vector<16xi32>,
      %shift_left3A_428 = arith.constant 16 : i32
      %shift_left3A_429 = vector.broadcast %shift_left3A_428 : i32 to vector<16xi32>
      %shift_left3A_430 = arith.shli %gather3A_427, %shift_left3A_429 : vector<16xi32>
      %bitcast3A_431 = vector.bitcast %shift_left3A_430 : vector<16xi32> to vector<16xf32>
      %add3A_432 = arith.addf %add3A_422, %bitcast3A_431 : vector<16xf32>
      %add3A_433 = arith.constant 9920 : i32
      %add3A_434 = arith.addi %add3A_433, %mul3A_37 : i32
      %get3A_435 = arith.index_cast %add3A_434 : i32 to index
      %get3A_436 = tpu.vector_load %arg12[%get3A_435] {strides = array<i32>} : memref<12800xi32, #tpu.memory_space<vmem>>, vector<16xi32>,
      %gather3A_437 = tpu.vector_load_idx %arg9[%get3A_436] : memref<10240xi32, #tpu.memory_space<vmem>>[vector<16xi32>], vector<16xi32>,
      %shift_left3A_438 = arith.constant 16 : i32
      %shift_left3A_439 = vector.broadcast %shift_left3A_438 : i32 to vector<16xi32>
      %shift_left3A_440 = arith.shli %gather3A_437, %shift_left3A_439 : vector<16xi32>
      %bitcast3A_441 = vector.bitcast %shift_left3A_440 : vector<16xi32> to vector<16xf32>
      %add3A_442 = arith.addf %add3A_432, %bitcast3A_441 : vector<16xf32>
      %add3A_443 = arith.constant 11200 : i32
      %add3A_444 = arith.addi %add3A_443, %mul3A_37 : i32
      %get3A_445 = arith.index_cast %add3A_444 : i32 to index
      %get3A_446 = tpu.vector_load %arg12[%get3A_445] {strides = array<i32>} : memref<12800xi32, #tpu.memory_space<vmem>>, vector<16xi32>,
      %gather3A_447 = tpu.vector_load_idx %arg9[%get3A_446] : memref<10240xi32, #tpu.memory_space<vmem>>[vector<16xi32>], vector<16xi32>,
      %shift_left3A_448 = arith.constant 16 : i32
      %shift_left3A_449 = vector.broadcast %shift_left3A_448 : i32 to vector<16xi32>
      %shift_left3A_450 = arith.shli %gather3A_447, %shift_left3A_449 : vector<16xi32>
      %bitcast3A_451 = vector.bitcast %shift_left3A_450 : vector<16xi32> to vector<16xf32>
      %add3A_452 = arith.addf %add3A_442, %bitcast3A_451 : vector<16xf32>
      %add3A_453 = arith.constant 12480 : i32
      %add3A_454 = arith.addi %add3A_453, %mul3A_37 : i32
      %get3A_455 = arith.index_cast %add3A_454 : i32 to index
      %get3A_456 = tpu.vector_load %arg12[%get3A_455] {strides = array<i32>} : memref<12800xi32, #tpu.memory_space<vmem>>, vector<16xi32>,
      %gather3A_457 = tpu.vector_load_idx %arg9[%get3A_456] : memref<10240xi32, #tpu.memory_space<vmem>>[vector<16xi32>], vector<16xi32>,
      %shift_left3A_458 = arith.constant 16 : i32
      %shift_left3A_459 = vector.broadcast %shift_left3A_458 : i32 to vector<16xi32>
      %shift_left3A_460 = arith.shli %gather3A_457, %shift_left3A_459 : vector<16xi32>
      %bitcast3A_461 = vector.bitcast %shift_left3A_460 : vector<16xi32> to vector<16xf32>
      %add3A_462 = arith.addf %add3A_452, %bitcast3A_461 : vector<16xf32>
      %mul3A_463 = arith.constant 1.000000e-01 : f32
      %mul3A_464 = vector.broadcast %mul3A_463 : f32 to vector<16xf32>
      %mul3A_465 = arith.mulf %mul3A_464, %add3A_462 : vector<16xf32>
      %add3A_466 = arith.addf %get3A_38, %mul3A_465 : vector<16xf32>
      %ge3A_467 = arith.constant 0.000000e+00 : f32
      %ge3A_468 = vector.broadcast %ge3A_467 : f32 to vector<16xf32>
      %ge3A_469 = arith.cmpf oge, %add3A_466, %ge3A_468 : vector<16xf32>
      %mul3A_470 = arith.constant 2.000000e-01 : f32
      %mul3A_471 = vector.broadcast %mul3A_470 : f32 to vector<16xf32>
      %mul3A_472 = arith.mulf %mul3A_471, %add3A_466 : vector<16xf32>
      %select_n3A_473 = arith.select %ge3A_469, %add3A_466, %mul3A_472 : vector<16xi1>, vector<16xf32>
      %max3A = arith.maximumf %select_n3A, %select_n3A_253 : vector<16xf32>
      %max3A_474 = arith.maximumf %select_n3A_363, %select_n3A_473 : vector<16xf32>
      %max3A_475 = arith.maximumf %max3A, %max3A_474 : vector<16xf32>
      %sub3A = arith.subf %select_n3A, %max3A_475 : vector<16xf32>
      %exp3A = math.exp %sub3A : vector<16xf32>
      %sub3A_476 = arith.subf %select_n3A_253, %max3A_475 : vector<16xf32>
      %exp3A_477 = math.exp %sub3A_476 : vector<16xf32>
      %sub3A_478 = arith.subf %select_n3A_363, %max3A_475 : vector<16xf32>
      %exp3A_479 = math.exp %sub3A_478 : vector<16xf32>
      %sub3A_480 = arith.subf %select_n3A_473, %max3A_475 : vector<16xf32>
      %exp3A_481 = math.exp %sub3A_480 : vector<16xf32>
      %add3A_482 = arith.addf %exp3A, %exp3A_477 : vector<16xf32>
      %add3A_483 = arith.addf %exp3A_479, %exp3A_481 : vector<16xf32>
      %add3A_484 = arith.addf %add3A_482, %add3A_483 : vector<16xf32>
      %div3A = arith.constant 1.000000e-01 : f32
      %div3A_485 = vector.broadcast %div3A : f32 to vector<16xf32>
      %div3A_486 = arith.divf %div3A_485, %add3A_484 : vector<16xf32>
      %mul3A_487 = arith.mulf %exp3A, %div3A_486 : vector<16xf32>
      %swap3A = arith.constant 0 : i32
      %swap3A_488 = arith.index_cast %swap3A : i32 to index
      %swap3A_489 = arith.index_cast %mul3A_37 : i32 to index
      %swap3A_490 = tpu.vector_load %arg18[%swap3A_488, %swap3A_489] {strides = array<i32>} : memref<4x320xf32, #tpu.memory_space<vmem>>, vector<16xf32>,
      tpu.vector_store %arg18[%swap3A_488, %swap3A_489], %mul3A_487 {strides = array<i32>} : memref<4x320xf32, #tpu.memory_space<vmem>>, vector<16xf32>,
      %mul3A_491 = arith.mulf %exp3A_477, %div3A_486 : vector<16xf32>
      %swap3A_492 = arith.constant 1 : i32
      %swap3A_493 = arith.index_cast %swap3A_492 : i32 to index
      %swap3A_494 = arith.index_cast %mul3A_37 : i32 to index
      %swap3A_495 = tpu.vector_load %arg18[%swap3A_493, %swap3A_494] {strides = array<i32>} : memref<4x320xf32, #tpu.memory_space<vmem>>, vector<16xf32>,
      tpu.vector_store %arg18[%swap3A_493, %swap3A_494], %mul3A_491 {strides = array<i32>} : memref<4x320xf32, #tpu.memory_space<vmem>>, vector<16xf32>,
      %mul3A_496 = arith.mulf %exp3A_479, %div3A_486 : vector<16xf32>
      %swap3A_497 = arith.constant 2 : i32
      %swap3A_498 = arith.index_cast %swap3A_497 : i32 to index
      %swap3A_499 = arith.index_cast %mul3A_37 : i32 to index
      %swap3A_500 = tpu.vector_load %arg18[%swap3A_498, %swap3A_499] {strides = array<i32>} : memref<4x320xf32, #tpu.memory_space<vmem>>, vector<16xf32>,
      tpu.vector_store %arg18[%swap3A_498, %swap3A_499], %mul3A_496 {strides = array<i32>} : memref<4x320xf32, #tpu.memory_space<vmem>>, vector<16xf32>,
      %mul3A_501 = arith.mulf %exp3A_481, %div3A_486 : vector<16xf32>
      %swap3A_502 = arith.constant 3 : i32
      %swap3A_503 = arith.index_cast %swap3A_502 : i32 to index
      %swap3A_504 = arith.index_cast %mul3A_37 : i32 to index
      %swap3A_505 = tpu.vector_load %arg18[%swap3A_503, %swap3A_504] {strides = array<i32>} : memref<4x320xf32, #tpu.memory_space<vmem>>, vector<16xf32>,
      tpu.vector_store %arg18[%swap3A_503, %swap3A_504], %mul3A_501 {strides = array<i32>} : memref<4x320xf32, #tpu.memory_space<vmem>>, vector<16xf32>,
      %get3A_506 = arith.index_cast %mul3A_37 : i32 to index
      %get3A_507 = tpu.vector_load %arg11[%get3A_506] {strides = array<i32>} : memref<320xf32, #tpu.memory_space<vmem>>, vector<16xf32>,
      %shift_right_arithmetic3A = arith.constant 1 : i32
      %shift_right_arithmetic3A_508 = arith.shrsi %scan3A_35, %shift_right_arithmetic3A : i32
      %mul3A_509 = arith.constant 512 : i32
      %mul3A_510 = arith.muli %shift_right_arithmetic3A_508, %mul3A_509 : i32
      %and3A = arith.constant 1 : i32
      %and3A_511 = arith.andi %scan3A_35, %and3A : i32
      %mul3A_512 = arith.constant 16 : i32
      %mul3A_513 = arith.muli %and3A_511, %mul3A_512 : i32
      %add3A_514 = arith.addi %mul3A_510, %mul3A_513 : i32
      %add3A_515 = arith.constant 0 : i32
      %add3A_516 = arith.addi %add3A_514, %add3A_515 : i32
      %get3A_517 = arith.index_cast %add3A_516 : i32 to index
      %get3A_518 = tpu.vector_load %arg13[%get3A_517] {strides = array<i32>} : memref<5120xi32, #tpu.memory_space<vmem>>, vector<16xi32>,
      %gather3A_519 = tpu.vector_load_idx %arg9[%get3A_518] : memref<10240xi32, #tpu.memory_space<vmem>>[vector<16xi32>], vector<16xi32>,
      %and3A_520 = arith.constant -65536 : i32
      %and3A_521 = vector.broadcast %and3A_520 : i32 to vector<16xi32>
      %and3A_522 = arith.andi %gather3A_519, %and3A_521 : vector<16xi32>
      %bitcast3A_523 = vector.bitcast %and3A_522 : vector<16xi32> to vector<16xf32>
      %add3A_524 = arith.addf %get3A_507, %bitcast3A_523 : vector<16xf32>
      %ge3A_525 = arith.constant 0.000000e+00 : f32
      %ge3A_526 = vector.broadcast %ge3A_525 : f32 to vector<16xf32>
      %ge3A_527 = arith.cmpf oge, %add3A_524, %ge3A_526 : vector<16xf32>
      %mul3A_528 = arith.constant 2.000000e-01 : f32
      %mul3A_529 = vector.broadcast %mul3A_528 : f32 to vector<16xf32>
      %mul3A_530 = arith.mulf %mul3A_529, %add3A_524 : vector<16xf32>
      %select_n3A_531 = arith.select %ge3A_527, %add3A_524, %mul3A_530 : vector<16xi1>, vector<16xf32>
      %add3A_532 = arith.constant 32 : i32
      %add3A_533 = arith.addi %add3A_514, %add3A_532 : i32
      %get3A_534 = arith.index_cast %add3A_533 : i32 to index
      %get3A_535 = tpu.vector_load %arg13[%get3A_534] {strides = array<i32>} : memref<5120xi32, #tpu.memory_space<vmem>>, vector<16xi32>,
      %gather3A_536 = tpu.vector_load_idx %arg9[%get3A_535] : memref<10240xi32, #tpu.memory_space<vmem>>[vector<16xi32>], vector<16xi32>,
      %and3A_537 = arith.constant -65536 : i32
      %and3A_538 = vector.broadcast %and3A_537 : i32 to vector<16xi32>
      %and3A_539 = arith.andi %gather3A_536, %and3A_538 : vector<16xi32>
      %bitcast3A_540 = vector.bitcast %and3A_539 : vector<16xi32> to vector<16xf32>
      %add3A_541 = arith.addf %get3A_507, %bitcast3A_540 : vector<16xf32>
      %ge3A_542 = arith.constant 0.000000e+00 : f32
      %ge3A_543 = vector.broadcast %ge3A_542 : f32 to vector<16xf32>
      %ge3A_544 = arith.cmpf oge, %add3A_541, %ge3A_543 : vector<16xf32>
      %mul3A_545 = arith.constant 2.000000e-01 : f32
      %mul3A_546 = vector.broadcast %mul3A_545 : f32 to vector<16xf32>
      %mul3A_547 = arith.mulf %mul3A_546, %add3A_541 : vector<16xf32>
      %select_n3A_548 = arith.select %ge3A_544, %add3A_541, %mul3A_547 : vector<16xi1>, vector<16xf32>
      %add3A_549 = arith.constant 64 : i32
      %add3A_550 = arith.addi %add3A_514, %add3A_549 : i32
      %get3A_551 = arith.index_cast %add3A_550 : i32 to index
      %get3A_552 = tpu.vector_load %arg13[%get3A_551] {strides = array<i32>} : memref<5120xi32, #tpu.memory_space<vmem>>, vector<16xi32>,
      %gather3A_553 = tpu.vector_load_idx %arg9[%get3A_552] : memref<10240xi32, #tpu.memory_space<vmem>>[vector<16xi32>], vector<16xi32>,
      %and3A_554 = arith.constant -65536 : i32
      %and3A_555 = vector.broadcast %and3A_554 : i32 to vector<16xi32>
      %and3A_556 = arith.andi %gather3A_553, %and3A_555 : vector<16xi32>
      %bitcast3A_557 = vector.bitcast %and3A_556 : vector<16xi32> to vector<16xf32>
      %add3A_558 = arith.addf %get3A_507, %bitcast3A_557 : vector<16xf32>
      %ge3A_559 = arith.constant 0.000000e+00 : f32
      %ge3A_560 = vector.broadcast %ge3A_559 : f32 to vector<16xf32>
      %ge3A_561 = arith.cmpf oge, %add3A_558, %ge3A_560 : vector<16xf32>
      %mul3A_562 = arith.constant 2.000000e-01 : f32
      %mul3A_563 = vector.broadcast %mul3A_562 : f32 to vector<16xf32>
      %mul3A_564 = arith.mulf %mul3A_563, %add3A_558 : vector<16xf32>
      %select_n3A_565 = arith.select %ge3A_561, %add3A_558, %mul3A_564 : vector<16xi1>, vector<16xf32>
      %add3A_566 = arith.constant 96 : i32
      %add3A_567 = arith.addi %add3A_514, %add3A_566 : i32
      %get3A_568 = arith.index_cast %add3A_567 : i32 to index
      %get3A_569 = tpu.vector_load %arg13[%get3A_568] {strides = array<i32>} : memref<5120xi32, #tpu.memory_space<vmem>>, vector<16xi32>,
      %gather3A_570 = tpu.vector_load_idx %arg9[%get3A_569] : memref<10240xi32, #tpu.memory_space<vmem>>[vector<16xi32>], vector<16xi32>,
      %and3A_571 = arith.constant -65536 : i32
      %and3A_572 = vector.broadcast %and3A_571 : i32 to vector<16xi32>
      %and3A_573 = arith.andi %gather3A_570, %and3A_572 : vector<16xi32>
      %bitcast3A_574 = vector.bitcast %and3A_573 : vector<16xi32> to vector<16xf32>
      %add3A_575 = arith.addf %get3A_507, %bitcast3A_574 : vector<16xf32>
      %ge3A_576 = arith.constant 0.000000e+00 : f32
      %ge3A_577 = vector.broadcast %ge3A_576 : f32 to vector<16xf32>
      %ge3A_578 = arith.cmpf oge, %add3A_575, %ge3A_577 : vector<16xf32>
      %mul3A_579 = arith.constant 2.000000e-01 : f32
      %mul3A_580 = vector.broadcast %mul3A_579 : f32 to vector<16xf32>
      %mul3A_581 = arith.mulf %mul3A_580, %add3A_575 : vector<16xf32>
      %select_n3A_582 = arith.select %ge3A_578, %add3A_575, %mul3A_581 : vector<16xi1>, vector<16xf32>
      %add3A_583 = arith.constant 128 : i32
      %add3A_584 = arith.addi %add3A_514, %add3A_583 : i32
      %get3A_585 = arith.index_cast %add3A_584 : i32 to index
      %get3A_586 = tpu.vector_load %arg13[%get3A_585] {strides = array<i32>} : memref<5120xi32, #tpu.memory_space<vmem>>, vector<16xi32>,
      %gather3A_587 = tpu.vector_load_idx %arg9[%get3A_586] : memref<10240xi32, #tpu.memory_space<vmem>>[vector<16xi32>], vector<16xi32>,
      %and3A_588 = arith.constant -65536 : i32
      %and3A_589 = vector.broadcast %and3A_588 : i32 to vector<16xi32>
      %and3A_590 = arith.andi %gather3A_587, %and3A_589 : vector<16xi32>
      %bitcast3A_591 = vector.bitcast %and3A_590 : vector<16xi32> to vector<16xf32>
      %add3A_592 = arith.addf %get3A_507, %bitcast3A_591 : vector<16xf32>
      %ge3A_593 = arith.constant 0.000000e+00 : f32
      %ge3A_594 = vector.broadcast %ge3A_593 : f32 to vector<16xf32>
      %ge3A_595 = arith.cmpf oge, %add3A_592, %ge3A_594 : vector<16xf32>
      %mul3A_596 = arith.constant 2.000000e-01 : f32
      %mul3A_597 = vector.broadcast %mul3A_596 : f32 to vector<16xf32>
      %mul3A_598 = arith.mulf %mul3A_597, %add3A_592 : vector<16xf32>
      %select_n3A_599 = arith.select %ge3A_595, %add3A_592, %mul3A_598 : vector<16xi1>, vector<16xf32>
      %add3A_600 = arith.constant 160 : i32
      %add3A_601 = arith.addi %add3A_514, %add3A_600 : i32
      %get3A_602 = arith.index_cast %add3A_601 : i32 to index
      %get3A_603 = tpu.vector_load %arg13[%get3A_602] {strides = array<i32>} : memref<5120xi32, #tpu.memory_space<vmem>>, vector<16xi32>,
      %gather3A_604 = tpu.vector_load_idx %arg9[%get3A_603] : memref<10240xi32, #tpu.memory_space<vmem>>[vector<16xi32>], vector<16xi32>,
      %and3A_605 = arith.constant -65536 : i32
      %and3A_606 = vector.broadcast %and3A_605 : i32 to vector<16xi32>
      %and3A_607 = arith.andi %gather3A_604, %and3A_606 : vector<16xi32>
      %bitcast3A_608 = vector.bitcast %and3A_607 : vector<16xi32> to vector<16xf32>
      %add3A_609 = arith.addf %get3A_507, %bitcast3A_608 : vector<16xf32>
      %ge3A_610 = arith.constant 0.000000e+00 : f32
      %ge3A_611 = vector.broadcast %ge3A_610 : f32 to vector<16xf32>
      %ge3A_612 = arith.cmpf oge, %add3A_609, %ge3A_611 : vector<16xf32>
      %mul3A_613 = arith.constant 2.000000e-01 : f32
      %mul3A_614 = vector.broadcast %mul3A_613 : f32 to vector<16xf32>
      %mul3A_615 = arith.mulf %mul3A_614, %add3A_609 : vector<16xf32>
      %select_n3A_616 = arith.select %ge3A_612, %add3A_609, %mul3A_615 : vector<16xi1>, vector<16xf32>
      %add3A_617 = arith.constant 192 : i32
      %add3A_618 = arith.addi %add3A_514, %add3A_617 : i32
      %get3A_619 = arith.index_cast %add3A_618 : i32 to index
      %get3A_620 = tpu.vector_load %arg13[%get3A_619] {strides = array<i32>} : memref<5120xi32, #tpu.memory_space<vmem>>, vector<16xi32>,
      %gather3A_621 = tpu.vector_load_idx %arg9[%get3A_620] : memref<10240xi32, #tpu.memory_space<vmem>>[vector<16xi32>], vector<16xi32>,
      %and3A_622 = arith.constant -65536 : i32
      %and3A_623 = vector.broadcast %and3A_622 : i32 to vector<16xi32>
      %and3A_624 = arith.andi %gather3A_621, %and3A_623 : vector<16xi32>
      %bitcast3A_625 = vector.bitcast %and3A_624 : vector<16xi32> to vector<16xf32>
      %add3A_626 = arith.addf %get3A_507, %bitcast3A_625 : vector<16xf32>
      %ge3A_627 = arith.constant 0.000000e+00 : f32
      %ge3A_628 = vector.broadcast %ge3A_627 : f32 to vector<16xf32>
      %ge3A_629 = arith.cmpf oge, %add3A_626, %ge3A_628 : vector<16xf32>
      %mul3A_630 = arith.constant 2.000000e-01 : f32
      %mul3A_631 = vector.broadcast %mul3A_630 : f32 to vector<16xf32>
      %mul3A_632 = arith.mulf %mul3A_631, %add3A_626 : vector<16xf32>
      %select_n3A_633 = arith.select %ge3A_629, %add3A_626, %mul3A_632 : vector<16xi1>, vector<16xf32>
      %add3A_634 = arith.constant 224 : i32
      %add3A_635 = arith.addi %add3A_514, %add3A_634 : i32
      %get3A_636 = arith.index_cast %add3A_635 : i32 to index
      %get3A_637 = tpu.vector_load %arg13[%get3A_636] {strides = array<i32>} : memref<5120xi32, #tpu.memory_space<vmem>>, vector<16xi32>,
      %gather3A_638 = tpu.vector_load_idx %arg9[%get3A_637] : memref<10240xi32, #tpu.memory_space<vmem>>[vector<16xi32>], vector<16xi32>,
      %and3A_639 = arith.constant -65536 : i32
      %and3A_640 = vector.broadcast %and3A_639 : i32 to vector<16xi32>
      %and3A_641 = arith.andi %gather3A_638, %and3A_640 : vector<16xi32>
      %bitcast3A_642 = vector.bitcast %and3A_641 : vector<16xi32> to vector<16xf32>
      %add3A_643 = arith.addf %get3A_507, %bitcast3A_642 : vector<16xf32>
      %ge3A_644 = arith.constant 0.000000e+00 : f32
      %ge3A_645 = vector.broadcast %ge3A_644 : f32 to vector<16xf32>
      %ge3A_646 = arith.cmpf oge, %add3A_643, %ge3A_645 : vector<16xf32>
      %mul3A_647 = arith.constant 2.000000e-01 : f32
      %mul3A_648 = vector.broadcast %mul3A_647 : f32 to vector<16xf32>
      %mul3A_649 = arith.mulf %mul3A_648, %add3A_643 : vector<16xf32>
      %select_n3A_650 = arith.select %ge3A_646, %add3A_643, %mul3A_649 : vector<16xi1>, vector<16xf32>
      %add3A_651 = arith.constant 256 : i32
      %add3A_652 = arith.addi %add3A_514, %add3A_651 : i32
      %get3A_653 = arith.index_cast %add3A_652 : i32 to index
      %get3A_654 = tpu.vector_load %arg13[%get3A_653] {strides = array<i32>} : memref<5120xi32, #tpu.memory_space<vmem>>, vector<16xi32>,
      %gather3A_655 = tpu.vector_load_idx %arg9[%get3A_654] : memref<10240xi32, #tpu.memory_space<vmem>>[vector<16xi32>], vector<16xi32>,
      %and3A_656 = arith.constant -65536 : i32
      %and3A_657 = vector.broadcast %and3A_656 : i32 to vector<16xi32>
      %and3A_658 = arith.andi %gather3A_655, %and3A_657 : vector<16xi32>
      %bitcast3A_659 = vector.bitcast %and3A_658 : vector<16xi32> to vector<16xf32>
      %add3A_660 = arith.addf %get3A_507, %bitcast3A_659 : vector<16xf32>
      %ge3A_661 = arith.constant 0.000000e+00 : f32
      %ge3A_662 = vector.broadcast %ge3A_661 : f32 to vector<16xf32>
      %ge3A_663 = arith.cmpf oge, %add3A_660, %ge3A_662 : vector<16xf32>
      %mul3A_664 = arith.constant 2.000000e-01 : f32
      %mul3A_665 = vector.broadcast %mul3A_664 : f32 to vector<16xf32>
      %mul3A_666 = arith.mulf %mul3A_665, %add3A_660 : vector<16xf32>
      %select_n3A_667 = arith.select %ge3A_663, %add3A_660, %mul3A_666 : vector<16xi1>, vector<16xf32>
      %add3A_668 = arith.constant 288 : i32
      %add3A_669 = arith.addi %add3A_514, %add3A_668 : i32
      %get3A_670 = arith.index_cast %add3A_669 : i32 to index
      %get3A_671 = tpu.vector_load %arg13[%get3A_670] {strides = array<i32>} : memref<5120xi32, #tpu.memory_space<vmem>>, vector<16xi32>,
      %gather3A_672 = tpu.vector_load_idx %arg9[%get3A_671] : memref<10240xi32, #tpu.memory_space<vmem>>[vector<16xi32>], vector<16xi32>,
      %and3A_673 = arith.constant -65536 : i32
      %and3A_674 = vector.broadcast %and3A_673 : i32 to vector<16xi32>
      %and3A_675 = arith.andi %gather3A_672, %and3A_674 : vector<16xi32>
      %bitcast3A_676 = vector.bitcast %and3A_675 : vector<16xi32> to vector<16xf32>
      %add3A_677 = arith.addf %get3A_507, %bitcast3A_676 : vector<16xf32>
      %ge3A_678 = arith.constant 0.000000e+00 : f32
      %ge3A_679 = vector.broadcast %ge3A_678 : f32 to vector<16xf32>
      %ge3A_680 = arith.cmpf oge, %add3A_677, %ge3A_679 : vector<16xf32>
      %mul3A_681 = arith.constant 2.000000e-01 : f32
      %mul3A_682 = vector.broadcast %mul3A_681 : f32 to vector<16xf32>
      %mul3A_683 = arith.mulf %mul3A_682, %add3A_677 : vector<16xf32>
      %select_n3A_684 = arith.select %ge3A_680, %add3A_677, %mul3A_683 : vector<16xi1>, vector<16xf32>
      %add3A_685 = arith.constant 320 : i32
      %add3A_686 = arith.addi %add3A_514, %add3A_685 : i32
      %get3A_687 = arith.index_cast %add3A_686 : i32 to index
      %get3A_688 = tpu.vector_load %arg13[%get3A_687] {strides = array<i32>} : memref<5120xi32, #tpu.memory_space<vmem>>, vector<16xi32>,
      %gather3A_689 = tpu.vector_load_idx %arg9[%get3A_688] : memref<10240xi32, #tpu.memory_space<vmem>>[vector<16xi32>], vector<16xi32>,
      %and3A_690 = arith.constant -65536 : i32
      %and3A_691 = vector.broadcast %and3A_690 : i32 to vector<16xi32>
      %and3A_692 = arith.andi %gather3A_689, %and3A_691 : vector<16xi32>
      %bitcast3A_693 = vector.bitcast %and3A_692 : vector<16xi32> to vector<16xf32>
      %add3A_694 = arith.addf %get3A_507, %bitcast3A_693 : vector<16xf32>
      %ge3A_695 = arith.constant 0.000000e+00 : f32
      %ge3A_696 = vector.broadcast %ge3A_695 : f32 to vector<16xf32>
      %ge3A_697 = arith.cmpf oge, %add3A_694, %ge3A_696 : vector<16xf32>
      %mul3A_698 = arith.constant 2.000000e-01 : f32
      %mul3A_699 = vector.broadcast %mul3A_698 : f32 to vector<16xf32>
      %mul3A_700 = arith.mulf %mul3A_699, %add3A_694 : vector<16xf32>
      %select_n3A_701 = arith.select %ge3A_697, %add3A_694, %mul3A_700 : vector<16xi1>, vector<16xf32>
      %add3A_702 = arith.constant 352 : i32
      %add3A_703 = arith.addi %add3A_514, %add3A_702 : i32
      %get3A_704 = arith.index_cast %add3A_703 : i32 to index
      %get3A_705 = tpu.vector_load %arg13[%get3A_704] {strides = array<i32>} : memref<5120xi32, #tpu.memory_space<vmem>>, vector<16xi32>,
      %gather3A_706 = tpu.vector_load_idx %arg9[%get3A_705] : memref<10240xi32, #tpu.memory_space<vmem>>[vector<16xi32>], vector<16xi32>,
      %and3A_707 = arith.constant -65536 : i32
      %and3A_708 = vector.broadcast %and3A_707 : i32 to vector<16xi32>
      %and3A_709 = arith.andi %gather3A_706, %and3A_708 : vector<16xi32>
      %bitcast3A_710 = vector.bitcast %and3A_709 : vector<16xi32> to vector<16xf32>
      %add3A_711 = arith.addf %get3A_507, %bitcast3A_710 : vector<16xf32>
      %ge3A_712 = arith.constant 0.000000e+00 : f32
      %ge3A_713 = vector.broadcast %ge3A_712 : f32 to vector<16xf32>
      %ge3A_714 = arith.cmpf oge, %add3A_711, %ge3A_713 : vector<16xf32>
      %mul3A_715 = arith.constant 2.000000e-01 : f32
      %mul3A_716 = vector.broadcast %mul3A_715 : f32 to vector<16xf32>
      %mul3A_717 = arith.mulf %mul3A_716, %add3A_711 : vector<16xf32>
      %select_n3A_718 = arith.select %ge3A_714, %add3A_711, %mul3A_717 : vector<16xi1>, vector<16xf32>
      %add3A_719 = arith.constant 384 : i32
      %add3A_720 = arith.addi %add3A_514, %add3A_719 : i32
      %get3A_721 = arith.index_cast %add3A_720 : i32 to index
      %get3A_722 = tpu.vector_load %arg13[%get3A_721] {strides = array<i32>} : memref<5120xi32, #tpu.memory_space<vmem>>, vector<16xi32>,
      %gather3A_723 = tpu.vector_load_idx %arg9[%get3A_722] : memref<10240xi32, #tpu.memory_space<vmem>>[vector<16xi32>], vector<16xi32>,
      %and3A_724 = arith.constant -65536 : i32
      %and3A_725 = vector.broadcast %and3A_724 : i32 to vector<16xi32>
      %and3A_726 = arith.andi %gather3A_723, %and3A_725 : vector<16xi32>
      %bitcast3A_727 = vector.bitcast %and3A_726 : vector<16xi32> to vector<16xf32>
      %add3A_728 = arith.addf %get3A_507, %bitcast3A_727 : vector<16xf32>
      %ge3A_729 = arith.constant 0.000000e+00 : f32
      %ge3A_730 = vector.broadcast %ge3A_729 : f32 to vector<16xf32>
      %ge3A_731 = arith.cmpf oge, %add3A_728, %ge3A_730 : vector<16xf32>
      %mul3A_732 = arith.constant 2.000000e-01 : f32
      %mul3A_733 = vector.broadcast %mul3A_732 : f32 to vector<16xf32>
      %mul3A_734 = arith.mulf %mul3A_733, %add3A_728 : vector<16xf32>
      %select_n3A_735 = arith.select %ge3A_731, %add3A_728, %mul3A_734 : vector<16xi1>, vector<16xf32>
      %add3A_736 = arith.constant 416 : i32
      %add3A_737 = arith.addi %add3A_514, %add3A_736 : i32
      %get3A_738 = arith.index_cast %add3A_737 : i32 to index
      %get3A_739 = tpu.vector_load %arg13[%get3A_738] {strides = array<i32>} : memref<5120xi32, #tpu.memory_space<vmem>>, vector<16xi32>,
      %gather3A_740 = tpu.vector_load_idx %arg9[%get3A_739] : memref<10240xi32, #tpu.memory_space<vmem>>[vector<16xi32>], vector<16xi32>,
      %and3A_741 = arith.constant -65536 : i32
      %and3A_742 = vector.broadcast %and3A_741 : i32 to vector<16xi32>
      %and3A_743 = arith.andi %gather3A_740, %and3A_742 : vector<16xi32>
      %bitcast3A_744 = vector.bitcast %and3A_743 : vector<16xi32> to vector<16xf32>
      %add3A_745 = arith.addf %get3A_507, %bitcast3A_744 : vector<16xf32>
      %ge3A_746 = arith.constant 0.000000e+00 : f32
      %ge3A_747 = vector.broadcast %ge3A_746 : f32 to vector<16xf32>
      %ge3A_748 = arith.cmpf oge, %add3A_745, %ge3A_747 : vector<16xf32>
      %mul3A_749 = arith.constant 2.000000e-01 : f32
      %mul3A_750 = vector.broadcast %mul3A_749 : f32 to vector<16xf32>
      %mul3A_751 = arith.mulf %mul3A_750, %add3A_745 : vector<16xf32>
      %select_n3A_752 = arith.select %ge3A_748, %add3A_745, %mul3A_751 : vector<16xi1>, vector<16xf32>
      %add3A_753 = arith.constant 448 : i32
      %add3A_754 = arith.addi %add3A_514, %add3A_753 : i32
      %get3A_755 = arith.index_cast %add3A_754 : i32 to index
      %get3A_756 = tpu.vector_load %arg13[%get3A_755] {strides = array<i32>} : memref<5120xi32, #tpu.memory_space<vmem>>, vector<16xi32>,
      %gather3A_757 = tpu.vector_load_idx %arg9[%get3A_756] : memref<10240xi32, #tpu.memory_space<vmem>>[vector<16xi32>], vector<16xi32>,
      %and3A_758 = arith.constant -65536 : i32
      %and3A_759 = vector.broadcast %and3A_758 : i32 to vector<16xi32>
      %and3A_760 = arith.andi %gather3A_757, %and3A_759 : vector<16xi32>
      %bitcast3A_761 = vector.bitcast %and3A_760 : vector<16xi32> to vector<16xf32>
      %add3A_762 = arith.addf %get3A_507, %bitcast3A_761 : vector<16xf32>
      %ge3A_763 = arith.constant 0.000000e+00 : f32
      %ge3A_764 = vector.broadcast %ge3A_763 : f32 to vector<16xf32>
      %ge3A_765 = arith.cmpf oge, %add3A_762, %ge3A_764 : vector<16xf32>
      %mul3A_766 = arith.constant 2.000000e-01 : f32
      %mul3A_767 = vector.broadcast %mul3A_766 : f32 to vector<16xf32>
      %mul3A_768 = arith.mulf %mul3A_767, %add3A_762 : vector<16xf32>
      %select_n3A_769 = arith.select %ge3A_765, %add3A_762, %mul3A_768 : vector<16xi1>, vector<16xf32>
      %add3A_770 = arith.constant 480 : i32
      %add3A_771 = arith.addi %add3A_514, %add3A_770 : i32
      %get3A_772 = arith.index_cast %add3A_771 : i32 to index
      %get3A_773 = tpu.vector_load %arg13[%get3A_772] {strides = array<i32>} : memref<5120xi32, #tpu.memory_space<vmem>>, vector<16xi32>,
      %gather3A_774 = tpu.vector_load_idx %arg9[%get3A_773] : memref<10240xi32, #tpu.memory_space<vmem>>[vector<16xi32>], vector<16xi32>,
      %and3A_775 = arith.constant -65536 : i32
      %and3A_776 = vector.broadcast %and3A_775 : i32 to vector<16xi32>
      %and3A_777 = arith.andi %gather3A_774, %and3A_776 : vector<16xi32>
      %bitcast3A_778 = vector.bitcast %and3A_777 : vector<16xi32> to vector<16xf32>
      %add3A_779 = arith.addf %get3A_507, %bitcast3A_778 : vector<16xf32>
      %ge3A_780 = arith.constant 0.000000e+00 : f32
      %ge3A_781 = vector.broadcast %ge3A_780 : f32 to vector<16xf32>
      %ge3A_782 = arith.cmpf oge, %add3A_779, %ge3A_781 : vector<16xf32>
      %mul3A_783 = arith.constant 2.000000e-01 : f32
      %mul3A_784 = vector.broadcast %mul3A_783 : f32 to vector<16xf32>
      %mul3A_785 = arith.mulf %mul3A_784, %add3A_779 : vector<16xf32>
      %select_n3A_786 = arith.select %ge3A_782, %add3A_779, %mul3A_785 : vector<16xi1>, vector<16xf32>
      %max3A_787 = arith.maximumf %select_n3A_531, %select_n3A_548 : vector<16xf32>
      %max3A_788 = arith.maximumf %max3A_787, %select_n3A_565 : vector<16xf32>
      %max3A_789 = arith.maximumf %max3A_788, %select_n3A_582 : vector<16xf32>
      %max3A_790 = arith.maximumf %max3A_789, %select_n3A_599 : vector<16xf32>
      %max3A_791 = arith.maximumf %max3A_790, %select_n3A_616 : vector<16xf32>
      %max3A_792 = arith.maximumf %max3A_791, %select_n3A_633 : vector<16xf32>
      %max3A_793 = arith.maximumf %max3A_792, %select_n3A_650 : vector<16xf32>
      %max3A_794 = arith.maximumf %max3A_793, %select_n3A_667 : vector<16xf32>
      %max3A_795 = arith.maximumf %max3A_794, %select_n3A_684 : vector<16xf32>
      %max3A_796 = arith.maximumf %max3A_795, %select_n3A_701 : vector<16xf32>
      %max3A_797 = arith.maximumf %max3A_796, %select_n3A_718 : vector<16xf32>
      %max3A_798 = arith.maximumf %max3A_797, %select_n3A_735 : vector<16xf32>
      %max3A_799 = arith.maximumf %max3A_798, %select_n3A_752 : vector<16xf32>
      %max3A_800 = arith.maximumf %max3A_799, %select_n3A_769 : vector<16xf32>
      %max3A_801 = arith.maximumf %max3A_800, %select_n3A_786 : vector<16xf32>
      %sub3A_802 = arith.subf %select_n3A_531, %max3A_801 : vector<16xf32>
      %exp3A_803 = math.exp %sub3A_802 : vector<16xf32>
      %sub3A_804 = arith.subf %select_n3A_548, %max3A_801 : vector<16xf32>
      %exp3A_805 = math.exp %sub3A_804 : vector<16xf32>
      %sub3A_806 = arith.subf %select_n3A_565, %max3A_801 : vector<16xf32>
      %exp3A_807 = math.exp %sub3A_806 : vector<16xf32>
      %sub3A_808 = arith.subf %select_n3A_582, %max3A_801 : vector<16xf32>
      %exp3A_809 = math.exp %sub3A_808 : vector<16xf32>
      %sub3A_810 = arith.subf %select_n3A_599, %max3A_801 : vector<16xf32>
      %exp3A_811 = math.exp %sub3A_810 : vector<16xf32>
      %sub3A_812 = arith.subf %select_n3A_616, %max3A_801 : vector<16xf32>
      %exp3A_813 = math.exp %sub3A_812 : vector<16xf32>
      %sub3A_814 = arith.subf %select_n3A_633, %max3A_801 : vector<16xf32>
      %exp3A_815 = math.exp %sub3A_814 : vector<16xf32>
      %sub3A_816 = arith.subf %select_n3A_650, %max3A_801 : vector<16xf32>
      %exp3A_817 = math.exp %sub3A_816 : vector<16xf32>
      %sub3A_818 = arith.subf %select_n3A_667, %max3A_801 : vector<16xf32>
      %exp3A_819 = math.exp %sub3A_818 : vector<16xf32>
      %sub3A_820 = arith.subf %select_n3A_684, %max3A_801 : vector<16xf32>
      %exp3A_821 = math.exp %sub3A_820 : vector<16xf32>
      %sub3A_822 = arith.subf %select_n3A_701, %max3A_801 : vector<16xf32>
      %exp3A_823 = math.exp %sub3A_822 : vector<16xf32>
      %sub3A_824 = arith.subf %select_n3A_718, %max3A_801 : vector<16xf32>
      %exp3A_825 = math.exp %sub3A_824 : vector<16xf32>
      %sub3A_826 = arith.subf %select_n3A_735, %max3A_801 : vector<16xf32>
      %exp3A_827 = math.exp %sub3A_826 : vector<16xf32>
      %sub3A_828 = arith.subf %select_n3A_752, %max3A_801 : vector<16xf32>
      %exp3A_829 = math.exp %sub3A_828 : vector<16xf32>
      %sub3A_830 = arith.subf %select_n3A_769, %max3A_801 : vector<16xf32>
      %exp3A_831 = math.exp %sub3A_830 : vector<16xf32>
      %sub3A_832 = arith.subf %select_n3A_786, %max3A_801 : vector<16xf32>
      %exp3A_833 = math.exp %sub3A_832 : vector<16xf32>
      %add3A_834 = arith.addf %exp3A_803, %exp3A_805 : vector<16xf32>
      %add3A_835 = arith.addf %add3A_834, %exp3A_807 : vector<16xf32>
      %add3A_836 = arith.addf %add3A_835, %exp3A_809 : vector<16xf32>
      %add3A_837 = arith.addf %add3A_836, %exp3A_811 : vector<16xf32>
      %add3A_838 = arith.addf %add3A_837, %exp3A_813 : vector<16xf32>
      %add3A_839 = arith.addf %add3A_838, %exp3A_815 : vector<16xf32>
      %add3A_840 = arith.addf %add3A_839, %exp3A_817 : vector<16xf32>
      %add3A_841 = arith.addf %add3A_840, %exp3A_819 : vector<16xf32>
      %add3A_842 = arith.addf %add3A_841, %exp3A_821 : vector<16xf32>
      %add3A_843 = arith.addf %add3A_842, %exp3A_823 : vector<16xf32>
      %add3A_844 = arith.addf %add3A_843, %exp3A_825 : vector<16xf32>
      %add3A_845 = arith.addf %add3A_844, %exp3A_827 : vector<16xf32>
      %add3A_846 = arith.addf %add3A_845, %exp3A_829 : vector<16xf32>
      %add3A_847 = arith.addf %add3A_846, %exp3A_831 : vector<16xf32>
      %add3A_848 = arith.addf %add3A_847, %exp3A_833 : vector<16xf32>
      %div3A_849 = arith.constant 1.000000e+00 : f32
      %div3A_850 = vector.broadcast %div3A_849 : f32 to vector<16xf32>
      %div3A_851 = arith.divf %div3A_850, %add3A_848 : vector<16xf32>
      %mul3A_852 = arith.mulf %exp3A_803, %div3A_851 : vector<16xf32>
      %swap3A_853 = arith.constant 0 : i32
      %swap3A_854 = arith.index_cast %swap3A_853 : i32 to index
      %swap3A_855 = arith.index_cast %mul3A_37 : i32 to index
      %swap3A_856 = tpu.vector_load %arg19[%swap3A_854, %swap3A_855] {strides = array<i32>} : memref<16x320xf32, #tpu.memory_space<vmem>>, vector<16xf32>,
      tpu.vector_store %arg19[%swap3A_854, %swap3A_855], %mul3A_852 {strides = array<i32>} : memref<16x320xf32, #tpu.memory_space<vmem>>, vector<16xf32>,
      %mul3A_857 = arith.mulf %exp3A_805, %div3A_851 : vector<16xf32>
      %swap3A_858 = arith.constant 1 : i32
      %swap3A_859 = arith.index_cast %swap3A_858 : i32 to index
      %swap3A_860 = arith.index_cast %mul3A_37 : i32 to index
      %swap3A_861 = tpu.vector_load %arg19[%swap3A_859, %swap3A_860] {strides = array<i32>} : memref<16x320xf32, #tpu.memory_space<vmem>>, vector<16xf32>,
      tpu.vector_store %arg19[%swap3A_859, %swap3A_860], %mul3A_857 {strides = array<i32>} : memref<16x320xf32, #tpu.memory_space<vmem>>, vector<16xf32>,
      %mul3A_862 = arith.mulf %exp3A_807, %div3A_851 : vector<16xf32>
      %swap3A_863 = arith.constant 2 : i32
      %swap3A_864 = arith.index_cast %swap3A_863 : i32 to index
      %swap3A_865 = arith.index_cast %mul3A_37 : i32 to index
      %swap3A_866 = tpu.vector_load %arg19[%swap3A_864, %swap3A_865] {strides = array<i32>} : memref<16x320xf32, #tpu.memory_space<vmem>>, vector<16xf32>,
      tpu.vector_store %arg19[%swap3A_864, %swap3A_865], %mul3A_862 {strides = array<i32>} : memref<16x320xf32, #tpu.memory_space<vmem>>, vector<16xf32>,
      %mul3A_867 = arith.mulf %exp3A_809, %div3A_851 : vector<16xf32>
      %swap3A_868 = arith.constant 3 : i32
      %swap3A_869 = arith.index_cast %swap3A_868 : i32 to index
      %swap3A_870 = arith.index_cast %mul3A_37 : i32 to index
      %swap3A_871 = tpu.vector_load %arg19[%swap3A_869, %swap3A_870] {strides = array<i32>} : memref<16x320xf32, #tpu.memory_space<vmem>>, vector<16xf32>,
      tpu.vector_store %arg19[%swap3A_869, %swap3A_870], %mul3A_867 {strides = array<i32>} : memref<16x320xf32, #tpu.memory_space<vmem>>, vector<16xf32>,
      %mul3A_872 = arith.mulf %exp3A_811, %div3A_851 : vector<16xf32>
      %swap3A_873 = arith.constant 4 : i32
      %swap3A_874 = arith.index_cast %swap3A_873 : i32 to index
      %swap3A_875 = arith.index_cast %mul3A_37 : i32 to index
      %swap3A_876 = tpu.vector_load %arg19[%swap3A_874, %swap3A_875] {strides = array<i32>} : memref<16x320xf32, #tpu.memory_space<vmem>>, vector<16xf32>,
      tpu.vector_store %arg19[%swap3A_874, %swap3A_875], %mul3A_872 {strides = array<i32>} : memref<16x320xf32, #tpu.memory_space<vmem>>, vector<16xf32>,
      %mul3A_877 = arith.mulf %exp3A_813, %div3A_851 : vector<16xf32>
      %swap3A_878 = arith.constant 5 : i32
      %swap3A_879 = arith.index_cast %swap3A_878 : i32 to index
      %swap3A_880 = arith.index_cast %mul3A_37 : i32 to index
      %swap3A_881 = tpu.vector_load %arg19[%swap3A_879, %swap3A_880] {strides = array<i32>} : memref<16x320xf32, #tpu.memory_space<vmem>>, vector<16xf32>,
      tpu.vector_store %arg19[%swap3A_879, %swap3A_880], %mul3A_877 {strides = array<i32>} : memref<16x320xf32, #tpu.memory_space<vmem>>, vector<16xf32>,
      %mul3A_882 = arith.mulf %exp3A_815, %div3A_851 : vector<16xf32>
      %swap3A_883 = arith.constant 6 : i32
      %swap3A_884 = arith.index_cast %swap3A_883 : i32 to index
      %swap3A_885 = arith.index_cast %mul3A_37 : i32 to index
      %swap3A_886 = tpu.vector_load %arg19[%swap3A_884, %swap3A_885] {strides = array<i32>} : memref<16x320xf32, #tpu.memory_space<vmem>>, vector<16xf32>,
      tpu.vector_store %arg19[%swap3A_884, %swap3A_885], %mul3A_882 {strides = array<i32>} : memref<16x320xf32, #tpu.memory_space<vmem>>, vector<16xf32>,
      %mul3A_887 = arith.mulf %exp3A_817, %div3A_851 : vector<16xf32>
      %swap3A_888 = arith.constant 7 : i32
      %swap3A_889 = arith.index_cast %swap3A_888 : i32 to index
      %swap3A_890 = arith.index_cast %mul3A_37 : i32 to index
      %swap3A_891 = tpu.vector_load %arg19[%swap3A_889, %swap3A_890] {strides = array<i32>} : memref<16x320xf32, #tpu.memory_space<vmem>>, vector<16xf32>,
      tpu.vector_store %arg19[%swap3A_889, %swap3A_890], %mul3A_887 {strides = array<i32>} : memref<16x320xf32, #tpu.memory_space<vmem>>, vector<16xf32>,
      %mul3A_892 = arith.mulf %exp3A_819, %div3A_851 : vector<16xf32>
      %swap3A_893 = arith.constant 8 : i32
      %swap3A_894 = arith.index_cast %swap3A_893 : i32 to index
      %swap3A_895 = arith.index_cast %mul3A_37 : i32 to index
      %swap3A_896 = tpu.vector_load %arg19[%swap3A_894, %swap3A_895] {strides = array<i32>} : memref<16x320xf32, #tpu.memory_space<vmem>>, vector<16xf32>,
      tpu.vector_store %arg19[%swap3A_894, %swap3A_895], %mul3A_892 {strides = array<i32>} : memref<16x320xf32, #tpu.memory_space<vmem>>, vector<16xf32>,
      %mul3A_897 = arith.mulf %exp3A_821, %div3A_851 : vector<16xf32>
      %swap3A_898 = arith.constant 9 : i32
      %swap3A_899 = arith.index_cast %swap3A_898 : i32 to index
      %swap3A_900 = arith.index_cast %mul3A_37 : i32 to index
      %swap3A_901 = tpu.vector_load %arg19[%swap3A_899, %swap3A_900] {strides = array<i32>} : memref<16x320xf32, #tpu.memory_space<vmem>>, vector<16xf32>,
      tpu.vector_store %arg19[%swap3A_899, %swap3A_900], %mul3A_897 {strides = array<i32>} : memref<16x320xf32, #tpu.memory_space<vmem>>, vector<16xf32>,
      %mul3A_902 = arith.mulf %exp3A_823, %div3A_851 : vector<16xf32>
      %swap3A_903 = arith.constant 10 : i32
      %swap3A_904 = arith.index_cast %swap3A_903 : i32 to index
      %swap3A_905 = arith.index_cast %mul3A_37 : i32 to index
      %swap3A_906 = tpu.vector_load %arg19[%swap3A_904, %swap3A_905] {strides = array<i32>} : memref<16x320xf32, #tpu.memory_space<vmem>>, vector<16xf32>,
      tpu.vector_store %arg19[%swap3A_904, %swap3A_905], %mul3A_902 {strides = array<i32>} : memref<16x320xf32, #tpu.memory_space<vmem>>, vector<16xf32>,
      %mul3A_907 = arith.mulf %exp3A_825, %div3A_851 : vector<16xf32>
      %swap3A_908 = arith.constant 11 : i32
      %swap3A_909 = arith.index_cast %swap3A_908 : i32 to index
      %swap3A_910 = arith.index_cast %mul3A_37 : i32 to index
      %swap3A_911 = tpu.vector_load %arg19[%swap3A_909, %swap3A_910] {strides = array<i32>} : memref<16x320xf32, #tpu.memory_space<vmem>>, vector<16xf32>,
      tpu.vector_store %arg19[%swap3A_909, %swap3A_910], %mul3A_907 {strides = array<i32>} : memref<16x320xf32, #tpu.memory_space<vmem>>, vector<16xf32>,
      %mul3A_912 = arith.mulf %exp3A_827, %div3A_851 : vector<16xf32>
      %swap3A_913 = arith.constant 12 : i32
      %swap3A_914 = arith.index_cast %swap3A_913 : i32 to index
      %swap3A_915 = arith.index_cast %mul3A_37 : i32 to index
      %swap3A_916 = tpu.vector_load %arg19[%swap3A_914, %swap3A_915] {strides = array<i32>} : memref<16x320xf32, #tpu.memory_space<vmem>>, vector<16xf32>,
      tpu.vector_store %arg19[%swap3A_914, %swap3A_915], %mul3A_912 {strides = array<i32>} : memref<16x320xf32, #tpu.memory_space<vmem>>, vector<16xf32>,
      %mul3A_917 = arith.mulf %exp3A_829, %div3A_851 : vector<16xf32>
      %swap3A_918 = arith.constant 13 : i32
      %swap3A_919 = arith.index_cast %swap3A_918 : i32 to index
      %swap3A_920 = arith.index_cast %mul3A_37 : i32 to index
      %swap3A_921 = tpu.vector_load %arg19[%swap3A_919, %swap3A_920] {strides = array<i32>} : memref<16x320xf32, #tpu.memory_space<vmem>>, vector<16xf32>,
      tpu.vector_store %arg19[%swap3A_919, %swap3A_920], %mul3A_917 {strides = array<i32>} : memref<16x320xf32, #tpu.memory_space<vmem>>, vector<16xf32>,
      %mul3A_922 = arith.mulf %exp3A_831, %div3A_851 : vector<16xf32>
      %swap3A_923 = arith.constant 14 : i32
      %swap3A_924 = arith.index_cast %swap3A_923 : i32 to index
      %swap3A_925 = arith.index_cast %mul3A_37 : i32 to index
      %swap3A_926 = tpu.vector_load %arg19[%swap3A_924, %swap3A_925] {strides = array<i32>} : memref<16x320xf32, #tpu.memory_space<vmem>>, vector<16xf32>,
      tpu.vector_store %arg19[%swap3A_924, %swap3A_925], %mul3A_922 {strides = array<i32>} : memref<16x320xf32, #tpu.memory_space<vmem>>, vector<16xf32>,
      %mul3A_927 = arith.mulf %exp3A_833, %div3A_851 : vector<16xf32>
      %swap3A_928 = arith.constant 15 : i32
      %swap3A_929 = arith.index_cast %swap3A_928 : i32 to index
      %swap3A_930 = arith.index_cast %mul3A_37 : i32 to index
      %swap3A_931 = tpu.vector_load %arg19[%swap3A_929, %swap3A_930] {strides = array<i32>} : memref<16x320xf32, #tpu.memory_space<vmem>>, vector<16xf32>,
      tpu.vector_store %arg19[%swap3A_929, %swap3A_930], %mul3A_927 {strides = array<i32>} : memref<16x320xf32, #tpu.memory_space<vmem>>, vector<16xf32>,
    }
    %scan3A_28 = arith.constant 20 : i32
    %scan3A_29 = arith.constant 0 : i32
    %scan3A_30 = arith.constant 0 : i32
    %scan3A_31 = arith.constant 4 : i32
    %scan3A_32 = arith.addi %scan3A_30, %scan3A_31 : i32
    %scan3A_33 = arith.constant 1 : i32
    scf.for %scan3A_35 = %scan3A_30 to %scan3A_32 step %scan3A_33  : i32 {
      %mul3A_36 = arith.constant 2 : i32
      %mul3A_37 = arith.muli %mul3A_36, %scan3A_35 : i32
      %mul3A_38 = arith.constant 2 : i32
      %mul3A_39 = arith.muli %mul3A_38, %scan3A_35 : i32
      %add3A_40 = arith.constant 1 : i32
      %add3A_41 = arith.addi %mul3A_39, %add3A_40 : i32
      %dma_wait3A = arith.constant 0 : i32
      %dma_wait3A_42 = tpu.memref_slice %arg2[%dma_wait3A] : memref<163840xi32, #tpu.memory_space<hbm>> -> memref<20480xi32, #tpu.memory_space<hbm>>
      %dma_wait3A_43 = arith.constant 0 : i32
      %dma_wait3A_44 = tpu.memref_slice %arg2[%dma_wait3A_43] : memref<163840xi32, #tpu.memory_space<hbm>> -> memref<20480xi32, #tpu.memory_space<hbm>>
      tpu.wait_dma2 semaphore(%arg21 : memref<!tpu.dma_semaphore, #tpu.memory_space<semaphore_mem>>) src(%dma_wait3A_44 : memref<20480xi32, #tpu.memory_space<hbm>>) dst(%arg14 : memref<20480xi32, #tpu.memory_space<vmem>>)
      %dma_wait3A_45 = arith.constant 0 : i32
      %dma_wait3A_46 = tpu.memref_slice %arg3[%dma_wait3A_45] : memref<163840xi32, #tpu.memory_space<hbm>> -> memref<20480xi32, #tpu.memory_space<hbm>>
      %dma_wait3A_47 = arith.constant 0 : i32
      %dma_wait3A_48 = tpu.memref_slice %arg3[%dma_wait3A_47] : memref<163840xi32, #tpu.memory_space<hbm>> -> memref<20480xi32, #tpu.memory_space<hbm>>
      tpu.wait_dma2 semaphore(%arg21 : memref<!tpu.dma_semaphore, #tpu.memory_space<semaphore_mem>>) src(%dma_wait3A_48 : memref<20480xi32, #tpu.memory_space<hbm>>) dst(%arg15 : memref<20480xi32, #tpu.memory_space<vmem>>)
      %scan3A_49 = arith.constant 0 : i32
      %scan3A_50 = arith.constant 0 : i32
      %scan3A_51 = arith.constant 20 : i32
      %scan3A_52 = arith.addi %scan3A_50, %scan3A_51 : i32
      %scan3A_53 = arith.constant 1 : i32
      scf.for %scan3A_136 = %scan3A_50 to %scan3A_52 step %scan3A_53  : i32 {
        %mul3A_137 = arith.constant 16 : i32
        %mul3A_138 = arith.muli %scan3A_136, %mul3A_137 : i32
        %iota3A = tpu.iota {dimensions = array<i32: 0>} : vector<16xi32>
        %add3A_139 = vector.broadcast %mul3A_138 : i32 to vector<16xi32>
        %add3A_140 = arith.addi %add3A_139, %iota3A : vector<16xi32>
        %get3A = arith.constant 0 : i32
        %get3A_141 = arith.index_cast %get3A : i32 to index
        %get3A_142 = arith.index_cast %mul3A_138 : i32 to index
        %get3A_143 = tpu.vector_load %arg18[%get3A_141, %get3A_142] {strides = array<i32>} : memref<4x320xf32, #tpu.memory_space<vmem>>, vector<16xf32>,
        %get3A_144 = arith.constant 1 : i32
        %get3A_145 = arith.index_cast %get3A_144 : i32 to index
        %get3A_146 = arith.index_cast %mul3A_138 : i32 to index
        %get3A_147 = tpu.vector_load %arg18[%get3A_145, %get3A_146] {strides = array<i32>} : memref<4x320xf32, #tpu.memory_space<vmem>>, vector<16xf32>,
        %get3A_148 = arith.constant 2 : i32
        %get3A_149 = arith.index_cast %get3A_148 : i32 to index
        %get3A_150 = arith.index_cast %mul3A_138 : i32 to index
        %get3A_151 = tpu.vector_load %arg18[%get3A_149, %get3A_150] {strides = array<i32>} : memref<4x320xf32, #tpu.memory_space<vmem>>, vector<16xf32>,
        %get3A_152 = arith.constant 3 : i32
        %get3A_153 = arith.index_cast %get3A_152 : i32 to index
        %get3A_154 = arith.index_cast %mul3A_138 : i32 to index
        %get3A_155 = tpu.vector_load %arg18[%get3A_153, %get3A_154] {strides = array<i32>} : memref<4x320xf32, #tpu.memory_space<vmem>>, vector<16xf32>,
        %add3A_156 = arith.constant 0 : i32
        %add3A_157 = arith.addi %add3A_156, %mul3A_138 : i32
        %get3A_158 = arith.index_cast %add3A_157 : i32 to index
        %get3A_159 = tpu.vector_load %arg12[%get3A_158] {strides = array<i32>} : memref<12800xi32, #tpu.memory_space<vmem>>, vector<16xi32>,
        %gather3A = tpu.vector_load_idx %arg14[%get3A_159] : memref<20480xi32, #tpu.memory_space<vmem>>[vector<16xi32>], vector<16xi32>,
        %add3A_160 = arith.constant 10240 : i32
        %add3A_161 = vector.broadcast %add3A_160 : i32 to vector<16xi32>
        %add3A_162 = arith.addi %get3A_159, %add3A_161 : vector<16xi32>
        %gather3A_163 = tpu.vector_load_idx %arg14[%add3A_162] : memref<20480xi32, #tpu.memory_space<vmem>>[vector<16xi32>], vector<16xi32>,
        %shift_left3A = arith.constant 16 : i32
        %shift_left3A_164 = vector.broadcast %shift_left3A : i32 to vector<16xi32>
        %shift_left3A_165 = arith.shli %gather3A, %shift_left3A_164 : vector<16xi32>
        %bitcast3A = vector.bitcast %shift_left3A_165 : vector<16xi32> to vector<16xf32>
        %and3A = arith.constant -65536 : i32
        %and3A_166 = vector.broadcast %and3A : i32 to vector<16xi32>
        %and3A_167 = arith.andi %gather3A, %and3A_166 : vector<16xi32>
        %bitcast3A_168 = vector.bitcast %and3A_167 : vector<16xi32> to vector<16xf32>
        %shift_left3A_169 = arith.constant 16 : i32
        %shift_left3A_170 = vector.broadcast %shift_left3A_169 : i32 to vector<16xi32>
        %shift_left3A_171 = arith.shli %gather3A_163, %shift_left3A_170 : vector<16xi32>
        %bitcast3A_172 = vector.bitcast %shift_left3A_171 : vector<16xi32> to vector<16xf32>
        %and3A_173 = arith.constant -65536 : i32
        %and3A_174 = vector.broadcast %and3A_173 : i32 to vector<16xi32>
        %and3A_175 = arith.andi %gather3A_163, %and3A_174 : vector<16xi32>
        %bitcast3A_176 = vector.bitcast %and3A_175 : vector<16xi32> to vector<16xf32>
        %add3A_177 = arith.constant 1280 : i32
        %add3A_178 = arith.addi %add3A_177, %mul3A_138 : i32
        %get3A_179 = arith.index_cast %add3A_178 : i32 to index
        %get3A_180 = tpu.vector_load %arg12[%get3A_179] {strides = array<i32>} : memref<12800xi32, #tpu.memory_space<vmem>>, vector<16xi32>,
        %gather3A_181 = tpu.vector_load_idx %arg14[%get3A_180] : memref<20480xi32, #tpu.memory_space<vmem>>[vector<16xi32>], vector<16xi32>,
        %add3A_182 = arith.constant 10240 : i32
        %add3A_183 = vector.broadcast %add3A_182 : i32 to vector<16xi32>
        %add3A_184 = arith.addi %get3A_180, %add3A_183 : vector<16xi32>
        %gather3A_185 = tpu.vector_load_idx %arg14[%add3A_184] : memref<20480xi32, #tpu.memory_space<vmem>>[vector<16xi32>], vector<16xi32>,
        %shift_left3A_186 = arith.constant 16 : i32
        %shift_left3A_187 = vector.broadcast %shift_left3A_186 : i32 to vector<16xi32>
        %shift_left3A_188 = arith.shli %gather3A_181, %shift_left3A_187 : vector<16xi32>
        %bitcast3A_189 = vector.bitcast %shift_left3A_188 : vector<16xi32> to vector<16xf32>
        %and3A_190 = arith.constant -65536 : i32
        %and3A_191 = vector.broadcast %and3A_190 : i32 to vector<16xi32>
        %and3A_192 = arith.andi %gather3A_181, %and3A_191 : vector<16xi32>
        %bitcast3A_193 = vector.bitcast %and3A_192 : vector<16xi32> to vector<16xf32>
        %shift_left3A_194 = arith.constant 16 : i32
        %shift_left3A_195 = vector.broadcast %shift_left3A_194 : i32 to vector<16xi32>
        %shift_left3A_196 = arith.shli %gather3A_185, %shift_left3A_195 : vector<16xi32>
        %bitcast3A_197 = vector.bitcast %shift_left3A_196 : vector<16xi32> to vector<16xf32>
        %and3A_198 = arith.constant -65536 : i32
        %and3A_199 = vector.broadcast %and3A_198 : i32 to vector<16xi32>
        %and3A_200 = arith.andi %gather3A_185, %and3A_199 : vector<16xi32>
        %bitcast3A_201 = vector.bitcast %and3A_200 : vector<16xi32> to vector<16xf32>
        %add3A_202 = arith.addf %bitcast3A, %bitcast3A_189 : vector<16xf32>
        %add3A_203 = arith.addf %bitcast3A_168, %bitcast3A_193 : vector<16xf32>
        %add3A_204 = arith.addf %bitcast3A_172, %bitcast3A_197 : vector<16xf32>
        %add3A_205 = arith.addf %bitcast3A_176, %bitcast3A_201 : vector<16xf32>
        %add3A_206 = arith.constant 2560 : i32
        %add3A_207 = arith.addi %add3A_206, %mul3A_138 : i32
        %get3A_208 = arith.index_cast %add3A_207 : i32 to index
        %get3A_209 = tpu.vector_load %arg12[%get3A_208] {strides = array<i32>} : memref<12800xi32, #tpu.memory_space<vmem>>, vector<16xi32>,
        %gather3A_210 = tpu.vector_load_idx %arg14[%get3A_209] : memref<20480xi32, #tpu.memory_space<vmem>>[vector<16xi32>], vector<16xi32>,
        %add3A_211 = arith.constant 10240 : i32
        %add3A_212 = vector.broadcast %add3A_211 : i32 to vector<16xi32>
        %add3A_213 = arith.addi %get3A_209, %add3A_212 : vector<16xi32>
        %gather3A_214 = tpu.vector_load_idx %arg14[%add3A_213] : memref<20480xi32, #tpu.memory_space<vmem>>[vector<16xi32>], vector<16xi32>,
        %shift_left3A_215 = arith.constant 16 : i32
        %shift_left3A_216 = vector.broadcast %shift_left3A_215 : i32 to vector<16xi32>
        %shift_left3A_217 = arith.shli %gather3A_210, %shift_left3A_216 : vector<16xi32>
        %bitcast3A_218 = vector.bitcast %shift_left3A_217 : vector<16xi32> to vector<16xf32>
        %and3A_219 = arith.constant -65536 : i32
        %and3A_220 = vector.broadcast %and3A_219 : i32 to vector<16xi32>
        %and3A_221 = arith.andi %gather3A_210, %and3A_220 : vector<16xi32>
        %bitcast3A_222 = vector.bitcast %and3A_221 : vector<16xi32> to vector<16xf32>
        %shift_left3A_223 = arith.constant 16 : i32
        %shift_left3A_224 = vector.broadcast %shift_left3A_223 : i32 to vector<16xi32>
        %shift_left3A_225 = arith.shli %gather3A_214, %shift_left3A_224 : vector<16xi32>
        %bitcast3A_226 = vector.bitcast %shift_left3A_225 : vector<16xi32> to vector<16xf32>
        %and3A_227 = arith.constant -65536 : i32
        %and3A_228 = vector.broadcast %and3A_227 : i32 to vector<16xi32>
        %and3A_229 = arith.andi %gather3A_214, %and3A_228 : vector<16xi32>
        %bitcast3A_230 = vector.bitcast %and3A_229 : vector<16xi32> to vector<16xf32>
        %add3A_231 = arith.addf %add3A_202, %bitcast3A_218 : vector<16xf32>
        %add3A_232 = arith.addf %add3A_203, %bitcast3A_222 : vector<16xf32>
        %add3A_233 = arith.addf %add3A_204, %bitcast3A_226 : vector<16xf32>
        %add3A_234 = arith.addf %add3A_205, %bitcast3A_230 : vector<16xf32>
        %add3A_235 = arith.constant 3840 : i32
        %add3A_236 = arith.addi %add3A_235, %mul3A_138 : i32
        %get3A_237 = arith.index_cast %add3A_236 : i32 to index
        %get3A_238 = tpu.vector_load %arg12[%get3A_237] {strides = array<i32>} : memref<12800xi32, #tpu.memory_space<vmem>>, vector<16xi32>,
        %gather3A_239 = tpu.vector_load_idx %arg14[%get3A_238] : memref<20480xi32, #tpu.memory_space<vmem>>[vector<16xi32>], vector<16xi32>,
        %add3A_240 = arith.constant 10240 : i32
        %add3A_241 = vector.broadcast %add3A_240 : i32 to vector<16xi32>
        %add3A_242 = arith.addi %get3A_238, %add3A_241 : vector<16xi32>
        %gather3A_243 = tpu.vector_load_idx %arg14[%add3A_242] : memref<20480xi32, #tpu.memory_space<vmem>>[vector<16xi32>], vector<16xi32>,
        %shift_left3A_244 = arith.constant 16 : i32
        %shift_left3A_245 = vector.broadcast %shift_left3A_244 : i32 to vector<16xi32>
        %shift_left3A_246 = arith.shli %gather3A_239, %shift_left3A_245 : vector<16xi32>
        %bitcast3A_247 = vector.bitcast %shift_left3A_246 : vector<16xi32> to vector<16xf32>
        %and3A_248 = arith.constant -65536 : i32
        %and3A_249 = vector.broadcast %and3A_248 : i32 to vector<16xi32>
        %and3A_250 = arith.andi %gather3A_239, %and3A_249 : vector<16xi32>
        %bitcast3A_251 = vector.bitcast %and3A_250 : vector<16xi32> to vector<16xf32>
        %shift_left3A_252 = arith.constant 16 : i32
        %shift_left3A_253 = vector.broadcast %shift_left3A_252 : i32 to vector<16xi32>
        %shift_left3A_254 = arith.shli %gather3A_243, %shift_left3A_253 : vector<16xi32>
        %bitcast3A_255 = vector.bitcast %shift_left3A_254 : vector<16xi32> to vector<16xf32>
        %and3A_256 = arith.constant -65536 : i32
        %and3A_257 = vector.broadcast %and3A_256 : i32 to vector<16xi32>
        %and3A_258 = arith.andi %gather3A_243, %and3A_257 : vector<16xi32>
        %bitcast3A_259 = vector.bitcast %and3A_258 : vector<16xi32> to vector<16xf32>
        %add3A_260 = arith.addf %add3A_231, %bitcast3A_247 : vector<16xf32>
        %add3A_261 = arith.addf %add3A_232, %bitcast3A_251 : vector<16xf32>
        %add3A_262 = arith.addf %add3A_233, %bitcast3A_255 : vector<16xf32>
        %add3A_263 = arith.addf %add3A_234, %bitcast3A_259 : vector<16xf32>
        %add3A_264 = arith.constant 5120 : i32
        %add3A_265 = arith.addi %add3A_264, %mul3A_138 : i32
        %get3A_266 = arith.index_cast %add3A_265 : i32 to index
        %get3A_267 = tpu.vector_load %arg12[%get3A_266] {strides = array<i32>} : memref<12800xi32, #tpu.memory_space<vmem>>, vector<16xi32>,
        %gather3A_268 = tpu.vector_load_idx %arg14[%get3A_267] : memref<20480xi32, #tpu.memory_space<vmem>>[vector<16xi32>], vector<16xi32>,
        %add3A_269 = arith.constant 10240 : i32
        %add3A_270 = vector.broadcast %add3A_269 : i32 to vector<16xi32>
        %add3A_271 = arith.addi %get3A_267, %add3A_270 : vector<16xi32>
        %gather3A_272 = tpu.vector_load_idx %arg14[%add3A_271] : memref<20480xi32, #tpu.memory_space<vmem>>[vector<16xi32>], vector<16xi32>,
        %shift_left3A_273 = arith.constant 16 : i32
        %shift_left3A_274 = vector.broadcast %shift_left3A_273 : i32 to vector<16xi32>
        %shift_left3A_275 = arith.shli %gather3A_268, %shift_left3A_274 : vector<16xi32>
        %bitcast3A_276 = vector.bitcast %shift_left3A_275 : vector<16xi32> to vector<16xf32>
        %and3A_277 = arith.constant -65536 : i32
        %and3A_278 = vector.broadcast %and3A_277 : i32 to vector<16xi32>
        %and3A_279 = arith.andi %gather3A_268, %and3A_278 : vector<16xi32>
        %bitcast3A_280 = vector.bitcast %and3A_279 : vector<16xi32> to vector<16xf32>
        %shift_left3A_281 = arith.constant 16 : i32
        %shift_left3A_282 = vector.broadcast %shift_left3A_281 : i32 to vector<16xi32>
        %shift_left3A_283 = arith.shli %gather3A_272, %shift_left3A_282 : vector<16xi32>
        %bitcast3A_284 = vector.bitcast %shift_left3A_283 : vector<16xi32> to vector<16xf32>
        %and3A_285 = arith.constant -65536 : i32
        %and3A_286 = vector.broadcast %and3A_285 : i32 to vector<16xi32>
        %and3A_287 = arith.andi %gather3A_272, %and3A_286 : vector<16xi32>
        %bitcast3A_288 = vector.bitcast %and3A_287 : vector<16xi32> to vector<16xf32>
        %add3A_289 = arith.addf %add3A_260, %bitcast3A_276 : vector<16xf32>
        %add3A_290 = arith.addf %add3A_261, %bitcast3A_280 : vector<16xf32>
        %add3A_291 = arith.addf %add3A_262, %bitcast3A_284 : vector<16xf32>
        %add3A_292 = arith.addf %add3A_263, %bitcast3A_288 : vector<16xf32>
        %add3A_293 = arith.constant 6400 : i32
        %add3A_294 = arith.addi %add3A_293, %mul3A_138 : i32
        %get3A_295 = arith.index_cast %add3A_294 : i32 to index
        %get3A_296 = tpu.vector_load %arg12[%get3A_295] {strides = array<i32>} : memref<12800xi32, #tpu.memory_space<vmem>>, vector<16xi32>,
        %gather3A_297 = tpu.vector_load_idx %arg14[%get3A_296] : memref<20480xi32, #tpu.memory_space<vmem>>[vector<16xi32>], vector<16xi32>,
        %add3A_298 = arith.constant 10240 : i32
        %add3A_299 = vector.broadcast %add3A_298 : i32 to vector<16xi32>
        %add3A_300 = arith.addi %get3A_296, %add3A_299 : vector<16xi32>
        %gather3A_301 = tpu.vector_load_idx %arg14[%add3A_300] : memref<20480xi32, #tpu.memory_space<vmem>>[vector<16xi32>], vector<16xi32>,
        %shift_left3A_302 = arith.constant 16 : i32
        %shift_left3A_303 = vector.broadcast %shift_left3A_302 : i32 to vector<16xi32>
        %shift_left3A_304 = arith.shli %gather3A_297, %shift_left3A_303 : vector<16xi32>
        %bitcast3A_305 = vector.bitcast %shift_left3A_304 : vector<16xi32> to vector<16xf32>
        %and3A_306 = arith.constant -65536 : i32
        %and3A_307 = vector.broadcast %and3A_306 : i32 to vector<16xi32>
        %and3A_308 = arith.andi %gather3A_297, %and3A_307 : vector<16xi32>
        %bitcast3A_309 = vector.bitcast %and3A_308 : vector<16xi32> to vector<16xf32>
        %shift_left3A_310 = arith.constant 16 : i32
        %shift_left3A_311 = vector.broadcast %shift_left3A_310 : i32 to vector<16xi32>
        %shift_left3A_312 = arith.shli %gather3A_301, %shift_left3A_311 : vector<16xi32>
        %bitcast3A_313 = vector.bitcast %shift_left3A_312 : vector<16xi32> to vector<16xf32>
        %and3A_314 = arith.constant -65536 : i32
        %and3A_315 = vector.broadcast %and3A_314 : i32 to vector<16xi32>
        %and3A_316 = arith.andi %gather3A_301, %and3A_315 : vector<16xi32>
        %bitcast3A_317 = vector.bitcast %and3A_316 : vector<16xi32> to vector<16xf32>
        %add3A_318 = arith.addf %add3A_289, %bitcast3A_305 : vector<16xf32>
        %add3A_319 = arith.addf %add3A_290, %bitcast3A_309 : vector<16xf32>
        %add3A_320 = arith.addf %add3A_291, %bitcast3A_313 : vector<16xf32>
        %add3A_321 = arith.addf %add3A_292, %bitcast3A_317 : vector<16xf32>
        %add3A_322 = arith.constant 7680 : i32
        %add3A_323 = arith.addi %add3A_322, %mul3A_138 : i32
        %get3A_324 = arith.index_cast %add3A_323 : i32 to index
        %get3A_325 = tpu.vector_load %arg12[%get3A_324] {strides = array<i32>} : memref<12800xi32, #tpu.memory_space<vmem>>, vector<16xi32>,
        %gather3A_326 = tpu.vector_load_idx %arg14[%get3A_325] : memref<20480xi32, #tpu.memory_space<vmem>>[vector<16xi32>], vector<16xi32>,
        %add3A_327 = arith.constant 10240 : i32
        %add3A_328 = vector.broadcast %add3A_327 : i32 to vector<16xi32>
        %add3A_329 = arith.addi %get3A_325, %add3A_328 : vector<16xi32>
        %gather3A_330 = tpu.vector_load_idx %arg14[%add3A_329] : memref<20480xi32, #tpu.memory_space<vmem>>[vector<16xi32>], vector<16xi32>,
        %shift_left3A_331 = arith.constant 16 : i32
        %shift_left3A_332 = vector.broadcast %shift_left3A_331 : i32 to vector<16xi32>
        %shift_left3A_333 = arith.shli %gather3A_326, %shift_left3A_332 : vector<16xi32>
        %bitcast3A_334 = vector.bitcast %shift_left3A_333 : vector<16xi32> to vector<16xf32>
        %and3A_335 = arith.constant -65536 : i32
        %and3A_336 = vector.broadcast %and3A_335 : i32 to vector<16xi32>
        %and3A_337 = arith.andi %gather3A_326, %and3A_336 : vector<16xi32>
        %bitcast3A_338 = vector.bitcast %and3A_337 : vector<16xi32> to vector<16xf32>
        %shift_left3A_339 = arith.constant 16 : i32
        %shift_left3A_340 = vector.broadcast %shift_left3A_339 : i32 to vector<16xi32>
        %shift_left3A_341 = arith.shli %gather3A_330, %shift_left3A_340 : vector<16xi32>
        %bitcast3A_342 = vector.bitcast %shift_left3A_341 : vector<16xi32> to vector<16xf32>
        %and3A_343 = arith.constant -65536 : i32
        %and3A_344 = vector.broadcast %and3A_343 : i32 to vector<16xi32>
        %and3A_345 = arith.andi %gather3A_330, %and3A_344 : vector<16xi32>
        %bitcast3A_346 = vector.bitcast %and3A_345 : vector<16xi32> to vector<16xf32>
        %add3A_347 = arith.addf %add3A_318, %bitcast3A_334 : vector<16xf32>
        %add3A_348 = arith.addf %add3A_319, %bitcast3A_338 : vector<16xf32>
        %add3A_349 = arith.addf %add3A_320, %bitcast3A_342 : vector<16xf32>
        %add3A_350 = arith.addf %add3A_321, %bitcast3A_346 : vector<16xf32>
        %add3A_351 = arith.constant 8960 : i32
        %add3A_352 = arith.addi %add3A_351, %mul3A_138 : i32
        %get3A_353 = arith.index_cast %add3A_352 : i32 to index
        %get3A_354 = tpu.vector_load %arg12[%get3A_353] {strides = array<i32>} : memref<12800xi32, #tpu.memory_space<vmem>>, vector<16xi32>,
        %gather3A_355 = tpu.vector_load_idx %arg14[%get3A_354] : memref<20480xi32, #tpu.memory_space<vmem>>[vector<16xi32>], vector<16xi32>,
        %add3A_356 = arith.constant 10240 : i32
        %add3A_357 = vector.broadcast %add3A_356 : i32 to vector<16xi32>
        %add3A_358 = arith.addi %get3A_354, %add3A_357 : vector<16xi32>
        %gather3A_359 = tpu.vector_load_idx %arg14[%add3A_358] : memref<20480xi32, #tpu.memory_space<vmem>>[vector<16xi32>], vector<16xi32>,
        %shift_left3A_360 = arith.constant 16 : i32
        %shift_left3A_361 = vector.broadcast %shift_left3A_360 : i32 to vector<16xi32>
        %shift_left3A_362 = arith.shli %gather3A_355, %shift_left3A_361 : vector<16xi32>
        %bitcast3A_363 = vector.bitcast %shift_left3A_362 : vector<16xi32> to vector<16xf32>
        %and3A_364 = arith.constant -65536 : i32
        %and3A_365 = vector.broadcast %and3A_364 : i32 to vector<16xi32>
        %and3A_366 = arith.andi %gather3A_355, %and3A_365 : vector<16xi32>
        %bitcast3A_367 = vector.bitcast %and3A_366 : vector<16xi32> to vector<16xf32>
        %shift_left3A_368 = arith.constant 16 : i32
        %shift_left3A_369 = vector.broadcast %shift_left3A_368 : i32 to vector<16xi32>
        %shift_left3A_370 = arith.shli %gather3A_359, %shift_left3A_369 : vector<16xi32>
        %bitcast3A_371 = vector.bitcast %shift_left3A_370 : vector<16xi32> to vector<16xf32>
        %and3A_372 = arith.constant -65536 : i32
        %and3A_373 = vector.broadcast %and3A_372 : i32 to vector<16xi32>
        %and3A_374 = arith.andi %gather3A_359, %and3A_373 : vector<16xi32>
        %bitcast3A_375 = vector.bitcast %and3A_374 : vector<16xi32> to vector<16xf32>
        %add3A_376 = arith.addf %add3A_347, %bitcast3A_363 : vector<16xf32>
        %add3A_377 = arith.addf %add3A_348, %bitcast3A_367 : vector<16xf32>
        %add3A_378 = arith.addf %add3A_349, %bitcast3A_371 : vector<16xf32>
        %add3A_379 = arith.addf %add3A_350, %bitcast3A_375 : vector<16xf32>
        %add3A_380 = arith.constant 10240 : i32
        %add3A_381 = arith.addi %add3A_380, %mul3A_138 : i32
        %get3A_382 = arith.index_cast %add3A_381 : i32 to index
        %get3A_383 = tpu.vector_load %arg12[%get3A_382] {strides = array<i32>} : memref<12800xi32, #tpu.memory_space<vmem>>, vector<16xi32>,
        %gather3A_384 = tpu.vector_load_idx %arg14[%get3A_383] : memref<20480xi32, #tpu.memory_space<vmem>>[vector<16xi32>], vector<16xi32>,
        %add3A_385 = arith.constant 10240 : i32
        %add3A_386 = vector.broadcast %add3A_385 : i32 to vector<16xi32>
        %add3A_387 = arith.addi %get3A_383, %add3A_386 : vector<16xi32>
        %gather3A_388 = tpu.vector_load_idx %arg14[%add3A_387] : memref<20480xi32, #tpu.memory_space<vmem>>[vector<16xi32>], vector<16xi32>,
        %shift_left3A_389 = arith.constant 16 : i32
        %shift_left3A_390 = vector.broadcast %shift_left3A_389 : i32 to vector<16xi32>
        %shift_left3A_391 = arith.shli %gather3A_384, %shift_left3A_390 : vector<16xi32>
        %bitcast3A_392 = vector.bitcast %shift_left3A_391 : vector<16xi32> to vector<16xf32>
        %and3A_393 = arith.constant -65536 : i32
        %and3A_394 = vector.broadcast %and3A_393 : i32 to vector<16xi32>
        %and3A_395 = arith.andi %gather3A_384, %and3A_394 : vector<16xi32>
        %bitcast3A_396 = vector.bitcast %and3A_395 : vector<16xi32> to vector<16xf32>
        %shift_left3A_397 = arith.constant 16 : i32
        %shift_left3A_398 = vector.broadcast %shift_left3A_397 : i32 to vector<16xi32>
        %shift_left3A_399 = arith.shli %gather3A_388, %shift_left3A_398 : vector<16xi32>
        %bitcast3A_400 = vector.bitcast %shift_left3A_399 : vector<16xi32> to vector<16xf32>
        %and3A_401 = arith.constant -65536 : i32
        %and3A_402 = vector.broadcast %and3A_401 : i32 to vector<16xi32>
        %and3A_403 = arith.andi %gather3A_388, %and3A_402 : vector<16xi32>
        %bitcast3A_404 = vector.bitcast %and3A_403 : vector<16xi32> to vector<16xf32>
        %add3A_405 = arith.addf %add3A_376, %bitcast3A_392 : vector<16xf32>
        %add3A_406 = arith.addf %add3A_377, %bitcast3A_396 : vector<16xf32>
        %add3A_407 = arith.addf %add3A_378, %bitcast3A_400 : vector<16xf32>
        %add3A_408 = arith.addf %add3A_379, %bitcast3A_404 : vector<16xf32>
        %add3A_409 = arith.constant 11520 : i32
        %add3A_410 = arith.addi %add3A_409, %mul3A_138 : i32
        %get3A_411 = arith.index_cast %add3A_410 : i32 to index
        %get3A_412 = tpu.vector_load %arg12[%get3A_411] {strides = array<i32>} : memref<12800xi32, #tpu.memory_space<vmem>>, vector<16xi32>,
        %gather3A_413 = tpu.vector_load_idx %arg14[%get3A_412] : memref<20480xi32, #tpu.memory_space<vmem>>[vector<16xi32>], vector<16xi32>,
        %add3A_414 = arith.constant 10240 : i32
        %add3A_415 = vector.broadcast %add3A_414 : i32 to vector<16xi32>
        %add3A_416 = arith.addi %get3A_412, %add3A_415 : vector<16xi32>
        %gather3A_417 = tpu.vector_load_idx %arg14[%add3A_416] : memref<20480xi32, #tpu.memory_space<vmem>>[vector<16xi32>], vector<16xi32>,
        %shift_left3A_418 = arith.constant 16 : i32
        %shift_left3A_419 = vector.broadcast %shift_left3A_418 : i32 to vector<16xi32>
        %shift_left3A_420 = arith.shli %gather3A_413, %shift_left3A_419 : vector<16xi32>
        %bitcast3A_421 = vector.bitcast %shift_left3A_420 : vector<16xi32> to vector<16xf32>
        %and3A_422 = arith.constant -65536 : i32
        %and3A_423 = vector.broadcast %and3A_422 : i32 to vector<16xi32>
        %and3A_424 = arith.andi %gather3A_413, %and3A_423 : vector<16xi32>
        %bitcast3A_425 = vector.bitcast %and3A_424 : vector<16xi32> to vector<16xf32>
        %shift_left3A_426 = arith.constant 16 : i32
        %shift_left3A_427 = vector.broadcast %shift_left3A_426 : i32 to vector<16xi32>
        %shift_left3A_428 = arith.shli %gather3A_417, %shift_left3A_427 : vector<16xi32>
        %bitcast3A_429 = vector.bitcast %shift_left3A_428 : vector<16xi32> to vector<16xf32>
        %and3A_430 = arith.constant -65536 : i32
        %and3A_431 = vector.broadcast %and3A_430 : i32 to vector<16xi32>
        %and3A_432 = arith.andi %gather3A_417, %and3A_431 : vector<16xi32>
        %bitcast3A_433 = vector.bitcast %and3A_432 : vector<16xi32> to vector<16xf32>
        %add3A_434 = arith.addf %add3A_405, %bitcast3A_421 : vector<16xf32>
        %add3A_435 = arith.addf %add3A_406, %bitcast3A_425 : vector<16xf32>
        %add3A_436 = arith.addf %add3A_407, %bitcast3A_429 : vector<16xf32>
        %add3A_437 = arith.addf %add3A_408, %bitcast3A_433 : vector<16xf32>
        %mul3A_438 = arith.mulf %get3A_143, %add3A_434 : vector<16xf32>
        %mul3A_439 = arith.mulf %get3A_143, %add3A_435 : vector<16xf32>
        %mul3A_440 = arith.mulf %get3A_143, %add3A_436 : vector<16xf32>
        %mul3A_441 = arith.mulf %get3A_143, %add3A_437 : vector<16xf32>
        %add3A_442 = arith.constant 320 : i32
        %add3A_443 = arith.addi %add3A_442, %mul3A_138 : i32
        %get3A_444 = arith.index_cast %add3A_443 : i32 to index
        %get3A_445 = tpu.vector_load %arg12[%get3A_444] {strides = array<i32>} : memref<12800xi32, #tpu.memory_space<vmem>>, vector<16xi32>,
        %gather3A_446 = tpu.vector_load_idx %arg14[%get3A_445] : memref<20480xi32, #tpu.memory_space<vmem>>[vector<16xi32>], vector<16xi32>,
        %add3A_447 = arith.constant 10240 : i32
        %add3A_448 = vector.broadcast %add3A_447 : i32 to vector<16xi32>
        %add3A_449 = arith.addi %get3A_445, %add3A_448 : vector<16xi32>
        %gather3A_450 = tpu.vector_load_idx %arg14[%add3A_449] : memref<20480xi32, #tpu.memory_space<vmem>>[vector<16xi32>], vector<16xi32>,
        %shift_left3A_451 = arith.constant 16 : i32
        %shift_left3A_452 = vector.broadcast %shift_left3A_451 : i32 to vector<16xi32>
        %shift_left3A_453 = arith.shli %gather3A_446, %shift_left3A_452 : vector<16xi32>
        %bitcast3A_454 = vector.bitcast %shift_left3A_453 : vector<16xi32> to vector<16xf32>
        %and3A_455 = arith.constant -65536 : i32
        %and3A_456 = vector.broadcast %and3A_455 : i32 to vector<16xi32>
        %and3A_457 = arith.andi %gather3A_446, %and3A_456 : vector<16xi32>
        %bitcast3A_458 = vector.bitcast %and3A_457 : vector<16xi32> to vector<16xf32>
        %shift_left3A_459 = arith.constant 16 : i32
        %shift_left3A_460 = vector.broadcast %shift_left3A_459 : i32 to vector<16xi32>
        %shift_left3A_461 = arith.shli %gather3A_450, %shift_left3A_460 : vector<16xi32>
        %bitcast3A_462 = vector.bitcast %shift_left3A_461 : vector<16xi32> to vector<16xf32>
        %and3A_463 = arith.constant -65536 : i32
        %and3A_464 = vector.broadcast %and3A_463 : i32 to vector<16xi32>
        %and3A_465 = arith.andi %gather3A_450, %and3A_464 : vector<16xi32>
        %bitcast3A_466 = vector.bitcast %and3A_465 : vector<16xi32> to vector<16xf32>
        %add3A_467 = arith.constant 1600 : i32
        %add3A_468 = arith.addi %add3A_467, %mul3A_138 : i32
        %get3A_469 = arith.index_cast %add3A_468 : i32 to index
        %get3A_470 = tpu.vector_load %arg12[%get3A_469] {strides = array<i32>} : memref<12800xi32, #tpu.memory_space<vmem>>, vector<16xi32>,
        %gather3A_471 = tpu.vector_load_idx %arg14[%get3A_470] : memref<20480xi32, #tpu.memory_space<vmem>>[vector<16xi32>], vector<16xi32>,
        %add3A_472 = arith.constant 10240 : i32
        %add3A_473 = vector.broadcast %add3A_472 : i32 to vector<16xi32>
        %add3A_474 = arith.addi %get3A_470, %add3A_473 : vector<16xi32>
        %gather3A_475 = tpu.vector_load_idx %arg14[%add3A_474] : memref<20480xi32, #tpu.memory_space<vmem>>[vector<16xi32>], vector<16xi32>,
        %shift_left3A_476 = arith.constant 16 : i32
        %shift_left3A_477 = vector.broadcast %shift_left3A_476 : i32 to vector<16xi32>
        %shift_left3A_478 = arith.shli %gather3A_471, %shift_left3A_477 : vector<16xi32>
        %bitcast3A_479 = vector.bitcast %shift_left3A_478 : vector<16xi32> to vector<16xf32>
        %and3A_480 = arith.constant -65536 : i32
        %and3A_481 = vector.broadcast %and3A_480 : i32 to vector<16xi32>
        %and3A_482 = arith.andi %gather3A_471, %and3A_481 : vector<16xi32>
        %bitcast3A_483 = vector.bitcast %and3A_482 : vector<16xi32> to vector<16xf32>
        %shift_left3A_484 = arith.constant 16 : i32
        %shift_left3A_485 = vector.broadcast %shift_left3A_484 : i32 to vector<16xi32>
        %shift_left3A_486 = arith.shli %gather3A_475, %shift_left3A_485 : vector<16xi32>
        %bitcast3A_487 = vector.bitcast %shift_left3A_486 : vector<16xi32> to vector<16xf32>
        %and3A_488 = arith.constant -65536 : i32
        %and3A_489 = vector.broadcast %and3A_488 : i32 to vector<16xi32>
        %and3A_490 = arith.andi %gather3A_475, %and3A_489 : vector<16xi32>
        %bitcast3A_491 = vector.bitcast %and3A_490 : vector<16xi32> to vector<16xf32>
        %add3A_492 = arith.addf %bitcast3A_454, %bitcast3A_479 : vector<16xf32>
        %add3A_493 = arith.addf %bitcast3A_458, %bitcast3A_483 : vector<16xf32>
        %add3A_494 = arith.addf %bitcast3A_462, %bitcast3A_487 : vector<16xf32>
        %add3A_495 = arith.addf %bitcast3A_466, %bitcast3A_491 : vector<16xf32>
        %add3A_496 = arith.constant 2880 : i32
        %add3A_497 = arith.addi %add3A_496, %mul3A_138 : i32
        %get3A_498 = arith.index_cast %add3A_497 : i32 to index
        %get3A_499 = tpu.vector_load %arg12[%get3A_498] {strides = array<i32>} : memref<12800xi32, #tpu.memory_space<vmem>>, vector<16xi32>,
        %gather3A_500 = tpu.vector_load_idx %arg14[%get3A_499] : memref<20480xi32, #tpu.memory_space<vmem>>[vector<16xi32>], vector<16xi32>,
        %add3A_501 = arith.constant 10240 : i32
        %add3A_502 = vector.broadcast %add3A_501 : i32 to vector<16xi32>
        %add3A_503 = arith.addi %get3A_499, %add3A_502 : vector<16xi32>
        %gather3A_504 = tpu.vector_load_idx %arg14[%add3A_503] : memref<20480xi32, #tpu.memory_space<vmem>>[vector<16xi32>], vector<16xi32>,
        %shift_left3A_505 = arith.constant 16 : i32
        %shift_left3A_506 = vector.broadcast %shift_left3A_505 : i32 to vector<16xi32>
        %shift_left3A_507 = arith.shli %gather3A_500, %shift_left3A_506 : vector<16xi32>
        %bitcast3A_508 = vector.bitcast %shift_left3A_507 : vector<16xi32> to vector<16xf32>
        %and3A_509 = arith.constant -65536 : i32
        %and3A_510 = vector.broadcast %and3A_509 : i32 to vector<16xi32>
        %and3A_511 = arith.andi %gather3A_500, %and3A_510 : vector<16xi32>
        %bitcast3A_512 = vector.bitcast %and3A_511 : vector<16xi32> to vector<16xf32>
        %shift_left3A_513 = arith.constant 16 : i32
        %shift_left3A_514 = vector.broadcast %shift_left3A_513 : i32 to vector<16xi32>
        %shift_left3A_515 = arith.shli %gather3A_504, %shift_left3A_514 : vector<16xi32>
        %bitcast3A_516 = vector.bitcast %shift_left3A_515 : vector<16xi32> to vector<16xf32>
        %and3A_517 = arith.constant -65536 : i32
        %and3A_518 = vector.broadcast %and3A_517 : i32 to vector<16xi32>
        %and3A_519 = arith.andi %gather3A_504, %and3A_518 : vector<16xi32>
        %bitcast3A_520 = vector.bitcast %and3A_519 : vector<16xi32> to vector<16xf32>
        %add3A_521 = arith.addf %add3A_492, %bitcast3A_508 : vector<16xf32>
        %add3A_522 = arith.addf %add3A_493, %bitcast3A_512 : vector<16xf32>
        %add3A_523 = arith.addf %add3A_494, %bitcast3A_516 : vector<16xf32>
        %add3A_524 = arith.addf %add3A_495, %bitcast3A_520 : vector<16xf32>
        %add3A_525 = arith.constant 4160 : i32
        %add3A_526 = arith.addi %add3A_525, %mul3A_138 : i32
        %get3A_527 = arith.index_cast %add3A_526 : i32 to index
        %get3A_528 = tpu.vector_load %arg12[%get3A_527] {strides = array<i32>} : memref<12800xi32, #tpu.memory_space<vmem>>, vector<16xi32>,
        %gather3A_529 = tpu.vector_load_idx %arg14[%get3A_528] : memref<20480xi32, #tpu.memory_space<vmem>>[vector<16xi32>], vector<16xi32>,
        %add3A_530 = arith.constant 10240 : i32
        %add3A_531 = vector.broadcast %add3A_530 : i32 to vector<16xi32>
        %add3A_532 = arith.addi %get3A_528, %add3A_531 : vector<16xi32>
        %gather3A_533 = tpu.vector_load_idx %arg14[%add3A_532] : memref<20480xi32, #tpu.memory_space<vmem>>[vector<16xi32>], vector<16xi32>,
        %shift_left3A_534 = arith.constant 16 : i32
        %shift_left3A_535 = vector.broadcast %shift_left3A_534 : i32 to vector<16xi32>
        %shift_left3A_536 = arith.shli %gather3A_529, %shift_left3A_535 : vector<16xi32>
        %bitcast3A_537 = vector.bitcast %shift_left3A_536 : vector<16xi32> to vector<16xf32>
        %and3A_538 = arith.constant -65536 : i32
        %and3A_539 = vector.broadcast %and3A_538 : i32 to vector<16xi32>
        %and3A_540 = arith.andi %gather3A_529, %and3A_539 : vector<16xi32>
        %bitcast3A_541 = vector.bitcast %and3A_540 : vector<16xi32> to vector<16xf32>
        %shift_left3A_542 = arith.constant 16 : i32
        %shift_left3A_543 = vector.broadcast %shift_left3A_542 : i32 to vector<16xi32>
        %shift_left3A_544 = arith.shli %gather3A_533, %shift_left3A_543 : vector<16xi32>
        %bitcast3A_545 = vector.bitcast %shift_left3A_544 : vector<16xi32> to vector<16xf32>
        %and3A_546 = arith.constant -65536 : i32
        %and3A_547 = vector.broadcast %and3A_546 : i32 to vector<16xi32>
        %and3A_548 = arith.andi %gather3A_533, %and3A_547 : vector<16xi32>
        %bitcast3A_549 = vector.bitcast %and3A_548 : vector<16xi32> to vector<16xf32>
        %add3A_550 = arith.addf %add3A_521, %bitcast3A_537 : vector<16xf32>
        %add3A_551 = arith.addf %add3A_522, %bitcast3A_541 : vector<16xf32>
        %add3A_552 = arith.addf %add3A_523, %bitcast3A_545 : vector<16xf32>
        %add3A_553 = arith.addf %add3A_524, %bitcast3A_549 : vector<16xf32>
        %add3A_554 = arith.constant 5440 : i32
        %add3A_555 = arith.addi %add3A_554, %mul3A_138 : i32
        %get3A_556 = arith.index_cast %add3A_555 : i32 to index
        %get3A_557 = tpu.vector_load %arg12[%get3A_556] {strides = array<i32>} : memref<12800xi32, #tpu.memory_space<vmem>>, vector<16xi32>,
        %gather3A_558 = tpu.vector_load_idx %arg14[%get3A_557] : memref<20480xi32, #tpu.memory_space<vmem>>[vector<16xi32>], vector<16xi32>,
        %add3A_559 = arith.constant 10240 : i32
        %add3A_560 = vector.broadcast %add3A_559 : i32 to vector<16xi32>
        %add3A_561 = arith.addi %get3A_557, %add3A_560 : vector<16xi32>
        %gather3A_562 = tpu.vector_load_idx %arg14[%add3A_561] : memref<20480xi32, #tpu.memory_space<vmem>>[vector<16xi32>], vector<16xi32>,
        %shift_left3A_563 = arith.constant 16 : i32
        %shift_left3A_564 = vector.broadcast %shift_left3A_563 : i32 to vector<16xi32>
        %shift_left3A_565 = arith.shli %gather3A_558, %shift_left3A_564 : vector<16xi32>
        %bitcast3A_566 = vector.bitcast %shift_left3A_565 : vector<16xi32> to vector<16xf32>
        %and3A_567 = arith.constant -65536 : i32
        %and3A_568 = vector.broadcast %and3A_567 : i32 to vector<16xi32>
        %and3A_569 = arith.andi %gather3A_558, %and3A_568 : vector<16xi32>
        %bitcast3A_570 = vector.bitcast %and3A_569 : vector<16xi32> to vector<16xf32>
        %shift_left3A_571 = arith.constant 16 : i32
        %shift_left3A_572 = vector.broadcast %shift_left3A_571 : i32 to vector<16xi32>
        %shift_left3A_573 = arith.shli %gather3A_562, %shift_left3A_572 : vector<16xi32>
        %bitcast3A_574 = vector.bitcast %shift_left3A_573 : vector<16xi32> to vector<16xf32>
        %and3A_575 = arith.constant -65536 : i32
        %and3A_576 = vector.broadcast %and3A_575 : i32 to vector<16xi32>
        %and3A_577 = arith.andi %gather3A_562, %and3A_576 : vector<16xi32>
        %bitcast3A_578 = vector.bitcast %and3A_577 : vector<16xi32> to vector<16xf32>
        %add3A_579 = arith.addf %add3A_550, %bitcast3A_566 : vector<16xf32>
        %add3A_580 = arith.addf %add3A_551, %bitcast3A_570 : vector<16xf32>
        %add3A_581 = arith.addf %add3A_552, %bitcast3A_574 : vector<16xf32>
        %add3A_582 = arith.addf %add3A_553, %bitcast3A_578 : vector<16xf32>
        %add3A_583 = arith.constant 6720 : i32
        %add3A_584 = arith.addi %add3A_583, %mul3A_138 : i32
        %get3A_585 = arith.index_cast %add3A_584 : i32 to index
        %get3A_586 = tpu.vector_load %arg12[%get3A_585] {strides = array<i32>} : memref<12800xi32, #tpu.memory_space<vmem>>, vector<16xi32>,
        %gather3A_587 = tpu.vector_load_idx %arg14[%get3A_586] : memref<20480xi32, #tpu.memory_space<vmem>>[vector<16xi32>], vector<16xi32>,
        %add3A_588 = arith.constant 10240 : i32
        %add3A_589 = vector.broadcast %add3A_588 : i32 to vector<16xi32>
        %add3A_590 = arith.addi %get3A_586, %add3A_589 : vector<16xi32>
        %gather3A_591 = tpu.vector_load_idx %arg14[%add3A_590] : memref<20480xi32, #tpu.memory_space<vmem>>[vector<16xi32>], vector<16xi32>,
        %shift_left3A_592 = arith.constant 16 : i32
        %shift_left3A_593 = vector.broadcast %shift_left3A_592 : i32 to vector<16xi32>
        %shift_left3A_594 = arith.shli %gather3A_587, %shift_left3A_593 : vector<16xi32>
        %bitcast3A_595 = vector.bitcast %shift_left3A_594 : vector<16xi32> to vector<16xf32>
        %and3A_596 = arith.constant -65536 : i32
        %and3A_597 = vector.broadcast %and3A_596 : i32 to vector<16xi32>
        %and3A_598 = arith.andi %gather3A_587, %and3A_597 : vector<16xi32>
        %bitcast3A_599 = vector.bitcast %and3A_598 : vector<16xi32> to vector<16xf32>
        %shift_left3A_600 = arith.constant 16 : i32
        %shift_left3A_601 = vector.broadcast %shift_left3A_600 : i32 to vector<16xi32>
        %shift_left3A_602 = arith.shli %gather3A_591, %shift_left3A_601 : vector<16xi32>
        %bitcast3A_603 = vector.bitcast %shift_left3A_602 : vector<16xi32> to vector<16xf32>
        %and3A_604 = arith.constant -65536 : i32
        %and3A_605 = vector.broadcast %and3A_604 : i32 to vector<16xi32>
        %and3A_606 = arith.andi %gather3A_591, %and3A_605 : vector<16xi32>
        %bitcast3A_607 = vector.bitcast %and3A_606 : vector<16xi32> to vector<16xf32>
        %add3A_608 = arith.addf %add3A_579, %bitcast3A_595 : vector<16xf32>
        %add3A_609 = arith.addf %add3A_580, %bitcast3A_599 : vector<16xf32>
        %add3A_610 = arith.addf %add3A_581, %bitcast3A_603 : vector<16xf32>
        %add3A_611 = arith.addf %add3A_582, %bitcast3A_607 : vector<16xf32>
        %add3A_612 = arith.constant 8000 : i32
        %add3A_613 = arith.addi %add3A_612, %mul3A_138 : i32
        %get3A_614 = arith.index_cast %add3A_613 : i32 to index
        %get3A_615 = tpu.vector_load %arg12[%get3A_614] {strides = array<i32>} : memref<12800xi32, #tpu.memory_space<vmem>>, vector<16xi32>,
        %gather3A_616 = tpu.vector_load_idx %arg14[%get3A_615] : memref<20480xi32, #tpu.memory_space<vmem>>[vector<16xi32>], vector<16xi32>,
        %add3A_617 = arith.constant 10240 : i32
        %add3A_618 = vector.broadcast %add3A_617 : i32 to vector<16xi32>
        %add3A_619 = arith.addi %get3A_615, %add3A_618 : vector<16xi32>
        %gather3A_620 = tpu.vector_load_idx %arg14[%add3A_619] : memref<20480xi32, #tpu.memory_space<vmem>>[vector<16xi32>], vector<16xi32>,
        %shift_left3A_621 = arith.constant 16 : i32
        %shift_left3A_622 = vector.broadcast %shift_left3A_621 : i32 to vector<16xi32>
        %shift_left3A_623 = arith.shli %gather3A_616, %shift_left3A_622 : vector<16xi32>
        %bitcast3A_624 = vector.bitcast %shift_left3A_623 : vector<16xi32> to vector<16xf32>
        %and3A_625 = arith.constant -65536 : i32
        %and3A_626 = vector.broadcast %and3A_625 : i32 to vector<16xi32>
        %and3A_627 = arith.andi %gather3A_616, %and3A_626 : vector<16xi32>
        %bitcast3A_628 = vector.bitcast %and3A_627 : vector<16xi32> to vector<16xf32>
        %shift_left3A_629 = arith.constant 16 : i32
        %shift_left3A_630 = vector.broadcast %shift_left3A_629 : i32 to vector<16xi32>
        %shift_left3A_631 = arith.shli %gather3A_620, %shift_left3A_630 : vector<16xi32>
        %bitcast3A_632 = vector.bitcast %shift_left3A_631 : vector<16xi32> to vector<16xf32>
        %and3A_633 = arith.constant -65536 : i32
        %and3A_634 = vector.broadcast %and3A_633 : i32 to vector<16xi32>
        %and3A_635 = arith.andi %gather3A_620, %and3A_634 : vector<16xi32>
        %bitcast3A_636 = vector.bitcast %and3A_635 : vector<16xi32> to vector<16xf32>
        %add3A_637 = arith.addf %add3A_608, %bitcast3A_624 : vector<16xf32>
        %add3A_638 = arith.addf %add3A_609, %bitcast3A_628 : vector<16xf32>
        %add3A_639 = arith.addf %add3A_610, %bitcast3A_632 : vector<16xf32>
        %add3A_640 = arith.addf %add3A_611, %bitcast3A_636 : vector<16xf32>
        %add3A_641 = arith.constant 9280 : i32
        %add3A_642 = arith.addi %add3A_641, %mul3A_138 : i32
        %get3A_643 = arith.index_cast %add3A_642 : i32 to index
        %get3A_644 = tpu.vector_load %arg12[%get3A_643] {strides = array<i32>} : memref<12800xi32, #tpu.memory_space<vmem>>, vector<16xi32>,
        %gather3A_645 = tpu.vector_load_idx %arg14[%get3A_644] : memref<20480xi32, #tpu.memory_space<vmem>>[vector<16xi32>], vector<16xi32>,
        %add3A_646 = arith.constant 10240 : i32
        %add3A_647 = vector.broadcast %add3A_646 : i32 to vector<16xi32>
        %add3A_648 = arith.addi %get3A_644, %add3A_647 : vector<16xi32>
        %gather3A_649 = tpu.vector_load_idx %arg14[%add3A_648] : memref<20480xi32, #tpu.memory_space<vmem>>[vector<16xi32>], vector<16xi32>,
        %shift_left3A_650 = arith.constant 16 : i32
        %shift_left3A_651 = vector.broadcast %shift_left3A_650 : i32 to vector<16xi32>
        %shift_left3A_652 = arith.shli %gather3A_645, %shift_left3A_651 : vector<16xi32>
        %bitcast3A_653 = vector.bitcast %shift_left3A_652 : vector<16xi32> to vector<16xf32>
        %and3A_654 = arith.constant -65536 : i32
        %and3A_655 = vector.broadcast %and3A_654 : i32 to vector<16xi32>
        %and3A_656 = arith.andi %gather3A_645, %and3A_655 : vector<16xi32>
        %bitcast3A_657 = vector.bitcast %and3A_656 : vector<16xi32> to vector<16xf32>
        %shift_left3A_658 = arith.constant 16 : i32
        %shift_left3A_659 = vector.broadcast %shift_left3A_658 : i32 to vector<16xi32>
        %shift_left3A_660 = arith.shli %gather3A_649, %shift_left3A_659 : vector<16xi32>
        %bitcast3A_661 = vector.bitcast %shift_left3A_660 : vector<16xi32> to vector<16xf32>
        %and3A_662 = arith.constant -65536 : i32
        %and3A_663 = vector.broadcast %and3A_662 : i32 to vector<16xi32>
        %and3A_664 = arith.andi %gather3A_649, %and3A_663 : vector<16xi32>
        %bitcast3A_665 = vector.bitcast %and3A_664 : vector<16xi32> to vector<16xf32>
        %add3A_666 = arith.addf %add3A_637, %bitcast3A_653 : vector<16xf32>
        %add3A_667 = arith.addf %add3A_638, %bitcast3A_657 : vector<16xf32>
        %add3A_668 = arith.addf %add3A_639, %bitcast3A_661 : vector<16xf32>
        %add3A_669 = arith.addf %add3A_640, %bitcast3A_665 : vector<16xf32>
        %add3A_670 = arith.constant 10560 : i32
        %add3A_671 = arith.addi %add3A_670, %mul3A_138 : i32
        %get3A_672 = arith.index_cast %add3A_671 : i32 to index
        %get3A_673 = tpu.vector_load %arg12[%get3A_672] {strides = array<i32>} : memref<12800xi32, #tpu.memory_space<vmem>>, vector<16xi32>,
        %gather3A_674 = tpu.vector_load_idx %arg14[%get3A_673] : memref<20480xi32, #tpu.memory_space<vmem>>[vector<16xi32>], vector<16xi32>,
        %add3A_675 = arith.constant 10240 : i32
        %add3A_676 = vector.broadcast %add3A_675 : i32 to vector<16xi32>
        %add3A_677 = arith.addi %get3A_673, %add3A_676 : vector<16xi32>
        %gather3A_678 = tpu.vector_load_idx %arg14[%add3A_677] : memref<20480xi32, #tpu.memory_space<vmem>>[vector<16xi32>], vector<16xi32>,
        %shift_left3A_679 = arith.constant 16 : i32
        %shift_left3A_680 = vector.broadcast %shift_left3A_679 : i32 to vector<16xi32>
        %shift_left3A_681 = arith.shli %gather3A_674, %shift_left3A_680 : vector<16xi32>
        %bitcast3A_682 = vector.bitcast %shift_left3A_681 : vector<16xi32> to vector<16xf32>
        %and3A_683 = arith.constant -65536 : i32
        %and3A_684 = vector.broadcast %and3A_683 : i32 to vector<16xi32>
        %and3A_685 = arith.andi %gather3A_674, %and3A_684 : vector<16xi32>
        %bitcast3A_686 = vector.bitcast %and3A_685 : vector<16xi32> to vector<16xf32>
        %shift_left3A_687 = arith.constant 16 : i32
        %shift_left3A_688 = vector.broadcast %shift_left3A_687 : i32 to vector<16xi32>
        %shift_left3A_689 = arith.shli %gather3A_678, %shift_left3A_688 : vector<16xi32>
        %bitcast3A_690 = vector.bitcast %shift_left3A_689 : vector<16xi32> to vector<16xf32>
        %and3A_691 = arith.constant -65536 : i32
        %and3A_692 = vector.broadcast %and3A_691 : i32 to vector<16xi32>
        %and3A_693 = arith.andi %gather3A_678, %and3A_692 : vector<16xi32>
        %bitcast3A_694 = vector.bitcast %and3A_693 : vector<16xi32> to vector<16xf32>
        %add3A_695 = arith.addf %add3A_666, %bitcast3A_682 : vector<16xf32>
        %add3A_696 = arith.addf %add3A_667, %bitcast3A_686 : vector<16xf32>
        %add3A_697 = arith.addf %add3A_668, %bitcast3A_690 : vector<16xf32>
        %add3A_698 = arith.addf %add3A_669, %bitcast3A_694 : vector<16xf32>
        %add3A_699 = arith.constant 11840 : i32
        %add3A_700 = arith.addi %add3A_699, %mul3A_138 : i32
        %get3A_701 = arith.index_cast %add3A_700 : i32 to index
        %get3A_702 = tpu.vector_load %arg12[%get3A_701] {strides = array<i32>} : memref<12800xi32, #tpu.memory_space<vmem>>, vector<16xi32>,
        %gather3A_703 = tpu.vector_load_idx %arg14[%get3A_702] : memref<20480xi32, #tpu.memory_space<vmem>>[vector<16xi32>], vector<16xi32>,
        %add3A_704 = arith.constant 10240 : i32
        %add3A_705 = vector.broadcast %add3A_704 : i32 to vector<16xi32>
        %add3A_706 = arith.addi %get3A_702, %add3A_705 : vector<16xi32>
        %gather3A_707 = tpu.vector_load_idx %arg14[%add3A_706] : memref<20480xi32, #tpu.memory_space<vmem>>[vector<16xi32>], vector<16xi32>,
        %shift_left3A_708 = arith.constant 16 : i32
        %shift_left3A_709 = vector.broadcast %shift_left3A_708 : i32 to vector<16xi32>
        %shift_left3A_710 = arith.shli %gather3A_703, %shift_left3A_709 : vector<16xi32>
        %bitcast3A_711 = vector.bitcast %shift_left3A_710 : vector<16xi32> to vector<16xf32>
        %and3A_712 = arith.constant -65536 : i32
        %and3A_713 = vector.broadcast %and3A_712 : i32 to vector<16xi32>
        %and3A_714 = arith.andi %gather3A_703, %and3A_713 : vector<16xi32>
        %bitcast3A_715 = vector.bitcast %and3A_714 : vector<16xi32> to vector<16xf32>
        %shift_left3A_716 = arith.constant 16 : i32
        %shift_left3A_717 = vector.broadcast %shift_left3A_716 : i32 to vector<16xi32>
        %shift_left3A_718 = arith.shli %gather3A_707, %shift_left3A_717 : vector<16xi32>
        %bitcast3A_719 = vector.bitcast %shift_left3A_718 : vector<16xi32> to vector<16xf32>
        %and3A_720 = arith.constant -65536 : i32
        %and3A_721 = vector.broadcast %and3A_720 : i32 to vector<16xi32>
        %and3A_722 = arith.andi %gather3A_707, %and3A_721 : vector<16xi32>
        %bitcast3A_723 = vector.bitcast %and3A_722 : vector<16xi32> to vector<16xf32>
        %add3A_724 = arith.addf %add3A_695, %bitcast3A_711 : vector<16xf32>
        %add3A_725 = arith.addf %add3A_696, %bitcast3A_715 : vector<16xf32>
        %add3A_726 = arith.addf %add3A_697, %bitcast3A_719 : vector<16xf32>
        %add3A_727 = arith.addf %add3A_698, %bitcast3A_723 : vector<16xf32>
        %mul3A_728 = arith.mulf %get3A_147, %add3A_724 : vector<16xf32>
        %add3A_729 = arith.addf %mul3A_438, %mul3A_728 : vector<16xf32>
        %mul3A_730 = arith.mulf %get3A_147, %add3A_725 : vector<16xf32>
        %add3A_731 = arith.addf %mul3A_439, %mul3A_730 : vector<16xf32>
        %mul3A_732 = arith.mulf %get3A_147, %add3A_726 : vector<16xf32>
        %add3A_733 = arith.addf %mul3A_440, %mul3A_732 : vector<16xf32>
        %mul3A_734 = arith.mulf %get3A_147, %add3A_727 : vector<16xf32>
        %add3A_735 = arith.addf %mul3A_441, %mul3A_734 : vector<16xf32>
        %add3A_736 = arith.constant 640 : i32
        %add3A_737 = arith.addi %add3A_736, %mul3A_138 : i32
        %get3A_738 = arith.index_cast %add3A_737 : i32 to index
        %get3A_739 = tpu.vector_load %arg12[%get3A_738] {strides = array<i32>} : memref<12800xi32, #tpu.memory_space<vmem>>, vector<16xi32>,
        %gather3A_740 = tpu.vector_load_idx %arg14[%get3A_739] : memref<20480xi32, #tpu.memory_space<vmem>>[vector<16xi32>], vector<16xi32>,
        %add3A_741 = arith.constant 10240 : i32
        %add3A_742 = vector.broadcast %add3A_741 : i32 to vector<16xi32>
        %add3A_743 = arith.addi %get3A_739, %add3A_742 : vector<16xi32>
        %gather3A_744 = tpu.vector_load_idx %arg14[%add3A_743] : memref<20480xi32, #tpu.memory_space<vmem>>[vector<16xi32>], vector<16xi32>,
        %shift_left3A_745 = arith.constant 16 : i32
        %shift_left3A_746 = vector.broadcast %shift_left3A_745 : i32 to vector<16xi32>
        %shift_left3A_747 = arith.shli %gather3A_740, %shift_left3A_746 : vector<16xi32>
        %bitcast3A_748 = vector.bitcast %shift_left3A_747 : vector<16xi32> to vector<16xf32>
        %and3A_749 = arith.constant -65536 : i32
        %and3A_750 = vector.broadcast %and3A_749 : i32 to vector<16xi32>
        %and3A_751 = arith.andi %gather3A_740, %and3A_750 : vector<16xi32>
        %bitcast3A_752 = vector.bitcast %and3A_751 : vector<16xi32> to vector<16xf32>
        %shift_left3A_753 = arith.constant 16 : i32
        %shift_left3A_754 = vector.broadcast %shift_left3A_753 : i32 to vector<16xi32>
        %shift_left3A_755 = arith.shli %gather3A_744, %shift_left3A_754 : vector<16xi32>
        %bitcast3A_756 = vector.bitcast %shift_left3A_755 : vector<16xi32> to vector<16xf32>
        %and3A_757 = arith.constant -65536 : i32
        %and3A_758 = vector.broadcast %and3A_757 : i32 to vector<16xi32>
        %and3A_759 = arith.andi %gather3A_744, %and3A_758 : vector<16xi32>
        %bitcast3A_760 = vector.bitcast %and3A_759 : vector<16xi32> to vector<16xf32>
        %add3A_761 = arith.constant 1920 : i32
        %add3A_762 = arith.addi %add3A_761, %mul3A_138 : i32
        %get3A_763 = arith.index_cast %add3A_762 : i32 to index
        %get3A_764 = tpu.vector_load %arg12[%get3A_763] {strides = array<i32>} : memref<12800xi32, #tpu.memory_space<vmem>>, vector<16xi32>,
        %gather3A_765 = tpu.vector_load_idx %arg14[%get3A_764] : memref<20480xi32, #tpu.memory_space<vmem>>[vector<16xi32>], vector<16xi32>,
        %add3A_766 = arith.constant 10240 : i32
        %add3A_767 = vector.broadcast %add3A_766 : i32 to vector<16xi32>
        %add3A_768 = arith.addi %get3A_764, %add3A_767 : vector<16xi32>
        %gather3A_769 = tpu.vector_load_idx %arg14[%add3A_768] : memref<20480xi32, #tpu.memory_space<vmem>>[vector<16xi32>], vector<16xi32>,
        %shift_left3A_770 = arith.constant 16 : i32
        %shift_left3A_771 = vector.broadcast %shift_left3A_770 : i32 to vector<16xi32>
        %shift_left3A_772 = arith.shli %gather3A_765, %shift_left3A_771 : vector<16xi32>
        %bitcast3A_773 = vector.bitcast %shift_left3A_772 : vector<16xi32> to vector<16xf32>
        %and3A_774 = arith.constant -65536 : i32
        %and3A_775 = vector.broadcast %and3A_774 : i32 to vector<16xi32>
        %and3A_776 = arith.andi %gather3A_765, %and3A_775 : vector<16xi32>
        %bitcast3A_777 = vector.bitcast %and3A_776 : vector<16xi32> to vector<16xf32>
        %shift_left3A_778 = arith.constant 16 : i32
        %shift_left3A_779 = vector.broadcast %shift_left3A_778 : i32 to vector<16xi32>
        %shift_left3A_780 = arith.shli %gather3A_769, %shift_left3A_779 : vector<16xi32>
        %bitcast3A_781 = vector.bitcast %shift_left3A_780 : vector<16xi32> to vector<16xf32>
        %and3A_782 = arith.constant -65536 : i32
        %and3A_783 = vector.broadcast %and3A_782 : i32 to vector<16xi32>
        %and3A_784 = arith.andi %gather3A_769, %and3A_783 : vector<16xi32>
        %bitcast3A_785 = vector.bitcast %and3A_784 : vector<16xi32> to vector<16xf32>
        %add3A_786 = arith.addf %bitcast3A_748, %bitcast3A_773 : vector<16xf32>
        %add3A_787 = arith.addf %bitcast3A_752, %bitcast3A_777 : vector<16xf32>
        %add3A_788 = arith.addf %bitcast3A_756, %bitcast3A_781 : vector<16xf32>
        %add3A_789 = arith.addf %bitcast3A_760, %bitcast3A_785 : vector<16xf32>
        %add3A_790 = arith.constant 3200 : i32
        %add3A_791 = arith.addi %add3A_790, %mul3A_138 : i32
        %get3A_792 = arith.index_cast %add3A_791 : i32 to index
        %get3A_793 = tpu.vector_load %arg12[%get3A_792] {strides = array<i32>} : memref<12800xi32, #tpu.memory_space<vmem>>, vector<16xi32>,
        %gather3A_794 = tpu.vector_load_idx %arg14[%get3A_793] : memref<20480xi32, #tpu.memory_space<vmem>>[vector<16xi32>], vector<16xi32>,
        %add3A_795 = arith.constant 10240 : i32
        %add3A_796 = vector.broadcast %add3A_795 : i32 to vector<16xi32>
        %add3A_797 = arith.addi %get3A_793, %add3A_796 : vector<16xi32>
        %gather3A_798 = tpu.vector_load_idx %arg14[%add3A_797] : memref<20480xi32, #tpu.memory_space<vmem>>[vector<16xi32>], vector<16xi32>,
        %shift_left3A_799 = arith.constant 16 : i32
        %shift_left3A_800 = vector.broadcast %shift_left3A_799 : i32 to vector<16xi32>
        %shift_left3A_801 = arith.shli %gather3A_794, %shift_left3A_800 : vector<16xi32>
        %bitcast3A_802 = vector.bitcast %shift_left3A_801 : vector<16xi32> to vector<16xf32>
        %and3A_803 = arith.constant -65536 : i32
        %and3A_804 = vector.broadcast %and3A_803 : i32 to vector<16xi32>
        %and3A_805 = arith.andi %gather3A_794, %and3A_804 : vector<16xi32>
        %bitcast3A_806 = vector.bitcast %and3A_805 : vector<16xi32> to vector<16xf32>
        %shift_left3A_807 = arith.constant 16 : i32
        %shift_left3A_808 = vector.broadcast %shift_left3A_807 : i32 to vector<16xi32>
        %shift_left3A_809 = arith.shli %gather3A_798, %shift_left3A_808 : vector<16xi32>
        %bitcast3A_810 = vector.bitcast %shift_left3A_809 : vector<16xi32> to vector<16xf32>
        %and3A_811 = arith.constant -65536 : i32
        %and3A_812 = vector.broadcast %and3A_811 : i32 to vector<16xi32>
        %and3A_813 = arith.andi %gather3A_798, %and3A_812 : vector<16xi32>
        %bitcast3A_814 = vector.bitcast %and3A_813 : vector<16xi32> to vector<16xf32>
        %add3A_815 = arith.addf %add3A_786, %bitcast3A_802 : vector<16xf32>
        %add3A_816 = arith.addf %add3A_787, %bitcast3A_806 : vector<16xf32>
        %add3A_817 = arith.addf %add3A_788, %bitcast3A_810 : vector<16xf32>
        %add3A_818 = arith.addf %add3A_789, %bitcast3A_814 : vector<16xf32>
        %add3A_819 = arith.constant 4480 : i32
        %add3A_820 = arith.addi %add3A_819, %mul3A_138 : i32
        %get3A_821 = arith.index_cast %add3A_820 : i32 to index
        %get3A_822 = tpu.vector_load %arg12[%get3A_821] {strides = array<i32>} : memref<12800xi32, #tpu.memory_space<vmem>>, vector<16xi32>,
        %gather3A_823 = tpu.vector_load_idx %arg14[%get3A_822] : memref<20480xi32, #tpu.memory_space<vmem>>[vector<16xi32>], vector<16xi32>,
        %add3A_824 = arith.constant 10240 : i32
        %add3A_825 = vector.broadcast %add3A_824 : i32 to vector<16xi32>
        %add3A_826 = arith.addi %get3A_822, %add3A_825 : vector<16xi32>
        %gather3A_827 = tpu.vector_load_idx %arg14[%add3A_826] : memref<20480xi32, #tpu.memory_space<vmem>>[vector<16xi32>], vector<16xi32>,
        %shift_left3A_828 = arith.constant 16 : i32
        %shift_left3A_829 = vector.broadcast %shift_left3A_828 : i32 to vector<16xi32>
        %shift_left3A_830 = arith.shli %gather3A_823, %shift_left3A_829 : vector<16xi32>
        %bitcast3A_831 = vector.bitcast %shift_left3A_830 : vector<16xi32> to vector<16xf32>
        %and3A_832 = arith.constant -65536 : i32
        %and3A_833 = vector.broadcast %and3A_832 : i32 to vector<16xi32>
        %and3A_834 = arith.andi %gather3A_823, %and3A_833 : vector<16xi32>
        %bitcast3A_835 = vector.bitcast %and3A_834 : vector<16xi32> to vector<16xf32>
        %shift_left3A_836 = arith.constant 16 : i32
        %shift_left3A_837 = vector.broadcast %shift_left3A_836 : i32 to vector<16xi32>
        %shift_left3A_838 = arith.shli %gather3A_827, %shift_left3A_837 : vector<16xi32>
        %bitcast3A_839 = vector.bitcast %shift_left3A_838 : vector<16xi32> to vector<16xf32>
        %and3A_840 = arith.constant -65536 : i32
        %and3A_841 = vector.broadcast %and3A_840 : i32 to vector<16xi32>
        %and3A_842 = arith.andi %gather3A_827, %and3A_841 : vector<16xi32>
        %bitcast3A_843 = vector.bitcast %and3A_842 : vector<16xi32> to vector<16xf32>
        %add3A_844 = arith.addf %add3A_815, %bitcast3A_831 : vector<16xf32>
        %add3A_845 = arith.addf %add3A_816, %bitcast3A_835 : vector<16xf32>
        %add3A_846 = arith.addf %add3A_817, %bitcast3A_839 : vector<16xf32>
        %add3A_847 = arith.addf %add3A_818, %bitcast3A_843 : vector<16xf32>
        %add3A_848 = arith.constant 5760 : i32
        %add3A_849 = arith.addi %add3A_848, %mul3A_138 : i32
        %get3A_850 = arith.index_cast %add3A_849 : i32 to index
        %get3A_851 = tpu.vector_load %arg12[%get3A_850] {strides = array<i32>} : memref<12800xi32, #tpu.memory_space<vmem>>, vector<16xi32>,
        %gather3A_852 = tpu.vector_load_idx %arg14[%get3A_851] : memref<20480xi32, #tpu.memory_space<vmem>>[vector<16xi32>], vector<16xi32>,
        %add3A_853 = arith.constant 10240 : i32
        %add3A_854 = vector.broadcast %add3A_853 : i32 to vector<16xi32>
        %add3A_855 = arith.addi %get3A_851, %add3A_854 : vector<16xi32>
        %gather3A_856 = tpu.vector_load_idx %arg14[%add3A_855] : memref<20480xi32, #tpu.memory_space<vmem>>[vector<16xi32>], vector<16xi32>,
        %shift_left3A_857 = arith.constant 16 : i32
        %shift_left3A_858 = vector.broadcast %shift_left3A_857 : i32 to vector<16xi32>
        %shift_left3A_859 = arith.shli %gather3A_852, %shift_left3A_858 : vector<16xi32>
        %bitcast3A_860 = vector.bitcast %shift_left3A_859 : vector<16xi32> to vector<16xf32>
        %and3A_861 = arith.constant -65536 : i32
        %and3A_862 = vector.broadcast %and3A_861 : i32 to vector<16xi32>
        %and3A_863 = arith.andi %gather3A_852, %and3A_862 : vector<16xi32>
        %bitcast3A_864 = vector.bitcast %and3A_863 : vector<16xi32> to vector<16xf32>
        %shift_left3A_865 = arith.constant 16 : i32
        %shift_left3A_866 = vector.broadcast %shift_left3A_865 : i32 to vector<16xi32>
        %shift_left3A_867 = arith.shli %gather3A_856, %shift_left3A_866 : vector<16xi32>
        %bitcast3A_868 = vector.bitcast %shift_left3A_867 : vector<16xi32> to vector<16xf32>
        %and3A_869 = arith.constant -65536 : i32
        %and3A_870 = vector.broadcast %and3A_869 : i32 to vector<16xi32>
        %and3A_871 = arith.andi %gather3A_856, %and3A_870 : vector<16xi32>
        %bitcast3A_872 = vector.bitcast %and3A_871 : vector<16xi32> to vector<16xf32>
        %add3A_873 = arith.addf %add3A_844, %bitcast3A_860 : vector<16xf32>
        %add3A_874 = arith.addf %add3A_845, %bitcast3A_864 : vector<16xf32>
        %add3A_875 = arith.addf %add3A_846, %bitcast3A_868 : vector<16xf32>
        %add3A_876 = arith.addf %add3A_847, %bitcast3A_872 : vector<16xf32>
        %add3A_877 = arith.constant 7040 : i32
        %add3A_878 = arith.addi %add3A_877, %mul3A_138 : i32
        %get3A_879 = arith.index_cast %add3A_878 : i32 to index
        %get3A_880 = tpu.vector_load %arg12[%get3A_879] {strides = array<i32>} : memref<12800xi32, #tpu.memory_space<vmem>>, vector<16xi32>,
        %gather3A_881 = tpu.vector_load_idx %arg14[%get3A_880] : memref<20480xi32, #tpu.memory_space<vmem>>[vector<16xi32>], vector<16xi32>,
        %add3A_882 = arith.constant 10240 : i32
        %add3A_883 = vector.broadcast %add3A_882 : i32 to vector<16xi32>
        %add3A_884 = arith.addi %get3A_880, %add3A_883 : vector<16xi32>
        %gather3A_885 = tpu.vector_load_idx %arg14[%add3A_884] : memref<20480xi32, #tpu.memory_space<vmem>>[vector<16xi32>], vector<16xi32>,
        %shift_left3A_886 = arith.constant 16 : i32
        %shift_left3A_887 = vector.broadcast %shift_left3A_886 : i32 to vector<16xi32>
        %shift_left3A_888 = arith.shli %gather3A_881, %shift_left3A_887 : vector<16xi32>
        %bitcast3A_889 = vector.bitcast %shift_left3A_888 : vector<16xi32> to vector<16xf32>
        %and3A_890 = arith.constant -65536 : i32
        %and3A_891 = vector.broadcast %and3A_890 : i32 to vector<16xi32>
        %and3A_892 = arith.andi %gather3A_881, %and3A_891 : vector<16xi32>
        %bitcast3A_893 = vector.bitcast %and3A_892 : vector<16xi32> to vector<16xf32>
        %shift_left3A_894 = arith.constant 16 : i32
        %shift_left3A_895 = vector.broadcast %shift_left3A_894 : i32 to vector<16xi32>
        %shift_left3A_896 = arith.shli %gather3A_885, %shift_left3A_895 : vector<16xi32>
        %bitcast3A_897 = vector.bitcast %shift_left3A_896 : vector<16xi32> to vector<16xf32>
        %and3A_898 = arith.constant -65536 : i32
        %and3A_899 = vector.broadcast %and3A_898 : i32 to vector<16xi32>
        %and3A_900 = arith.andi %gather3A_885, %and3A_899 : vector<16xi32>
        %bitcast3A_901 = vector.bitcast %and3A_900 : vector<16xi32> to vector<16xf32>
        %add3A_902 = arith.addf %add3A_873, %bitcast3A_889 : vector<16xf32>
        %add3A_903 = arith.addf %add3A_874, %bitcast3A_893 : vector<16xf32>
        %add3A_904 = arith.addf %add3A_875, %bitcast3A_897 : vector<16xf32>
        %add3A_905 = arith.addf %add3A_876, %bitcast3A_901 : vector<16xf32>
        %add3A_906 = arith.constant 8320 : i32
        %add3A_907 = arith.addi %add3A_906, %mul3A_138 : i32
        %get3A_908 = arith.index_cast %add3A_907 : i32 to index
        %get3A_909 = tpu.vector_load %arg12[%get3A_908] {strides = array<i32>} : memref<12800xi32, #tpu.memory_space<vmem>>, vector<16xi32>,
        %gather3A_910 = tpu.vector_load_idx %arg14[%get3A_909] : memref<20480xi32, #tpu.memory_space<vmem>>[vector<16xi32>], vector<16xi32>,
        %add3A_911 = arith.constant 10240 : i32
        %add3A_912 = vector.broadcast %add3A_911 : i32 to vector<16xi32>
        %add3A_913 = arith.addi %get3A_909, %add3A_912 : vector<16xi32>
        %gather3A_914 = tpu.vector_load_idx %arg14[%add3A_913] : memref<20480xi32, #tpu.memory_space<vmem>>[vector<16xi32>], vector<16xi32>,
        %shift_left3A_915 = arith.constant 16 : i32
        %shift_left3A_916 = vector.broadcast %shift_left3A_915 : i32 to vector<16xi32>
        %shift_left3A_917 = arith.shli %gather3A_910, %shift_left3A_916 : vector<16xi32>
        %bitcast3A_918 = vector.bitcast %shift_left3A_917 : vector<16xi32> to vector<16xf32>
        %and3A_919 = arith.constant -65536 : i32
        %and3A_920 = vector.broadcast %and3A_919 : i32 to vector<16xi32>
        %and3A_921 = arith.andi %gather3A_910, %and3A_920 : vector<16xi32>
        %bitcast3A_922 = vector.bitcast %and3A_921 : vector<16xi32> to vector<16xf32>
        %shift_left3A_923 = arith.constant 16 : i32
        %shift_left3A_924 = vector.broadcast %shift_left3A_923 : i32 to vector<16xi32>
        %shift_left3A_925 = arith.shli %gather3A_914, %shift_left3A_924 : vector<16xi32>
        %bitcast3A_926 = vector.bitcast %shift_left3A_925 : vector<16xi32> to vector<16xf32>
        %and3A_927 = arith.constant -65536 : i32
        %and3A_928 = vector.broadcast %and3A_927 : i32 to vector<16xi32>
        %and3A_929 = arith.andi %gather3A_914, %and3A_928 : vector<16xi32>
        %bitcast3A_930 = vector.bitcast %and3A_929 : vector<16xi32> to vector<16xf32>
        %add3A_931 = arith.addf %add3A_902, %bitcast3A_918 : vector<16xf32>
        %add3A_932 = arith.addf %add3A_903, %bitcast3A_922 : vector<16xf32>
        %add3A_933 = arith.addf %add3A_904, %bitcast3A_926 : vector<16xf32>
        %add3A_934 = arith.addf %add3A_905, %bitcast3A_930 : vector<16xf32>
        %add3A_935 = arith.constant 9600 : i32
        %add3A_936 = arith.addi %add3A_935, %mul3A_138 : i32
        %get3A_937 = arith.index_cast %add3A_936 : i32 to index
        %get3A_938 = tpu.vector_load %arg12[%get3A_937] {strides = array<i32>} : memref<12800xi32, #tpu.memory_space<vmem>>, vector<16xi32>,
        %gather3A_939 = tpu.vector_load_idx %arg14[%get3A_938] : memref<20480xi32, #tpu.memory_space<vmem>>[vector<16xi32>], vector<16xi32>,
        %add3A_940 = arith.constant 10240 : i32
        %add3A_941 = vector.broadcast %add3A_940 : i32 to vector<16xi32>
        %add3A_942 = arith.addi %get3A_938, %add3A_941 : vector<16xi32>
        %gather3A_943 = tpu.vector_load_idx %arg14[%add3A_942] : memref<20480xi32, #tpu.memory_space<vmem>>[vector<16xi32>], vector<16xi32>,
        %shift_left3A_944 = arith.constant 16 : i32
        %shift_left3A_945 = vector.broadcast %shift_left3A_944 : i32 to vector<16xi32>
        %shift_left3A_946 = arith.shli %gather3A_939, %shift_left3A_945 : vector<16xi32>
        %bitcast3A_947 = vector.bitcast %shift_left3A_946 : vector<16xi32> to vector<16xf32>
        %and3A_948 = arith.constant -65536 : i32
        %and3A_949 = vector.broadcast %and3A_948 : i32 to vector<16xi32>
        %and3A_950 = arith.andi %gather3A_939, %and3A_949 : vector<16xi32>
        %bitcast3A_951 = vector.bitcast %and3A_950 : vector<16xi32> to vector<16xf32>
        %shift_left3A_952 = arith.constant 16 : i32
        %shift_left3A_953 = vector.broadcast %shift_left3A_952 : i32 to vector<16xi32>
        %shift_left3A_954 = arith.shli %gather3A_943, %shift_left3A_953 : vector<16xi32>
        %bitcast3A_955 = vector.bitcast %shift_left3A_954 : vector<16xi32> to vector<16xf32>
        %and3A_956 = arith.constant -65536 : i32
        %and3A_957 = vector.broadcast %and3A_956 : i32 to vector<16xi32>
        %and3A_958 = arith.andi %gather3A_943, %and3A_957 : vector<16xi32>
        %bitcast3A_959 = vector.bitcast %and3A_958 : vector<16xi32> to vector<16xf32>
        %add3A_960 = arith.addf %add3A_931, %bitcast3A_947 : vector<16xf32>
        %add3A_961 = arith.addf %add3A_932, %bitcast3A_951 : vector<16xf32>
        %add3A_962 = arith.addf %add3A_933, %bitcast3A_955 : vector<16xf32>
        %add3A_963 = arith.addf %add3A_934, %bitcast3A_959 : vector<16xf32>
        %add3A_964 = arith.constant 10880 : i32
        %add3A_965 = arith.addi %add3A_964, %mul3A_138 : i32
        %get3A_966 = arith.index_cast %add3A_965 : i32 to index
        %get3A_967 = tpu.vector_load %arg12[%get3A_966] {strides = array<i32>} : memref<12800xi32, #tpu.memory_space<vmem>>, vector<16xi32>,
        %gather3A_968 = tpu.vector_load_idx %arg14[%get3A_967] : memref<20480xi32, #tpu.memory_space<vmem>>[vector<16xi32>], vector<16xi32>,
        %add3A_969 = arith.constant 10240 : i32
        %add3A_970 = vector.broadcast %add3A_969 : i32 to vector<16xi32>
        %add3A_971 = arith.addi %get3A_967, %add3A_970 : vector<16xi32>
        %gather3A_972 = tpu.vector_load_idx %arg14[%add3A_971] : memref<20480xi32, #tpu.memory_space<vmem>>[vector<16xi32>], vector<16xi32>,
        %shift_left3A_973 = arith.constant 16 : i32
        %shift_left3A_974 = vector.broadcast %shift_left3A_973 : i32 to vector<16xi32>
        %shift_left3A_975 = arith.shli %gather3A_968, %shift_left3A_974 : vector<16xi32>
        %bitcast3A_976 = vector.bitcast %shift_left3A_975 : vector<16xi32> to vector<16xf32>
        %and3A_977 = arith.constant -65536 : i32
        %and3A_978 = vector.broadcast %and3A_977 : i32 to vector<16xi32>
        %and3A_979 = arith.andi %gather3A_968, %and3A_978 : vector<16xi32>
        %bitcast3A_980 = vector.bitcast %and3A_979 : vector<16xi32> to vector<16xf32>
        %shift_left3A_981 = arith.constant 16 : i32
        %shift_left3A_982 = vector.broadcast %shift_left3A_981 : i32 to vector<16xi32>
        %shift_left3A_983 = arith.shli %gather3A_972, %shift_left3A_982 : vector<16xi32>
        %bitcast3A_984 = vector.bitcast %shift_left3A_983 : vector<16xi32> to vector<16xf32>
        %and3A_985 = arith.constant -65536 : i32
        %and3A_986 = vector.broadcast %and3A_985 : i32 to vector<16xi32>
        %and3A_987 = arith.andi %gather3A_972, %and3A_986 : vector<16xi32>
        %bitcast3A_988 = vector.bitcast %and3A_987 : vector<16xi32> to vector<16xf32>
        %add3A_989 = arith.addf %add3A_960, %bitcast3A_976 : vector<16xf32>
        %add3A_990 = arith.addf %add3A_961, %bitcast3A_980 : vector<16xf32>
        %add3A_991 = arith.addf %add3A_962, %bitcast3A_984 : vector<16xf32>
        %add3A_992 = arith.addf %add3A_963, %bitcast3A_988 : vector<16xf32>
        %add3A_993 = arith.constant 12160 : i32
        %add3A_994 = arith.addi %add3A_993, %mul3A_138 : i32
        %get3A_995 = arith.index_cast %add3A_994 : i32 to index
        %get3A_996 = tpu.vector_load %arg12[%get3A_995] {strides = array<i32>} : memref<12800xi32, #tpu.memory_space<vmem>>, vector<16xi32>,
        %gather3A_997 = tpu.vector_load_idx %arg14[%get3A_996] : memref<20480xi32, #tpu.memory_space<vmem>>[vector<16xi32>], vector<16xi32>,
        %add3A_998 = arith.constant 10240 : i32
        %add3A_999 = vector.broadcast %add3A_998 : i32 to vector<16xi32>
        %add3A_1000 = arith.addi %get3A_996, %add3A_999 : vector<16xi32>
        %gather3A_1001 = tpu.vector_load_idx %arg14[%add3A_1000] : memref<20480xi32, #tpu.memory_space<vmem>>[vector<16xi32>], vector<16xi32>,
        %shift_left3A_1002 = arith.constant 16 : i32
        %shift_left3A_1003 = vector.broadcast %shift_left3A_1002 : i32 to vector<16xi32>
        %shift_left3A_1004 = arith.shli %gather3A_997, %shift_left3A_1003 : vector<16xi32>
        %bitcast3A_1005 = vector.bitcast %shift_left3A_1004 : vector<16xi32> to vector<16xf32>
        %and3A_1006 = arith.constant -65536 : i32
        %and3A_1007 = vector.broadcast %and3A_1006 : i32 to vector<16xi32>
        %and3A_1008 = arith.andi %gather3A_997, %and3A_1007 : vector<16xi32>
        %bitcast3A_1009 = vector.bitcast %and3A_1008 : vector<16xi32> to vector<16xf32>
        %shift_left3A_1010 = arith.constant 16 : i32
        %shift_left3A_1011 = vector.broadcast %shift_left3A_1010 : i32 to vector<16xi32>
        %shift_left3A_1012 = arith.shli %gather3A_1001, %shift_left3A_1011 : vector<16xi32>
        %bitcast3A_1013 = vector.bitcast %shift_left3A_1012 : vector<16xi32> to vector<16xf32>
        %and3A_1014 = arith.constant -65536 : i32
        %and3A_1015 = vector.broadcast %and3A_1014 : i32 to vector<16xi32>
        %and3A_1016 = arith.andi %gather3A_1001, %and3A_1015 : vector<16xi32>
        %bitcast3A_1017 = vector.bitcast %and3A_1016 : vector<16xi32> to vector<16xf32>
        %add3A_1018 = arith.addf %add3A_989, %bitcast3A_1005 : vector<16xf32>
        %add3A_1019 = arith.addf %add3A_990, %bitcast3A_1009 : vector<16xf32>
        %add3A_1020 = arith.addf %add3A_991, %bitcast3A_1013 : vector<16xf32>
        %add3A_1021 = arith.addf %add3A_992, %bitcast3A_1017 : vector<16xf32>
        %mul3A_1022 = arith.mulf %get3A_151, %add3A_1018 : vector<16xf32>
        %add3A_1023 = arith.addf %add3A_729, %mul3A_1022 : vector<16xf32>
        %mul3A_1024 = arith.mulf %get3A_151, %add3A_1019 : vector<16xf32>
        %add3A_1025 = arith.addf %add3A_731, %mul3A_1024 : vector<16xf32>
        %mul3A_1026 = arith.mulf %get3A_151, %add3A_1020 : vector<16xf32>
        %add3A_1027 = arith.addf %add3A_733, %mul3A_1026 : vector<16xf32>
        %mul3A_1028 = arith.mulf %get3A_151, %add3A_1021 : vector<16xf32>
        %add3A_1029 = arith.addf %add3A_735, %mul3A_1028 : vector<16xf32>
        %add3A_1030 = arith.constant 960 : i32
        %add3A_1031 = arith.addi %add3A_1030, %mul3A_138 : i32
        %get3A_1032 = arith.index_cast %add3A_1031 : i32 to index
        %get3A_1033 = tpu.vector_load %arg12[%get3A_1032] {strides = array<i32>} : memref<12800xi32, #tpu.memory_space<vmem>>, vector<16xi32>,
        %gather3A_1034 = tpu.vector_load_idx %arg14[%get3A_1033] : memref<20480xi32, #tpu.memory_space<vmem>>[vector<16xi32>], vector<16xi32>,
        %add3A_1035 = arith.constant 10240 : i32
        %add3A_1036 = vector.broadcast %add3A_1035 : i32 to vector<16xi32>
        %add3A_1037 = arith.addi %get3A_1033, %add3A_1036 : vector<16xi32>
        %gather3A_1038 = tpu.vector_load_idx %arg14[%add3A_1037] : memref<20480xi32, #tpu.memory_space<vmem>>[vector<16xi32>], vector<16xi32>,
        %shift_left3A_1039 = arith.constant 16 : i32
        %shift_left3A_1040 = vector.broadcast %shift_left3A_1039 : i32 to vector<16xi32>
        %shift_left3A_1041 = arith.shli %gather3A_1034, %shift_left3A_1040 : vector<16xi32>
        %bitcast3A_1042 = vector.bitcast %shift_left3A_1041 : vector<16xi32> to vector<16xf32>
        %and3A_1043 = arith.constant -65536 : i32
        %and3A_1044 = vector.broadcast %and3A_1043 : i32 to vector<16xi32>
        %and3A_1045 = arith.andi %gather3A_1034, %and3A_1044 : vector<16xi32>
        %bitcast3A_1046 = vector.bitcast %and3A_1045 : vector<16xi32> to vector<16xf32>
        %shift_left3A_1047 = arith.constant 16 : i32
        %shift_left3A_1048 = vector.broadcast %shift_left3A_1047 : i32 to vector<16xi32>
        %shift_left3A_1049 = arith.shli %gather3A_1038, %shift_left3A_1048 : vector<16xi32>
        %bitcast3A_1050 = vector.bitcast %shift_left3A_1049 : vector<16xi32> to vector<16xf32>
        %and3A_1051 = arith.constant -65536 : i32
        %and3A_1052 = vector.broadcast %and3A_1051 : i32 to vector<16xi32>
        %and3A_1053 = arith.andi %gather3A_1038, %and3A_1052 : vector<16xi32>
        %bitcast3A_1054 = vector.bitcast %and3A_1053 : vector<16xi32> to vector<16xf32>
        %add3A_1055 = arith.constant 2240 : i32
        %add3A_1056 = arith.addi %add3A_1055, %mul3A_138 : i32
        %get3A_1057 = arith.index_cast %add3A_1056 : i32 to index
        %get3A_1058 = tpu.vector_load %arg12[%get3A_1057] {strides = array<i32>} : memref<12800xi32, #tpu.memory_space<vmem>>, vector<16xi32>,
        %gather3A_1059 = tpu.vector_load_idx %arg14[%get3A_1058] : memref<20480xi32, #tpu.memory_space<vmem>>[vector<16xi32>], vector<16xi32>,
        %add3A_1060 = arith.constant 10240 : i32
        %add3A_1061 = vector.broadcast %add3A_1060 : i32 to vector<16xi32>
        %add3A_1062 = arith.addi %get3A_1058, %add3A_1061 : vector<16xi32>
        %gather3A_1063 = tpu.vector_load_idx %arg14[%add3A_1062] : memref<20480xi32, #tpu.memory_space<vmem>>[vector<16xi32>], vector<16xi32>,
        %shift_left3A_1064 = arith.constant 16 : i32
        %shift_left3A_1065 = vector.broadcast %shift_left3A_1064 : i32 to vector<16xi32>
        %shift_left3A_1066 = arith.shli %gather3A_1059, %shift_left3A_1065 : vector<16xi32>
        %bitcast3A_1067 = vector.bitcast %shift_left3A_1066 : vector<16xi32> to vector<16xf32>
        %and3A_1068 = arith.constant -65536 : i32
        %and3A_1069 = vector.broadcast %and3A_1068 : i32 to vector<16xi32>
        %and3A_1070 = arith.andi %gather3A_1059, %and3A_1069 : vector<16xi32>
        %bitcast3A_1071 = vector.bitcast %and3A_1070 : vector<16xi32> to vector<16xf32>
        %shift_left3A_1072 = arith.constant 16 : i32
        %shift_left3A_1073 = vector.broadcast %shift_left3A_1072 : i32 to vector<16xi32>
        %shift_left3A_1074 = arith.shli %gather3A_1063, %shift_left3A_1073 : vector<16xi32>
        %bitcast3A_1075 = vector.bitcast %shift_left3A_1074 : vector<16xi32> to vector<16xf32>
        %and3A_1076 = arith.constant -65536 : i32
        %and3A_1077 = vector.broadcast %and3A_1076 : i32 to vector<16xi32>
        %and3A_1078 = arith.andi %gather3A_1063, %and3A_1077 : vector<16xi32>
        %bitcast3A_1079 = vector.bitcast %and3A_1078 : vector<16xi32> to vector<16xf32>
        %add3A_1080 = arith.addf %bitcast3A_1042, %bitcast3A_1067 : vector<16xf32>
        %add3A_1081 = arith.addf %bitcast3A_1046, %bitcast3A_1071 : vector<16xf32>
        %add3A_1082 = arith.addf %bitcast3A_1050, %bitcast3A_1075 : vector<16xf32>
        %add3A_1083 = arith.addf %bitcast3A_1054, %bitcast3A_1079 : vector<16xf32>
        %add3A_1084 = arith.constant 3520 : i32
        %add3A_1085 = arith.addi %add3A_1084, %mul3A_138 : i32
        %get3A_1086 = arith.index_cast %add3A_1085 : i32 to index
        %get3A_1087 = tpu.vector_load %arg12[%get3A_1086] {strides = array<i32>} : memref<12800xi32, #tpu.memory_space<vmem>>, vector<16xi32>,
        %gather3A_1088 = tpu.vector_load_idx %arg14[%get3A_1087] : memref<20480xi32, #tpu.memory_space<vmem>>[vector<16xi32>], vector<16xi32>,
        %add3A_1089 = arith.constant 10240 : i32
        %add3A_1090 = vector.broadcast %add3A_1089 : i32 to vector<16xi32>
        %add3A_1091 = arith.addi %get3A_1087, %add3A_1090 : vector<16xi32>
        %gather3A_1092 = tpu.vector_load_idx %arg14[%add3A_1091] : memref<20480xi32, #tpu.memory_space<vmem>>[vector<16xi32>], vector<16xi32>,
        %shift_left3A_1093 = arith.constant 16 : i32
        %shift_left3A_1094 = vector.broadcast %shift_left3A_1093 : i32 to vector<16xi32>
        %shift_left3A_1095 = arith.shli %gather3A_1088, %shift_left3A_1094 : vector<16xi32>
        %bitcast3A_1096 = vector.bitcast %shift_left3A_1095 : vector<16xi32> to vector<16xf32>
        %and3A_1097 = arith.constant -65536 : i32
        %and3A_1098 = vector.broadcast %and3A_1097 : i32 to vector<16xi32>
        %and3A_1099 = arith.andi %gather3A_1088, %and3A_1098 : vector<16xi32>
        %bitcast3A_1100 = vector.bitcast %and3A_1099 : vector<16xi32> to vector<16xf32>
        %shift_left3A_1101 = arith.constant 16 : i32
        %shift_left3A_1102 = vector.broadcast %shift_left3A_1101 : i32 to vector<16xi32>
        %shift_left3A_1103 = arith.shli %gather3A_1092, %shift_left3A_1102 : vector<16xi32>
        %bitcast3A_1104 = vector.bitcast %shift_left3A_1103 : vector<16xi32> to vector<16xf32>
        %and3A_1105 = arith.constant -65536 : i32
        %and3A_1106 = vector.broadcast %and3A_1105 : i32 to vector<16xi32>
        %and3A_1107 = arith.andi %gather3A_1092, %and3A_1106 : vector<16xi32>
        %bitcast3A_1108 = vector.bitcast %and3A_1107 : vector<16xi32> to vector<16xf32>
        %add3A_1109 = arith.addf %add3A_1080, %bitcast3A_1096 : vector<16xf32>
        %add3A_1110 = arith.addf %add3A_1081, %bitcast3A_1100 : vector<16xf32>
        %add3A_1111 = arith.addf %add3A_1082, %bitcast3A_1104 : vector<16xf32>
        %add3A_1112 = arith.addf %add3A_1083, %bitcast3A_1108 : vector<16xf32>
        %add3A_1113 = arith.constant 4800 : i32
        %add3A_1114 = arith.addi %add3A_1113, %mul3A_138 : i32
        %get3A_1115 = arith.index_cast %add3A_1114 : i32 to index
        %get3A_1116 = tpu.vector_load %arg12[%get3A_1115] {strides = array<i32>} : memref<12800xi32, #tpu.memory_space<vmem>>, vector<16xi32>,
        %gather3A_1117 = tpu.vector_load_idx %arg14[%get3A_1116] : memref<20480xi32, #tpu.memory_space<vmem>>[vector<16xi32>], vector<16xi32>,
        %add3A_1118 = arith.constant 10240 : i32
        %add3A_1119 = vector.broadcast %add3A_1118 : i32 to vector<16xi32>
        %add3A_1120 = arith.addi %get3A_1116, %add3A_1119 : vector<16xi32>
        %gather3A_1121 = tpu.vector_load_idx %arg14[%add3A_1120] : memref<20480xi32, #tpu.memory_space<vmem>>[vector<16xi32>], vector<16xi32>,
        %shift_left3A_1122 = arith.constant 16 : i32
        %shift_left3A_1123 = vector.broadcast %shift_left3A_1122 : i32 to vector<16xi32>
        %shift_left3A_1124 = arith.shli %gather3A_1117, %shift_left3A_1123 : vector<16xi32>
        %bitcast3A_1125 = vector.bitcast %shift_left3A_1124 : vector<16xi32> to vector<16xf32>
        %and3A_1126 = arith.constant -65536 : i32
        %and3A_1127 = vector.broadcast %and3A_1126 : i32 to vector<16xi32>
        %and3A_1128 = arith.andi %gather3A_1117, %and3A_1127 : vector<16xi32>
        %bitcast3A_1129 = vector.bitcast %and3A_1128 : vector<16xi32> to vector<16xf32>
        %shift_left3A_1130 = arith.constant 16 : i32
        %shift_left3A_1131 = vector.broadcast %shift_left3A_1130 : i32 to vector<16xi32>
        %shift_left3A_1132 = arith.shli %gather3A_1121, %shift_left3A_1131 : vector<16xi32>
        %bitcast3A_1133 = vector.bitcast %shift_left3A_1132 : vector<16xi32> to vector<16xf32>
        %and3A_1134 = arith.constant -65536 : i32
        %and3A_1135 = vector.broadcast %and3A_1134 : i32 to vector<16xi32>
        %and3A_1136 = arith.andi %gather3A_1121, %and3A_1135 : vector<16xi32>
        %bitcast3A_1137 = vector.bitcast %and3A_1136 : vector<16xi32> to vector<16xf32>
        %add3A_1138 = arith.addf %add3A_1109, %bitcast3A_1125 : vector<16xf32>
        %add3A_1139 = arith.addf %add3A_1110, %bitcast3A_1129 : vector<16xf32>
        %add3A_1140 = arith.addf %add3A_1111, %bitcast3A_1133 : vector<16xf32>
        %add3A_1141 = arith.addf %add3A_1112, %bitcast3A_1137 : vector<16xf32>
        %add3A_1142 = arith.constant 6080 : i32
        %add3A_1143 = arith.addi %add3A_1142, %mul3A_138 : i32
        %get3A_1144 = arith.index_cast %add3A_1143 : i32 to index
        %get3A_1145 = tpu.vector_load %arg12[%get3A_1144] {strides = array<i32>} : memref<12800xi32, #tpu.memory_space<vmem>>, vector<16xi32>,
        %gather3A_1146 = tpu.vector_load_idx %arg14[%get3A_1145] : memref<20480xi32, #tpu.memory_space<vmem>>[vector<16xi32>], vector<16xi32>,
        %add3A_1147 = arith.constant 10240 : i32
        %add3A_1148 = vector.broadcast %add3A_1147 : i32 to vector<16xi32>
        %add3A_1149 = arith.addi %get3A_1145, %add3A_1148 : vector<16xi32>
        %gather3A_1150 = tpu.vector_load_idx %arg14[%add3A_1149] : memref<20480xi32, #tpu.memory_space<vmem>>[vector<16xi32>], vector<16xi32>,
        %shift_left3A_1151 = arith.constant 16 : i32
        %shift_left3A_1152 = vector.broadcast %shift_left3A_1151 : i32 to vector<16xi32>
        %shift_left3A_1153 = arith.shli %gather3A_1146, %shift_left3A_1152 : vector<16xi32>
        %bitcast3A_1154 = vector.bitcast %shift_left3A_1153 : vector<16xi32> to vector<16xf32>
        %and3A_1155 = arith.constant -65536 : i32
        %and3A_1156 = vector.broadcast %and3A_1155 : i32 to vector<16xi32>
        %and3A_1157 = arith.andi %gather3A_1146, %and3A_1156 : vector<16xi32>
        %bitcast3A_1158 = vector.bitcast %and3A_1157 : vector<16xi32> to vector<16xf32>
        %shift_left3A_1159 = arith.constant 16 : i32
        %shift_left3A_1160 = vector.broadcast %shift_left3A_1159 : i32 to vector<16xi32>
        %shift_left3A_1161 = arith.shli %gather3A_1150, %shift_left3A_1160 : vector<16xi32>
        %bitcast3A_1162 = vector.bitcast %shift_left3A_1161 : vector<16xi32> to vector<16xf32>
        %and3A_1163 = arith.constant -65536 : i32
        %and3A_1164 = vector.broadcast %and3A_1163 : i32 to vector<16xi32>
        %and3A_1165 = arith.andi %gather3A_1150, %and3A_1164 : vector<16xi32>
        %bitcast3A_1166 = vector.bitcast %and3A_1165 : vector<16xi32> to vector<16xf32>
        %add3A_1167 = arith.addf %add3A_1138, %bitcast3A_1154 : vector<16xf32>
        %add3A_1168 = arith.addf %add3A_1139, %bitcast3A_1158 : vector<16xf32>
        %add3A_1169 = arith.addf %add3A_1140, %bitcast3A_1162 : vector<16xf32>
        %add3A_1170 = arith.addf %add3A_1141, %bitcast3A_1166 : vector<16xf32>
        %add3A_1171 = arith.constant 7360 : i32
        %add3A_1172 = arith.addi %add3A_1171, %mul3A_138 : i32
        %get3A_1173 = arith.index_cast %add3A_1172 : i32 to index
        %get3A_1174 = tpu.vector_load %arg12[%get3A_1173] {strides = array<i32>} : memref<12800xi32, #tpu.memory_space<vmem>>, vector<16xi32>,
        %gather3A_1175 = tpu.vector_load_idx %arg14[%get3A_1174] : memref<20480xi32, #tpu.memory_space<vmem>>[vector<16xi32>], vector<16xi32>,
        %add3A_1176 = arith.constant 10240 : i32
        %add3A_1177 = vector.broadcast %add3A_1176 : i32 to vector<16xi32>
        %add3A_1178 = arith.addi %get3A_1174, %add3A_1177 : vector<16xi32>
        %gather3A_1179 = tpu.vector_load_idx %arg14[%add3A_1178] : memref<20480xi32, #tpu.memory_space<vmem>>[vector<16xi32>], vector<16xi32>,
        %shift_left3A_1180 = arith.constant 16 : i32
        %shift_left3A_1181 = vector.broadcast %shift_left3A_1180 : i32 to vector<16xi32>
        %shift_left3A_1182 = arith.shli %gather3A_1175, %shift_left3A_1181 : vector<16xi32>
        %bitcast3A_1183 = vector.bitcast %shift_left3A_1182 : vector<16xi32> to vector<16xf32>
        %and3A_1184 = arith.constant -65536 : i32
        %and3A_1185 = vector.broadcast %and3A_1184 : i32 to vector<16xi32>
        %and3A_1186 = arith.andi %gather3A_1175, %and3A_1185 : vector<16xi32>
        %bitcast3A_1187 = vector.bitcast %and3A_1186 : vector<16xi32> to vector<16xf32>
        %shift_left3A_1188 = arith.constant 16 : i32
        %shift_left3A_1189 = vector.broadcast %shift_left3A_1188 : i32 to vector<16xi32>
        %shift_left3A_1190 = arith.shli %gather3A_1179, %shift_left3A_1189 : vector<16xi32>
        %bitcast3A_1191 = vector.bitcast %shift_left3A_1190 : vector<16xi32> to vector<16xf32>
        %and3A_1192 = arith.constant -65536 : i32
        %and3A_1193 = vector.broadcast %and3A_1192 : i32 to vector<16xi32>
        %and3A_1194 = arith.andi %gather3A_1179, %and3A_1193 : vector<16xi32>
        %bitcast3A_1195 = vector.bitcast %and3A_1194 : vector<16xi32> to vector<16xf32>
        %add3A_1196 = arith.addf %add3A_1167, %bitcast3A_1183 : vector<16xf32>
        %add3A_1197 = arith.addf %add3A_1168, %bitcast3A_1187 : vector<16xf32>
        %add3A_1198 = arith.addf %add3A_1169, %bitcast3A_1191 : vector<16xf32>
        %add3A_1199 = arith.addf %add3A_1170, %bitcast3A_1195 : vector<16xf32>
        %add3A_1200 = arith.constant 8640 : i32
        %add3A_1201 = arith.addi %add3A_1200, %mul3A_138 : i32
        %get3A_1202 = arith.index_cast %add3A_1201 : i32 to index
        %get3A_1203 = tpu.vector_load %arg12[%get3A_1202] {strides = array<i32>} : memref<12800xi32, #tpu.memory_space<vmem>>, vector<16xi32>,
        %gather3A_1204 = tpu.vector_load_idx %arg14[%get3A_1203] : memref<20480xi32, #tpu.memory_space<vmem>>[vector<16xi32>], vector<16xi32>,
        %add3A_1205 = arith.constant 10240 : i32
        %add3A_1206 = vector.broadcast %add3A_1205 : i32 to vector<16xi32>
        %add3A_1207 = arith.addi %get3A_1203, %add3A_1206 : vector<16xi32>
        %gather3A_1208 = tpu.vector_load_idx %arg14[%add3A_1207] : memref<20480xi32, #tpu.memory_space<vmem>>[vector<16xi32>], vector<16xi32>,
        %shift_left3A_1209 = arith.constant 16 : i32
        %shift_left3A_1210 = vector.broadcast %shift_left3A_1209 : i32 to vector<16xi32>
        %shift_left3A_1211 = arith.shli %gather3A_1204, %shift_left3A_1210 : vector<16xi32>
        %bitcast3A_1212 = vector.bitcast %shift_left3A_1211 : vector<16xi32> to vector<16xf32>
        %and3A_1213 = arith.constant -65536 : i32
        %and3A_1214 = vector.broadcast %and3A_1213 : i32 to vector<16xi32>
        %and3A_1215 = arith.andi %gather3A_1204, %and3A_1214 : vector<16xi32>
        %bitcast3A_1216 = vector.bitcast %and3A_1215 : vector<16xi32> to vector<16xf32>
        %shift_left3A_1217 = arith.constant 16 : i32
        %shift_left3A_1218 = vector.broadcast %shift_left3A_1217 : i32 to vector<16xi32>
        %shift_left3A_1219 = arith.shli %gather3A_1208, %shift_left3A_1218 : vector<16xi32>
        %bitcast3A_1220 = vector.bitcast %shift_left3A_1219 : vector<16xi32> to vector<16xf32>
        %and3A_1221 = arith.constant -65536 : i32
        %and3A_1222 = vector.broadcast %and3A_1221 : i32 to vector<16xi32>
        %and3A_1223 = arith.andi %gather3A_1208, %and3A_1222 : vector<16xi32>
        %bitcast3A_1224 = vector.bitcast %and3A_1223 : vector<16xi32> to vector<16xf32>
        %add3A_1225 = arith.addf %add3A_1196, %bitcast3A_1212 : vector<16xf32>
        %add3A_1226 = arith.addf %add3A_1197, %bitcast3A_1216 : vector<16xf32>
        %add3A_1227 = arith.addf %add3A_1198, %bitcast3A_1220 : vector<16xf32>
        %add3A_1228 = arith.addf %add3A_1199, %bitcast3A_1224 : vector<16xf32>
        %add3A_1229 = arith.constant 9920 : i32
        %add3A_1230 = arith.addi %add3A_1229, %mul3A_138 : i32
        %get3A_1231 = arith.index_cast %add3A_1230 : i32 to index
        %get3A_1232 = tpu.vector_load %arg12[%get3A_1231] {strides = array<i32>} : memref<12800xi32, #tpu.memory_space<vmem>>, vector<16xi32>,
        %gather3A_1233 = tpu.vector_load_idx %arg14[%get3A_1232] : memref<20480xi32, #tpu.memory_space<vmem>>[vector<16xi32>], vector<16xi32>,
        %add3A_1234 = arith.constant 10240 : i32
        %add3A_1235 = vector.broadcast %add3A_1234 : i32 to vector<16xi32>
        %add3A_1236 = arith.addi %get3A_1232, %add3A_1235 : vector<16xi32>
        %gather3A_1237 = tpu.vector_load_idx %arg14[%add3A_1236] : memref<20480xi32, #tpu.memory_space<vmem>>[vector<16xi32>], vector<16xi32>,
        %shift_left3A_1238 = arith.constant 16 : i32
        %shift_left3A_1239 = vector.broadcast %shift_left3A_1238 : i32 to vector<16xi32>
        %shift_left3A_1240 = arith.shli %gather3A_1233, %shift_left3A_1239 : vector<16xi32>
        %bitcast3A_1241 = vector.bitcast %shift_left3A_1240 : vector<16xi32> to vector<16xf32>
        %and3A_1242 = arith.constant -65536 : i32
        %and3A_1243 = vector.broadcast %and3A_1242 : i32 to vector<16xi32>
        %and3A_1244 = arith.andi %gather3A_1233, %and3A_1243 : vector<16xi32>
        %bitcast3A_1245 = vector.bitcast %and3A_1244 : vector<16xi32> to vector<16xf32>
        %shift_left3A_1246 = arith.constant 16 : i32
        %shift_left3A_1247 = vector.broadcast %shift_left3A_1246 : i32 to vector<16xi32>
        %shift_left3A_1248 = arith.shli %gather3A_1237, %shift_left3A_1247 : vector<16xi32>
        %bitcast3A_1249 = vector.bitcast %shift_left3A_1248 : vector<16xi32> to vector<16xf32>
        %and3A_1250 = arith.constant -65536 : i32
        %and3A_1251 = vector.broadcast %and3A_1250 : i32 to vector<16xi32>
        %and3A_1252 = arith.andi %gather3A_1237, %and3A_1251 : vector<16xi32>
        %bitcast3A_1253 = vector.bitcast %and3A_1252 : vector<16xi32> to vector<16xf32>
        %add3A_1254 = arith.addf %add3A_1225, %bitcast3A_1241 : vector<16xf32>
        %add3A_1255 = arith.addf %add3A_1226, %bitcast3A_1245 : vector<16xf32>
        %add3A_1256 = arith.addf %add3A_1227, %bitcast3A_1249 : vector<16xf32>
        %add3A_1257 = arith.addf %add3A_1228, %bitcast3A_1253 : vector<16xf32>
        %add3A_1258 = arith.constant 11200 : i32
        %add3A_1259 = arith.addi %add3A_1258, %mul3A_138 : i32
        %get3A_1260 = arith.index_cast %add3A_1259 : i32 to index
        %get3A_1261 = tpu.vector_load %arg12[%get3A_1260] {strides = array<i32>} : memref<12800xi32, #tpu.memory_space<vmem>>, vector<16xi32>,
        %gather3A_1262 = tpu.vector_load_idx %arg14[%get3A_1261] : memref<20480xi32, #tpu.memory_space<vmem>>[vector<16xi32>], vector<16xi32>,
        %add3A_1263 = arith.constant 10240 : i32
        %add3A_1264 = vector.broadcast %add3A_1263 : i32 to vector<16xi32>
        %add3A_1265 = arith.addi %get3A_1261, %add3A_1264 : vector<16xi32>
        %gather3A_1266 = tpu.vector_load_idx %arg14[%add3A_1265] : memref<20480xi32, #tpu.memory_space<vmem>>[vector<16xi32>], vector<16xi32>,
        %shift_left3A_1267 = arith.constant 16 : i32
        %shift_left3A_1268 = vector.broadcast %shift_left3A_1267 : i32 to vector<16xi32>
        %shift_left3A_1269 = arith.shli %gather3A_1262, %shift_left3A_1268 : vector<16xi32>
        %bitcast3A_1270 = vector.bitcast %shift_left3A_1269 : vector<16xi32> to vector<16xf32>
        %and3A_1271 = arith.constant -65536 : i32
        %and3A_1272 = vector.broadcast %and3A_1271 : i32 to vector<16xi32>
        %and3A_1273 = arith.andi %gather3A_1262, %and3A_1272 : vector<16xi32>
        %bitcast3A_1274 = vector.bitcast %and3A_1273 : vector<16xi32> to vector<16xf32>
        %shift_left3A_1275 = arith.constant 16 : i32
        %shift_left3A_1276 = vector.broadcast %shift_left3A_1275 : i32 to vector<16xi32>
        %shift_left3A_1277 = arith.shli %gather3A_1266, %shift_left3A_1276 : vector<16xi32>
        %bitcast3A_1278 = vector.bitcast %shift_left3A_1277 : vector<16xi32> to vector<16xf32>
        %and3A_1279 = arith.constant -65536 : i32
        %and3A_1280 = vector.broadcast %and3A_1279 : i32 to vector<16xi32>
        %and3A_1281 = arith.andi %gather3A_1266, %and3A_1280 : vector<16xi32>
        %bitcast3A_1282 = vector.bitcast %and3A_1281 : vector<16xi32> to vector<16xf32>
        %add3A_1283 = arith.addf %add3A_1254, %bitcast3A_1270 : vector<16xf32>
        %add3A_1284 = arith.addf %add3A_1255, %bitcast3A_1274 : vector<16xf32>
        %add3A_1285 = arith.addf %add3A_1256, %bitcast3A_1278 : vector<16xf32>
        %add3A_1286 = arith.addf %add3A_1257, %bitcast3A_1282 : vector<16xf32>
        %add3A_1287 = arith.constant 12480 : i32
        %add3A_1288 = arith.addi %add3A_1287, %mul3A_138 : i32
        %get3A_1289 = arith.index_cast %add3A_1288 : i32 to index
        %get3A_1290 = tpu.vector_load %arg12[%get3A_1289] {strides = array<i32>} : memref<12800xi32, #tpu.memory_space<vmem>>, vector<16xi32>,
        %gather3A_1291 = tpu.vector_load_idx %arg14[%get3A_1290] : memref<20480xi32, #tpu.memory_space<vmem>>[vector<16xi32>], vector<16xi32>,
        %add3A_1292 = arith.constant 10240 : i32
        %add3A_1293 = vector.broadcast %add3A_1292 : i32 to vector<16xi32>
        %add3A_1294 = arith.addi %get3A_1290, %add3A_1293 : vector<16xi32>
        %gather3A_1295 = tpu.vector_load_idx %arg14[%add3A_1294] : memref<20480xi32, #tpu.memory_space<vmem>>[vector<16xi32>], vector<16xi32>,
        %shift_left3A_1296 = arith.constant 16 : i32
        %shift_left3A_1297 = vector.broadcast %shift_left3A_1296 : i32 to vector<16xi32>
        %shift_left3A_1298 = arith.shli %gather3A_1291, %shift_left3A_1297 : vector<16xi32>
        %bitcast3A_1299 = vector.bitcast %shift_left3A_1298 : vector<16xi32> to vector<16xf32>
        %and3A_1300 = arith.constant -65536 : i32
        %and3A_1301 = vector.broadcast %and3A_1300 : i32 to vector<16xi32>
        %and3A_1302 = arith.andi %gather3A_1291, %and3A_1301 : vector<16xi32>
        %bitcast3A_1303 = vector.bitcast %and3A_1302 : vector<16xi32> to vector<16xf32>
        %shift_left3A_1304 = arith.constant 16 : i32
        %shift_left3A_1305 = vector.broadcast %shift_left3A_1304 : i32 to vector<16xi32>
        %shift_left3A_1306 = arith.shli %gather3A_1295, %shift_left3A_1305 : vector<16xi32>
        %bitcast3A_1307 = vector.bitcast %shift_left3A_1306 : vector<16xi32> to vector<16xf32>
        %and3A_1308 = arith.constant -65536 : i32
        %and3A_1309 = vector.broadcast %and3A_1308 : i32 to vector<16xi32>
        %and3A_1310 = arith.andi %gather3A_1295, %and3A_1309 : vector<16xi32>
        %bitcast3A_1311 = vector.bitcast %and3A_1310 : vector<16xi32> to vector<16xf32>
        %add3A_1312 = arith.addf %add3A_1283, %bitcast3A_1299 : vector<16xf32>
        %add3A_1313 = arith.addf %add3A_1284, %bitcast3A_1303 : vector<16xf32>
        %add3A_1314 = arith.addf %add3A_1285, %bitcast3A_1307 : vector<16xf32>
        %add3A_1315 = arith.addf %add3A_1286, %bitcast3A_1311 : vector<16xf32>
        %mul3A_1316 = arith.mulf %get3A_155, %add3A_1312 : vector<16xf32>
        %add3A_1317 = arith.addf %add3A_1023, %mul3A_1316 : vector<16xf32>
        %mul3A_1318 = arith.mulf %get3A_155, %add3A_1313 : vector<16xf32>
        %add3A_1319 = arith.addf %add3A_1025, %mul3A_1318 : vector<16xf32>
        %mul3A_1320 = arith.mulf %get3A_155, %add3A_1314 : vector<16xf32>
        %add3A_1321 = arith.addf %add3A_1027, %mul3A_1320 : vector<16xf32>
        %mul3A_1322 = arith.mulf %get3A_155, %add3A_1315 : vector<16xf32>
        %add3A_1323 = arith.addf %add3A_1029, %mul3A_1322 : vector<16xf32>
        %shift_right_arithmetic3A = arith.constant 1 : i32
        %shift_right_arithmetic3A_1324 = arith.shrsi %scan3A_136, %shift_right_arithmetic3A : i32
        %mul3A_1325 = arith.constant 512 : i32
        %mul3A_1326 = arith.muli %shift_right_arithmetic3A_1324, %mul3A_1325 : i32
        %and3A_1327 = arith.constant 1 : i32
        %and3A_1328 = arith.andi %scan3A_136, %and3A_1327 : i32
        %mul3A_1329 = arith.constant 16 : i32
        %mul3A_1330 = arith.muli %and3A_1328, %mul3A_1329 : i32
        %add3A_1331 = arith.addi %mul3A_1326, %mul3A_1330 : i32
        %add3A_1332 = arith.constant 0 : i32
        %add3A_1333 = arith.addi %add3A_1331, %add3A_1332 : i32
        %get3A_1334 = arith.index_cast %add3A_1333 : i32 to index
        %get3A_1335 = tpu.vector_load %arg13[%get3A_1334] {strides = array<i32>} : memref<5120xi32, #tpu.memory_space<vmem>>, vector<16xi32>,
        %gather3A_1336 = tpu.vector_load_idx %arg15[%get3A_1335] : memref<20480xi32, #tpu.memory_space<vmem>>[vector<16xi32>], vector<16xi32>,
        %add3A_1337 = arith.constant 10240 : i32
        %add3A_1338 = vector.broadcast %add3A_1337 : i32 to vector<16xi32>
        %add3A_1339 = arith.addi %get3A_1335, %add3A_1338 : vector<16xi32>
        %gather3A_1340 = tpu.vector_load_idx %arg15[%add3A_1339] : memref<20480xi32, #tpu.memory_space<vmem>>[vector<16xi32>], vector<16xi32>,
        %get3A_1341 = arith.constant 0 : i32
        %get3A_1342 = arith.index_cast %get3A_1341 : i32 to index
        %get3A_1343 = arith.index_cast %mul3A_138 : i32 to index
        %get3A_1344 = tpu.vector_load %arg19[%get3A_1342, %get3A_1343] {strides = array<i32>} : memref<16x320xf32, #tpu.memory_space<vmem>>, vector<16xf32>,
        %shift_left3A_1345 = arith.constant 16 : i32
        %shift_left3A_1346 = vector.broadcast %shift_left3A_1345 : i32 to vector<16xi32>
        %shift_left3A_1347 = arith.shli %gather3A_1336, %shift_left3A_1346 : vector<16xi32>
        %bitcast3A_1348 = vector.bitcast %shift_left3A_1347 : vector<16xi32> to vector<16xf32>
        %and3A_1349 = arith.constant -65536 : i32
        %and3A_1350 = vector.broadcast %and3A_1349 : i32 to vector<16xi32>
        %and3A_1351 = arith.andi %gather3A_1336, %and3A_1350 : vector<16xi32>
        %bitcast3A_1352 = vector.bitcast %and3A_1351 : vector<16xi32> to vector<16xf32>
        %shift_left3A_1353 = arith.constant 16 : i32
        %shift_left3A_1354 = vector.broadcast %shift_left3A_1353 : i32 to vector<16xi32>
        %shift_left3A_1355 = arith.shli %gather3A_1340, %shift_left3A_1354 : vector<16xi32>
        %bitcast3A_1356 = vector.bitcast %shift_left3A_1355 : vector<16xi32> to vector<16xf32>
        %and3A_1357 = arith.constant -65536 : i32
        %and3A_1358 = vector.broadcast %and3A_1357 : i32 to vector<16xi32>
        %and3A_1359 = arith.andi %gather3A_1340, %and3A_1358 : vector<16xi32>
        %bitcast3A_1360 = vector.bitcast %and3A_1359 : vector<16xi32> to vector<16xf32>
        %mul3A_1361 = arith.mulf %get3A_1344, %bitcast3A_1348 : vector<16xf32>
        %mul3A_1362 = arith.mulf %get3A_1344, %bitcast3A_1352 : vector<16xf32>
        %mul3A_1363 = arith.mulf %get3A_1344, %bitcast3A_1356 : vector<16xf32>
        %mul3A_1364 = arith.mulf %get3A_1344, %bitcast3A_1360 : vector<16xf32>
        %add3A_1365 = arith.constant 32 : i32
        %add3A_1366 = arith.addi %add3A_1331, %add3A_1365 : i32
        %get3A_1367 = arith.index_cast %add3A_1366 : i32 to index
        %get3A_1368 = tpu.vector_load %arg13[%get3A_1367] {strides = array<i32>} : memref<5120xi32, #tpu.memory_space<vmem>>, vector<16xi32>,
        %gather3A_1369 = tpu.vector_load_idx %arg15[%get3A_1368] : memref<20480xi32, #tpu.memory_space<vmem>>[vector<16xi32>], vector<16xi32>,
        %add3A_1370 = arith.constant 10240 : i32
        %add3A_1371 = vector.broadcast %add3A_1370 : i32 to vector<16xi32>
        %add3A_1372 = arith.addi %get3A_1368, %add3A_1371 : vector<16xi32>
        %gather3A_1373 = tpu.vector_load_idx %arg15[%add3A_1372] : memref<20480xi32, #tpu.memory_space<vmem>>[vector<16xi32>], vector<16xi32>,
        %get3A_1374 = arith.constant 1 : i32
        %get3A_1375 = arith.index_cast %get3A_1374 : i32 to index
        %get3A_1376 = arith.index_cast %mul3A_138 : i32 to index
        %get3A_1377 = tpu.vector_load %arg19[%get3A_1375, %get3A_1376] {strides = array<i32>} : memref<16x320xf32, #tpu.memory_space<vmem>>, vector<16xf32>,
        %shift_left3A_1378 = arith.constant 16 : i32
        %shift_left3A_1379 = vector.broadcast %shift_left3A_1378 : i32 to vector<16xi32>
        %shift_left3A_1380 = arith.shli %gather3A_1369, %shift_left3A_1379 : vector<16xi32>
        %bitcast3A_1381 = vector.bitcast %shift_left3A_1380 : vector<16xi32> to vector<16xf32>
        %and3A_1382 = arith.constant -65536 : i32
        %and3A_1383 = vector.broadcast %and3A_1382 : i32 to vector<16xi32>
        %and3A_1384 = arith.andi %gather3A_1369, %and3A_1383 : vector<16xi32>
        %bitcast3A_1385 = vector.bitcast %and3A_1384 : vector<16xi32> to vector<16xf32>
        %shift_left3A_1386 = arith.constant 16 : i32
        %shift_left3A_1387 = vector.broadcast %shift_left3A_1386 : i32 to vector<16xi32>
        %shift_left3A_1388 = arith.shli %gather3A_1373, %shift_left3A_1387 : vector<16xi32>
        %bitcast3A_1389 = vector.bitcast %shift_left3A_1388 : vector<16xi32> to vector<16xf32>
        %and3A_1390 = arith.constant -65536 : i32
        %and3A_1391 = vector.broadcast %and3A_1390 : i32 to vector<16xi32>
        %and3A_1392 = arith.andi %gather3A_1373, %and3A_1391 : vector<16xi32>
        %bitcast3A_1393 = vector.bitcast %and3A_1392 : vector<16xi32> to vector<16xf32>
        %mul3A_1394 = arith.mulf %get3A_1377, %bitcast3A_1381 : vector<16xf32>
        %add3A_1395 = arith.addf %mul3A_1361, %mul3A_1394 : vector<16xf32>
        %mul3A_1396 = arith.mulf %get3A_1377, %bitcast3A_1385 : vector<16xf32>
        %add3A_1397 = arith.addf %mul3A_1362, %mul3A_1396 : vector<16xf32>
        %mul3A_1398 = arith.mulf %get3A_1377, %bitcast3A_1389 : vector<16xf32>
        %add3A_1399 = arith.addf %mul3A_1363, %mul3A_1398 : vector<16xf32>
        %mul3A_1400 = arith.mulf %get3A_1377, %bitcast3A_1393 : vector<16xf32>
        %add3A_1401 = arith.addf %mul3A_1364, %mul3A_1400 : vector<16xf32>
        %add3A_1402 = arith.constant 64 : i32
        %add3A_1403 = arith.addi %add3A_1331, %add3A_1402 : i32
        %get3A_1404 = arith.index_cast %add3A_1403 : i32 to index
        %get3A_1405 = tpu.vector_load %arg13[%get3A_1404] {strides = array<i32>} : memref<5120xi32, #tpu.memory_space<vmem>>, vector<16xi32>,
        %gather3A_1406 = tpu.vector_load_idx %arg15[%get3A_1405] : memref<20480xi32, #tpu.memory_space<vmem>>[vector<16xi32>], vector<16xi32>,
        %add3A_1407 = arith.constant 10240 : i32
        %add3A_1408 = vector.broadcast %add3A_1407 : i32 to vector<16xi32>
        %add3A_1409 = arith.addi %get3A_1405, %add3A_1408 : vector<16xi32>
        %gather3A_1410 = tpu.vector_load_idx %arg15[%add3A_1409] : memref<20480xi32, #tpu.memory_space<vmem>>[vector<16xi32>], vector<16xi32>,
        %get3A_1411 = arith.constant 2 : i32
        %get3A_1412 = arith.index_cast %get3A_1411 : i32 to index
        %get3A_1413 = arith.index_cast %mul3A_138 : i32 to index
        %get3A_1414 = tpu.vector_load %arg19[%get3A_1412, %get3A_1413] {strides = array<i32>} : memref<16x320xf32, #tpu.memory_space<vmem>>, vector<16xf32>,
        %shift_left3A_1415 = arith.constant 16 : i32
        %shift_left3A_1416 = vector.broadcast %shift_left3A_1415 : i32 to vector<16xi32>
        %shift_left3A_1417 = arith.shli %gather3A_1406, %shift_left3A_1416 : vector<16xi32>
        %bitcast3A_1418 = vector.bitcast %shift_left3A_1417 : vector<16xi32> to vector<16xf32>
        %and3A_1419 = arith.constant -65536 : i32
        %and3A_1420 = vector.broadcast %and3A_1419 : i32 to vector<16xi32>
        %and3A_1421 = arith.andi %gather3A_1406, %and3A_1420 : vector<16xi32>
        %bitcast3A_1422 = vector.bitcast %and3A_1421 : vector<16xi32> to vector<16xf32>
        %shift_left3A_1423 = arith.constant 16 : i32
        %shift_left3A_1424 = vector.broadcast %shift_left3A_1423 : i32 to vector<16xi32>
        %shift_left3A_1425 = arith.shli %gather3A_1410, %shift_left3A_1424 : vector<16xi32>
        %bitcast3A_1426 = vector.bitcast %shift_left3A_1425 : vector<16xi32> to vector<16xf32>
        %and3A_1427 = arith.constant -65536 : i32
        %and3A_1428 = vector.broadcast %and3A_1427 : i32 to vector<16xi32>
        %and3A_1429 = arith.andi %gather3A_1410, %and3A_1428 : vector<16xi32>
        %bitcast3A_1430 = vector.bitcast %and3A_1429 : vector<16xi32> to vector<16xf32>
        %mul3A_1431 = arith.mulf %get3A_1414, %bitcast3A_1418 : vector<16xf32>
        %add3A_1432 = arith.addf %add3A_1395, %mul3A_1431 : vector<16xf32>
        %mul3A_1433 = arith.mulf %get3A_1414, %bitcast3A_1422 : vector<16xf32>
        %add3A_1434 = arith.addf %add3A_1397, %mul3A_1433 : vector<16xf32>
        %mul3A_1435 = arith.mulf %get3A_1414, %bitcast3A_1426 : vector<16xf32>
        %add3A_1436 = arith.addf %add3A_1399, %mul3A_1435 : vector<16xf32>
        %mul3A_1437 = arith.mulf %get3A_1414, %bitcast3A_1430 : vector<16xf32>
        %add3A_1438 = arith.addf %add3A_1401, %mul3A_1437 : vector<16xf32>
        %add3A_1439 = arith.constant 96 : i32
        %add3A_1440 = arith.addi %add3A_1331, %add3A_1439 : i32
        %get3A_1441 = arith.index_cast %add3A_1440 : i32 to index
        %get3A_1442 = tpu.vector_load %arg13[%get3A_1441] {strides = array<i32>} : memref<5120xi32, #tpu.memory_space<vmem>>, vector<16xi32>,
        %gather3A_1443 = tpu.vector_load_idx %arg15[%get3A_1442] : memref<20480xi32, #tpu.memory_space<vmem>>[vector<16xi32>], vector<16xi32>,
        %add3A_1444 = arith.constant 10240 : i32
        %add3A_1445 = vector.broadcast %add3A_1444 : i32 to vector<16xi32>
        %add3A_1446 = arith.addi %get3A_1442, %add3A_1445 : vector<16xi32>
        %gather3A_1447 = tpu.vector_load_idx %arg15[%add3A_1446] : memref<20480xi32, #tpu.memory_space<vmem>>[vector<16xi32>], vector<16xi32>,
        %get3A_1448 = arith.constant 3 : i32
        %get3A_1449 = arith.index_cast %get3A_1448 : i32 to index
        %get3A_1450 = arith.index_cast %mul3A_138 : i32 to index
        %get3A_1451 = tpu.vector_load %arg19[%get3A_1449, %get3A_1450] {strides = array<i32>} : memref<16x320xf32, #tpu.memory_space<vmem>>, vector<16xf32>,
        %shift_left3A_1452 = arith.constant 16 : i32
        %shift_left3A_1453 = vector.broadcast %shift_left3A_1452 : i32 to vector<16xi32>
        %shift_left3A_1454 = arith.shli %gather3A_1443, %shift_left3A_1453 : vector<16xi32>
        %bitcast3A_1455 = vector.bitcast %shift_left3A_1454 : vector<16xi32> to vector<16xf32>
        %and3A_1456 = arith.constant -65536 : i32
        %and3A_1457 = vector.broadcast %and3A_1456 : i32 to vector<16xi32>
        %and3A_1458 = arith.andi %gather3A_1443, %and3A_1457 : vector<16xi32>
        %bitcast3A_1459 = vector.bitcast %and3A_1458 : vector<16xi32> to vector<16xf32>
        %shift_left3A_1460 = arith.constant 16 : i32
        %shift_left3A_1461 = vector.broadcast %shift_left3A_1460 : i32 to vector<16xi32>
        %shift_left3A_1462 = arith.shli %gather3A_1447, %shift_left3A_1461 : vector<16xi32>
        %bitcast3A_1463 = vector.bitcast %shift_left3A_1462 : vector<16xi32> to vector<16xf32>
        %and3A_1464 = arith.constant -65536 : i32
        %and3A_1465 = vector.broadcast %and3A_1464 : i32 to vector<16xi32>
        %and3A_1466 = arith.andi %gather3A_1447, %and3A_1465 : vector<16xi32>
        %bitcast3A_1467 = vector.bitcast %and3A_1466 : vector<16xi32> to vector<16xf32>
        %mul3A_1468 = arith.mulf %get3A_1451, %bitcast3A_1455 : vector<16xf32>
        %add3A_1469 = arith.addf %add3A_1432, %mul3A_1468 : vector<16xf32>
        %mul3A_1470 = arith.mulf %get3A_1451, %bitcast3A_1459 : vector<16xf32>
        %add3A_1471 = arith.addf %add3A_1434, %mul3A_1470 : vector<16xf32>
        %mul3A_1472 = arith.mulf %get3A_1451, %bitcast3A_1463 : vector<16xf32>
        %add3A_1473 = arith.addf %add3A_1436, %mul3A_1472 : vector<16xf32>
        %mul3A_1474 = arith.mulf %get3A_1451, %bitcast3A_1467 : vector<16xf32>
        %add3A_1475 = arith.addf %add3A_1438, %mul3A_1474 : vector<16xf32>
        %add3A_1476 = arith.constant 128 : i32
        %add3A_1477 = arith.addi %add3A_1331, %add3A_1476 : i32
        %get3A_1478 = arith.index_cast %add3A_1477 : i32 to index
        %get3A_1479 = tpu.vector_load %arg13[%get3A_1478] {strides = array<i32>} : memref<5120xi32, #tpu.memory_space<vmem>>, vector<16xi32>,
        %gather3A_1480 = tpu.vector_load_idx %arg15[%get3A_1479] : memref<20480xi32, #tpu.memory_space<vmem>>[vector<16xi32>], vector<16xi32>,
        %add3A_1481 = arith.constant 10240 : i32
        %add3A_1482 = vector.broadcast %add3A_1481 : i32 to vector<16xi32>
        %add3A_1483 = arith.addi %get3A_1479, %add3A_1482 : vector<16xi32>
        %gather3A_1484 = tpu.vector_load_idx %arg15[%add3A_1483] : memref<20480xi32, #tpu.memory_space<vmem>>[vector<16xi32>], vector<16xi32>,
        %get3A_1485 = arith.constant 4 : i32
        %get3A_1486 = arith.index_cast %get3A_1485 : i32 to index
        %get3A_1487 = arith.index_cast %mul3A_138 : i32 to index
        %get3A_1488 = tpu.vector_load %arg19[%get3A_1486, %get3A_1487] {strides = array<i32>} : memref<16x320xf32, #tpu.memory_space<vmem>>, vector<16xf32>,
        %shift_left3A_1489 = arith.constant 16 : i32
        %shift_left3A_1490 = vector.broadcast %shift_left3A_1489 : i32 to vector<16xi32>
        %shift_left3A_1491 = arith.shli %gather3A_1480, %shift_left3A_1490 : vector<16xi32>
        %bitcast3A_1492 = vector.bitcast %shift_left3A_1491 : vector<16xi32> to vector<16xf32>
        %and3A_1493 = arith.constant -65536 : i32
        %and3A_1494 = vector.broadcast %and3A_1493 : i32 to vector<16xi32>
        %and3A_1495 = arith.andi %gather3A_1480, %and3A_1494 : vector<16xi32>
        %bitcast3A_1496 = vector.bitcast %and3A_1495 : vector<16xi32> to vector<16xf32>
        %shift_left3A_1497 = arith.constant 16 : i32
        %shift_left3A_1498 = vector.broadcast %shift_left3A_1497 : i32 to vector<16xi32>
        %shift_left3A_1499 = arith.shli %gather3A_1484, %shift_left3A_1498 : vector<16xi32>
        %bitcast3A_1500 = vector.bitcast %shift_left3A_1499 : vector<16xi32> to vector<16xf32>
        %and3A_1501 = arith.constant -65536 : i32
        %and3A_1502 = vector.broadcast %and3A_1501 : i32 to vector<16xi32>
        %and3A_1503 = arith.andi %gather3A_1484, %and3A_1502 : vector<16xi32>
        %bitcast3A_1504 = vector.bitcast %and3A_1503 : vector<16xi32> to vector<16xf32>
        %mul3A_1505 = arith.mulf %get3A_1488, %bitcast3A_1492 : vector<16xf32>
        %add3A_1506 = arith.addf %add3A_1469, %mul3A_1505 : vector<16xf32>
        %mul3A_1507 = arith.mulf %get3A_1488, %bitcast3A_1496 : vector<16xf32>
        %add3A_1508 = arith.addf %add3A_1471, %mul3A_1507 : vector<16xf32>
        %mul3A_1509 = arith.mulf %get3A_1488, %bitcast3A_1500 : vector<16xf32>
        %add3A_1510 = arith.addf %add3A_1473, %mul3A_1509 : vector<16xf32>
        %mul3A_1511 = arith.mulf %get3A_1488, %bitcast3A_1504 : vector<16xf32>
        %add3A_1512 = arith.addf %add3A_1475, %mul3A_1511 : vector<16xf32>
        %add3A_1513 = arith.constant 160 : i32
        %add3A_1514 = arith.addi %add3A_1331, %add3A_1513 : i32
        %get3A_1515 = arith.index_cast %add3A_1514 : i32 to index
        %get3A_1516 = tpu.vector_load %arg13[%get3A_1515] {strides = array<i32>} : memref<5120xi32, #tpu.memory_space<vmem>>, vector<16xi32>,
        %gather3A_1517 = tpu.vector_load_idx %arg15[%get3A_1516] : memref<20480xi32, #tpu.memory_space<vmem>>[vector<16xi32>], vector<16xi32>,
        %add3A_1518 = arith.constant 10240 : i32
        %add3A_1519 = vector.broadcast %add3A_1518 : i32 to vector<16xi32>
        %add3A_1520 = arith.addi %get3A_1516, %add3A_1519 : vector<16xi32>
        %gather3A_1521 = tpu.vector_load_idx %arg15[%add3A_1520] : memref<20480xi32, #tpu.memory_space<vmem>>[vector<16xi32>], vector<16xi32>,
        %get3A_1522 = arith.constant 5 : i32
        %get3A_1523 = arith.index_cast %get3A_1522 : i32 to index
        %get3A_1524 = arith.index_cast %mul3A_138 : i32 to index
        %get3A_1525 = tpu.vector_load %arg19[%get3A_1523, %get3A_1524] {strides = array<i32>} : memref<16x320xf32, #tpu.memory_space<vmem>>, vector<16xf32>,
        %shift_left3A_1526 = arith.constant 16 : i32
        %shift_left3A_1527 = vector.broadcast %shift_left3A_1526 : i32 to vector<16xi32>
        %shift_left3A_1528 = arith.shli %gather3A_1517, %shift_left3A_1527 : vector<16xi32>
        %bitcast3A_1529 = vector.bitcast %shift_left3A_1528 : vector<16xi32> to vector<16xf32>
        %and3A_1530 = arith.constant -65536 : i32
        %and3A_1531 = vector.broadcast %and3A_1530 : i32 to vector<16xi32>
        %and3A_1532 = arith.andi %gather3A_1517, %and3A_1531 : vector<16xi32>
        %bitcast3A_1533 = vector.bitcast %and3A_1532 : vector<16xi32> to vector<16xf32>
        %shift_left3A_1534 = arith.constant 16 : i32
        %shift_left3A_1535 = vector.broadcast %shift_left3A_1534 : i32 to vector<16xi32>
        %shift_left3A_1536 = arith.shli %gather3A_1521, %shift_left3A_1535 : vector<16xi32>
        %bitcast3A_1537 = vector.bitcast %shift_left3A_1536 : vector<16xi32> to vector<16xf32>
        %and3A_1538 = arith.constant -65536 : i32
        %and3A_1539 = vector.broadcast %and3A_1538 : i32 to vector<16xi32>
        %and3A_1540 = arith.andi %gather3A_1521, %and3A_1539 : vector<16xi32>
        %bitcast3A_1541 = vector.bitcast %and3A_1540 : vector<16xi32> to vector<16xf32>
        %mul3A_1542 = arith.mulf %get3A_1525, %bitcast3A_1529 : vector<16xf32>
        %add3A_1543 = arith.addf %add3A_1506, %mul3A_1542 : vector<16xf32>
        %mul3A_1544 = arith.mulf %get3A_1525, %bitcast3A_1533 : vector<16xf32>
        %add3A_1545 = arith.addf %add3A_1508, %mul3A_1544 : vector<16xf32>
        %mul3A_1546 = arith.mulf %get3A_1525, %bitcast3A_1537 : vector<16xf32>
        %add3A_1547 = arith.addf %add3A_1510, %mul3A_1546 : vector<16xf32>
        %mul3A_1548 = arith.mulf %get3A_1525, %bitcast3A_1541 : vector<16xf32>
        %add3A_1549 = arith.addf %add3A_1512, %mul3A_1548 : vector<16xf32>
        %add3A_1550 = arith.constant 192 : i32
        %add3A_1551 = arith.addi %add3A_1331, %add3A_1550 : i32
        %get3A_1552 = arith.index_cast %add3A_1551 : i32 to index
        %get3A_1553 = tpu.vector_load %arg13[%get3A_1552] {strides = array<i32>} : memref<5120xi32, #tpu.memory_space<vmem>>, vector<16xi32>,
        %gather3A_1554 = tpu.vector_load_idx %arg15[%get3A_1553] : memref<20480xi32, #tpu.memory_space<vmem>>[vector<16xi32>], vector<16xi32>,
        %add3A_1555 = arith.constant 10240 : i32
        %add3A_1556 = vector.broadcast %add3A_1555 : i32 to vector<16xi32>
        %add3A_1557 = arith.addi %get3A_1553, %add3A_1556 : vector<16xi32>
        %gather3A_1558 = tpu.vector_load_idx %arg15[%add3A_1557] : memref<20480xi32, #tpu.memory_space<vmem>>[vector<16xi32>], vector<16xi32>,
        %get3A_1559 = arith.constant 6 : i32
        %get3A_1560 = arith.index_cast %get3A_1559 : i32 to index
        %get3A_1561 = arith.index_cast %mul3A_138 : i32 to index
        %get3A_1562 = tpu.vector_load %arg19[%get3A_1560, %get3A_1561] {strides = array<i32>} : memref<16x320xf32, #tpu.memory_space<vmem>>, vector<16xf32>,
        %shift_left3A_1563 = arith.constant 16 : i32
        %shift_left3A_1564 = vector.broadcast %shift_left3A_1563 : i32 to vector<16xi32>
        %shift_left3A_1565 = arith.shli %gather3A_1554, %shift_left3A_1564 : vector<16xi32>
        %bitcast3A_1566 = vector.bitcast %shift_left3A_1565 : vector<16xi32> to vector<16xf32>
        %and3A_1567 = arith.constant -65536 : i32
        %and3A_1568 = vector.broadcast %and3A_1567 : i32 to vector<16xi32>
        %and3A_1569 = arith.andi %gather3A_1554, %and3A_1568 : vector<16xi32>
        %bitcast3A_1570 = vector.bitcast %and3A_1569 : vector<16xi32> to vector<16xf32>
        %shift_left3A_1571 = arith.constant 16 : i32
        %shift_left3A_1572 = vector.broadcast %shift_left3A_1571 : i32 to vector<16xi32>
        %shift_left3A_1573 = arith.shli %gather3A_1558, %shift_left3A_1572 : vector<16xi32>
        %bitcast3A_1574 = vector.bitcast %shift_left3A_1573 : vector<16xi32> to vector<16xf32>
        %and3A_1575 = arith.constant -65536 : i32
        %and3A_1576 = vector.broadcast %and3A_1575 : i32 to vector<16xi32>
        %and3A_1577 = arith.andi %gather3A_1558, %and3A_1576 : vector<16xi32>
        %bitcast3A_1578 = vector.bitcast %and3A_1577 : vector<16xi32> to vector<16xf32>
        %mul3A_1579 = arith.mulf %get3A_1562, %bitcast3A_1566 : vector<16xf32>
        %add3A_1580 = arith.addf %add3A_1543, %mul3A_1579 : vector<16xf32>
        %mul3A_1581 = arith.mulf %get3A_1562, %bitcast3A_1570 : vector<16xf32>
        %add3A_1582 = arith.addf %add3A_1545, %mul3A_1581 : vector<16xf32>
        %mul3A_1583 = arith.mulf %get3A_1562, %bitcast3A_1574 : vector<16xf32>
        %add3A_1584 = arith.addf %add3A_1547, %mul3A_1583 : vector<16xf32>
        %mul3A_1585 = arith.mulf %get3A_1562, %bitcast3A_1578 : vector<16xf32>
        %add3A_1586 = arith.addf %add3A_1549, %mul3A_1585 : vector<16xf32>
        %add3A_1587 = arith.constant 224 : i32
        %add3A_1588 = arith.addi %add3A_1331, %add3A_1587 : i32
        %get3A_1589 = arith.index_cast %add3A_1588 : i32 to index
        %get3A_1590 = tpu.vector_load %arg13[%get3A_1589] {strides = array<i32>} : memref<5120xi32, #tpu.memory_space<vmem>>, vector<16xi32>,
        %gather3A_1591 = tpu.vector_load_idx %arg15[%get3A_1590] : memref<20480xi32, #tpu.memory_space<vmem>>[vector<16xi32>], vector<16xi32>,
        %add3A_1592 = arith.constant 10240 : i32
        %add3A_1593 = vector.broadcast %add3A_1592 : i32 to vector<16xi32>
        %add3A_1594 = arith.addi %get3A_1590, %add3A_1593 : vector<16xi32>
        %gather3A_1595 = tpu.vector_load_idx %arg15[%add3A_1594] : memref<20480xi32, #tpu.memory_space<vmem>>[vector<16xi32>], vector<16xi32>,
        %get3A_1596 = arith.constant 7 : i32
        %get3A_1597 = arith.index_cast %get3A_1596 : i32 to index
        %get3A_1598 = arith.index_cast %mul3A_138 : i32 to index
        %get3A_1599 = tpu.vector_load %arg19[%get3A_1597, %get3A_1598] {strides = array<i32>} : memref<16x320xf32, #tpu.memory_space<vmem>>, vector<16xf32>,
        %shift_left3A_1600 = arith.constant 16 : i32
        %shift_left3A_1601 = vector.broadcast %shift_left3A_1600 : i32 to vector<16xi32>
        %shift_left3A_1602 = arith.shli %gather3A_1591, %shift_left3A_1601 : vector<16xi32>
        %bitcast3A_1603 = vector.bitcast %shift_left3A_1602 : vector<16xi32> to vector<16xf32>
        %and3A_1604 = arith.constant -65536 : i32
        %and3A_1605 = vector.broadcast %and3A_1604 : i32 to vector<16xi32>
        %and3A_1606 = arith.andi %gather3A_1591, %and3A_1605 : vector<16xi32>
        %bitcast3A_1607 = vector.bitcast %and3A_1606 : vector<16xi32> to vector<16xf32>
        %shift_left3A_1608 = arith.constant 16 : i32
        %shift_left3A_1609 = vector.broadcast %shift_left3A_1608 : i32 to vector<16xi32>
        %shift_left3A_1610 = arith.shli %gather3A_1595, %shift_left3A_1609 : vector<16xi32>
        %bitcast3A_1611 = vector.bitcast %shift_left3A_1610 : vector<16xi32> to vector<16xf32>
        %and3A_1612 = arith.constant -65536 : i32
        %and3A_1613 = vector.broadcast %and3A_1612 : i32 to vector<16xi32>
        %and3A_1614 = arith.andi %gather3A_1595, %and3A_1613 : vector<16xi32>
        %bitcast3A_1615 = vector.bitcast %and3A_1614 : vector<16xi32> to vector<16xf32>
        %mul3A_1616 = arith.mulf %get3A_1599, %bitcast3A_1603 : vector<16xf32>
        %add3A_1617 = arith.addf %add3A_1580, %mul3A_1616 : vector<16xf32>
        %mul3A_1618 = arith.mulf %get3A_1599, %bitcast3A_1607 : vector<16xf32>
        %add3A_1619 = arith.addf %add3A_1582, %mul3A_1618 : vector<16xf32>
        %mul3A_1620 = arith.mulf %get3A_1599, %bitcast3A_1611 : vector<16xf32>
        %add3A_1621 = arith.addf %add3A_1584, %mul3A_1620 : vector<16xf32>
        %mul3A_1622 = arith.mulf %get3A_1599, %bitcast3A_1615 : vector<16xf32>
        %add3A_1623 = arith.addf %add3A_1586, %mul3A_1622 : vector<16xf32>
        %add3A_1624 = arith.constant 256 : i32
        %add3A_1625 = arith.addi %add3A_1331, %add3A_1624 : i32
        %get3A_1626 = arith.index_cast %add3A_1625 : i32 to index
        %get3A_1627 = tpu.vector_load %arg13[%get3A_1626] {strides = array<i32>} : memref<5120xi32, #tpu.memory_space<vmem>>, vector<16xi32>,
        %gather3A_1628 = tpu.vector_load_idx %arg15[%get3A_1627] : memref<20480xi32, #tpu.memory_space<vmem>>[vector<16xi32>], vector<16xi32>,
        %add3A_1629 = arith.constant 10240 : i32
        %add3A_1630 = vector.broadcast %add3A_1629 : i32 to vector<16xi32>
        %add3A_1631 = arith.addi %get3A_1627, %add3A_1630 : vector<16xi32>
        %gather3A_1632 = tpu.vector_load_idx %arg15[%add3A_1631] : memref<20480xi32, #tpu.memory_space<vmem>>[vector<16xi32>], vector<16xi32>,
        %get3A_1633 = arith.constant 8 : i32
        %get3A_1634 = arith.index_cast %get3A_1633 : i32 to index
        %get3A_1635 = arith.index_cast %mul3A_138 : i32 to index
        %get3A_1636 = tpu.vector_load %arg19[%get3A_1634, %get3A_1635] {strides = array<i32>} : memref<16x320xf32, #tpu.memory_space<vmem>>, vector<16xf32>,
        %shift_left3A_1637 = arith.constant 16 : i32
        %shift_left3A_1638 = vector.broadcast %shift_left3A_1637 : i32 to vector<16xi32>
        %shift_left3A_1639 = arith.shli %gather3A_1628, %shift_left3A_1638 : vector<16xi32>
        %bitcast3A_1640 = vector.bitcast %shift_left3A_1639 : vector<16xi32> to vector<16xf32>
        %and3A_1641 = arith.constant -65536 : i32
        %and3A_1642 = vector.broadcast %and3A_1641 : i32 to vector<16xi32>
        %and3A_1643 = arith.andi %gather3A_1628, %and3A_1642 : vector<16xi32>
        %bitcast3A_1644 = vector.bitcast %and3A_1643 : vector<16xi32> to vector<16xf32>
        %shift_left3A_1645 = arith.constant 16 : i32
        %shift_left3A_1646 = vector.broadcast %shift_left3A_1645 : i32 to vector<16xi32>
        %shift_left3A_1647 = arith.shli %gather3A_1632, %shift_left3A_1646 : vector<16xi32>
        %bitcast3A_1648 = vector.bitcast %shift_left3A_1647 : vector<16xi32> to vector<16xf32>
        %and3A_1649 = arith.constant -65536 : i32
        %and3A_1650 = vector.broadcast %and3A_1649 : i32 to vector<16xi32>
        %and3A_1651 = arith.andi %gather3A_1632, %and3A_1650 : vector<16xi32>
        %bitcast3A_1652 = vector.bitcast %and3A_1651 : vector<16xi32> to vector<16xf32>
        %mul3A_1653 = arith.mulf %get3A_1636, %bitcast3A_1640 : vector<16xf32>
        %add3A_1654 = arith.addf %add3A_1617, %mul3A_1653 : vector<16xf32>
        %mul3A_1655 = arith.mulf %get3A_1636, %bitcast3A_1644 : vector<16xf32>
        %add3A_1656 = arith.addf %add3A_1619, %mul3A_1655 : vector<16xf32>
        %mul3A_1657 = arith.mulf %get3A_1636, %bitcast3A_1648 : vector<16xf32>
        %add3A_1658 = arith.addf %add3A_1621, %mul3A_1657 : vector<16xf32>
        %mul3A_1659 = arith.mulf %get3A_1636, %bitcast3A_1652 : vector<16xf32>
        %add3A_1660 = arith.addf %add3A_1623, %mul3A_1659 : vector<16xf32>
        %add3A_1661 = arith.constant 288 : i32
        %add3A_1662 = arith.addi %add3A_1331, %add3A_1661 : i32
        %get3A_1663 = arith.index_cast %add3A_1662 : i32 to index
        %get3A_1664 = tpu.vector_load %arg13[%get3A_1663] {strides = array<i32>} : memref<5120xi32, #tpu.memory_space<vmem>>, vector<16xi32>,
        %gather3A_1665 = tpu.vector_load_idx %arg15[%get3A_1664] : memref<20480xi32, #tpu.memory_space<vmem>>[vector<16xi32>], vector<16xi32>,
        %add3A_1666 = arith.constant 10240 : i32
        %add3A_1667 = vector.broadcast %add3A_1666 : i32 to vector<16xi32>
        %add3A_1668 = arith.addi %get3A_1664, %add3A_1667 : vector<16xi32>
        %gather3A_1669 = tpu.vector_load_idx %arg15[%add3A_1668] : memref<20480xi32, #tpu.memory_space<vmem>>[vector<16xi32>], vector<16xi32>,
        %get3A_1670 = arith.constant 9 : i32
        %get3A_1671 = arith.index_cast %get3A_1670 : i32 to index
        %get3A_1672 = arith.index_cast %mul3A_138 : i32 to index
        %get3A_1673 = tpu.vector_load %arg19[%get3A_1671, %get3A_1672] {strides = array<i32>} : memref<16x320xf32, #tpu.memory_space<vmem>>, vector<16xf32>,
        %shift_left3A_1674 = arith.constant 16 : i32
        %shift_left3A_1675 = vector.broadcast %shift_left3A_1674 : i32 to vector<16xi32>
        %shift_left3A_1676 = arith.shli %gather3A_1665, %shift_left3A_1675 : vector<16xi32>
        %bitcast3A_1677 = vector.bitcast %shift_left3A_1676 : vector<16xi32> to vector<16xf32>
        %and3A_1678 = arith.constant -65536 : i32
        %and3A_1679 = vector.broadcast %and3A_1678 : i32 to vector<16xi32>
        %and3A_1680 = arith.andi %gather3A_1665, %and3A_1679 : vector<16xi32>
        %bitcast3A_1681 = vector.bitcast %and3A_1680 : vector<16xi32> to vector<16xf32>
        %shift_left3A_1682 = arith.constant 16 : i32
        %shift_left3A_1683 = vector.broadcast %shift_left3A_1682 : i32 to vector<16xi32>
        %shift_left3A_1684 = arith.shli %gather3A_1669, %shift_left3A_1683 : vector<16xi32>
        %bitcast3A_1685 = vector.bitcast %shift_left3A_1684 : vector<16xi32> to vector<16xf32>
        %and3A_1686 = arith.constant -65536 : i32
        %and3A_1687 = vector.broadcast %and3A_1686 : i32 to vector<16xi32>
        %and3A_1688 = arith.andi %gather3A_1669, %and3A_1687 : vector<16xi32>
        %bitcast3A_1689 = vector.bitcast %and3A_1688 : vector<16xi32> to vector<16xf32>
        %mul3A_1690 = arith.mulf %get3A_1673, %bitcast3A_1677 : vector<16xf32>
        %add3A_1691 = arith.addf %add3A_1654, %mul3A_1690 : vector<16xf32>
        %mul3A_1692 = arith.mulf %get3A_1673, %bitcast3A_1681 : vector<16xf32>
        %add3A_1693 = arith.addf %add3A_1656, %mul3A_1692 : vector<16xf32>
        %mul3A_1694 = arith.mulf %get3A_1673, %bitcast3A_1685 : vector<16xf32>
        %add3A_1695 = arith.addf %add3A_1658, %mul3A_1694 : vector<16xf32>
        %mul3A_1696 = arith.mulf %get3A_1673, %bitcast3A_1689 : vector<16xf32>
        %add3A_1697 = arith.addf %add3A_1660, %mul3A_1696 : vector<16xf32>
        %add3A_1698 = arith.constant 320 : i32
        %add3A_1699 = arith.addi %add3A_1331, %add3A_1698 : i32
        %get3A_1700 = arith.index_cast %add3A_1699 : i32 to index
        %get3A_1701 = tpu.vector_load %arg13[%get3A_1700] {strides = array<i32>} : memref<5120xi32, #tpu.memory_space<vmem>>, vector<16xi32>,
        %gather3A_1702 = tpu.vector_load_idx %arg15[%get3A_1701] : memref<20480xi32, #tpu.memory_space<vmem>>[vector<16xi32>], vector<16xi32>,
        %add3A_1703 = arith.constant 10240 : i32
        %add3A_1704 = vector.broadcast %add3A_1703 : i32 to vector<16xi32>
        %add3A_1705 = arith.addi %get3A_1701, %add3A_1704 : vector<16xi32>
        %gather3A_1706 = tpu.vector_load_idx %arg15[%add3A_1705] : memref<20480xi32, #tpu.memory_space<vmem>>[vector<16xi32>], vector<16xi32>,
        %get3A_1707 = arith.constant 10 : i32
        %get3A_1708 = arith.index_cast %get3A_1707 : i32 to index
        %get3A_1709 = arith.index_cast %mul3A_138 : i32 to index
        %get3A_1710 = tpu.vector_load %arg19[%get3A_1708, %get3A_1709] {strides = array<i32>} : memref<16x320xf32, #tpu.memory_space<vmem>>, vector<16xf32>,
        %shift_left3A_1711 = arith.constant 16 : i32
        %shift_left3A_1712 = vector.broadcast %shift_left3A_1711 : i32 to vector<16xi32>
        %shift_left3A_1713 = arith.shli %gather3A_1702, %shift_left3A_1712 : vector<16xi32>
        %bitcast3A_1714 = vector.bitcast %shift_left3A_1713 : vector<16xi32> to vector<16xf32>
        %and3A_1715 = arith.constant -65536 : i32
        %and3A_1716 = vector.broadcast %and3A_1715 : i32 to vector<16xi32>
        %and3A_1717 = arith.andi %gather3A_1702, %and3A_1716 : vector<16xi32>
        %bitcast3A_1718 = vector.bitcast %and3A_1717 : vector<16xi32> to vector<16xf32>
        %shift_left3A_1719 = arith.constant 16 : i32
        %shift_left3A_1720 = vector.broadcast %shift_left3A_1719 : i32 to vector<16xi32>
        %shift_left3A_1721 = arith.shli %gather3A_1706, %shift_left3A_1720 : vector<16xi32>
        %bitcast3A_1722 = vector.bitcast %shift_left3A_1721 : vector<16xi32> to vector<16xf32>
        %and3A_1723 = arith.constant -65536 : i32
        %and3A_1724 = vector.broadcast %and3A_1723 : i32 to vector<16xi32>
        %and3A_1725 = arith.andi %gather3A_1706, %and3A_1724 : vector<16xi32>
        %bitcast3A_1726 = vector.bitcast %and3A_1725 : vector<16xi32> to vector<16xf32>
        %mul3A_1727 = arith.mulf %get3A_1710, %bitcast3A_1714 : vector<16xf32>
        %add3A_1728 = arith.addf %add3A_1691, %mul3A_1727 : vector<16xf32>
        %mul3A_1729 = arith.mulf %get3A_1710, %bitcast3A_1718 : vector<16xf32>
        %add3A_1730 = arith.addf %add3A_1693, %mul3A_1729 : vector<16xf32>
        %mul3A_1731 = arith.mulf %get3A_1710, %bitcast3A_1722 : vector<16xf32>
        %add3A_1732 = arith.addf %add3A_1695, %mul3A_1731 : vector<16xf32>
        %mul3A_1733 = arith.mulf %get3A_1710, %bitcast3A_1726 : vector<16xf32>
        %add3A_1734 = arith.addf %add3A_1697, %mul3A_1733 : vector<16xf32>
        %add3A_1735 = arith.constant 352 : i32
        %add3A_1736 = arith.addi %add3A_1331, %add3A_1735 : i32
        %get3A_1737 = arith.index_cast %add3A_1736 : i32 to index
        %get3A_1738 = tpu.vector_load %arg13[%get3A_1737] {strides = array<i32>} : memref<5120xi32, #tpu.memory_space<vmem>>, vector<16xi32>,
        %gather3A_1739 = tpu.vector_load_idx %arg15[%get3A_1738] : memref<20480xi32, #tpu.memory_space<vmem>>[vector<16xi32>], vector<16xi32>,
        %add3A_1740 = arith.constant 10240 : i32
        %add3A_1741 = vector.broadcast %add3A_1740 : i32 to vector<16xi32>
        %add3A_1742 = arith.addi %get3A_1738, %add3A_1741 : vector<16xi32>
        %gather3A_1743 = tpu.vector_load_idx %arg15[%add3A_1742] : memref<20480xi32, #tpu.memory_space<vmem>>[vector<16xi32>], vector<16xi32>,
        %get3A_1744 = arith.constant 11 : i32
        %get3A_1745 = arith.index_cast %get3A_1744 : i32 to index
        %get3A_1746 = arith.index_cast %mul3A_138 : i32 to index
        %get3A_1747 = tpu.vector_load %arg19[%get3A_1745, %get3A_1746] {strides = array<i32>} : memref<16x320xf32, #tpu.memory_space<vmem>>, vector<16xf32>,
        %shift_left3A_1748 = arith.constant 16 : i32
        %shift_left3A_1749 = vector.broadcast %shift_left3A_1748 : i32 to vector<16xi32>
        %shift_left3A_1750 = arith.shli %gather3A_1739, %shift_left3A_1749 : vector<16xi32>
        %bitcast3A_1751 = vector.bitcast %shift_left3A_1750 : vector<16xi32> to vector<16xf32>
        %and3A_1752 = arith.constant -65536 : i32
        %and3A_1753 = vector.broadcast %and3A_1752 : i32 to vector<16xi32>
        %and3A_1754 = arith.andi %gather3A_1739, %and3A_1753 : vector<16xi32>
        %bitcast3A_1755 = vector.bitcast %and3A_1754 : vector<16xi32> to vector<16xf32>
        %shift_left3A_1756 = arith.constant 16 : i32
        %shift_left3A_1757 = vector.broadcast %shift_left3A_1756 : i32 to vector<16xi32>
        %shift_left3A_1758 = arith.shli %gather3A_1743, %shift_left3A_1757 : vector<16xi32>
        %bitcast3A_1759 = vector.bitcast %shift_left3A_1758 : vector<16xi32> to vector<16xf32>
        %and3A_1760 = arith.constant -65536 : i32
        %and3A_1761 = vector.broadcast %and3A_1760 : i32 to vector<16xi32>
        %and3A_1762 = arith.andi %gather3A_1743, %and3A_1761 : vector<16xi32>
        %bitcast3A_1763 = vector.bitcast %and3A_1762 : vector<16xi32> to vector<16xf32>
        %mul3A_1764 = arith.mulf %get3A_1747, %bitcast3A_1751 : vector<16xf32>
        %add3A_1765 = arith.addf %add3A_1728, %mul3A_1764 : vector<16xf32>
        %mul3A_1766 = arith.mulf %get3A_1747, %bitcast3A_1755 : vector<16xf32>
        %add3A_1767 = arith.addf %add3A_1730, %mul3A_1766 : vector<16xf32>
        %mul3A_1768 = arith.mulf %get3A_1747, %bitcast3A_1759 : vector<16xf32>
        %add3A_1769 = arith.addf %add3A_1732, %mul3A_1768 : vector<16xf32>
        %mul3A_1770 = arith.mulf %get3A_1747, %bitcast3A_1763 : vector<16xf32>
        %add3A_1771 = arith.addf %add3A_1734, %mul3A_1770 : vector<16xf32>
        %add3A_1772 = arith.constant 384 : i32
        %add3A_1773 = arith.addi %add3A_1331, %add3A_1772 : i32
        %get3A_1774 = arith.index_cast %add3A_1773 : i32 to index
        %get3A_1775 = tpu.vector_load %arg13[%get3A_1774] {strides = array<i32>} : memref<5120xi32, #tpu.memory_space<vmem>>, vector<16xi32>,
        %gather3A_1776 = tpu.vector_load_idx %arg15[%get3A_1775] : memref<20480xi32, #tpu.memory_space<vmem>>[vector<16xi32>], vector<16xi32>,
        %add3A_1777 = arith.constant 10240 : i32
        %add3A_1778 = vector.broadcast %add3A_1777 : i32 to vector<16xi32>
        %add3A_1779 = arith.addi %get3A_1775, %add3A_1778 : vector<16xi32>
        %gather3A_1780 = tpu.vector_load_idx %arg15[%add3A_1779] : memref<20480xi32, #tpu.memory_space<vmem>>[vector<16xi32>], vector<16xi32>,
        %get3A_1781 = arith.constant 12 : i32
        %get3A_1782 = arith.index_cast %get3A_1781 : i32 to index
        %get3A_1783 = arith.index_cast %mul3A_138 : i32 to index
        %get3A_1784 = tpu.vector_load %arg19[%get3A_1782, %get3A_1783] {strides = array<i32>} : memref<16x320xf32, #tpu.memory_space<vmem>>, vector<16xf32>,
        %shift_left3A_1785 = arith.constant 16 : i32
        %shift_left3A_1786 = vector.broadcast %shift_left3A_1785 : i32 to vector<16xi32>
        %shift_left3A_1787 = arith.shli %gather3A_1776, %shift_left3A_1786 : vector<16xi32>
        %bitcast3A_1788 = vector.bitcast %shift_left3A_1787 : vector<16xi32> to vector<16xf32>
        %and3A_1789 = arith.constant -65536 : i32
        %and3A_1790 = vector.broadcast %and3A_1789 : i32 to vector<16xi32>
        %and3A_1791 = arith.andi %gather3A_1776, %and3A_1790 : vector<16xi32>
        %bitcast3A_1792 = vector.bitcast %and3A_1791 : vector<16xi32> to vector<16xf32>
        %shift_left3A_1793 = arith.constant 16 : i32
        %shift_left3A_1794 = vector.broadcast %shift_left3A_1793 : i32 to vector<16xi32>
        %shift_left3A_1795 = arith.shli %gather3A_1780, %shift_left3A_1794 : vector<16xi32>
        %bitcast3A_1796 = vector.bitcast %shift_left3A_1795 : vector<16xi32> to vector<16xf32>
        %and3A_1797 = arith.constant -65536 : i32
        %and3A_1798 = vector.broadcast %and3A_1797 : i32 to vector<16xi32>
        %and3A_1799 = arith.andi %gather3A_1780, %and3A_1798 : vector<16xi32>
        %bitcast3A_1800 = vector.bitcast %and3A_1799 : vector<16xi32> to vector<16xf32>
        %mul3A_1801 = arith.mulf %get3A_1784, %bitcast3A_1788 : vector<16xf32>
        %add3A_1802 = arith.addf %add3A_1765, %mul3A_1801 : vector<16xf32>
        %mul3A_1803 = arith.mulf %get3A_1784, %bitcast3A_1792 : vector<16xf32>
        %add3A_1804 = arith.addf %add3A_1767, %mul3A_1803 : vector<16xf32>
        %mul3A_1805 = arith.mulf %get3A_1784, %bitcast3A_1796 : vector<16xf32>
        %add3A_1806 = arith.addf %add3A_1769, %mul3A_1805 : vector<16xf32>
        %mul3A_1807 = arith.mulf %get3A_1784, %bitcast3A_1800 : vector<16xf32>
        %add3A_1808 = arith.addf %add3A_1771, %mul3A_1807 : vector<16xf32>
        %add3A_1809 = arith.constant 416 : i32
        %add3A_1810 = arith.addi %add3A_1331, %add3A_1809 : i32
        %get3A_1811 = arith.index_cast %add3A_1810 : i32 to index
        %get3A_1812 = tpu.vector_load %arg13[%get3A_1811] {strides = array<i32>} : memref<5120xi32, #tpu.memory_space<vmem>>, vector<16xi32>,
        %gather3A_1813 = tpu.vector_load_idx %arg15[%get3A_1812] : memref<20480xi32, #tpu.memory_space<vmem>>[vector<16xi32>], vector<16xi32>,
        %add3A_1814 = arith.constant 10240 : i32
        %add3A_1815 = vector.broadcast %add3A_1814 : i32 to vector<16xi32>
        %add3A_1816 = arith.addi %get3A_1812, %add3A_1815 : vector<16xi32>
        %gather3A_1817 = tpu.vector_load_idx %arg15[%add3A_1816] : memref<20480xi32, #tpu.memory_space<vmem>>[vector<16xi32>], vector<16xi32>,
        %get3A_1818 = arith.constant 13 : i32
        %get3A_1819 = arith.index_cast %get3A_1818 : i32 to index
        %get3A_1820 = arith.index_cast %mul3A_138 : i32 to index
        %get3A_1821 = tpu.vector_load %arg19[%get3A_1819, %get3A_1820] {strides = array<i32>} : memref<16x320xf32, #tpu.memory_space<vmem>>, vector<16xf32>,
        %shift_left3A_1822 = arith.constant 16 : i32
        %shift_left3A_1823 = vector.broadcast %shift_left3A_1822 : i32 to vector<16xi32>
        %shift_left3A_1824 = arith.shli %gather3A_1813, %shift_left3A_1823 : vector<16xi32>
        %bitcast3A_1825 = vector.bitcast %shift_left3A_1824 : vector<16xi32> to vector<16xf32>
        %and3A_1826 = arith.constant -65536 : i32
        %and3A_1827 = vector.broadcast %and3A_1826 : i32 to vector<16xi32>
        %and3A_1828 = arith.andi %gather3A_1813, %and3A_1827 : vector<16xi32>
        %bitcast3A_1829 = vector.bitcast %and3A_1828 : vector<16xi32> to vector<16xf32>
        %shift_left3A_1830 = arith.constant 16 : i32
        %shift_left3A_1831 = vector.broadcast %shift_left3A_1830 : i32 to vector<16xi32>
        %shift_left3A_1832 = arith.shli %gather3A_1817, %shift_left3A_1831 : vector<16xi32>
        %bitcast3A_1833 = vector.bitcast %shift_left3A_1832 : vector<16xi32> to vector<16xf32>
        %and3A_1834 = arith.constant -65536 : i32
        %and3A_1835 = vector.broadcast %and3A_1834 : i32 to vector<16xi32>
        %and3A_1836 = arith.andi %gather3A_1817, %and3A_1835 : vector<16xi32>
        %bitcast3A_1837 = vector.bitcast %and3A_1836 : vector<16xi32> to vector<16xf32>
        %mul3A_1838 = arith.mulf %get3A_1821, %bitcast3A_1825 : vector<16xf32>
        %add3A_1839 = arith.addf %add3A_1802, %mul3A_1838 : vector<16xf32>
        %mul3A_1840 = arith.mulf %get3A_1821, %bitcast3A_1829 : vector<16xf32>
        %add3A_1841 = arith.addf %add3A_1804, %mul3A_1840 : vector<16xf32>
        %mul3A_1842 = arith.mulf %get3A_1821, %bitcast3A_1833 : vector<16xf32>
        %add3A_1843 = arith.addf %add3A_1806, %mul3A_1842 : vector<16xf32>
        %mul3A_1844 = arith.mulf %get3A_1821, %bitcast3A_1837 : vector<16xf32>
        %add3A_1845 = arith.addf %add3A_1808, %mul3A_1844 : vector<16xf32>
        %add3A_1846 = arith.constant 448 : i32
        %add3A_1847 = arith.addi %add3A_1331, %add3A_1846 : i32
        %get3A_1848 = arith.index_cast %add3A_1847 : i32 to index
        %get3A_1849 = tpu.vector_load %arg13[%get3A_1848] {strides = array<i32>} : memref<5120xi32, #tpu.memory_space<vmem>>, vector<16xi32>,
        %gather3A_1850 = tpu.vector_load_idx %arg15[%get3A_1849] : memref<20480xi32, #tpu.memory_space<vmem>>[vector<16xi32>], vector<16xi32>,
        %add3A_1851 = arith.constant 10240 : i32
        %add3A_1852 = vector.broadcast %add3A_1851 : i32 to vector<16xi32>
        %add3A_1853 = arith.addi %get3A_1849, %add3A_1852 : vector<16xi32>
        %gather3A_1854 = tpu.vector_load_idx %arg15[%add3A_1853] : memref<20480xi32, #tpu.memory_space<vmem>>[vector<16xi32>], vector<16xi32>,
        %get3A_1855 = arith.constant 14 : i32
        %get3A_1856 = arith.index_cast %get3A_1855 : i32 to index
        %get3A_1857 = arith.index_cast %mul3A_138 : i32 to index
        %get3A_1858 = tpu.vector_load %arg19[%get3A_1856, %get3A_1857] {strides = array<i32>} : memref<16x320xf32, #tpu.memory_space<vmem>>, vector<16xf32>,
        %shift_left3A_1859 = arith.constant 16 : i32
        %shift_left3A_1860 = vector.broadcast %shift_left3A_1859 : i32 to vector<16xi32>
        %shift_left3A_1861 = arith.shli %gather3A_1850, %shift_left3A_1860 : vector<16xi32>
        %bitcast3A_1862 = vector.bitcast %shift_left3A_1861 : vector<16xi32> to vector<16xf32>
        %and3A_1863 = arith.constant -65536 : i32
        %and3A_1864 = vector.broadcast %and3A_1863 : i32 to vector<16xi32>
        %and3A_1865 = arith.andi %gather3A_1850, %and3A_1864 : vector<16xi32>
        %bitcast3A_1866 = vector.bitcast %and3A_1865 : vector<16xi32> to vector<16xf32>
        %shift_left3A_1867 = arith.constant 16 : i32
        %shift_left3A_1868 = vector.broadcast %shift_left3A_1867 : i32 to vector<16xi32>
        %shift_left3A_1869 = arith.shli %gather3A_1854, %shift_left3A_1868 : vector<16xi32>
        %bitcast3A_1870 = vector.bitcast %shift_left3A_1869 : vector<16xi32> to vector<16xf32>
        %and3A_1871 = arith.constant -65536 : i32
        %and3A_1872 = vector.broadcast %and3A_1871 : i32 to vector<16xi32>
        %and3A_1873 = arith.andi %gather3A_1854, %and3A_1872 : vector<16xi32>
        %bitcast3A_1874 = vector.bitcast %and3A_1873 : vector<16xi32> to vector<16xf32>
        %mul3A_1875 = arith.mulf %get3A_1858, %bitcast3A_1862 : vector<16xf32>
        %add3A_1876 = arith.addf %add3A_1839, %mul3A_1875 : vector<16xf32>
        %mul3A_1877 = arith.mulf %get3A_1858, %bitcast3A_1866 : vector<16xf32>
        %add3A_1878 = arith.addf %add3A_1841, %mul3A_1877 : vector<16xf32>
        %mul3A_1879 = arith.mulf %get3A_1858, %bitcast3A_1870 : vector<16xf32>
        %add3A_1880 = arith.addf %add3A_1843, %mul3A_1879 : vector<16xf32>
        %mul3A_1881 = arith.mulf %get3A_1858, %bitcast3A_1874 : vector<16xf32>
        %add3A_1882 = arith.addf %add3A_1845, %mul3A_1881 : vector<16xf32>
        %add3A_1883 = arith.constant 480 : i32
        %add3A_1884 = arith.addi %add3A_1331, %add3A_1883 : i32
        %get3A_1885 = arith.index_cast %add3A_1884 : i32 to index
        %get3A_1886 = tpu.vector_load %arg13[%get3A_1885] {strides = array<i32>} : memref<5120xi32, #tpu.memory_space<vmem>>, vector<16xi32>,
        %gather3A_1887 = tpu.vector_load_idx %arg15[%get3A_1886] : memref<20480xi32, #tpu.memory_space<vmem>>[vector<16xi32>], vector<16xi32>,
        %add3A_1888 = arith.constant 10240 : i32
        %add3A_1889 = vector.broadcast %add3A_1888 : i32 to vector<16xi32>
        %add3A_1890 = arith.addi %get3A_1886, %add3A_1889 : vector<16xi32>
        %gather3A_1891 = tpu.vector_load_idx %arg15[%add3A_1890] : memref<20480xi32, #tpu.memory_space<vmem>>[vector<16xi32>], vector<16xi32>,
        %get3A_1892 = arith.constant 15 : i32
        %get3A_1893 = arith.index_cast %get3A_1892 : i32 to index
        %get3A_1894 = arith.index_cast %mul3A_138 : i32 to index
        %get3A_1895 = tpu.vector_load %arg19[%get3A_1893, %get3A_1894] {strides = array<i32>} : memref<16x320xf32, #tpu.memory_space<vmem>>, vector<16xf32>,
        %shift_left3A_1896 = arith.constant 16 : i32
        %shift_left3A_1897 = vector.broadcast %shift_left3A_1896 : i32 to vector<16xi32>
        %shift_left3A_1898 = arith.shli %gather3A_1887, %shift_left3A_1897 : vector<16xi32>
        %bitcast3A_1899 = vector.bitcast %shift_left3A_1898 : vector<16xi32> to vector<16xf32>
        %and3A_1900 = arith.constant -65536 : i32
        %and3A_1901 = vector.broadcast %and3A_1900 : i32 to vector<16xi32>
        %and3A_1902 = arith.andi %gather3A_1887, %and3A_1901 : vector<16xi32>
        %bitcast3A_1903 = vector.bitcast %and3A_1902 : vector<16xi32> to vector<16xf32>
        %shift_left3A_1904 = arith.constant 16 : i32
        %shift_left3A_1905 = vector.broadcast %shift_left3A_1904 : i32 to vector<16xi32>
        %shift_left3A_1906 = arith.shli %gather3A_1891, %shift_left3A_1905 : vector<16xi32>
        %bitcast3A_1907 = vector.bitcast %shift_left3A_1906 : vector<16xi32> to vector<16xf32>
        %and3A_1908 = arith.constant -65536 : i32
        %and3A_1909 = vector.broadcast %and3A_1908 : i32 to vector<16xi32>
        %and3A_1910 = arith.andi %gather3A_1891, %and3A_1909 : vector<16xi32>
        %bitcast3A_1911 = vector.bitcast %and3A_1910 : vector<16xi32> to vector<16xf32>
        %mul3A_1912 = arith.mulf %get3A_1895, %bitcast3A_1899 : vector<16xf32>
        %add3A_1913 = arith.addf %add3A_1876, %mul3A_1912 : vector<16xf32>
        %mul3A_1914 = arith.mulf %get3A_1895, %bitcast3A_1903 : vector<16xf32>
        %add3A_1915 = arith.addf %add3A_1878, %mul3A_1914 : vector<16xf32>
        %mul3A_1916 = arith.mulf %get3A_1895, %bitcast3A_1907 : vector<16xf32>
        %add3A_1917 = arith.addf %add3A_1880, %mul3A_1916 : vector<16xf32>
        %mul3A_1918 = arith.mulf %get3A_1895, %bitcast3A_1911 : vector<16xf32>
        %add3A_1919 = arith.addf %add3A_1882, %mul3A_1918 : vector<16xf32>
        %neg3A = arith.constant 0.000000e+00 : f32
        %neg3A_1920 = vector.broadcast %neg3A : f32 to vector<16xf32>
        %neg3A_1921 = arith.subf %neg3A_1920, %add3A_1317 : vector<16xf32>
        %exp3A = math.exp %neg3A_1921 : vector<16xf32>
        %add3A_1922 = arith.constant 1.000000e+00 : f32
        %add3A_1923 = vector.broadcast %add3A_1922 : f32 to vector<16xf32>
        %add3A_1924 = arith.addf %add3A_1923, %exp3A : vector<16xf32>
        %div3A = arith.constant 1.000000e+00 : f32
        %div3A_1925 = vector.broadcast %div3A : f32 to vector<16xf32>
        %div3A_1926 = arith.divf %div3A_1925, %add3A_1924 : vector<16xf32>
        %neg3A_1927 = arith.constant 0.000000e+00 : f32
        %neg3A_1928 = vector.broadcast %neg3A_1927 : f32 to vector<16xf32>
        %neg3A_1929 = arith.subf %neg3A_1928, %add3A_1913 : vector<16xf32>
        %exp3A_1930 = math.exp %neg3A_1929 : vector<16xf32>
        %add3A_1931 = arith.constant 1.000000e+00 : f32
        %add3A_1932 = vector.broadcast %add3A_1931 : f32 to vector<16xf32>
        %add3A_1933 = arith.addf %add3A_1932, %exp3A_1930 : vector<16xf32>
        %div3A_1934 = arith.constant 1.000000e+00 : f32
        %div3A_1935 = vector.broadcast %div3A_1934 : f32 to vector<16xf32>
        %div3A_1936 = arith.divf %div3A_1935, %add3A_1933 : vector<16xf32>
        %add3A_1937 = arith.addf %div3A_1926, %div3A_1936 : vector<16xf32>
        %mul3A_1938 = arith.constant 5.000000e-01 : f32
        %mul3A_1939 = vector.broadcast %mul3A_1938 : f32 to vector<16xf32>
        %mul3A_1940 = arith.mulf %mul3A_1939, %add3A_1937 : vector<16xf32>
        %add3A_1941 = arith.constant 0 : i32
        %add3A_1942 = vector.broadcast %add3A_1941 : i32 to vector<16xi32>
        %add3A_1943 = arith.addi %add3A_1942, %add3A_140 : vector<16xi32>
        tpu.vector_store_idx %arg20[%add3A_1943], %mul3A_1940 : memref<1280xf32, #tpu.memory_space<vmem>>[vector<16xi32>], vector<16xf32>,
        %neg3A_1944 = arith.constant 0.000000e+00 : f32
        %neg3A_1945 = vector.broadcast %neg3A_1944 : f32 to vector<16xf32>
        %neg3A_1946 = arith.subf %neg3A_1945, %add3A_1319 : vector<16xf32>
        %exp3A_1947 = math.exp %neg3A_1946 : vector<16xf32>
        %add3A_1948 = arith.constant 1.000000e+00 : f32
        %add3A_1949 = vector.broadcast %add3A_1948 : f32 to vector<16xf32>
        %add3A_1950 = arith.addf %add3A_1949, %exp3A_1947 : vector<16xf32>
        %div3A_1951 = arith.constant 1.000000e+00 : f32
        %div3A_1952 = vector.broadcast %div3A_1951 : f32 to vector<16xf32>
        %div3A_1953 = arith.divf %div3A_1952, %add3A_1950 : vector<16xf32>
        %neg3A_1954 = arith.constant 0.000000e+00 : f32
        %neg3A_1955 = vector.broadcast %neg3A_1954 : f32 to vector<16xf32>
        %neg3A_1956 = arith.subf %neg3A_1955, %add3A_1915 : vector<16xf32>
        %exp3A_1957 = math.exp %neg3A_1956 : vector<16xf32>
        %add3A_1958 = arith.constant 1.000000e+00 : f32
        %add3A_1959 = vector.broadcast %add3A_1958 : f32 to vector<16xf32>
        %add3A_1960 = arith.addf %add3A_1959, %exp3A_1957 : vector<16xf32>
        %div3A_1961 = arith.constant 1.000000e+00 : f32
        %div3A_1962 = vector.broadcast %div3A_1961 : f32 to vector<16xf32>
        %div3A_1963 = arith.divf %div3A_1962, %add3A_1960 : vector<16xf32>
        %add3A_1964 = arith.addf %div3A_1953, %div3A_1963 : vector<16xf32>
        %mul3A_1965 = arith.constant 5.000000e-01 : f32
        %mul3A_1966 = vector.broadcast %mul3A_1965 : f32 to vector<16xf32>
        %mul3A_1967 = arith.mulf %mul3A_1966, %add3A_1964 : vector<16xf32>
        %add3A_1968 = arith.constant 320 : i32
        %add3A_1969 = vector.broadcast %add3A_1968 : i32 to vector<16xi32>
        %add3A_1970 = arith.addi %add3A_1969, %add3A_140 : vector<16xi32>
        tpu.vector_store_idx %arg20[%add3A_1970], %mul3A_1967 : memref<1280xf32, #tpu.memory_space<vmem>>[vector<16xi32>], vector<16xf32>,
        %neg3A_1971 = arith.constant 0.000000e+00 : f32
        %neg3A_1972 = vector.broadcast %neg3A_1971 : f32 to vector<16xf32>
        %neg3A_1973 = arith.subf %neg3A_1972, %add3A_1321 : vector<16xf32>
        %exp3A_1974 = math.exp %neg3A_1973 : vector<16xf32>
        %add3A_1975 = arith.constant 1.000000e+00 : f32
        %add3A_1976 = vector.broadcast %add3A_1975 : f32 to vector<16xf32>
        %add3A_1977 = arith.addf %add3A_1976, %exp3A_1974 : vector<16xf32>
        %div3A_1978 = arith.constant 1.000000e+00 : f32
        %div3A_1979 = vector.broadcast %div3A_1978 : f32 to vector<16xf32>
        %div3A_1980 = arith.divf %div3A_1979, %add3A_1977 : vector<16xf32>
        %neg3A_1981 = arith.constant 0.000000e+00 : f32
        %neg3A_1982 = vector.broadcast %neg3A_1981 : f32 to vector<16xf32>
        %neg3A_1983 = arith.subf %neg3A_1982, %add3A_1917 : vector<16xf32>
        %exp3A_1984 = math.exp %neg3A_1983 : vector<16xf32>
        %add3A_1985 = arith.constant 1.000000e+00 : f32
        %add3A_1986 = vector.broadcast %add3A_1985 : f32 to vector<16xf32>
        %add3A_1987 = arith.addf %add3A_1986, %exp3A_1984 : vector<16xf32>
        %div3A_1988 = arith.constant 1.000000e+00 : f32
        %div3A_1989 = vector.broadcast %div3A_1988 : f32 to vector<16xf32>
        %div3A_1990 = arith.divf %div3A_1989, %add3A_1987 : vector<16xf32>
        %add3A_1991 = arith.addf %div3A_1980, %div3A_1990 : vector<16xf32>
        %mul3A_1992 = arith.constant 5.000000e-01 : f32
        %mul3A_1993 = vector.broadcast %mul3A_1992 : f32 to vector<16xf32>
        %mul3A_1994 = arith.mulf %mul3A_1993, %add3A_1991 : vector<16xf32>
        %add3A_1995 = arith.constant 640 : i32
        %add3A_1996 = vector.broadcast %add3A_1995 : i32 to vector<16xi32>
        %add3A_1997 = arith.addi %add3A_1996, %add3A_140 : vector<16xi32>
        tpu.vector_store_idx %arg20[%add3A_1997], %mul3A_1994 : memref<1280xf32, #tpu.memory_space<vmem>>[vector<16xi32>], vector<16xf32>,
        %neg3A_1998 = arith.constant 0.000000e+00 : f32
        %neg3A_1999 = vector.broadcast %neg3A_1998 : f32 to vector<16xf32>
        %neg3A_2000 = arith.subf %neg3A_1999, %add3A_1323 : vector<16xf32>
        %exp3A_2001 = math.exp %neg3A_2000 : vector<16xf32>
        %add3A_2002 = arith.constant 1.000000e+00 : f32
        %add3A_2003 = vector.broadcast %add3A_2002 : f32 to vector<16xf32>
        %add3A_2004 = arith.addf %add3A_2003, %exp3A_2001 : vector<16xf32>
        %div3A_2005 = arith.constant 1.000000e+00 : f32
        %div3A_2006 = vector.broadcast %div3A_2005 : f32 to vector<16xf32>
        %div3A_2007 = arith.divf %div3A_2006, %add3A_2004 : vector<16xf32>
        %neg3A_2008 = arith.constant 0.000000e+00 : f32
        %neg3A_2009 = vector.broadcast %neg3A_2008 : f32 to vector<16xf32>
        %neg3A_2010 = arith.subf %neg3A_2009, %add3A_1919 : vector<16xf32>
        %exp3A_2011 = math.exp %neg3A_2010 : vector<16xf32>
        %add3A_2012 = arith.constant 1.000000e+00 : f32
        %add3A_2013 = vector.broadcast %add3A_2012 : f32 to vector<16xf32>
        %add3A_2014 = arith.addf %add3A_2013, %exp3A_2011 : vector<16xf32>
        %div3A_2015 = arith.constant 1.000000e+00 : f32
        %div3A_2016 = vector.broadcast %div3A_2015 : f32 to vector<16xf32>
        %div3A_2017 = arith.divf %div3A_2016, %add3A_2014 : vector<16xf32>
        %add3A_2018 = arith.addf %div3A_2007, %div3A_2017 : vector<16xf32>
        %mul3A_2019 = arith.constant 5.000000e-01 : f32
        %mul3A_2020 = vector.broadcast %mul3A_2019 : f32 to vector<16xf32>
        %mul3A_2021 = arith.mulf %mul3A_2020, %add3A_2018 : vector<16xf32>
        %add3A_2022 = arith.constant 960 : i32
        %add3A_2023 = vector.broadcast %add3A_2022 : i32 to vector<16xi32>
        %add3A_2024 = arith.addi %add3A_2023, %add3A_140 : vector<16xi32>
        tpu.vector_store_idx %arg20[%add3A_2024], %mul3A_2021 : memref<1280xf32, #tpu.memory_space<vmem>>[vector<16xi32>], vector<16xf32>,
      }
      %scan3A_54 = arith.constant 20 : i32
      %mul3A_55 = arith.constant 4 : i32
      %mul3A_56 = arith.muli %mul3A_55, %mul3A_37 : i32
      %add3A_57 = arith.constant 0 : i32
      %add3A_58 = arith.addi %mul3A_56, %add3A_57 : i32
      %mul3A_59 = arith.constant 10240 : i32
      %mul3A_60 = arith.muli %add3A_58, %mul3A_59 : i32
      %add3A_61 = arith.addi %mul3A_60, %mul3A_2 : i32
      "tpu.region"() ({
        %run_scoped3A = tpu.sem_alloc : memref<!tpu.dma_semaphore, #tpu.memory_space<semaphore_mem>>
        %dma_start3A_136 = arith.constant 0 : i32
        %dma_start3A_137 = tpu.memref_slice %arg20[%dma_start3A_136] : memref<1280xf32, #tpu.memory_space<vmem>> -> memref<320xf32, #tpu.memory_space<vmem>>
        %dma_start3A_138 = tpu.memref_slice %arg8[%add3A_61] : memref<327680xf32, #tpu.memory_space<hbm>> -> memref<320xf32, #tpu.memory_space<hbm>>
        %dma_start3A_139 = tpu.memref_slice %arg8[%add3A_61] : memref<327680xf32, #tpu.memory_space<hbm>> -> memref<320xf32, #tpu.memory_space<hbm>>
        %dma_start3A_140 = arith.constant 0 : i32
        %dma_start3A_141 = tpu.memref_slice %arg20[%dma_start3A_140] : memref<1280xf32, #tpu.memory_space<vmem>> -> memref<320xf32, #tpu.memory_space<vmem>>
        tpu.enqueue_dma source(%dma_start3A_141 : memref<320xf32, #tpu.memory_space<vmem>>) target(%dma_start3A_139 : memref<320xf32, #tpu.memory_space<hbm>>) target_semaphore(%run_scoped3A : memref<!tpu.dma_semaphore, #tpu.memory_space<semaphore_mem>>)
        %dma_wait3A_142 = arith.constant 0 : i32
        %dma_wait3A_143 = tpu.memref_slice %arg20[%dma_wait3A_142] : memref<1280xf32, #tpu.memory_space<vmem>> -> memref<320xf32, #tpu.memory_space<vmem>>
        %dma_wait3A_144 = tpu.memref_slice %arg8[%add3A_61] : memref<327680xf32, #tpu.memory_space<hbm>> -> memref<320xf32, #tpu.memory_space<hbm>>
        %dma_wait3A_145 = tpu.memref_slice %arg8[%add3A_61] : memref<327680xf32, #tpu.memory_space<hbm>> -> memref<320xf32, #tpu.memory_space<hbm>>
        %dma_wait3A_146 = arith.constant 0 : i32
        %dma_wait3A_147 = tpu.memref_slice %arg20[%dma_wait3A_146] : memref<1280xf32, #tpu.memory_space<vmem>> -> memref<320xf32, #tpu.memory_space<vmem>>
        tpu.wait_dma2 semaphore(%run_scoped3A : memref<!tpu.dma_semaphore, #tpu.memory_space<semaphore_mem>>) src(%dma_wait3A_147 : memref<320xf32, #tpu.memory_space<vmem>>) dst(%dma_wait3A_145 : memref<320xf32, #tpu.memory_space<hbm>>)
        tpu.yield
      }) : () -> ()
      %mul3A_62 = arith.constant 4 : i32
      %mul3A_63 = arith.muli %mul3A_62, %mul3A_37 : i32
      %add3A_64 = arith.constant 1 : i32
      %add3A_65 = arith.addi %mul3A_63, %add3A_64 : i32
      %mul3A_66 = arith.constant 10240 : i32
      %mul3A_67 = arith.muli %add3A_65, %mul3A_66 : i32
      %add3A_68 = arith.addi %mul3A_67, %mul3A_2 : i32
      "tpu.region"() ({
        %run_scoped3A = tpu.sem_alloc : memref<!tpu.dma_semaphore, #tpu.memory_space<semaphore_mem>>
        %dma_start3A_136 = arith.constant 320 : i32
        %dma_start3A_137 = tpu.memref_slice %arg20[%dma_start3A_136] : memref<1280xf32, #tpu.memory_space<vmem>> -> memref<320xf32, #tpu.memory_space<vmem>>
        %dma_start3A_138 = tpu.memref_slice %arg8[%add3A_68] : memref<327680xf32, #tpu.memory_space<hbm>> -> memref<320xf32, #tpu.memory_space<hbm>>
        %dma_start3A_139 = tpu.memref_slice %arg8[%add3A_68] : memref<327680xf32, #tpu.memory_space<hbm>> -> memref<320xf32, #tpu.memory_space<hbm>>
        %dma_start3A_140 = arith.constant 320 : i32
        %dma_start3A_141 = tpu.memref_slice %arg20[%dma_start3A_140] : memref<1280xf32, #tpu.memory_space<vmem>> -> memref<320xf32, #tpu.memory_space<vmem>>
        tpu.enqueue_dma source(%dma_start3A_141 : memref<320xf32, #tpu.memory_space<vmem>>) target(%dma_start3A_139 : memref<320xf32, #tpu.memory_space<hbm>>) target_semaphore(%run_scoped3A : memref<!tpu.dma_semaphore, #tpu.memory_space<semaphore_mem>>)
        %dma_wait3A_142 = arith.constant 320 : i32
        %dma_wait3A_143 = tpu.memref_slice %arg20[%dma_wait3A_142] : memref<1280xf32, #tpu.memory_space<vmem>> -> memref<320xf32, #tpu.memory_space<vmem>>
        %dma_wait3A_144 = tpu.memref_slice %arg8[%add3A_68] : memref<327680xf32, #tpu.memory_space<hbm>> -> memref<320xf32, #tpu.memory_space<hbm>>
        %dma_wait3A_145 = tpu.memref_slice %arg8[%add3A_68] : memref<327680xf32, #tpu.memory_space<hbm>> -> memref<320xf32, #tpu.memory_space<hbm>>
        %dma_wait3A_146 = arith.constant 320 : i32
        %dma_wait3A_147 = tpu.memref_slice %arg20[%dma_wait3A_146] : memref<1280xf32, #tpu.memory_space<vmem>> -> memref<320xf32, #tpu.memory_space<vmem>>
        tpu.wait_dma2 semaphore(%run_scoped3A : memref<!tpu.dma_semaphore, #tpu.memory_space<semaphore_mem>>) src(%dma_wait3A_147 : memref<320xf32, #tpu.memory_space<vmem>>) dst(%dma_wait3A_145 : memref<320xf32, #tpu.memory_space<hbm>>)
        tpu.yield
      }) : () -> ()
      %mul3A_69 = arith.constant 4 : i32
      %mul3A_70 = arith.muli %mul3A_69, %mul3A_37 : i32
      %add3A_71 = arith.constant 2 : i32
      %add3A_72 = arith.addi %mul3A_70, %add3A_71 : i32
      %mul3A_73 = arith.constant 10240 : i32
      %mul3A_74 = arith.muli %add3A_72, %mul3A_73 : i32
      %add3A_75 = arith.addi %mul3A_74, %mul3A_2 : i32
      "tpu.region"() ({
        %run_scoped3A = tpu.sem_alloc : memref<!tpu.dma_semaphore, #tpu.memory_space<semaphore_mem>>
        %dma_start3A_136 = arith.constant 640 : i32
        %dma_start3A_137 = tpu.memref_slice %arg20[%dma_start3A_136] : memref<1280xf32, #tpu.memory_space<vmem>> -> memref<320xf32, #tpu.memory_space<vmem>>
        %dma_start3A_138 = tpu.memref_slice %arg8[%add3A_75] : memref<327680xf32, #tpu.memory_space<hbm>> -> memref<320xf32, #tpu.memory_space<hbm>>
        %dma_start3A_139 = tpu.memref_slice %arg8[%add3A_75] : memref<327680xf32, #tpu.memory_space<hbm>> -> memref<320xf32, #tpu.memory_space<hbm>>
        %dma_start3A_140 = arith.constant 640 : i32
        %dma_start3A_141 = tpu.memref_slice %arg20[%dma_start3A_140] : memref<1280xf32, #tpu.memory_space<vmem>> -> memref<320xf32, #tpu.memory_space<vmem>>
        tpu.enqueue_dma source(%dma_start3A_141 : memref<320xf32, #tpu.memory_space<vmem>>) target(%dma_start3A_139 : memref<320xf32, #tpu.memory_space<hbm>>) target_semaphore(%run_scoped3A : memref<!tpu.dma_semaphore, #tpu.memory_space<semaphore_mem>>)
        %dma_wait3A_142 = arith.constant 640 : i32
        %dma_wait3A_143 = tpu.memref_slice %arg20[%dma_wait3A_142] : memref<1280xf32, #tpu.memory_space<vmem>> -> memref<320xf32, #tpu.memory_space<vmem>>
        %dma_wait3A_144 = tpu.memref_slice %arg8[%add3A_75] : memref<327680xf32, #tpu.memory_space<hbm>> -> memref<320xf32, #tpu.memory_space<hbm>>
        %dma_wait3A_145 = tpu.memref_slice %arg8[%add3A_75] : memref<327680xf32, #tpu.memory_space<hbm>> -> memref<320xf32, #tpu.memory_space<hbm>>
        %dma_wait3A_146 = arith.constant 640 : i32
        %dma_wait3A_147 = tpu.memref_slice %arg20[%dma_wait3A_146] : memref<1280xf32, #tpu.memory_space<vmem>> -> memref<320xf32, #tpu.memory_space<vmem>>
        tpu.wait_dma2 semaphore(%run_scoped3A : memref<!tpu.dma_semaphore, #tpu.memory_space<semaphore_mem>>) src(%dma_wait3A_147 : memref<320xf32, #tpu.memory_space<vmem>>) dst(%dma_wait3A_145 : memref<320xf32, #tpu.memory_space<hbm>>)
        tpu.yield
      }) : () -> ()
      %mul3A_76 = arith.constant 4 : i32
      %mul3A_77 = arith.muli %mul3A_76, %mul3A_37 : i32
      %add3A_78 = arith.constant 3 : i32
      %add3A_79 = arith.addi %mul3A_77, %add3A_78 : i32
      %mul3A_80 = arith.constant 10240 : i32
      %mul3A_81 = arith.muli %add3A_79, %mul3A_80 : i32
      %add3A_82 = arith.addi %mul3A_81, %mul3A_2 : i32
      "tpu.region"() ({
        %run_scoped3A = tpu.sem_alloc : memref<!tpu.dma_semaphore, #tpu.memory_space<semaphore_mem>>
        %dma_start3A_136 = arith.constant 960 : i32
        %dma_start3A_137 = tpu.memref_slice %arg20[%dma_start3A_136] : memref<1280xf32, #tpu.memory_space<vmem>> -> memref<320xf32, #tpu.memory_space<vmem>>
        %dma_start3A_138 = tpu.memref_slice %arg8[%add3A_82] : memref<327680xf32, #tpu.memory_space<hbm>> -> memref<320xf32, #tpu.memory_space<hbm>>
        %dma_start3A_139 = tpu.memref_slice %arg8[%add3A_82] : memref<327680xf32, #tpu.memory_space<hbm>> -> memref<320xf32, #tpu.memory_space<hbm>>
        %dma_start3A_140 = arith.constant 960 : i32
        %dma_start3A_141 = tpu.memref_slice %arg20[%dma_start3A_140] : memref<1280xf32, #tpu.memory_space<vmem>> -> memref<320xf32, #tpu.memory_space<vmem>>
        tpu.enqueue_dma source(%dma_start3A_141 : memref<320xf32, #tpu.memory_space<vmem>>) target(%dma_start3A_139 : memref<320xf32, #tpu.memory_space<hbm>>) target_semaphore(%run_scoped3A : memref<!tpu.dma_semaphore, #tpu.memory_space<semaphore_mem>>)
        %dma_wait3A_142 = arith.constant 960 : i32
        %dma_wait3A_143 = tpu.memref_slice %arg20[%dma_wait3A_142] : memref<1280xf32, #tpu.memory_space<vmem>> -> memref<320xf32, #tpu.memory_space<vmem>>
        %dma_wait3A_144 = tpu.memref_slice %arg8[%add3A_82] : memref<327680xf32, #tpu.memory_space<hbm>> -> memref<320xf32, #tpu.memory_space<hbm>>
        %dma_wait3A_145 = tpu.memref_slice %arg8[%add3A_82] : memref<327680xf32, #tpu.memory_space<hbm>> -> memref<320xf32, #tpu.memory_space<hbm>>
        %dma_wait3A_146 = arith.constant 960 : i32
        %dma_wait3A_147 = tpu.memref_slice %arg20[%dma_wait3A_146] : memref<1280xf32, #tpu.memory_space<vmem>> -> memref<320xf32, #tpu.memory_space<vmem>>
        tpu.wait_dma2 semaphore(%run_scoped3A : memref<!tpu.dma_semaphore, #tpu.memory_space<semaphore_mem>>) src(%dma_wait3A_147 : memref<320xf32, #tpu.memory_space<vmem>>) dst(%dma_wait3A_145 : memref<320xf32, #tpu.memory_space<hbm>>)
        tpu.yield
      }) : () -> ()
      %add3A_83 = arith.constant 1 : i32
      %add3A_84 = arith.addi %scan3A_35, %add3A_83 : i32
      %lt3A = arith.constant 4 : i32
      %lt3A_85 = arith.cmpi slt, %add3A_84, %lt3A : i32
      %convert_element_type3A = arith.extui %lt3A_85 : i1 to i32
      %cond3A = arith.constant 0 : i32
      %cond3A_86 = arith.cmpi ne, %convert_element_type3A, %cond3A : i32
      scf.if %cond3A_86 {
        %add3A_136 = arith.constant 2 : i32
        %add3A_137 = arith.addi %mul3A_37, %add3A_136 : i32
        %mul3A_138 = arith.constant 2 : i32
        %mul3A_139 = arith.muli %mul3A_138, %add3A_137 : i32
        %mul3A_140 = arith.constant 10240 : i32
        %mul3A_141 = arith.muli %mul3A_139, %mul3A_140 : i32
        %dma_start3A_142 = tpu.memref_slice %arg2[%mul3A_141] : memref<163840xi32, #tpu.memory_space<hbm>> -> memref<20480xi32, #tpu.memory_space<hbm>>
        %dma_start3A_143 = tpu.memref_slice %arg2[%mul3A_141] : memref<163840xi32, #tpu.memory_space<hbm>> -> memref<20480xi32, #tpu.memory_space<hbm>>
        tpu.enqueue_dma source(%dma_start3A_143 : memref<20480xi32, #tpu.memory_space<hbm>>) target(%arg14 : memref<20480xi32, #tpu.memory_space<vmem>>) target_semaphore(%arg21 : memref<!tpu.dma_semaphore, #tpu.memory_space<semaphore_mem>>)
        %add3A_144 = arith.constant 2 : i32
        %add3A_145 = arith.addi %mul3A_37, %add3A_144 : i32
        %mul3A_146 = arith.constant 2 : i32
        %mul3A_147 = arith.muli %mul3A_146, %add3A_145 : i32
        %mul3A_148 = arith.constant 10240 : i32
        %mul3A_149 = arith.muli %mul3A_147, %mul3A_148 : i32
        %dma_start3A_150 = tpu.memref_slice %arg3[%mul3A_149] : memref<163840xi32, #tpu.memory_space<hbm>> -> memref<20480xi32, #tpu.memory_space<hbm>>
        %dma_start3A_151 = tpu.memref_slice %arg3[%mul3A_149] : memref<163840xi32, #tpu.memory_space<hbm>> -> memref<20480xi32, #tpu.memory_space<hbm>>
        tpu.enqueue_dma source(%dma_start3A_151 : memref<20480xi32, #tpu.memory_space<hbm>>) target(%arg15 : memref<20480xi32, #tpu.memory_space<vmem>>) target_semaphore(%arg21 : memref<!tpu.dma_semaphore, #tpu.memory_space<semaphore_mem>>)
      } else {
      }
      %dma_wait3A_87 = arith.constant 20480 : i32
      %dma_wait3A_88 = tpu.memref_slice %arg2[%dma_wait3A_87] : memref<163840xi32, #tpu.memory_space<hbm>> -> memref<20480xi32, #tpu.memory_space<hbm>>
      %dma_wait3A_89 = arith.constant 20480 : i32
      %dma_wait3A_90 = tpu.memref_slice %arg2[%dma_wait3A_89] : memref<163840xi32, #tpu.memory_space<hbm>> -> memref<20480xi32, #tpu.memory_space<hbm>>
      tpu.wait_dma2 semaphore(%arg22 : memref<!tpu.dma_semaphore, #tpu.memory_space<semaphore_mem>>) src(%dma_wait3A_90 : memref<20480xi32, #tpu.memory_space<hbm>>) dst(%arg16 : memref<20480xi32, #tpu.memory_space<vmem>>)
      %dma_wait3A_91 = arith.constant 20480 : i32
      %dma_wait3A_92 = tpu.memref_slice %arg3[%dma_wait3A_91] : memref<163840xi32, #tpu.memory_space<hbm>> -> memref<20480xi32, #tpu.memory_space<hbm>>
      %dma_wait3A_93 = arith.constant 20480 : i32
      %dma_wait3A_94 = tpu.memref_slice %arg3[%dma_wait3A_93] : memref<163840xi32, #tpu.memory_space<hbm>> -> memref<20480xi32, #tpu.memory_space<hbm>>
      tpu.wait_dma2 semaphore(%arg22 : memref<!tpu.dma_semaphore, #tpu.memory_space<semaphore_mem>>) src(%dma_wait3A_94 : memref<20480xi32, #tpu.memory_space<hbm>>) dst(%arg17 : memref<20480xi32, #tpu.memory_space<vmem>>)
      %scan3A_95 = arith.constant 0 : i32
      %scan3A_96 = arith.constant 0 : i32
      %scan3A_97 = arith.constant 20 : i32
      %scan3A_98 = arith.addi %scan3A_96, %scan3A_97 : i32
      %scan3A_99 = arith.constant 1 : i32
      scf.for %scan3A_136 = %scan3A_96 to %scan3A_98 step %scan3A_99  : i32 {
        %mul3A_137 = arith.constant 16 : i32
        %mul3A_138 = arith.muli %scan3A_136, %mul3A_137 : i32
        %iota3A = tpu.iota {dimensions = array<i32: 0>} : vector<16xi32>
        %add3A_139 = vector.broadcast %mul3A_138 : i32 to vector<16xi32>
        %add3A_140 = arith.addi %add3A_139, %iota3A : vector<16xi32>
        %get3A = arith.constant 0 : i32
        %get3A_141 = arith.index_cast %get3A : i32 to index
        %get3A_142 = arith.index_cast %mul3A_138 : i32 to index
        %get3A_143 = tpu.vector_load %arg18[%get3A_141, %get3A_142] {strides = array<i32>} : memref<4x320xf32, #tpu.memory_space<vmem>>, vector<16xf32>,
        %get3A_144 = arith.constant 1 : i32
        %get3A_145 = arith.index_cast %get3A_144 : i32 to index
        %get3A_146 = arith.index_cast %mul3A_138 : i32 to index
        %get3A_147 = tpu.vector_load %arg18[%get3A_145, %get3A_146] {strides = array<i32>} : memref<4x320xf32, #tpu.memory_space<vmem>>, vector<16xf32>,
        %get3A_148 = arith.constant 2 : i32
        %get3A_149 = arith.index_cast %get3A_148 : i32 to index
        %get3A_150 = arith.index_cast %mul3A_138 : i32 to index
        %get3A_151 = tpu.vector_load %arg18[%get3A_149, %get3A_150] {strides = array<i32>} : memref<4x320xf32, #tpu.memory_space<vmem>>, vector<16xf32>,
        %get3A_152 = arith.constant 3 : i32
        %get3A_153 = arith.index_cast %get3A_152 : i32 to index
        %get3A_154 = arith.index_cast %mul3A_138 : i32 to index
        %get3A_155 = tpu.vector_load %arg18[%get3A_153, %get3A_154] {strides = array<i32>} : memref<4x320xf32, #tpu.memory_space<vmem>>, vector<16xf32>,
        %add3A_156 = arith.constant 0 : i32
        %add3A_157 = arith.addi %add3A_156, %mul3A_138 : i32
        %get3A_158 = arith.index_cast %add3A_157 : i32 to index
        %get3A_159 = tpu.vector_load %arg12[%get3A_158] {strides = array<i32>} : memref<12800xi32, #tpu.memory_space<vmem>>, vector<16xi32>,
        %gather3A = tpu.vector_load_idx %arg16[%get3A_159] : memref<20480xi32, #tpu.memory_space<vmem>>[vector<16xi32>], vector<16xi32>,
        %add3A_160 = arith.constant 10240 : i32
        %add3A_161 = vector.broadcast %add3A_160 : i32 to vector<16xi32>
        %add3A_162 = arith.addi %get3A_159, %add3A_161 : vector<16xi32>
        %gather3A_163 = tpu.vector_load_idx %arg16[%add3A_162] : memref<20480xi32, #tpu.memory_space<vmem>>[vector<16xi32>], vector<16xi32>,
        %shift_left3A = arith.constant 16 : i32
        %shift_left3A_164 = vector.broadcast %shift_left3A : i32 to vector<16xi32>
        %shift_left3A_165 = arith.shli %gather3A, %shift_left3A_164 : vector<16xi32>
        %bitcast3A = vector.bitcast %shift_left3A_165 : vector<16xi32> to vector<16xf32>
        %and3A = arith.constant -65536 : i32
        %and3A_166 = vector.broadcast %and3A : i32 to vector<16xi32>
        %and3A_167 = arith.andi %gather3A, %and3A_166 : vector<16xi32>
        %bitcast3A_168 = vector.bitcast %and3A_167 : vector<16xi32> to vector<16xf32>
        %shift_left3A_169 = arith.constant 16 : i32
        %shift_left3A_170 = vector.broadcast %shift_left3A_169 : i32 to vector<16xi32>
        %shift_left3A_171 = arith.shli %gather3A_163, %shift_left3A_170 : vector<16xi32>
        %bitcast3A_172 = vector.bitcast %shift_left3A_171 : vector<16xi32> to vector<16xf32>
        %and3A_173 = arith.constant -65536 : i32
        %and3A_174 = vector.broadcast %and3A_173 : i32 to vector<16xi32>
        %and3A_175 = arith.andi %gather3A_163, %and3A_174 : vector<16xi32>
        %bitcast3A_176 = vector.bitcast %and3A_175 : vector<16xi32> to vector<16xf32>
        %add3A_177 = arith.constant 1280 : i32
        %add3A_178 = arith.addi %add3A_177, %mul3A_138 : i32
        %get3A_179 = arith.index_cast %add3A_178 : i32 to index
        %get3A_180 = tpu.vector_load %arg12[%get3A_179] {strides = array<i32>} : memref<12800xi32, #tpu.memory_space<vmem>>, vector<16xi32>,
        %gather3A_181 = tpu.vector_load_idx %arg16[%get3A_180] : memref<20480xi32, #tpu.memory_space<vmem>>[vector<16xi32>], vector<16xi32>,
        %add3A_182 = arith.constant 10240 : i32
        %add3A_183 = vector.broadcast %add3A_182 : i32 to vector<16xi32>
        %add3A_184 = arith.addi %get3A_180, %add3A_183 : vector<16xi32>
        %gather3A_185 = tpu.vector_load_idx %arg16[%add3A_184] : memref<20480xi32, #tpu.memory_space<vmem>>[vector<16xi32>], vector<16xi32>,
        %shift_left3A_186 = arith.constant 16 : i32
        %shift_left3A_187 = vector.broadcast %shift_left3A_186 : i32 to vector<16xi32>
        %shift_left3A_188 = arith.shli %gather3A_181, %shift_left3A_187 : vector<16xi32>
        %bitcast3A_189 = vector.bitcast %shift_left3A_188 : vector<16xi32> to vector<16xf32>
        %and3A_190 = arith.constant -65536 : i32
        %and3A_191 = vector.broadcast %and3A_190 : i32 to vector<16xi32>
        %and3A_192 = arith.andi %gather3A_181, %and3A_191 : vector<16xi32>
        %bitcast3A_193 = vector.bitcast %and3A_192 : vector<16xi32> to vector<16xf32>
        %shift_left3A_194 = arith.constant 16 : i32
        %shift_left3A_195 = vector.broadcast %shift_left3A_194 : i32 to vector<16xi32>
        %shift_left3A_196 = arith.shli %gather3A_185, %shift_left3A_195 : vector<16xi32>
        %bitcast3A_197 = vector.bitcast %shift_left3A_196 : vector<16xi32> to vector<16xf32>
        %and3A_198 = arith.constant -65536 : i32
        %and3A_199 = vector.broadcast %and3A_198 : i32 to vector<16xi32>
        %and3A_200 = arith.andi %gather3A_185, %and3A_199 : vector<16xi32>
        %bitcast3A_201 = vector.bitcast %and3A_200 : vector<16xi32> to vector<16xf32>
        %add3A_202 = arith.addf %bitcast3A, %bitcast3A_189 : vector<16xf32>
        %add3A_203 = arith.addf %bitcast3A_168, %bitcast3A_193 : vector<16xf32>
        %add3A_204 = arith.addf %bitcast3A_172, %bitcast3A_197 : vector<16xf32>
        %add3A_205 = arith.addf %bitcast3A_176, %bitcast3A_201 : vector<16xf32>
        %add3A_206 = arith.constant 2560 : i32
        %add3A_207 = arith.addi %add3A_206, %mul3A_138 : i32
        %get3A_208 = arith.index_cast %add3A_207 : i32 to index
        %get3A_209 = tpu.vector_load %arg12[%get3A_208] {strides = array<i32>} : memref<12800xi32, #tpu.memory_space<vmem>>, vector<16xi32>,
        %gather3A_210 = tpu.vector_load_idx %arg16[%get3A_209] : memref<20480xi32, #tpu.memory_space<vmem>>[vector<16xi32>], vector<16xi32>,
        %add3A_211 = arith.constant 10240 : i32
        %add3A_212 = vector.broadcast %add3A_211 : i32 to vector<16xi32>
        %add3A_213 = arith.addi %get3A_209, %add3A_212 : vector<16xi32>
        %gather3A_214 = tpu.vector_load_idx %arg16[%add3A_213] : memref<20480xi32, #tpu.memory_space<vmem>>[vector<16xi32>], vector<16xi32>,
        %shift_left3A_215 = arith.constant 16 : i32
        %shift_left3A_216 = vector.broadcast %shift_left3A_215 : i32 to vector<16xi32>
        %shift_left3A_217 = arith.shli %gather3A_210, %shift_left3A_216 : vector<16xi32>
        %bitcast3A_218 = vector.bitcast %shift_left3A_217 : vector<16xi32> to vector<16xf32>
        %and3A_219 = arith.constant -65536 : i32
        %and3A_220 = vector.broadcast %and3A_219 : i32 to vector<16xi32>
        %and3A_221 = arith.andi %gather3A_210, %and3A_220 : vector<16xi32>
        %bitcast3A_222 = vector.bitcast %and3A_221 : vector<16xi32> to vector<16xf32>
        %shift_left3A_223 = arith.constant 16 : i32
        %shift_left3A_224 = vector.broadcast %shift_left3A_223 : i32 to vector<16xi32>
        %shift_left3A_225 = arith.shli %gather3A_214, %shift_left3A_224 : vector<16xi32>
        %bitcast3A_226 = vector.bitcast %shift_left3A_225 : vector<16xi32> to vector<16xf32>
        %and3A_227 = arith.constant -65536 : i32
        %and3A_228 = vector.broadcast %and3A_227 : i32 to vector<16xi32>
        %and3A_229 = arith.andi %gather3A_214, %and3A_228 : vector<16xi32>
        %bitcast3A_230 = vector.bitcast %and3A_229 : vector<16xi32> to vector<16xf32>
        %add3A_231 = arith.addf %add3A_202, %bitcast3A_218 : vector<16xf32>
        %add3A_232 = arith.addf %add3A_203, %bitcast3A_222 : vector<16xf32>
        %add3A_233 = arith.addf %add3A_204, %bitcast3A_226 : vector<16xf32>
        %add3A_234 = arith.addf %add3A_205, %bitcast3A_230 : vector<16xf32>
        %add3A_235 = arith.constant 3840 : i32
        %add3A_236 = arith.addi %add3A_235, %mul3A_138 : i32
        %get3A_237 = arith.index_cast %add3A_236 : i32 to index
        %get3A_238 = tpu.vector_load %arg12[%get3A_237] {strides = array<i32>} : memref<12800xi32, #tpu.memory_space<vmem>>, vector<16xi32>,
        %gather3A_239 = tpu.vector_load_idx %arg16[%get3A_238] : memref<20480xi32, #tpu.memory_space<vmem>>[vector<16xi32>], vector<16xi32>,
        %add3A_240 = arith.constant 10240 : i32
        %add3A_241 = vector.broadcast %add3A_240 : i32 to vector<16xi32>
        %add3A_242 = arith.addi %get3A_238, %add3A_241 : vector<16xi32>
        %gather3A_243 = tpu.vector_load_idx %arg16[%add3A_242] : memref<20480xi32, #tpu.memory_space<vmem>>[vector<16xi32>], vector<16xi32>,
        %shift_left3A_244 = arith.constant 16 : i32
        %shift_left3A_245 = vector.broadcast %shift_left3A_244 : i32 to vector<16xi32>
        %shift_left3A_246 = arith.shli %gather3A_239, %shift_left3A_245 : vector<16xi32>
        %bitcast3A_247 = vector.bitcast %shift_left3A_246 : vector<16xi32> to vector<16xf32>
        %and3A_248 = arith.constant -65536 : i32
        %and3A_249 = vector.broadcast %and3A_248 : i32 to vector<16xi32>
        %and3A_250 = arith.andi %gather3A_239, %and3A_249 : vector<16xi32>
        %bitcast3A_251 = vector.bitcast %and3A_250 : vector<16xi32> to vector<16xf32>
        %shift_left3A_252 = arith.constant 16 : i32
        %shift_left3A_253 = vector.broadcast %shift_left3A_252 : i32 to vector<16xi32>
        %shift_left3A_254 = arith.shli %gather3A_243, %shift_left3A_253 : vector<16xi32>
        %bitcast3A_255 = vector.bitcast %shift_left3A_254 : vector<16xi32> to vector<16xf32>
        %and3A_256 = arith.constant -65536 : i32
        %and3A_257 = vector.broadcast %and3A_256 : i32 to vector<16xi32>
        %and3A_258 = arith.andi %gather3A_243, %and3A_257 : vector<16xi32>
        %bitcast3A_259 = vector.bitcast %and3A_258 : vector<16xi32> to vector<16xf32>
        %add3A_260 = arith.addf %add3A_231, %bitcast3A_247 : vector<16xf32>
        %add3A_261 = arith.addf %add3A_232, %bitcast3A_251 : vector<16xf32>
        %add3A_262 = arith.addf %add3A_233, %bitcast3A_255 : vector<16xf32>
        %add3A_263 = arith.addf %add3A_234, %bitcast3A_259 : vector<16xf32>
        %add3A_264 = arith.constant 5120 : i32
        %add3A_265 = arith.addi %add3A_264, %mul3A_138 : i32
        %get3A_266 = arith.index_cast %add3A_265 : i32 to index
        %get3A_267 = tpu.vector_load %arg12[%get3A_266] {strides = array<i32>} : memref<12800xi32, #tpu.memory_space<vmem>>, vector<16xi32>,
        %gather3A_268 = tpu.vector_load_idx %arg16[%get3A_267] : memref<20480xi32, #tpu.memory_space<vmem>>[vector<16xi32>], vector<16xi32>,
        %add3A_269 = arith.constant 10240 : i32
        %add3A_270 = vector.broadcast %add3A_269 : i32 to vector<16xi32>
        %add3A_271 = arith.addi %get3A_267, %add3A_270 : vector<16xi32>
        %gather3A_272 = tpu.vector_load_idx %arg16[%add3A_271] : memref<20480xi32, #tpu.memory_space<vmem>>[vector<16xi32>], vector<16xi32>,
        %shift_left3A_273 = arith.constant 16 : i32
        %shift_left3A_274 = vector.broadcast %shift_left3A_273 : i32 to vector<16xi32>
        %shift_left3A_275 = arith.shli %gather3A_268, %shift_left3A_274 : vector<16xi32>
        %bitcast3A_276 = vector.bitcast %shift_left3A_275 : vector<16xi32> to vector<16xf32>
        %and3A_277 = arith.constant -65536 : i32
        %and3A_278 = vector.broadcast %and3A_277 : i32 to vector<16xi32>
        %and3A_279 = arith.andi %gather3A_268, %and3A_278 : vector<16xi32>
        %bitcast3A_280 = vector.bitcast %and3A_279 : vector<16xi32> to vector<16xf32>
        %shift_left3A_281 = arith.constant 16 : i32
        %shift_left3A_282 = vector.broadcast %shift_left3A_281 : i32 to vector<16xi32>
        %shift_left3A_283 = arith.shli %gather3A_272, %shift_left3A_282 : vector<16xi32>
        %bitcast3A_284 = vector.bitcast %shift_left3A_283 : vector<16xi32> to vector<16xf32>
        %and3A_285 = arith.constant -65536 : i32
        %and3A_286 = vector.broadcast %and3A_285 : i32 to vector<16xi32>
        %and3A_287 = arith.andi %gather3A_272, %and3A_286 : vector<16xi32>
        %bitcast3A_288 = vector.bitcast %and3A_287 : vector<16xi32> to vector<16xf32>
        %add3A_289 = arith.addf %add3A_260, %bitcast3A_276 : vector<16xf32>
        %add3A_290 = arith.addf %add3A_261, %bitcast3A_280 : vector<16xf32>
        %add3A_291 = arith.addf %add3A_262, %bitcast3A_284 : vector<16xf32>
        %add3A_292 = arith.addf %add3A_263, %bitcast3A_288 : vector<16xf32>
        %add3A_293 = arith.constant 6400 : i32
        %add3A_294 = arith.addi %add3A_293, %mul3A_138 : i32
        %get3A_295 = arith.index_cast %add3A_294 : i32 to index
        %get3A_296 = tpu.vector_load %arg12[%get3A_295] {strides = array<i32>} : memref<12800xi32, #tpu.memory_space<vmem>>, vector<16xi32>,
        %gather3A_297 = tpu.vector_load_idx %arg16[%get3A_296] : memref<20480xi32, #tpu.memory_space<vmem>>[vector<16xi32>], vector<16xi32>,
        %add3A_298 = arith.constant 10240 : i32
        %add3A_299 = vector.broadcast %add3A_298 : i32 to vector<16xi32>
        %add3A_300 = arith.addi %get3A_296, %add3A_299 : vector<16xi32>
        %gather3A_301 = tpu.vector_load_idx %arg16[%add3A_300] : memref<20480xi32, #tpu.memory_space<vmem>>[vector<16xi32>], vector<16xi32>,
        %shift_left3A_302 = arith.constant 16 : i32
        %shift_left3A_303 = vector.broadcast %shift_left3A_302 : i32 to vector<16xi32>
        %shift_left3A_304 = arith.shli %gather3A_297, %shift_left3A_303 : vector<16xi32>
        %bitcast3A_305 = vector.bitcast %shift_left3A_304 : vector<16xi32> to vector<16xf32>
        %and3A_306 = arith.constant -65536 : i32
        %and3A_307 = vector.broadcast %and3A_306 : i32 to vector<16xi32>
        %and3A_308 = arith.andi %gather3A_297, %and3A_307 : vector<16xi32>
        %bitcast3A_309 = vector.bitcast %and3A_308 : vector<16xi32> to vector<16xf32>
        %shift_left3A_310 = arith.constant 16 : i32
        %shift_left3A_311 = vector.broadcast %shift_left3A_310 : i32 to vector<16xi32>
        %shift_left3A_312 = arith.shli %gather3A_301, %shift_left3A_311 : vector<16xi32>
        %bitcast3A_313 = vector.bitcast %shift_left3A_312 : vector<16xi32> to vector<16xf32>
        %and3A_314 = arith.constant -65536 : i32
        %and3A_315 = vector.broadcast %and3A_314 : i32 to vector<16xi32>
        %and3A_316 = arith.andi %gather3A_301, %and3A_315 : vector<16xi32>
        %bitcast3A_317 = vector.bitcast %and3A_316 : vector<16xi32> to vector<16xf32>
        %add3A_318 = arith.addf %add3A_289, %bitcast3A_305 : vector<16xf32>
        %add3A_319 = arith.addf %add3A_290, %bitcast3A_309 : vector<16xf32>
        %add3A_320 = arith.addf %add3A_291, %bitcast3A_313 : vector<16xf32>
        %add3A_321 = arith.addf %add3A_292, %bitcast3A_317 : vector<16xf32>
        %add3A_322 = arith.constant 7680 : i32
        %add3A_323 = arith.addi %add3A_322, %mul3A_138 : i32
        %get3A_324 = arith.index_cast %add3A_323 : i32 to index
        %get3A_325 = tpu.vector_load %arg12[%get3A_324] {strides = array<i32>} : memref<12800xi32, #tpu.memory_space<vmem>>, vector<16xi32>,
        %gather3A_326 = tpu.vector_load_idx %arg16[%get3A_325] : memref<20480xi32, #tpu.memory_space<vmem>>[vector<16xi32>], vector<16xi32>,
        %add3A_327 = arith.constant 10240 : i32
        %add3A_328 = vector.broadcast %add3A_327 : i32 to vector<16xi32>
        %add3A_329 = arith.addi %get3A_325, %add3A_328 : vector<16xi32>
        %gather3A_330 = tpu.vector_load_idx %arg16[%add3A_329] : memref<20480xi32, #tpu.memory_space<vmem>>[vector<16xi32>], vector<16xi32>,
        %shift_left3A_331 = arith.constant 16 : i32
        %shift_left3A_332 = vector.broadcast %shift_left3A_331 : i32 to vector<16xi32>
        %shift_left3A_333 = arith.shli %gather3A_326, %shift_left3A_332 : vector<16xi32>
        %bitcast3A_334 = vector.bitcast %shift_left3A_333 : vector<16xi32> to vector<16xf32>
        %and3A_335 = arith.constant -65536 : i32
        %and3A_336 = vector.broadcast %and3A_335 : i32 to vector<16xi32>
        %and3A_337 = arith.andi %gather3A_326, %and3A_336 : vector<16xi32>
        %bitcast3A_338 = vector.bitcast %and3A_337 : vector<16xi32> to vector<16xf32>
        %shift_left3A_339 = arith.constant 16 : i32
        %shift_left3A_340 = vector.broadcast %shift_left3A_339 : i32 to vector<16xi32>
        %shift_left3A_341 = arith.shli %gather3A_330, %shift_left3A_340 : vector<16xi32>
        %bitcast3A_342 = vector.bitcast %shift_left3A_341 : vector<16xi32> to vector<16xf32>
        %and3A_343 = arith.constant -65536 : i32
        %and3A_344 = vector.broadcast %and3A_343 : i32 to vector<16xi32>
        %and3A_345 = arith.andi %gather3A_330, %and3A_344 : vector<16xi32>
        %bitcast3A_346 = vector.bitcast %and3A_345 : vector<16xi32> to vector<16xf32>
        %add3A_347 = arith.addf %add3A_318, %bitcast3A_334 : vector<16xf32>
        %add3A_348 = arith.addf %add3A_319, %bitcast3A_338 : vector<16xf32>
        %add3A_349 = arith.addf %add3A_320, %bitcast3A_342 : vector<16xf32>
        %add3A_350 = arith.addf %add3A_321, %bitcast3A_346 : vector<16xf32>
        %add3A_351 = arith.constant 8960 : i32
        %add3A_352 = arith.addi %add3A_351, %mul3A_138 : i32
        %get3A_353 = arith.index_cast %add3A_352 : i32 to index
        %get3A_354 = tpu.vector_load %arg12[%get3A_353] {strides = array<i32>} : memref<12800xi32, #tpu.memory_space<vmem>>, vector<16xi32>,
        %gather3A_355 = tpu.vector_load_idx %arg16[%get3A_354] : memref<20480xi32, #tpu.memory_space<vmem>>[vector<16xi32>], vector<16xi32>,
        %add3A_356 = arith.constant 10240 : i32
        %add3A_357 = vector.broadcast %add3A_356 : i32 to vector<16xi32>
        %add3A_358 = arith.addi %get3A_354, %add3A_357 : vector<16xi32>
        %gather3A_359 = tpu.vector_load_idx %arg16[%add3A_358] : memref<20480xi32, #tpu.memory_space<vmem>>[vector<16xi32>], vector<16xi32>,
        %shift_left3A_360 = arith.constant 16 : i32
        %shift_left3A_361 = vector.broadcast %shift_left3A_360 : i32 to vector<16xi32>
        %shift_left3A_362 = arith.shli %gather3A_355, %shift_left3A_361 : vector<16xi32>
        %bitcast3A_363 = vector.bitcast %shift_left3A_362 : vector<16xi32> to vector<16xf32>
        %and3A_364 = arith.constant -65536 : i32
        %and3A_365 = vector.broadcast %and3A_364 : i32 to vector<16xi32>
        %and3A_366 = arith.andi %gather3A_355, %and3A_365 : vector<16xi32>
        %bitcast3A_367 = vector.bitcast %and3A_366 : vector<16xi32> to vector<16xf32>
        %shift_left3A_368 = arith.constant 16 : i32
        %shift_left3A_369 = vector.broadcast %shift_left3A_368 : i32 to vector<16xi32>
        %shift_left3A_370 = arith.shli %gather3A_359, %shift_left3A_369 : vector<16xi32>
        %bitcast3A_371 = vector.bitcast %shift_left3A_370 : vector<16xi32> to vector<16xf32>
        %and3A_372 = arith.constant -65536 : i32
        %and3A_373 = vector.broadcast %and3A_372 : i32 to vector<16xi32>
        %and3A_374 = arith.andi %gather3A_359, %and3A_373 : vector<16xi32>
        %bitcast3A_375 = vector.bitcast %and3A_374 : vector<16xi32> to vector<16xf32>
        %add3A_376 = arith.addf %add3A_347, %bitcast3A_363 : vector<16xf32>
        %add3A_377 = arith.addf %add3A_348, %bitcast3A_367 : vector<16xf32>
        %add3A_378 = arith.addf %add3A_349, %bitcast3A_371 : vector<16xf32>
        %add3A_379 = arith.addf %add3A_350, %bitcast3A_375 : vector<16xf32>
        %add3A_380 = arith.constant 10240 : i32
        %add3A_381 = arith.addi %add3A_380, %mul3A_138 : i32
        %get3A_382 = arith.index_cast %add3A_381 : i32 to index
        %get3A_383 = tpu.vector_load %arg12[%get3A_382] {strides = array<i32>} : memref<12800xi32, #tpu.memory_space<vmem>>, vector<16xi32>,
        %gather3A_384 = tpu.vector_load_idx %arg16[%get3A_383] : memref<20480xi32, #tpu.memory_space<vmem>>[vector<16xi32>], vector<16xi32>,
        %add3A_385 = arith.constant 10240 : i32
        %add3A_386 = vector.broadcast %add3A_385 : i32 to vector<16xi32>
        %add3A_387 = arith.addi %get3A_383, %add3A_386 : vector<16xi32>
        %gather3A_388 = tpu.vector_load_idx %arg16[%add3A_387] : memref<20480xi32, #tpu.memory_space<vmem>>[vector<16xi32>], vector<16xi32>,
        %shift_left3A_389 = arith.constant 16 : i32
        %shift_left3A_390 = vector.broadcast %shift_left3A_389 : i32 to vector<16xi32>
        %shift_left3A_391 = arith.shli %gather3A_384, %shift_left3A_390 : vector<16xi32>
        %bitcast3A_392 = vector.bitcast %shift_left3A_391 : vector<16xi32> to vector<16xf32>
        %and3A_393 = arith.constant -65536 : i32
        %and3A_394 = vector.broadcast %and3A_393 : i32 to vector<16xi32>
        %and3A_395 = arith.andi %gather3A_384, %and3A_394 : vector<16xi32>
        %bitcast3A_396 = vector.bitcast %and3A_395 : vector<16xi32> to vector<16xf32>
        %shift_left3A_397 = arith.constant 16 : i32
        %shift_left3A_398 = vector.broadcast %shift_left3A_397 : i32 to vector<16xi32>
        %shift_left3A_399 = arith.shli %gather3A_388, %shift_left3A_398 : vector<16xi32>
        %bitcast3A_400 = vector.bitcast %shift_left3A_399 : vector<16xi32> to vector<16xf32>
        %and3A_401 = arith.constant -65536 : i32
        %and3A_402 = vector.broadcast %and3A_401 : i32 to vector<16xi32>
        %and3A_403 = arith.andi %gather3A_388, %and3A_402 : vector<16xi32>
        %bitcast3A_404 = vector.bitcast %and3A_403 : vector<16xi32> to vector<16xf32>
        %add3A_405 = arith.addf %add3A_376, %bitcast3A_392 : vector<16xf32>
        %add3A_406 = arith.addf %add3A_377, %bitcast3A_396 : vector<16xf32>
        %add3A_407 = arith.addf %add3A_378, %bitcast3A_400 : vector<16xf32>
        %add3A_408 = arith.addf %add3A_379, %bitcast3A_404 : vector<16xf32>
        %add3A_409 = arith.constant 11520 : i32
        %add3A_410 = arith.addi %add3A_409, %mul3A_138 : i32
        %get3A_411 = arith.index_cast %add3A_410 : i32 to index
        %get3A_412 = tpu.vector_load %arg12[%get3A_411] {strides = array<i32>} : memref<12800xi32, #tpu.memory_space<vmem>>, vector<16xi32>,
        %gather3A_413 = tpu.vector_load_idx %arg16[%get3A_412] : memref<20480xi32, #tpu.memory_space<vmem>>[vector<16xi32>], vector<16xi32>,
        %add3A_414 = arith.constant 10240 : i32
        %add3A_415 = vector.broadcast %add3A_414 : i32 to vector<16xi32>
        %add3A_416 = arith.addi %get3A_412, %add3A_415 : vector<16xi32>
        %gather3A_417 = tpu.vector_load_idx %arg16[%add3A_416] : memref<20480xi32, #tpu.memory_space<vmem>>[vector<16xi32>], vector<16xi32>,
        %shift_left3A_418 = arith.constant 16 : i32
        %shift_left3A_419 = vector.broadcast %shift_left3A_418 : i32 to vector<16xi32>
        %shift_left3A_420 = arith.shli %gather3A_413, %shift_left3A_419 : vector<16xi32>
        %bitcast3A_421 = vector.bitcast %shift_left3A_420 : vector<16xi32> to vector<16xf32>
        %and3A_422 = arith.constant -65536 : i32
        %and3A_423 = vector.broadcast %and3A_422 : i32 to vector<16xi32>
        %and3A_424 = arith.andi %gather3A_413, %and3A_423 : vector<16xi32>
        %bitcast3A_425 = vector.bitcast %and3A_424 : vector<16xi32> to vector<16xf32>
        %shift_left3A_426 = arith.constant 16 : i32
        %shift_left3A_427 = vector.broadcast %shift_left3A_426 : i32 to vector<16xi32>
        %shift_left3A_428 = arith.shli %gather3A_417, %shift_left3A_427 : vector<16xi32>
        %bitcast3A_429 = vector.bitcast %shift_left3A_428 : vector<16xi32> to vector<16xf32>
        %and3A_430 = arith.constant -65536 : i32
        %and3A_431 = vector.broadcast %and3A_430 : i32 to vector<16xi32>
        %and3A_432 = arith.andi %gather3A_417, %and3A_431 : vector<16xi32>
        %bitcast3A_433 = vector.bitcast %and3A_432 : vector<16xi32> to vector<16xf32>
        %add3A_434 = arith.addf %add3A_405, %bitcast3A_421 : vector<16xf32>
        %add3A_435 = arith.addf %add3A_406, %bitcast3A_425 : vector<16xf32>
        %add3A_436 = arith.addf %add3A_407, %bitcast3A_429 : vector<16xf32>
        %add3A_437 = arith.addf %add3A_408, %bitcast3A_433 : vector<16xf32>
        %mul3A_438 = arith.mulf %get3A_143, %add3A_434 : vector<16xf32>
        %mul3A_439 = arith.mulf %get3A_143, %add3A_435 : vector<16xf32>
        %mul3A_440 = arith.mulf %get3A_143, %add3A_436 : vector<16xf32>
        %mul3A_441 = arith.mulf %get3A_143, %add3A_437 : vector<16xf32>
        %add3A_442 = arith.constant 320 : i32
        %add3A_443 = arith.addi %add3A_442, %mul3A_138 : i32
        %get3A_444 = arith.index_cast %add3A_443 : i32 to index
        %get3A_445 = tpu.vector_load %arg12[%get3A_444] {strides = array<i32>} : memref<12800xi32, #tpu.memory_space<vmem>>, vector<16xi32>,
        %gather3A_446 = tpu.vector_load_idx %arg16[%get3A_445] : memref<20480xi32, #tpu.memory_space<vmem>>[vector<16xi32>], vector<16xi32>,
        %add3A_447 = arith.constant 10240 : i32
        %add3A_448 = vector.broadcast %add3A_447 : i32 to vector<16xi32>
        %add3A_449 = arith.addi %get3A_445, %add3A_448 : vector<16xi32>
        %gather3A_450 = tpu.vector_load_idx %arg16[%add3A_449] : memref<20480xi32, #tpu.memory_space<vmem>>[vector<16xi32>], vector<16xi32>,
        %shift_left3A_451 = arith.constant 16 : i32
        %shift_left3A_452 = vector.broadcast %shift_left3A_451 : i32 to vector<16xi32>
        %shift_left3A_453 = arith.shli %gather3A_446, %shift_left3A_452 : vector<16xi32>
        %bitcast3A_454 = vector.bitcast %shift_left3A_453 : vector<16xi32> to vector<16xf32>
        %and3A_455 = arith.constant -65536 : i32
        %and3A_456 = vector.broadcast %and3A_455 : i32 to vector<16xi32>
        %and3A_457 = arith.andi %gather3A_446, %and3A_456 : vector<16xi32>
        %bitcast3A_458 = vector.bitcast %and3A_457 : vector<16xi32> to vector<16xf32>
        %shift_left3A_459 = arith.constant 16 : i32
        %shift_left3A_460 = vector.broadcast %shift_left3A_459 : i32 to vector<16xi32>
        %shift_left3A_461 = arith.shli %gather3A_450, %shift_left3A_460 : vector<16xi32>
        %bitcast3A_462 = vector.bitcast %shift_left3A_461 : vector<16xi32> to vector<16xf32>
        %and3A_463 = arith.constant -65536 : i32
        %and3A_464 = vector.broadcast %and3A_463 : i32 to vector<16xi32>
        %and3A_465 = arith.andi %gather3A_450, %and3A_464 : vector<16xi32>
        %bitcast3A_466 = vector.bitcast %and3A_465 : vector<16xi32> to vector<16xf32>
        %add3A_467 = arith.constant 1600 : i32
        %add3A_468 = arith.addi %add3A_467, %mul3A_138 : i32
        %get3A_469 = arith.index_cast %add3A_468 : i32 to index
        %get3A_470 = tpu.vector_load %arg12[%get3A_469] {strides = array<i32>} : memref<12800xi32, #tpu.memory_space<vmem>>, vector<16xi32>,
        %gather3A_471 = tpu.vector_load_idx %arg16[%get3A_470] : memref<20480xi32, #tpu.memory_space<vmem>>[vector<16xi32>], vector<16xi32>,
        %add3A_472 = arith.constant 10240 : i32
        %add3A_473 = vector.broadcast %add3A_472 : i32 to vector<16xi32>
        %add3A_474 = arith.addi %get3A_470, %add3A_473 : vector<16xi32>
        %gather3A_475 = tpu.vector_load_idx %arg16[%add3A_474] : memref<20480xi32, #tpu.memory_space<vmem>>[vector<16xi32>], vector<16xi32>,
        %shift_left3A_476 = arith.constant 16 : i32
        %shift_left3A_477 = vector.broadcast %shift_left3A_476 : i32 to vector<16xi32>
        %shift_left3A_478 = arith.shli %gather3A_471, %shift_left3A_477 : vector<16xi32>
        %bitcast3A_479 = vector.bitcast %shift_left3A_478 : vector<16xi32> to vector<16xf32>
        %and3A_480 = arith.constant -65536 : i32
        %and3A_481 = vector.broadcast %and3A_480 : i32 to vector<16xi32>
        %and3A_482 = arith.andi %gather3A_471, %and3A_481 : vector<16xi32>
        %bitcast3A_483 = vector.bitcast %and3A_482 : vector<16xi32> to vector<16xf32>
        %shift_left3A_484 = arith.constant 16 : i32
        %shift_left3A_485 = vector.broadcast %shift_left3A_484 : i32 to vector<16xi32>
        %shift_left3A_486 = arith.shli %gather3A_475, %shift_left3A_485 : vector<16xi32>
        %bitcast3A_487 = vector.bitcast %shift_left3A_486 : vector<16xi32> to vector<16xf32>
        %and3A_488 = arith.constant -65536 : i32
        %and3A_489 = vector.broadcast %and3A_488 : i32 to vector<16xi32>
        %and3A_490 = arith.andi %gather3A_475, %and3A_489 : vector<16xi32>
        %bitcast3A_491 = vector.bitcast %and3A_490 : vector<16xi32> to vector<16xf32>
        %add3A_492 = arith.addf %bitcast3A_454, %bitcast3A_479 : vector<16xf32>
        %add3A_493 = arith.addf %bitcast3A_458, %bitcast3A_483 : vector<16xf32>
        %add3A_494 = arith.addf %bitcast3A_462, %bitcast3A_487 : vector<16xf32>
        %add3A_495 = arith.addf %bitcast3A_466, %bitcast3A_491 : vector<16xf32>
        %add3A_496 = arith.constant 2880 : i32
        %add3A_497 = arith.addi %add3A_496, %mul3A_138 : i32
        %get3A_498 = arith.index_cast %add3A_497 : i32 to index
        %get3A_499 = tpu.vector_load %arg12[%get3A_498] {strides = array<i32>} : memref<12800xi32, #tpu.memory_space<vmem>>, vector<16xi32>,
        %gather3A_500 = tpu.vector_load_idx %arg16[%get3A_499] : memref<20480xi32, #tpu.memory_space<vmem>>[vector<16xi32>], vector<16xi32>,
        %add3A_501 = arith.constant 10240 : i32
        %add3A_502 = vector.broadcast %add3A_501 : i32 to vector<16xi32>
        %add3A_503 = arith.addi %get3A_499, %add3A_502 : vector<16xi32>
        %gather3A_504 = tpu.vector_load_idx %arg16[%add3A_503] : memref<20480xi32, #tpu.memory_space<vmem>>[vector<16xi32>], vector<16xi32>,
        %shift_left3A_505 = arith.constant 16 : i32
        %shift_left3A_506 = vector.broadcast %shift_left3A_505 : i32 to vector<16xi32>
        %shift_left3A_507 = arith.shli %gather3A_500, %shift_left3A_506 : vector<16xi32>
        %bitcast3A_508 = vector.bitcast %shift_left3A_507 : vector<16xi32> to vector<16xf32>
        %and3A_509 = arith.constant -65536 : i32
        %and3A_510 = vector.broadcast %and3A_509 : i32 to vector<16xi32>
        %and3A_511 = arith.andi %gather3A_500, %and3A_510 : vector<16xi32>
        %bitcast3A_512 = vector.bitcast %and3A_511 : vector<16xi32> to vector<16xf32>
        %shift_left3A_513 = arith.constant 16 : i32
        %shift_left3A_514 = vector.broadcast %shift_left3A_513 : i32 to vector<16xi32>
        %shift_left3A_515 = arith.shli %gather3A_504, %shift_left3A_514 : vector<16xi32>
        %bitcast3A_516 = vector.bitcast %shift_left3A_515 : vector<16xi32> to vector<16xf32>
        %and3A_517 = arith.constant -65536 : i32
        %and3A_518 = vector.broadcast %and3A_517 : i32 to vector<16xi32>
        %and3A_519 = arith.andi %gather3A_504, %and3A_518 : vector<16xi32>
        %bitcast3A_520 = vector.bitcast %and3A_519 : vector<16xi32> to vector<16xf32>
        %add3A_521 = arith.addf %add3A_492, %bitcast3A_508 : vector<16xf32>
        %add3A_522 = arith.addf %add3A_493, %bitcast3A_512 : vector<16xf32>
        %add3A_523 = arith.addf %add3A_494, %bitcast3A_516 : vector<16xf32>
        %add3A_524 = arith.addf %add3A_495, %bitcast3A_520 : vector<16xf32>
        %add3A_525 = arith.constant 4160 : i32
        %add3A_526 = arith.addi %add3A_525, %mul3A_138 : i32
        %get3A_527 = arith.index_cast %add3A_526 : i32 to index
        %get3A_528 = tpu.vector_load %arg12[%get3A_527] {strides = array<i32>} : memref<12800xi32, #tpu.memory_space<vmem>>, vector<16xi32>,
        %gather3A_529 = tpu.vector_load_idx %arg16[%get3A_528] : memref<20480xi32, #tpu.memory_space<vmem>>[vector<16xi32>], vector<16xi32>,
        %add3A_530 = arith.constant 10240 : i32
        %add3A_531 = vector.broadcast %add3A_530 : i32 to vector<16xi32>
        %add3A_532 = arith.addi %get3A_528, %add3A_531 : vector<16xi32>
        %gather3A_533 = tpu.vector_load_idx %arg16[%add3A_532] : memref<20480xi32, #tpu.memory_space<vmem>>[vector<16xi32>], vector<16xi32>,
        %shift_left3A_534 = arith.constant 16 : i32
        %shift_left3A_535 = vector.broadcast %shift_left3A_534 : i32 to vector<16xi32>
        %shift_left3A_536 = arith.shli %gather3A_529, %shift_left3A_535 : vector<16xi32>
        %bitcast3A_537 = vector.bitcast %shift_left3A_536 : vector<16xi32> to vector<16xf32>
        %and3A_538 = arith.constant -65536 : i32
        %and3A_539 = vector.broadcast %and3A_538 : i32 to vector<16xi32>
        %and3A_540 = arith.andi %gather3A_529, %and3A_539 : vector<16xi32>
        %bitcast3A_541 = vector.bitcast %and3A_540 : vector<16xi32> to vector<16xf32>
        %shift_left3A_542 = arith.constant 16 : i32
        %shift_left3A_543 = vector.broadcast %shift_left3A_542 : i32 to vector<16xi32>
        %shift_left3A_544 = arith.shli %gather3A_533, %shift_left3A_543 : vector<16xi32>
        %bitcast3A_545 = vector.bitcast %shift_left3A_544 : vector<16xi32> to vector<16xf32>
        %and3A_546 = arith.constant -65536 : i32
        %and3A_547 = vector.broadcast %and3A_546 : i32 to vector<16xi32>
        %and3A_548 = arith.andi %gather3A_533, %and3A_547 : vector<16xi32>
        %bitcast3A_549 = vector.bitcast %and3A_548 : vector<16xi32> to vector<16xf32>
        %add3A_550 = arith.addf %add3A_521, %bitcast3A_537 : vector<16xf32>
        %add3A_551 = arith.addf %add3A_522, %bitcast3A_541 : vector<16xf32>
        %add3A_552 = arith.addf %add3A_523, %bitcast3A_545 : vector<16xf32>
        %add3A_553 = arith.addf %add3A_524, %bitcast3A_549 : vector<16xf32>
        %add3A_554 = arith.constant 5440 : i32
        %add3A_555 = arith.addi %add3A_554, %mul3A_138 : i32
        %get3A_556 = arith.index_cast %add3A_555 : i32 to index
        %get3A_557 = tpu.vector_load %arg12[%get3A_556] {strides = array<i32>} : memref<12800xi32, #tpu.memory_space<vmem>>, vector<16xi32>,
        %gather3A_558 = tpu.vector_load_idx %arg16[%get3A_557] : memref<20480xi32, #tpu.memory_space<vmem>>[vector<16xi32>], vector<16xi32>,
        %add3A_559 = arith.constant 10240 : i32
        %add3A_560 = vector.broadcast %add3A_559 : i32 to vector<16xi32>
        %add3A_561 = arith.addi %get3A_557, %add3A_560 : vector<16xi32>
        %gather3A_562 = tpu.vector_load_idx %arg16[%add3A_561] : memref<20480xi32, #tpu.memory_space<vmem>>[vector<16xi32>], vector<16xi32>,
        %shift_left3A_563 = arith.constant 16 : i32
        %shift_left3A_564 = vector.broadcast %shift_left3A_563 : i32 to vector<16xi32>
        %shift_left3A_565 = arith.shli %gather3A_558, %shift_left3A_564 : vector<16xi32>
        %bitcast3A_566 = vector.bitcast %shift_left3A_565 : vector<16xi32> to vector<16xf32>
        %and3A_567 = arith.constant -65536 : i32
        %and3A_568 = vector.broadcast %and3A_567 : i32 to vector<16xi32>
        %and3A_569 = arith.andi %gather3A_558, %and3A_568 : vector<16xi32>
        %bitcast3A_570 = vector.bitcast %and3A_569 : vector<16xi32> to vector<16xf32>
        %shift_left3A_571 = arith.constant 16 : i32
        %shift_left3A_572 = vector.broadcast %shift_left3A_571 : i32 to vector<16xi32>
        %shift_left3A_573 = arith.shli %gather3A_562, %shift_left3A_572 : vector<16xi32>
        %bitcast3A_574 = vector.bitcast %shift_left3A_573 : vector<16xi32> to vector<16xf32>
        %and3A_575 = arith.constant -65536 : i32
        %and3A_576 = vector.broadcast %and3A_575 : i32 to vector<16xi32>
        %and3A_577 = arith.andi %gather3A_562, %and3A_576 : vector<16xi32>
        %bitcast3A_578 = vector.bitcast %and3A_577 : vector<16xi32> to vector<16xf32>
        %add3A_579 = arith.addf %add3A_550, %bitcast3A_566 : vector<16xf32>
        %add3A_580 = arith.addf %add3A_551, %bitcast3A_570 : vector<16xf32>
        %add3A_581 = arith.addf %add3A_552, %bitcast3A_574 : vector<16xf32>
        %add3A_582 = arith.addf %add3A_553, %bitcast3A_578 : vector<16xf32>
        %add3A_583 = arith.constant 6720 : i32
        %add3A_584 = arith.addi %add3A_583, %mul3A_138 : i32
        %get3A_585 = arith.index_cast %add3A_584 : i32 to index
        %get3A_586 = tpu.vector_load %arg12[%get3A_585] {strides = array<i32>} : memref<12800xi32, #tpu.memory_space<vmem>>, vector<16xi32>,
        %gather3A_587 = tpu.vector_load_idx %arg16[%get3A_586] : memref<20480xi32, #tpu.memory_space<vmem>>[vector<16xi32>], vector<16xi32>,
        %add3A_588 = arith.constant 10240 : i32
        %add3A_589 = vector.broadcast %add3A_588 : i32 to vector<16xi32>
        %add3A_590 = arith.addi %get3A_586, %add3A_589 : vector<16xi32>
        %gather3A_591 = tpu.vector_load_idx %arg16[%add3A_590] : memref<20480xi32, #tpu.memory_space<vmem>>[vector<16xi32>], vector<16xi32>,
        %shift_left3A_592 = arith.constant 16 : i32
        %shift_left3A_593 = vector.broadcast %shift_left3A_592 : i32 to vector<16xi32>
        %shift_left3A_594 = arith.shli %gather3A_587, %shift_left3A_593 : vector<16xi32>
        %bitcast3A_595 = vector.bitcast %shift_left3A_594 : vector<16xi32> to vector<16xf32>
        %and3A_596 = arith.constant -65536 : i32
        %and3A_597 = vector.broadcast %and3A_596 : i32 to vector<16xi32>
        %and3A_598 = arith.andi %gather3A_587, %and3A_597 : vector<16xi32>
        %bitcast3A_599 = vector.bitcast %and3A_598 : vector<16xi32> to vector<16xf32>
        %shift_left3A_600 = arith.constant 16 : i32
        %shift_left3A_601 = vector.broadcast %shift_left3A_600 : i32 to vector<16xi32>
        %shift_left3A_602 = arith.shli %gather3A_591, %shift_left3A_601 : vector<16xi32>
        %bitcast3A_603 = vector.bitcast %shift_left3A_602 : vector<16xi32> to vector<16xf32>
        %and3A_604 = arith.constant -65536 : i32
        %and3A_605 = vector.broadcast %and3A_604 : i32 to vector<16xi32>
        %and3A_606 = arith.andi %gather3A_591, %and3A_605 : vector<16xi32>
        %bitcast3A_607 = vector.bitcast %and3A_606 : vector<16xi32> to vector<16xf32>
        %add3A_608 = arith.addf %add3A_579, %bitcast3A_595 : vector<16xf32>
        %add3A_609 = arith.addf %add3A_580, %bitcast3A_599 : vector<16xf32>
        %add3A_610 = arith.addf %add3A_581, %bitcast3A_603 : vector<16xf32>
        %add3A_611 = arith.addf %add3A_582, %bitcast3A_607 : vector<16xf32>
        %add3A_612 = arith.constant 8000 : i32
        %add3A_613 = arith.addi %add3A_612, %mul3A_138 : i32
        %get3A_614 = arith.index_cast %add3A_613 : i32 to index
        %get3A_615 = tpu.vector_load %arg12[%get3A_614] {strides = array<i32>} : memref<12800xi32, #tpu.memory_space<vmem>>, vector<16xi32>,
        %gather3A_616 = tpu.vector_load_idx %arg16[%get3A_615] : memref<20480xi32, #tpu.memory_space<vmem>>[vector<16xi32>], vector<16xi32>,
        %add3A_617 = arith.constant 10240 : i32
        %add3A_618 = vector.broadcast %add3A_617 : i32 to vector<16xi32>
        %add3A_619 = arith.addi %get3A_615, %add3A_618 : vector<16xi32>
        %gather3A_620 = tpu.vector_load_idx %arg16[%add3A_619] : memref<20480xi32, #tpu.memory_space<vmem>>[vector<16xi32>], vector<16xi32>,
        %shift_left3A_621 = arith.constant 16 : i32
        %shift_left3A_622 = vector.broadcast %shift_left3A_621 : i32 to vector<16xi32>
        %shift_left3A_623 = arith.shli %gather3A_616, %shift_left3A_622 : vector<16xi32>
        %bitcast3A_624 = vector.bitcast %shift_left3A_623 : vector<16xi32> to vector<16xf32>
        %and3A_625 = arith.constant -65536 : i32
        %and3A_626 = vector.broadcast %and3A_625 : i32 to vector<16xi32>
        %and3A_627 = arith.andi %gather3A_616, %and3A_626 : vector<16xi32>
        %bitcast3A_628 = vector.bitcast %and3A_627 : vector<16xi32> to vector<16xf32>
        %shift_left3A_629 = arith.constant 16 : i32
        %shift_left3A_630 = vector.broadcast %shift_left3A_629 : i32 to vector<16xi32>
        %shift_left3A_631 = arith.shli %gather3A_620, %shift_left3A_630 : vector<16xi32>
        %bitcast3A_632 = vector.bitcast %shift_left3A_631 : vector<16xi32> to vector<16xf32>
        %and3A_633 = arith.constant -65536 : i32
        %and3A_634 = vector.broadcast %and3A_633 : i32 to vector<16xi32>
        %and3A_635 = arith.andi %gather3A_620, %and3A_634 : vector<16xi32>
        %bitcast3A_636 = vector.bitcast %and3A_635 : vector<16xi32> to vector<16xf32>
        %add3A_637 = arith.addf %add3A_608, %bitcast3A_624 : vector<16xf32>
        %add3A_638 = arith.addf %add3A_609, %bitcast3A_628 : vector<16xf32>
        %add3A_639 = arith.addf %add3A_610, %bitcast3A_632 : vector<16xf32>
        %add3A_640 = arith.addf %add3A_611, %bitcast3A_636 : vector<16xf32>
        %add3A_641 = arith.constant 9280 : i32
        %add3A_642 = arith.addi %add3A_641, %mul3A_138 : i32
        %get3A_643 = arith.index_cast %add3A_642 : i32 to index
        %get3A_644 = tpu.vector_load %arg12[%get3A_643] {strides = array<i32>} : memref<12800xi32, #tpu.memory_space<vmem>>, vector<16xi32>,
        %gather3A_645 = tpu.vector_load_idx %arg16[%get3A_644] : memref<20480xi32, #tpu.memory_space<vmem>>[vector<16xi32>], vector<16xi32>,
        %add3A_646 = arith.constant 10240 : i32
        %add3A_647 = vector.broadcast %add3A_646 : i32 to vector<16xi32>
        %add3A_648 = arith.addi %get3A_644, %add3A_647 : vector<16xi32>
        %gather3A_649 = tpu.vector_load_idx %arg16[%add3A_648] : memref<20480xi32, #tpu.memory_space<vmem>>[vector<16xi32>], vector<16xi32>,
        %shift_left3A_650 = arith.constant 16 : i32
        %shift_left3A_651 = vector.broadcast %shift_left3A_650 : i32 to vector<16xi32>
        %shift_left3A_652 = arith.shli %gather3A_645, %shift_left3A_651 : vector<16xi32>
        %bitcast3A_653 = vector.bitcast %shift_left3A_652 : vector<16xi32> to vector<16xf32>
        %and3A_654 = arith.constant -65536 : i32
        %and3A_655 = vector.broadcast %and3A_654 : i32 to vector<16xi32>
        %and3A_656 = arith.andi %gather3A_645, %and3A_655 : vector<16xi32>
        %bitcast3A_657 = vector.bitcast %and3A_656 : vector<16xi32> to vector<16xf32>
        %shift_left3A_658 = arith.constant 16 : i32
        %shift_left3A_659 = vector.broadcast %shift_left3A_658 : i32 to vector<16xi32>
        %shift_left3A_660 = arith.shli %gather3A_649, %shift_left3A_659 : vector<16xi32>
        %bitcast3A_661 = vector.bitcast %shift_left3A_660 : vector<16xi32> to vector<16xf32>
        %and3A_662 = arith.constant -65536 : i32
        %and3A_663 = vector.broadcast %and3A_662 : i32 to vector<16xi32>
        %and3A_664 = arith.andi %gather3A_649, %and3A_663 : vector<16xi32>
        %bitcast3A_665 = vector.bitcast %and3A_664 : vector<16xi32> to vector<16xf32>
        %add3A_666 = arith.addf %add3A_637, %bitcast3A_653 : vector<16xf32>
        %add3A_667 = arith.addf %add3A_638, %bitcast3A_657 : vector<16xf32>
        %add3A_668 = arith.addf %add3A_639, %bitcast3A_661 : vector<16xf32>
        %add3A_669 = arith.addf %add3A_640, %bitcast3A_665 : vector<16xf32>
        %add3A_670 = arith.constant 10560 : i32
        %add3A_671 = arith.addi %add3A_670, %mul3A_138 : i32
        %get3A_672 = arith.index_cast %add3A_671 : i32 to index
        %get3A_673 = tpu.vector_load %arg12[%get3A_672] {strides = array<i32>} : memref<12800xi32, #tpu.memory_space<vmem>>, vector<16xi32>,
        %gather3A_674 = tpu.vector_load_idx %arg16[%get3A_673] : memref<20480xi32, #tpu.memory_space<vmem>>[vector<16xi32>], vector<16xi32>,
        %add3A_675 = arith.constant 10240 : i32
        %add3A_676 = vector.broadcast %add3A_675 : i32 to vector<16xi32>
        %add3A_677 = arith.addi %get3A_673, %add3A_676 : vector<16xi32>
        %gather3A_678 = tpu.vector_load_idx %arg16[%add3A_677] : memref<20480xi32, #tpu.memory_space<vmem>>[vector<16xi32>], vector<16xi32>,
        %shift_left3A_679 = arith.constant 16 : i32
        %shift_left3A_680 = vector.broadcast %shift_left3A_679 : i32 to vector<16xi32>
        %shift_left3A_681 = arith.shli %gather3A_674, %shift_left3A_680 : vector<16xi32>
        %bitcast3A_682 = vector.bitcast %shift_left3A_681 : vector<16xi32> to vector<16xf32>
        %and3A_683 = arith.constant -65536 : i32
        %and3A_684 = vector.broadcast %and3A_683 : i32 to vector<16xi32>
        %and3A_685 = arith.andi %gather3A_674, %and3A_684 : vector<16xi32>
        %bitcast3A_686 = vector.bitcast %and3A_685 : vector<16xi32> to vector<16xf32>
        %shift_left3A_687 = arith.constant 16 : i32
        %shift_left3A_688 = vector.broadcast %shift_left3A_687 : i32 to vector<16xi32>
        %shift_left3A_689 = arith.shli %gather3A_678, %shift_left3A_688 : vector<16xi32>
        %bitcast3A_690 = vector.bitcast %shift_left3A_689 : vector<16xi32> to vector<16xf32>
        %and3A_691 = arith.constant -65536 : i32
        %and3A_692 = vector.broadcast %and3A_691 : i32 to vector<16xi32>
        %and3A_693 = arith.andi %gather3A_678, %and3A_692 : vector<16xi32>
        %bitcast3A_694 = vector.bitcast %and3A_693 : vector<16xi32> to vector<16xf32>
        %add3A_695 = arith.addf %add3A_666, %bitcast3A_682 : vector<16xf32>
        %add3A_696 = arith.addf %add3A_667, %bitcast3A_686 : vector<16xf32>
        %add3A_697 = arith.addf %add3A_668, %bitcast3A_690 : vector<16xf32>
        %add3A_698 = arith.addf %add3A_669, %bitcast3A_694 : vector<16xf32>
        %add3A_699 = arith.constant 11840 : i32
        %add3A_700 = arith.addi %add3A_699, %mul3A_138 : i32
        %get3A_701 = arith.index_cast %add3A_700 : i32 to index
        %get3A_702 = tpu.vector_load %arg12[%get3A_701] {strides = array<i32>} : memref<12800xi32, #tpu.memory_space<vmem>>, vector<16xi32>,
        %gather3A_703 = tpu.vector_load_idx %arg16[%get3A_702] : memref<20480xi32, #tpu.memory_space<vmem>>[vector<16xi32>], vector<16xi32>,
        %add3A_704 = arith.constant 10240 : i32
        %add3A_705 = vector.broadcast %add3A_704 : i32 to vector<16xi32>
        %add3A_706 = arith.addi %get3A_702, %add3A_705 : vector<16xi32>
        %gather3A_707 = tpu.vector_load_idx %arg16[%add3A_706] : memref<20480xi32, #tpu.memory_space<vmem>>[vector<16xi32>], vector<16xi32>,
        %shift_left3A_708 = arith.constant 16 : i32
        %shift_left3A_709 = vector.broadcast %shift_left3A_708 : i32 to vector<16xi32>
        %shift_left3A_710 = arith.shli %gather3A_703, %shift_left3A_709 : vector<16xi32>
        %bitcast3A_711 = vector.bitcast %shift_left3A_710 : vector<16xi32> to vector<16xf32>
        %and3A_712 = arith.constant -65536 : i32
        %and3A_713 = vector.broadcast %and3A_712 : i32 to vector<16xi32>
        %and3A_714 = arith.andi %gather3A_703, %and3A_713 : vector<16xi32>
        %bitcast3A_715 = vector.bitcast %and3A_714 : vector<16xi32> to vector<16xf32>
        %shift_left3A_716 = arith.constant 16 : i32
        %shift_left3A_717 = vector.broadcast %shift_left3A_716 : i32 to vector<16xi32>
        %shift_left3A_718 = arith.shli %gather3A_707, %shift_left3A_717 : vector<16xi32>
        %bitcast3A_719 = vector.bitcast %shift_left3A_718 : vector<16xi32> to vector<16xf32>
        %and3A_720 = arith.constant -65536 : i32
        %and3A_721 = vector.broadcast %and3A_720 : i32 to vector<16xi32>
        %and3A_722 = arith.andi %gather3A_707, %and3A_721 : vector<16xi32>
        %bitcast3A_723 = vector.bitcast %and3A_722 : vector<16xi32> to vector<16xf32>
        %add3A_724 = arith.addf %add3A_695, %bitcast3A_711 : vector<16xf32>
        %add3A_725 = arith.addf %add3A_696, %bitcast3A_715 : vector<16xf32>
        %add3A_726 = arith.addf %add3A_697, %bitcast3A_719 : vector<16xf32>
        %add3A_727 = arith.addf %add3A_698, %bitcast3A_723 : vector<16xf32>
        %mul3A_728 = arith.mulf %get3A_147, %add3A_724 : vector<16xf32>
        %add3A_729 = arith.addf %mul3A_438, %mul3A_728 : vector<16xf32>
        %mul3A_730 = arith.mulf %get3A_147, %add3A_725 : vector<16xf32>
        %add3A_731 = arith.addf %mul3A_439, %mul3A_730 : vector<16xf32>
        %mul3A_732 = arith.mulf %get3A_147, %add3A_726 : vector<16xf32>
        %add3A_733 = arith.addf %mul3A_440, %mul3A_732 : vector<16xf32>
        %mul3A_734 = arith.mulf %get3A_147, %add3A_727 : vector<16xf32>
        %add3A_735 = arith.addf %mul3A_441, %mul3A_734 : vector<16xf32>
        %add3A_736 = arith.constant 640 : i32
        %add3A_737 = arith.addi %add3A_736, %mul3A_138 : i32
        %get3A_738 = arith.index_cast %add3A_737 : i32 to index
        %get3A_739 = tpu.vector_load %arg12[%get3A_738] {strides = array<i32>} : memref<12800xi32, #tpu.memory_space<vmem>>, vector<16xi32>,
        %gather3A_740 = tpu.vector_load_idx %arg16[%get3A_739] : memref<20480xi32, #tpu.memory_space<vmem>>[vector<16xi32>], vector<16xi32>,
        %add3A_741 = arith.constant 10240 : i32
        %add3A_742 = vector.broadcast %add3A_741 : i32 to vector<16xi32>
        %add3A_743 = arith.addi %get3A_739, %add3A_742 : vector<16xi32>
        %gather3A_744 = tpu.vector_load_idx %arg16[%add3A_743] : memref<20480xi32, #tpu.memory_space<vmem>>[vector<16xi32>], vector<16xi32>,
        %shift_left3A_745 = arith.constant 16 : i32
        %shift_left3A_746 = vector.broadcast %shift_left3A_745 : i32 to vector<16xi32>
        %shift_left3A_747 = arith.shli %gather3A_740, %shift_left3A_746 : vector<16xi32>
        %bitcast3A_748 = vector.bitcast %shift_left3A_747 : vector<16xi32> to vector<16xf32>
        %and3A_749 = arith.constant -65536 : i32
        %and3A_750 = vector.broadcast %and3A_749 : i32 to vector<16xi32>
        %and3A_751 = arith.andi %gather3A_740, %and3A_750 : vector<16xi32>
        %bitcast3A_752 = vector.bitcast %and3A_751 : vector<16xi32> to vector<16xf32>
        %shift_left3A_753 = arith.constant 16 : i32
        %shift_left3A_754 = vector.broadcast %shift_left3A_753 : i32 to vector<16xi32>
        %shift_left3A_755 = arith.shli %gather3A_744, %shift_left3A_754 : vector<16xi32>
        %bitcast3A_756 = vector.bitcast %shift_left3A_755 : vector<16xi32> to vector<16xf32>
        %and3A_757 = arith.constant -65536 : i32
        %and3A_758 = vector.broadcast %and3A_757 : i32 to vector<16xi32>
        %and3A_759 = arith.andi %gather3A_744, %and3A_758 : vector<16xi32>
        %bitcast3A_760 = vector.bitcast %and3A_759 : vector<16xi32> to vector<16xf32>
        %add3A_761 = arith.constant 1920 : i32
        %add3A_762 = arith.addi %add3A_761, %mul3A_138 : i32
        %get3A_763 = arith.index_cast %add3A_762 : i32 to index
        %get3A_764 = tpu.vector_load %arg12[%get3A_763] {strides = array<i32>} : memref<12800xi32, #tpu.memory_space<vmem>>, vector<16xi32>,
        %gather3A_765 = tpu.vector_load_idx %arg16[%get3A_764] : memref<20480xi32, #tpu.memory_space<vmem>>[vector<16xi32>], vector<16xi32>,
        %add3A_766 = arith.constant 10240 : i32
        %add3A_767 = vector.broadcast %add3A_766 : i32 to vector<16xi32>
        %add3A_768 = arith.addi %get3A_764, %add3A_767 : vector<16xi32>
        %gather3A_769 = tpu.vector_load_idx %arg16[%add3A_768] : memref<20480xi32, #tpu.memory_space<vmem>>[vector<16xi32>], vector<16xi32>,
        %shift_left3A_770 = arith.constant 16 : i32
        %shift_left3A_771 = vector.broadcast %shift_left3A_770 : i32 to vector<16xi32>
        %shift_left3A_772 = arith.shli %gather3A_765, %shift_left3A_771 : vector<16xi32>
        %bitcast3A_773 = vector.bitcast %shift_left3A_772 : vector<16xi32> to vector<16xf32>
        %and3A_774 = arith.constant -65536 : i32
        %and3A_775 = vector.broadcast %and3A_774 : i32 to vector<16xi32>
        %and3A_776 = arith.andi %gather3A_765, %and3A_775 : vector<16xi32>
        %bitcast3A_777 = vector.bitcast %and3A_776 : vector<16xi32> to vector<16xf32>
        %shift_left3A_778 = arith.constant 16 : i32
        %shift_left3A_779 = vector.broadcast %shift_left3A_778 : i32 to vector<16xi32>
        %shift_left3A_780 = arith.shli %gather3A_769, %shift_left3A_779 : vector<16xi32>
        %bitcast3A_781 = vector.bitcast %shift_left3A_780 : vector<16xi32> to vector<16xf32>
        %and3A_782 = arith.constant -65536 : i32
        %and3A_783 = vector.broadcast %and3A_782 : i32 to vector<16xi32>
        %and3A_784 = arith.andi %gather3A_769, %and3A_783 : vector<16xi32>
        %bitcast3A_785 = vector.bitcast %and3A_784 : vector<16xi32> to vector<16xf32>
        %add3A_786 = arith.addf %bitcast3A_748, %bitcast3A_773 : vector<16xf32>
        %add3A_787 = arith.addf %bitcast3A_752, %bitcast3A_777 : vector<16xf32>
        %add3A_788 = arith.addf %bitcast3A_756, %bitcast3A_781 : vector<16xf32>
        %add3A_789 = arith.addf %bitcast3A_760, %bitcast3A_785 : vector<16xf32>
        %add3A_790 = arith.constant 3200 : i32
        %add3A_791 = arith.addi %add3A_790, %mul3A_138 : i32
        %get3A_792 = arith.index_cast %add3A_791 : i32 to index
        %get3A_793 = tpu.vector_load %arg12[%get3A_792] {strides = array<i32>} : memref<12800xi32, #tpu.memory_space<vmem>>, vector<16xi32>,
        %gather3A_794 = tpu.vector_load_idx %arg16[%get3A_793] : memref<20480xi32, #tpu.memory_space<vmem>>[vector<16xi32>], vector<16xi32>,
        %add3A_795 = arith.constant 10240 : i32
        %add3A_796 = vector.broadcast %add3A_795 : i32 to vector<16xi32>
        %add3A_797 = arith.addi %get3A_793, %add3A_796 : vector<16xi32>
        %gather3A_798 = tpu.vector_load_idx %arg16[%add3A_797] : memref<20480xi32, #tpu.memory_space<vmem>>[vector<16xi32>], vector<16xi32>,
        %shift_left3A_799 = arith.constant 16 : i32
        %shift_left3A_800 = vector.broadcast %shift_left3A_799 : i32 to vector<16xi32>
        %shift_left3A_801 = arith.shli %gather3A_794, %shift_left3A_800 : vector<16xi32>
        %bitcast3A_802 = vector.bitcast %shift_left3A_801 : vector<16xi32> to vector<16xf32>
        %and3A_803 = arith.constant -65536 : i32
        %and3A_804 = vector.broadcast %and3A_803 : i32 to vector<16xi32>
        %and3A_805 = arith.andi %gather3A_794, %and3A_804 : vector<16xi32>
        %bitcast3A_806 = vector.bitcast %and3A_805 : vector<16xi32> to vector<16xf32>
        %shift_left3A_807 = arith.constant 16 : i32
        %shift_left3A_808 = vector.broadcast %shift_left3A_807 : i32 to vector<16xi32>
        %shift_left3A_809 = arith.shli %gather3A_798, %shift_left3A_808 : vector<16xi32>
        %bitcast3A_810 = vector.bitcast %shift_left3A_809 : vector<16xi32> to vector<16xf32>
        %and3A_811 = arith.constant -65536 : i32
        %and3A_812 = vector.broadcast %and3A_811 : i32 to vector<16xi32>
        %and3A_813 = arith.andi %gather3A_798, %and3A_812 : vector<16xi32>
        %bitcast3A_814 = vector.bitcast %and3A_813 : vector<16xi32> to vector<16xf32>
        %add3A_815 = arith.addf %add3A_786, %bitcast3A_802 : vector<16xf32>
        %add3A_816 = arith.addf %add3A_787, %bitcast3A_806 : vector<16xf32>
        %add3A_817 = arith.addf %add3A_788, %bitcast3A_810 : vector<16xf32>
        %add3A_818 = arith.addf %add3A_789, %bitcast3A_814 : vector<16xf32>
        %add3A_819 = arith.constant 4480 : i32
        %add3A_820 = arith.addi %add3A_819, %mul3A_138 : i32
        %get3A_821 = arith.index_cast %add3A_820 : i32 to index
        %get3A_822 = tpu.vector_load %arg12[%get3A_821] {strides = array<i32>} : memref<12800xi32, #tpu.memory_space<vmem>>, vector<16xi32>,
        %gather3A_823 = tpu.vector_load_idx %arg16[%get3A_822] : memref<20480xi32, #tpu.memory_space<vmem>>[vector<16xi32>], vector<16xi32>,
        %add3A_824 = arith.constant 10240 : i32
        %add3A_825 = vector.broadcast %add3A_824 : i32 to vector<16xi32>
        %add3A_826 = arith.addi %get3A_822, %add3A_825 : vector<16xi32>
        %gather3A_827 = tpu.vector_load_idx %arg16[%add3A_826] : memref<20480xi32, #tpu.memory_space<vmem>>[vector<16xi32>], vector<16xi32>,
        %shift_left3A_828 = arith.constant 16 : i32
        %shift_left3A_829 = vector.broadcast %shift_left3A_828 : i32 to vector<16xi32>
        %shift_left3A_830 = arith.shli %gather3A_823, %shift_left3A_829 : vector<16xi32>
        %bitcast3A_831 = vector.bitcast %shift_left3A_830 : vector<16xi32> to vector<16xf32>
        %and3A_832 = arith.constant -65536 : i32
        %and3A_833 = vector.broadcast %and3A_832 : i32 to vector<16xi32>
        %and3A_834 = arith.andi %gather3A_823, %and3A_833 : vector<16xi32>
        %bitcast3A_835 = vector.bitcast %and3A_834 : vector<16xi32> to vector<16xf32>
        %shift_left3A_836 = arith.constant 16 : i32
        %shift_left3A_837 = vector.broadcast %shift_left3A_836 : i32 to vector<16xi32>
        %shift_left3A_838 = arith.shli %gather3A_827, %shift_left3A_837 : vector<16xi32>
        %bitcast3A_839 = vector.bitcast %shift_left3A_838 : vector<16xi32> to vector<16xf32>
        %and3A_840 = arith.constant -65536 : i32
        %and3A_841 = vector.broadcast %and3A_840 : i32 to vector<16xi32>
        %and3A_842 = arith.andi %gather3A_827, %and3A_841 : vector<16xi32>
        %bitcast3A_843 = vector.bitcast %and3A_842 : vector<16xi32> to vector<16xf32>
        %add3A_844 = arith.addf %add3A_815, %bitcast3A_831 : vector<16xf32>
        %add3A_845 = arith.addf %add3A_816, %bitcast3A_835 : vector<16xf32>
        %add3A_846 = arith.addf %add3A_817, %bitcast3A_839 : vector<16xf32>
        %add3A_847 = arith.addf %add3A_818, %bitcast3A_843 : vector<16xf32>
        %add3A_848 = arith.constant 5760 : i32
        %add3A_849 = arith.addi %add3A_848, %mul3A_138 : i32
        %get3A_850 = arith.index_cast %add3A_849 : i32 to index
        %get3A_851 = tpu.vector_load %arg12[%get3A_850] {strides = array<i32>} : memref<12800xi32, #tpu.memory_space<vmem>>, vector<16xi32>,
        %gather3A_852 = tpu.vector_load_idx %arg16[%get3A_851] : memref<20480xi32, #tpu.memory_space<vmem>>[vector<16xi32>], vector<16xi32>,
        %add3A_853 = arith.constant 10240 : i32
        %add3A_854 = vector.broadcast %add3A_853 : i32 to vector<16xi32>
        %add3A_855 = arith.addi %get3A_851, %add3A_854 : vector<16xi32>
        %gather3A_856 = tpu.vector_load_idx %arg16[%add3A_855] : memref<20480xi32, #tpu.memory_space<vmem>>[vector<16xi32>], vector<16xi32>,
        %shift_left3A_857 = arith.constant 16 : i32
        %shift_left3A_858 = vector.broadcast %shift_left3A_857 : i32 to vector<16xi32>
        %shift_left3A_859 = arith.shli %gather3A_852, %shift_left3A_858 : vector<16xi32>
        %bitcast3A_860 = vector.bitcast %shift_left3A_859 : vector<16xi32> to vector<16xf32>
        %and3A_861 = arith.constant -65536 : i32
        %and3A_862 = vector.broadcast %and3A_861 : i32 to vector<16xi32>
        %and3A_863 = arith.andi %gather3A_852, %and3A_862 : vector<16xi32>
        %bitcast3A_864 = vector.bitcast %and3A_863 : vector<16xi32> to vector<16xf32>
        %shift_left3A_865 = arith.constant 16 : i32
        %shift_left3A_866 = vector.broadcast %shift_left3A_865 : i32 to vector<16xi32>
        %shift_left3A_867 = arith.shli %gather3A_856, %shift_left3A_866 : vector<16xi32>
        %bitcast3A_868 = vector.bitcast %shift_left3A_867 : vector<16xi32> to vector<16xf32>
        %and3A_869 = arith.constant -65536 : i32
        %and3A_870 = vector.broadcast %and3A_869 : i32 to vector<16xi32>
        %and3A_871 = arith.andi %gather3A_856, %and3A_870 : vector<16xi32>
        %bitcast3A_872 = vector.bitcast %and3A_871 : vector<16xi32> to vector<16xf32>
        %add3A_873 = arith.addf %add3A_844, %bitcast3A_860 : vector<16xf32>
        %add3A_874 = arith.addf %add3A_845, %bitcast3A_864 : vector<16xf32>
        %add3A_875 = arith.addf %add3A_846, %bitcast3A_868 : vector<16xf32>
        %add3A_876 = arith.addf %add3A_847, %bitcast3A_872 : vector<16xf32>
        %add3A_877 = arith.constant 7040 : i32
        %add3A_878 = arith.addi %add3A_877, %mul3A_138 : i32
        %get3A_879 = arith.index_cast %add3A_878 : i32 to index
        %get3A_880 = tpu.vector_load %arg12[%get3A_879] {strides = array<i32>} : memref<12800xi32, #tpu.memory_space<vmem>>, vector<16xi32>,
        %gather3A_881 = tpu.vector_load_idx %arg16[%get3A_880] : memref<20480xi32, #tpu.memory_space<vmem>>[vector<16xi32>], vector<16xi32>,
        %add3A_882 = arith.constant 10240 : i32
        %add3A_883 = vector.broadcast %add3A_882 : i32 to vector<16xi32>
        %add3A_884 = arith.addi %get3A_880, %add3A_883 : vector<16xi32>
        %gather3A_885 = tpu.vector_load_idx %arg16[%add3A_884] : memref<20480xi32, #tpu.memory_space<vmem>>[vector<16xi32>], vector<16xi32>,
        %shift_left3A_886 = arith.constant 16 : i32
        %shift_left3A_887 = vector.broadcast %shift_left3A_886 : i32 to vector<16xi32>
        %shift_left3A_888 = arith.shli %gather3A_881, %shift_left3A_887 : vector<16xi32>
        %bitcast3A_889 = vector.bitcast %shift_left3A_888 : vector<16xi32> to vector<16xf32>
        %and3A_890 = arith.constant -65536 : i32
        %and3A_891 = vector.broadcast %and3A_890 : i32 to vector<16xi32>
        %and3A_892 = arith.andi %gather3A_881, %and3A_891 : vector<16xi32>
        %bitcast3A_893 = vector.bitcast %and3A_892 : vector<16xi32> to vector<16xf32>
        %shift_left3A_894 = arith.constant 16 : i32
        %shift_left3A_895 = vector.broadcast %shift_left3A_894 : i32 to vector<16xi32>
        %shift_left3A_896 = arith.shli %gather3A_885, %shift_left3A_895 : vector<16xi32>
        %bitcast3A_897 = vector.bitcast %shift_left3A_896 : vector<16xi32> to vector<16xf32>
        %and3A_898 = arith.constant -65536 : i32
        %and3A_899 = vector.broadcast %and3A_898 : i32 to vector<16xi32>
        %and3A_900 = arith.andi %gather3A_885, %and3A_899 : vector<16xi32>
        %bitcast3A_901 = vector.bitcast %and3A_900 : vector<16xi32> to vector<16xf32>
        %add3A_902 = arith.addf %add3A_873, %bitcast3A_889 : vector<16xf32>
        %add3A_903 = arith.addf %add3A_874, %bitcast3A_893 : vector<16xf32>
        %add3A_904 = arith.addf %add3A_875, %bitcast3A_897 : vector<16xf32>
        %add3A_905 = arith.addf %add3A_876, %bitcast3A_901 : vector<16xf32>
        %add3A_906 = arith.constant 8320 : i32
        %add3A_907 = arith.addi %add3A_906, %mul3A_138 : i32
        %get3A_908 = arith.index_cast %add3A_907 : i32 to index
        %get3A_909 = tpu.vector_load %arg12[%get3A_908] {strides = array<i32>} : memref<12800xi32, #tpu.memory_space<vmem>>, vector<16xi32>,
        %gather3A_910 = tpu.vector_load_idx %arg16[%get3A_909] : memref<20480xi32, #tpu.memory_space<vmem>>[vector<16xi32>], vector<16xi32>,
        %add3A_911 = arith.constant 10240 : i32
        %add3A_912 = vector.broadcast %add3A_911 : i32 to vector<16xi32>
        %add3A_913 = arith.addi %get3A_909, %add3A_912 : vector<16xi32>
        %gather3A_914 = tpu.vector_load_idx %arg16[%add3A_913] : memref<20480xi32, #tpu.memory_space<vmem>>[vector<16xi32>], vector<16xi32>,
        %shift_left3A_915 = arith.constant 16 : i32
        %shift_left3A_916 = vector.broadcast %shift_left3A_915 : i32 to vector<16xi32>
        %shift_left3A_917 = arith.shli %gather3A_910, %shift_left3A_916 : vector<16xi32>
        %bitcast3A_918 = vector.bitcast %shift_left3A_917 : vector<16xi32> to vector<16xf32>
        %and3A_919 = arith.constant -65536 : i32
        %and3A_920 = vector.broadcast %and3A_919 : i32 to vector<16xi32>
        %and3A_921 = arith.andi %gather3A_910, %and3A_920 : vector<16xi32>
        %bitcast3A_922 = vector.bitcast %and3A_921 : vector<16xi32> to vector<16xf32>
        %shift_left3A_923 = arith.constant 16 : i32
        %shift_left3A_924 = vector.broadcast %shift_left3A_923 : i32 to vector<16xi32>
        %shift_left3A_925 = arith.shli %gather3A_914, %shift_left3A_924 : vector<16xi32>
        %bitcast3A_926 = vector.bitcast %shift_left3A_925 : vector<16xi32> to vector<16xf32>
        %and3A_927 = arith.constant -65536 : i32
        %and3A_928 = vector.broadcast %and3A_927 : i32 to vector<16xi32>
        %and3A_929 = arith.andi %gather3A_914, %and3A_928 : vector<16xi32>
        %bitcast3A_930 = vector.bitcast %and3A_929 : vector<16xi32> to vector<16xf32>
        %add3A_931 = arith.addf %add3A_902, %bitcast3A_918 : vector<16xf32>
        %add3A_932 = arith.addf %add3A_903, %bitcast3A_922 : vector<16xf32>
        %add3A_933 = arith.addf %add3A_904, %bitcast3A_926 : vector<16xf32>
        %add3A_934 = arith.addf %add3A_905, %bitcast3A_930 : vector<16xf32>
        %add3A_935 = arith.constant 9600 : i32
        %add3A_936 = arith.addi %add3A_935, %mul3A_138 : i32
        %get3A_937 = arith.index_cast %add3A_936 : i32 to index
        %get3A_938 = tpu.vector_load %arg12[%get3A_937] {strides = array<i32>} : memref<12800xi32, #tpu.memory_space<vmem>>, vector<16xi32>,
        %gather3A_939 = tpu.vector_load_idx %arg16[%get3A_938] : memref<20480xi32, #tpu.memory_space<vmem>>[vector<16xi32>], vector<16xi32>,
        %add3A_940 = arith.constant 10240 : i32
        %add3A_941 = vector.broadcast %add3A_940 : i32 to vector<16xi32>
        %add3A_942 = arith.addi %get3A_938, %add3A_941 : vector<16xi32>
        %gather3A_943 = tpu.vector_load_idx %arg16[%add3A_942] : memref<20480xi32, #tpu.memory_space<vmem>>[vector<16xi32>], vector<16xi32>,
        %shift_left3A_944 = arith.constant 16 : i32
        %shift_left3A_945 = vector.broadcast %shift_left3A_944 : i32 to vector<16xi32>
        %shift_left3A_946 = arith.shli %gather3A_939, %shift_left3A_945 : vector<16xi32>
        %bitcast3A_947 = vector.bitcast %shift_left3A_946 : vector<16xi32> to vector<16xf32>
        %and3A_948 = arith.constant -65536 : i32
        %and3A_949 = vector.broadcast %and3A_948 : i32 to vector<16xi32>
        %and3A_950 = arith.andi %gather3A_939, %and3A_949 : vector<16xi32>
        %bitcast3A_951 = vector.bitcast %and3A_950 : vector<16xi32> to vector<16xf32>
        %shift_left3A_952 = arith.constant 16 : i32
        %shift_left3A_953 = vector.broadcast %shift_left3A_952 : i32 to vector<16xi32>
        %shift_left3A_954 = arith.shli %gather3A_943, %shift_left3A_953 : vector<16xi32>
        %bitcast3A_955 = vector.bitcast %shift_left3A_954 : vector<16xi32> to vector<16xf32>
        %and3A_956 = arith.constant -65536 : i32
        %and3A_957 = vector.broadcast %and3A_956 : i32 to vector<16xi32>
        %and3A_958 = arith.andi %gather3A_943, %and3A_957 : vector<16xi32>
        %bitcast3A_959 = vector.bitcast %and3A_958 : vector<16xi32> to vector<16xf32>
        %add3A_960 = arith.addf %add3A_931, %bitcast3A_947 : vector<16xf32>
        %add3A_961 = arith.addf %add3A_932, %bitcast3A_951 : vector<16xf32>
        %add3A_962 = arith.addf %add3A_933, %bitcast3A_955 : vector<16xf32>
        %add3A_963 = arith.addf %add3A_934, %bitcast3A_959 : vector<16xf32>
        %add3A_964 = arith.constant 10880 : i32
        %add3A_965 = arith.addi %add3A_964, %mul3A_138 : i32
        %get3A_966 = arith.index_cast %add3A_965 : i32 to index
        %get3A_967 = tpu.vector_load %arg12[%get3A_966] {strides = array<i32>} : memref<12800xi32, #tpu.memory_space<vmem>>, vector<16xi32>,
        %gather3A_968 = tpu.vector_load_idx %arg16[%get3A_967] : memref<20480xi32, #tpu.memory_space<vmem>>[vector<16xi32>], vector<16xi32>,
        %add3A_969 = arith.constant 10240 : i32
        %add3A_970 = vector.broadcast %add3A_969 : i32 to vector<16xi32>
        %add3A_971 = arith.addi %get3A_967, %add3A_970 : vector<16xi32>
        %gather3A_972 = tpu.vector_load_idx %arg16[%add3A_971] : memref<20480xi32, #tpu.memory_space<vmem>>[vector<16xi32>], vector<16xi32>,
        %shift_left3A_973 = arith.constant 16 : i32
        %shift_left3A_974 = vector.broadcast %shift_left3A_973 : i32 to vector<16xi32>
        %shift_left3A_975 = arith.shli %gather3A_968, %shift_left3A_974 : vector<16xi32>
        %bitcast3A_976 = vector.bitcast %shift_left3A_975 : vector<16xi32> to vector<16xf32>
        %and3A_977 = arith.constant -65536 : i32
        %and3A_978 = vector.broadcast %and3A_977 : i32 to vector<16xi32>
        %and3A_979 = arith.andi %gather3A_968, %and3A_978 : vector<16xi32>
        %bitcast3A_980 = vector.bitcast %and3A_979 : vector<16xi32> to vector<16xf32>
        %shift_left3A_981 = arith.constant 16 : i32
        %shift_left3A_982 = vector.broadcast %shift_left3A_981 : i32 to vector<16xi32>
        %shift_left3A_983 = arith.shli %gather3A_972, %shift_left3A_982 : vector<16xi32>
        %bitcast3A_984 = vector.bitcast %shift_left3A_983 : vector<16xi32> to vector<16xf32>
        %and3A_985 = arith.constant -65536 : i32
        %and3A_986 = vector.broadcast %and3A_985 : i32 to vector<16xi32>
        %and3A_987 = arith.andi %gather3A_972, %and3A_986 : vector<16xi32>
        %bitcast3A_988 = vector.bitcast %and3A_987 : vector<16xi32> to vector<16xf32>
        %add3A_989 = arith.addf %add3A_960, %bitcast3A_976 : vector<16xf32>
        %add3A_990 = arith.addf %add3A_961, %bitcast3A_980 : vector<16xf32>
        %add3A_991 = arith.addf %add3A_962, %bitcast3A_984 : vector<16xf32>
        %add3A_992 = arith.addf %add3A_963, %bitcast3A_988 : vector<16xf32>
        %add3A_993 = arith.constant 12160 : i32
        %add3A_994 = arith.addi %add3A_993, %mul3A_138 : i32
        %get3A_995 = arith.index_cast %add3A_994 : i32 to index
        %get3A_996 = tpu.vector_load %arg12[%get3A_995] {strides = array<i32>} : memref<12800xi32, #tpu.memory_space<vmem>>, vector<16xi32>,
        %gather3A_997 = tpu.vector_load_idx %arg16[%get3A_996] : memref<20480xi32, #tpu.memory_space<vmem>>[vector<16xi32>], vector<16xi32>,
        %add3A_998 = arith.constant 10240 : i32
        %add3A_999 = vector.broadcast %add3A_998 : i32 to vector<16xi32>
        %add3A_1000 = arith.addi %get3A_996, %add3A_999 : vector<16xi32>
        %gather3A_1001 = tpu.vector_load_idx %arg16[%add3A_1000] : memref<20480xi32, #tpu.memory_space<vmem>>[vector<16xi32>], vector<16xi32>,
        %shift_left3A_1002 = arith.constant 16 : i32
        %shift_left3A_1003 = vector.broadcast %shift_left3A_1002 : i32 to vector<16xi32>
        %shift_left3A_1004 = arith.shli %gather3A_997, %shift_left3A_1003 : vector<16xi32>
        %bitcast3A_1005 = vector.bitcast %shift_left3A_1004 : vector<16xi32> to vector<16xf32>
        %and3A_1006 = arith.constant -65536 : i32
        %and3A_1007 = vector.broadcast %and3A_1006 : i32 to vector<16xi32>
        %and3A_1008 = arith.andi %gather3A_997, %and3A_1007 : vector<16xi32>
        %bitcast3A_1009 = vector.bitcast %and3A_1008 : vector<16xi32> to vector<16xf32>
        %shift_left3A_1010 = arith.constant 16 : i32
        %shift_left3A_1011 = vector.broadcast %shift_left3A_1010 : i32 to vector<16xi32>
        %shift_left3A_1012 = arith.shli %gather3A_1001, %shift_left3A_1011 : vector<16xi32>
        %bitcast3A_1013 = vector.bitcast %shift_left3A_1012 : vector<16xi32> to vector<16xf32>
        %and3A_1014 = arith.constant -65536 : i32
        %and3A_1015 = vector.broadcast %and3A_1014 : i32 to vector<16xi32>
        %and3A_1016 = arith.andi %gather3A_1001, %and3A_1015 : vector<16xi32>
        %bitcast3A_1017 = vector.bitcast %and3A_1016 : vector<16xi32> to vector<16xf32>
        %add3A_1018 = arith.addf %add3A_989, %bitcast3A_1005 : vector<16xf32>
        %add3A_1019 = arith.addf %add3A_990, %bitcast3A_1009 : vector<16xf32>
        %add3A_1020 = arith.addf %add3A_991, %bitcast3A_1013 : vector<16xf32>
        %add3A_1021 = arith.addf %add3A_992, %bitcast3A_1017 : vector<16xf32>
        %mul3A_1022 = arith.mulf %get3A_151, %add3A_1018 : vector<16xf32>
        %add3A_1023 = arith.addf %add3A_729, %mul3A_1022 : vector<16xf32>
        %mul3A_1024 = arith.mulf %get3A_151, %add3A_1019 : vector<16xf32>
        %add3A_1025 = arith.addf %add3A_731, %mul3A_1024 : vector<16xf32>
        %mul3A_1026 = arith.mulf %get3A_151, %add3A_1020 : vector<16xf32>
        %add3A_1027 = arith.addf %add3A_733, %mul3A_1026 : vector<16xf32>
        %mul3A_1028 = arith.mulf %get3A_151, %add3A_1021 : vector<16xf32>
        %add3A_1029 = arith.addf %add3A_735, %mul3A_1028 : vector<16xf32>
        %add3A_1030 = arith.constant 960 : i32
        %add3A_1031 = arith.addi %add3A_1030, %mul3A_138 : i32
        %get3A_1032 = arith.index_cast %add3A_1031 : i32 to index
        %get3A_1033 = tpu.vector_load %arg12[%get3A_1032] {strides = array<i32>} : memref<12800xi32, #tpu.memory_space<vmem>>, vector<16xi32>,
        %gather3A_1034 = tpu.vector_load_idx %arg16[%get3A_1033] : memref<20480xi32, #tpu.memory_space<vmem>>[vector<16xi32>], vector<16xi32>,
        %add3A_1035 = arith.constant 10240 : i32
        %add3A_1036 = vector.broadcast %add3A_1035 : i32 to vector<16xi32>
        %add3A_1037 = arith.addi %get3A_1033, %add3A_1036 : vector<16xi32>
        %gather3A_1038 = tpu.vector_load_idx %arg16[%add3A_1037] : memref<20480xi32, #tpu.memory_space<vmem>>[vector<16xi32>], vector<16xi32>,
        %shift_left3A_1039 = arith.constant 16 : i32
        %shift_left3A_1040 = vector.broadcast %shift_left3A_1039 : i32 to vector<16xi32>
        %shift_left3A_1041 = arith.shli %gather3A_1034, %shift_left3A_1040 : vector<16xi32>
        %bitcast3A_1042 = vector.bitcast %shift_left3A_1041 : vector<16xi32> to vector<16xf32>
        %and3A_1043 = arith.constant -65536 : i32
        %and3A_1044 = vector.broadcast %and3A_1043 : i32 to vector<16xi32>
        %and3A_1045 = arith.andi %gather3A_1034, %and3A_1044 : vector<16xi32>
        %bitcast3A_1046 = vector.bitcast %and3A_1045 : vector<16xi32> to vector<16xf32>
        %shift_left3A_1047 = arith.constant 16 : i32
        %shift_left3A_1048 = vector.broadcast %shift_left3A_1047 : i32 to vector<16xi32>
        %shift_left3A_1049 = arith.shli %gather3A_1038, %shift_left3A_1048 : vector<16xi32>
        %bitcast3A_1050 = vector.bitcast %shift_left3A_1049 : vector<16xi32> to vector<16xf32>
        %and3A_1051 = arith.constant -65536 : i32
        %and3A_1052 = vector.broadcast %and3A_1051 : i32 to vector<16xi32>
        %and3A_1053 = arith.andi %gather3A_1038, %and3A_1052 : vector<16xi32>
        %bitcast3A_1054 = vector.bitcast %and3A_1053 : vector<16xi32> to vector<16xf32>
        %add3A_1055 = arith.constant 2240 : i32
        %add3A_1056 = arith.addi %add3A_1055, %mul3A_138 : i32
        %get3A_1057 = arith.index_cast %add3A_1056 : i32 to index
        %get3A_1058 = tpu.vector_load %arg12[%get3A_1057] {strides = array<i32>} : memref<12800xi32, #tpu.memory_space<vmem>>, vector<16xi32>,
        %gather3A_1059 = tpu.vector_load_idx %arg16[%get3A_1058] : memref<20480xi32, #tpu.memory_space<vmem>>[vector<16xi32>], vector<16xi32>,
        %add3A_1060 = arith.constant 10240 : i32
        %add3A_1061 = vector.broadcast %add3A_1060 : i32 to vector<16xi32>
        %add3A_1062 = arith.addi %get3A_1058, %add3A_1061 : vector<16xi32>
        %gather3A_1063 = tpu.vector_load_idx %arg16[%add3A_1062] : memref<20480xi32, #tpu.memory_space<vmem>>[vector<16xi32>], vector<16xi32>,
        %shift_left3A_1064 = arith.constant 16 : i32
        %shift_left3A_1065 = vector.broadcast %shift_left3A_1064 : i32 to vector<16xi32>
        %shift_left3A_1066 = arith.shli %gather3A_1059, %shift_left3A_1065 : vector<16xi32>
        %bitcast3A_1067 = vector.bitcast %shift_left3A_1066 : vector<16xi32> to vector<16xf32>
        %and3A_1068 = arith.constant -65536 : i32
        %and3A_1069 = vector.broadcast %and3A_1068 : i32 to vector<16xi32>
        %and3A_1070 = arith.andi %gather3A_1059, %and3A_1069 : vector<16xi32>
        %bitcast3A_1071 = vector.bitcast %and3A_1070 : vector<16xi32> to vector<16xf32>
        %shift_left3A_1072 = arith.constant 16 : i32
        %shift_left3A_1073 = vector.broadcast %shift_left3A_1072 : i32 to vector<16xi32>
        %shift_left3A_1074 = arith.shli %gather3A_1063, %shift_left3A_1073 : vector<16xi32>
        %bitcast3A_1075 = vector.bitcast %shift_left3A_1074 : vector<16xi32> to vector<16xf32>
        %and3A_1076 = arith.constant -65536 : i32
        %and3A_1077 = vector.broadcast %and3A_1076 : i32 to vector<16xi32>
        %and3A_1078 = arith.andi %gather3A_1063, %and3A_1077 : vector<16xi32>
        %bitcast3A_1079 = vector.bitcast %and3A_1078 : vector<16xi32> to vector<16xf32>
        %add3A_1080 = arith.addf %bitcast3A_1042, %bitcast3A_1067 : vector<16xf32>
        %add3A_1081 = arith.addf %bitcast3A_1046, %bitcast3A_1071 : vector<16xf32>
        %add3A_1082 = arith.addf %bitcast3A_1050, %bitcast3A_1075 : vector<16xf32>
        %add3A_1083 = arith.addf %bitcast3A_1054, %bitcast3A_1079 : vector<16xf32>
        %add3A_1084 = arith.constant 3520 : i32
        %add3A_1085 = arith.addi %add3A_1084, %mul3A_138 : i32
        %get3A_1086 = arith.index_cast %add3A_1085 : i32 to index
        %get3A_1087 = tpu.vector_load %arg12[%get3A_1086] {strides = array<i32>} : memref<12800xi32, #tpu.memory_space<vmem>>, vector<16xi32>,
        %gather3A_1088 = tpu.vector_load_idx %arg16[%get3A_1087] : memref<20480xi32, #tpu.memory_space<vmem>>[vector<16xi32>], vector<16xi32>,
        %add3A_1089 = arith.constant 10240 : i32
        %add3A_1090 = vector.broadcast %add3A_1089 : i32 to vector<16xi32>
        %add3A_1091 = arith.addi %get3A_1087, %add3A_1090 : vector<16xi32>
        %gather3A_1092 = tpu.vector_load_idx %arg16[%add3A_1091] : memref<20480xi32, #tpu.memory_space<vmem>>[vector<16xi32>], vector<16xi32>,
        %shift_left3A_1093 = arith.constant 16 : i32
        %shift_left3A_1094 = vector.broadcast %shift_left3A_1093 : i32 to vector<16xi32>
        %shift_left3A_1095 = arith.shli %gather3A_1088, %shift_left3A_1094 : vector<16xi32>
        %bitcast3A_1096 = vector.bitcast %shift_left3A_1095 : vector<16xi32> to vector<16xf32>
        %and3A_1097 = arith.constant -65536 : i32
        %and3A_1098 = vector.broadcast %and3A_1097 : i32 to vector<16xi32>
        %and3A_1099 = arith.andi %gather3A_1088, %and3A_1098 : vector<16xi32>
        %bitcast3A_1100 = vector.bitcast %and3A_1099 : vector<16xi32> to vector<16xf32>
        %shift_left3A_1101 = arith.constant 16 : i32
        %shift_left3A_1102 = vector.broadcast %shift_left3A_1101 : i32 to vector<16xi32>
        %shift_left3A_1103 = arith.shli %gather3A_1092, %shift_left3A_1102 : vector<16xi32>
        %bitcast3A_1104 = vector.bitcast %shift_left3A_1103 : vector<16xi32> to vector<16xf32>
        %and3A_1105 = arith.constant -65536 : i32
        %and3A_1106 = vector.broadcast %and3A_1105 : i32 to vector<16xi32>
        %and3A_1107 = arith.andi %gather3A_1092, %and3A_1106 : vector<16xi32>
        %bitcast3A_1108 = vector.bitcast %and3A_1107 : vector<16xi32> to vector<16xf32>
        %add3A_1109 = arith.addf %add3A_1080, %bitcast3A_1096 : vector<16xf32>
        %add3A_1110 = arith.addf %add3A_1081, %bitcast3A_1100 : vector<16xf32>
        %add3A_1111 = arith.addf %add3A_1082, %bitcast3A_1104 : vector<16xf32>
        %add3A_1112 = arith.addf %add3A_1083, %bitcast3A_1108 : vector<16xf32>
        %add3A_1113 = arith.constant 4800 : i32
        %add3A_1114 = arith.addi %add3A_1113, %mul3A_138 : i32
        %get3A_1115 = arith.index_cast %add3A_1114 : i32 to index
        %get3A_1116 = tpu.vector_load %arg12[%get3A_1115] {strides = array<i32>} : memref<12800xi32, #tpu.memory_space<vmem>>, vector<16xi32>,
        %gather3A_1117 = tpu.vector_load_idx %arg16[%get3A_1116] : memref<20480xi32, #tpu.memory_space<vmem>>[vector<16xi32>], vector<16xi32>,
        %add3A_1118 = arith.constant 10240 : i32
        %add3A_1119 = vector.broadcast %add3A_1118 : i32 to vector<16xi32>
        %add3A_1120 = arith.addi %get3A_1116, %add3A_1119 : vector<16xi32>
        %gather3A_1121 = tpu.vector_load_idx %arg16[%add3A_1120] : memref<20480xi32, #tpu.memory_space<vmem>>[vector<16xi32>], vector<16xi32>,
        %shift_left3A_1122 = arith.constant 16 : i32
        %shift_left3A_1123 = vector.broadcast %shift_left3A_1122 : i32 to vector<16xi32>
        %shift_left3A_1124 = arith.shli %gather3A_1117, %shift_left3A_1123 : vector<16xi32>
        %bitcast3A_1125 = vector.bitcast %shift_left3A_1124 : vector<16xi32> to vector<16xf32>
        %and3A_1126 = arith.constant -65536 : i32
        %and3A_1127 = vector.broadcast %and3A_1126 : i32 to vector<16xi32>
        %and3A_1128 = arith.andi %gather3A_1117, %and3A_1127 : vector<16xi32>
        %bitcast3A_1129 = vector.bitcast %and3A_1128 : vector<16xi32> to vector<16xf32>
        %shift_left3A_1130 = arith.constant 16 : i32
        %shift_left3A_1131 = vector.broadcast %shift_left3A_1130 : i32 to vector<16xi32>
        %shift_left3A_1132 = arith.shli %gather3A_1121, %shift_left3A_1131 : vector<16xi32>
        %bitcast3A_1133 = vector.bitcast %shift_left3A_1132 : vector<16xi32> to vector<16xf32>
        %and3A_1134 = arith.constant -65536 : i32
        %and3A_1135 = vector.broadcast %and3A_1134 : i32 to vector<16xi32>
        %and3A_1136 = arith.andi %gather3A_1121, %and3A_1135 : vector<16xi32>
        %bitcast3A_1137 = vector.bitcast %and3A_1136 : vector<16xi32> to vector<16xf32>
        %add3A_1138 = arith.addf %add3A_1109, %bitcast3A_1125 : vector<16xf32>
        %add3A_1139 = arith.addf %add3A_1110, %bitcast3A_1129 : vector<16xf32>
        %add3A_1140 = arith.addf %add3A_1111, %bitcast3A_1133 : vector<16xf32>
        %add3A_1141 = arith.addf %add3A_1112, %bitcast3A_1137 : vector<16xf32>
        %add3A_1142 = arith.constant 6080 : i32
        %add3A_1143 = arith.addi %add3A_1142, %mul3A_138 : i32
        %get3A_1144 = arith.index_cast %add3A_1143 : i32 to index
        %get3A_1145 = tpu.vector_load %arg12[%get3A_1144] {strides = array<i32>} : memref<12800xi32, #tpu.memory_space<vmem>>, vector<16xi32>,
        %gather3A_1146 = tpu.vector_load_idx %arg16[%get3A_1145] : memref<20480xi32, #tpu.memory_space<vmem>>[vector<16xi32>], vector<16xi32>,
        %add3A_1147 = arith.constant 10240 : i32
        %add3A_1148 = vector.broadcast %add3A_1147 : i32 to vector<16xi32>
        %add3A_1149 = arith.addi %get3A_1145, %add3A_1148 : vector<16xi32>
        %gather3A_1150 = tpu.vector_load_idx %arg16[%add3A_1149] : memref<20480xi32, #tpu.memory_space<vmem>>[vector<16xi32>], vector<16xi32>,
        %shift_left3A_1151 = arith.constant 16 : i32
        %shift_left3A_1152 = vector.broadcast %shift_left3A_1151 : i32 to vector<16xi32>
        %shift_left3A_1153 = arith.shli %gather3A_1146, %shift_left3A_1152 : vector<16xi32>
        %bitcast3A_1154 = vector.bitcast %shift_left3A_1153 : vector<16xi32> to vector<16xf32>
        %and3A_1155 = arith.constant -65536 : i32
        %and3A_1156 = vector.broadcast %and3A_1155 : i32 to vector<16xi32>
        %and3A_1157 = arith.andi %gather3A_1146, %and3A_1156 : vector<16xi32>
        %bitcast3A_1158 = vector.bitcast %and3A_1157 : vector<16xi32> to vector<16xf32>
        %shift_left3A_1159 = arith.constant 16 : i32
        %shift_left3A_1160 = vector.broadcast %shift_left3A_1159 : i32 to vector<16xi32>
        %shift_left3A_1161 = arith.shli %gather3A_1150, %shift_left3A_1160 : vector<16xi32>
        %bitcast3A_1162 = vector.bitcast %shift_left3A_1161 : vector<16xi32> to vector<16xf32>
        %and3A_1163 = arith.constant -65536 : i32
        %and3A_1164 = vector.broadcast %and3A_1163 : i32 to vector<16xi32>
        %and3A_1165 = arith.andi %gather3A_1150, %and3A_1164 : vector<16xi32>
        %bitcast3A_1166 = vector.bitcast %and3A_1165 : vector<16xi32> to vector<16xf32>
        %add3A_1167 = arith.addf %add3A_1138, %bitcast3A_1154 : vector<16xf32>
        %add3A_1168 = arith.addf %add3A_1139, %bitcast3A_1158 : vector<16xf32>
        %add3A_1169 = arith.addf %add3A_1140, %bitcast3A_1162 : vector<16xf32>
        %add3A_1170 = arith.addf %add3A_1141, %bitcast3A_1166 : vector<16xf32>
        %add3A_1171 = arith.constant 7360 : i32
        %add3A_1172 = arith.addi %add3A_1171, %mul3A_138 : i32
        %get3A_1173 = arith.index_cast %add3A_1172 : i32 to index
        %get3A_1174 = tpu.vector_load %arg12[%get3A_1173] {strides = array<i32>} : memref<12800xi32, #tpu.memory_space<vmem>>, vector<16xi32>,
        %gather3A_1175 = tpu.vector_load_idx %arg16[%get3A_1174] : memref<20480xi32, #tpu.memory_space<vmem>>[vector<16xi32>], vector<16xi32>,
        %add3A_1176 = arith.constant 10240 : i32
        %add3A_1177 = vector.broadcast %add3A_1176 : i32 to vector<16xi32>
        %add3A_1178 = arith.addi %get3A_1174, %add3A_1177 : vector<16xi32>
        %gather3A_1179 = tpu.vector_load_idx %arg16[%add3A_1178] : memref<20480xi32, #tpu.memory_space<vmem>>[vector<16xi32>], vector<16xi32>,
        %shift_left3A_1180 = arith.constant 16 : i32
        %shift_left3A_1181 = vector.broadcast %shift_left3A_1180 : i32 to vector<16xi32>
        %shift_left3A_1182 = arith.shli %gather3A_1175, %shift_left3A_1181 : vector<16xi32>
        %bitcast3A_1183 = vector.bitcast %shift_left3A_1182 : vector<16xi32> to vector<16xf32>
        %and3A_1184 = arith.constant -65536 : i32
        %and3A_1185 = vector.broadcast %and3A_1184 : i32 to vector<16xi32>
        %and3A_1186 = arith.andi %gather3A_1175, %and3A_1185 : vector<16xi32>
        %bitcast3A_1187 = vector.bitcast %and3A_1186 : vector<16xi32> to vector<16xf32>
        %shift_left3A_1188 = arith.constant 16 : i32
        %shift_left3A_1189 = vector.broadcast %shift_left3A_1188 : i32 to vector<16xi32>
        %shift_left3A_1190 = arith.shli %gather3A_1179, %shift_left3A_1189 : vector<16xi32>
        %bitcast3A_1191 = vector.bitcast %shift_left3A_1190 : vector<16xi32> to vector<16xf32>
        %and3A_1192 = arith.constant -65536 : i32
        %and3A_1193 = vector.broadcast %and3A_1192 : i32 to vector<16xi32>
        %and3A_1194 = arith.andi %gather3A_1179, %and3A_1193 : vector<16xi32>
        %bitcast3A_1195 = vector.bitcast %and3A_1194 : vector<16xi32> to vector<16xf32>
        %add3A_1196 = arith.addf %add3A_1167, %bitcast3A_1183 : vector<16xf32>
        %add3A_1197 = arith.addf %add3A_1168, %bitcast3A_1187 : vector<16xf32>
        %add3A_1198 = arith.addf %add3A_1169, %bitcast3A_1191 : vector<16xf32>
        %add3A_1199 = arith.addf %add3A_1170, %bitcast3A_1195 : vector<16xf32>
        %add3A_1200 = arith.constant 8640 : i32
        %add3A_1201 = arith.addi %add3A_1200, %mul3A_138 : i32
        %get3A_1202 = arith.index_cast %add3A_1201 : i32 to index
        %get3A_1203 = tpu.vector_load %arg12[%get3A_1202] {strides = array<i32>} : memref<12800xi32, #tpu.memory_space<vmem>>, vector<16xi32>,
        %gather3A_1204 = tpu.vector_load_idx %arg16[%get3A_1203] : memref<20480xi32, #tpu.memory_space<vmem>>[vector<16xi32>], vector<16xi32>,
        %add3A_1205 = arith.constant 10240 : i32
        %add3A_1206 = vector.broadcast %add3A_1205 : i32 to vector<16xi32>
        %add3A_1207 = arith.addi %get3A_1203, %add3A_1206 : vector<16xi32>
        %gather3A_1208 = tpu.vector_load_idx %arg16[%add3A_1207] : memref<20480xi32, #tpu.memory_space<vmem>>[vector<16xi32>], vector<16xi32>,
        %shift_left3A_1209 = arith.constant 16 : i32
        %shift_left3A_1210 = vector.broadcast %shift_left3A_1209 : i32 to vector<16xi32>
        %shift_left3A_1211 = arith.shli %gather3A_1204, %shift_left3A_1210 : vector<16xi32>
        %bitcast3A_1212 = vector.bitcast %shift_left3A_1211 : vector<16xi32> to vector<16xf32>
        %and3A_1213 = arith.constant -65536 : i32
        %and3A_1214 = vector.broadcast %and3A_1213 : i32 to vector<16xi32>
        %and3A_1215 = arith.andi %gather3A_1204, %and3A_1214 : vector<16xi32>
        %bitcast3A_1216 = vector.bitcast %and3A_1215 : vector<16xi32> to vector<16xf32>
        %shift_left3A_1217 = arith.constant 16 : i32
        %shift_left3A_1218 = vector.broadcast %shift_left3A_1217 : i32 to vector<16xi32>
        %shift_left3A_1219 = arith.shli %gather3A_1208, %shift_left3A_1218 : vector<16xi32>
        %bitcast3A_1220 = vector.bitcast %shift_left3A_1219 : vector<16xi32> to vector<16xf32>
        %and3A_1221 = arith.constant -65536 : i32
        %and3A_1222 = vector.broadcast %and3A_1221 : i32 to vector<16xi32>
        %and3A_1223 = arith.andi %gather3A_1208, %and3A_1222 : vector<16xi32>
        %bitcast3A_1224 = vector.bitcast %and3A_1223 : vector<16xi32> to vector<16xf32>
        %add3A_1225 = arith.addf %add3A_1196, %bitcast3A_1212 : vector<16xf32>
        %add3A_1226 = arith.addf %add3A_1197, %bitcast3A_1216 : vector<16xf32>
        %add3A_1227 = arith.addf %add3A_1198, %bitcast3A_1220 : vector<16xf32>
        %add3A_1228 = arith.addf %add3A_1199, %bitcast3A_1224 : vector<16xf32>
        %add3A_1229 = arith.constant 9920 : i32
        %add3A_1230 = arith.addi %add3A_1229, %mul3A_138 : i32
        %get3A_1231 = arith.index_cast %add3A_1230 : i32 to index
        %get3A_1232 = tpu.vector_load %arg12[%get3A_1231] {strides = array<i32>} : memref<12800xi32, #tpu.memory_space<vmem>>, vector<16xi32>,
        %gather3A_1233 = tpu.vector_load_idx %arg16[%get3A_1232] : memref<20480xi32, #tpu.memory_space<vmem>>[vector<16xi32>], vector<16xi32>,
        %add3A_1234 = arith.constant 10240 : i32
        %add3A_1235 = vector.broadcast %add3A_1234 : i32 to vector<16xi32>
        %add3A_1236 = arith.addi %get3A_1232, %add3A_1235 : vector<16xi32>
        %gather3A_1237 = tpu.vector_load_idx %arg16[%add3A_1236] : memref<20480xi32, #tpu.memory_space<vmem>>[vector<16xi32>], vector<16xi32>,
        %shift_left3A_1238 = arith.constant 16 : i32
        %shift_left3A_1239 = vector.broadcast %shift_left3A_1238 : i32 to vector<16xi32>
        %shift_left3A_1240 = arith.shli %gather3A_1233, %shift_left3A_1239 : vector<16xi32>
        %bitcast3A_1241 = vector.bitcast %shift_left3A_1240 : vector<16xi32> to vector<16xf32>
        %and3A_1242 = arith.constant -65536 : i32
        %and3A_1243 = vector.broadcast %and3A_1242 : i32 to vector<16xi32>
        %and3A_1244 = arith.andi %gather3A_1233, %and3A_1243 : vector<16xi32>
        %bitcast3A_1245 = vector.bitcast %and3A_1244 : vector<16xi32> to vector<16xf32>
        %shift_left3A_1246 = arith.constant 16 : i32
        %shift_left3A_1247 = vector.broadcast %shift_left3A_1246 : i32 to vector<16xi32>
        %shift_left3A_1248 = arith.shli %gather3A_1237, %shift_left3A_1247 : vector<16xi32>
        %bitcast3A_1249 = vector.bitcast %shift_left3A_1248 : vector<16xi32> to vector<16xf32>
        %and3A_1250 = arith.constant -65536 : i32
        %and3A_1251 = vector.broadcast %and3A_1250 : i32 to vector<16xi32>
        %and3A_1252 = arith.andi %gather3A_1237, %and3A_1251 : vector<16xi32>
        %bitcast3A_1253 = vector.bitcast %and3A_1252 : vector<16xi32> to vector<16xf32>
        %add3A_1254 = arith.addf %add3A_1225, %bitcast3A_1241 : vector<16xf32>
        %add3A_1255 = arith.addf %add3A_1226, %bitcast3A_1245 : vector<16xf32>
        %add3A_1256 = arith.addf %add3A_1227, %bitcast3A_1249 : vector<16xf32>
        %add3A_1257 = arith.addf %add3A_1228, %bitcast3A_1253 : vector<16xf32>
        %add3A_1258 = arith.constant 11200 : i32
        %add3A_1259 = arith.addi %add3A_1258, %mul3A_138 : i32
        %get3A_1260 = arith.index_cast %add3A_1259 : i32 to index
        %get3A_1261 = tpu.vector_load %arg12[%get3A_1260] {strides = array<i32>} : memref<12800xi32, #tpu.memory_space<vmem>>, vector<16xi32>,
        %gather3A_1262 = tpu.vector_load_idx %arg16[%get3A_1261] : memref<20480xi32, #tpu.memory_space<vmem>>[vector<16xi32>], vector<16xi32>,
        %add3A_1263 = arith.constant 10240 : i32
        %add3A_1264 = vector.broadcast %add3A_1263 : i32 to vector<16xi32>
        %add3A_1265 = arith.addi %get3A_1261, %add3A_1264 : vector<16xi32>
        %gather3A_1266 = tpu.vector_load_idx %arg16[%add3A_1265] : memref<20480xi32, #tpu.memory_space<vmem>>[vector<16xi32>], vector<16xi32>,
        %shift_left3A_1267 = arith.constant 16 : i32
        %shift_left3A_1268 = vector.broadcast %shift_left3A_1267 : i32 to vector<16xi32>
        %shift_left3A_1269 = arith.shli %gather3A_1262, %shift_left3A_1268 : vector<16xi32>
        %bitcast3A_1270 = vector.bitcast %shift_left3A_1269 : vector<16xi32> to vector<16xf32>
        %and3A_1271 = arith.constant -65536 : i32
        %and3A_1272 = vector.broadcast %and3A_1271 : i32 to vector<16xi32>
        %and3A_1273 = arith.andi %gather3A_1262, %and3A_1272 : vector<16xi32>
        %bitcast3A_1274 = vector.bitcast %and3A_1273 : vector<16xi32> to vector<16xf32>
        %shift_left3A_1275 = arith.constant 16 : i32
        %shift_left3A_1276 = vector.broadcast %shift_left3A_1275 : i32 to vector<16xi32>
        %shift_left3A_1277 = arith.shli %gather3A_1266, %shift_left3A_1276 : vector<16xi32>
        %bitcast3A_1278 = vector.bitcast %shift_left3A_1277 : vector<16xi32> to vector<16xf32>
        %and3A_1279 = arith.constant -65536 : i32
        %and3A_1280 = vector.broadcast %and3A_1279 : i32 to vector<16xi32>
        %and3A_1281 = arith.andi %gather3A_1266, %and3A_1280 : vector<16xi32>
        %bitcast3A_1282 = vector.bitcast %and3A_1281 : vector<16xi32> to vector<16xf32>
        %add3A_1283 = arith.addf %add3A_1254, %bitcast3A_1270 : vector<16xf32>
        %add3A_1284 = arith.addf %add3A_1255, %bitcast3A_1274 : vector<16xf32>
        %add3A_1285 = arith.addf %add3A_1256, %bitcast3A_1278 : vector<16xf32>
        %add3A_1286 = arith.addf %add3A_1257, %bitcast3A_1282 : vector<16xf32>
        %add3A_1287 = arith.constant 12480 : i32
        %add3A_1288 = arith.addi %add3A_1287, %mul3A_138 : i32
        %get3A_1289 = arith.index_cast %add3A_1288 : i32 to index
        %get3A_1290 = tpu.vector_load %arg12[%get3A_1289] {strides = array<i32>} : memref<12800xi32, #tpu.memory_space<vmem>>, vector<16xi32>,
        %gather3A_1291 = tpu.vector_load_idx %arg16[%get3A_1290] : memref<20480xi32, #tpu.memory_space<vmem>>[vector<16xi32>], vector<16xi32>,
        %add3A_1292 = arith.constant 10240 : i32
        %add3A_1293 = vector.broadcast %add3A_1292 : i32 to vector<16xi32>
        %add3A_1294 = arith.addi %get3A_1290, %add3A_1293 : vector<16xi32>
        %gather3A_1295 = tpu.vector_load_idx %arg16[%add3A_1294] : memref<20480xi32, #tpu.memory_space<vmem>>[vector<16xi32>], vector<16xi32>,
        %shift_left3A_1296 = arith.constant 16 : i32
        %shift_left3A_1297 = vector.broadcast %shift_left3A_1296 : i32 to vector<16xi32>
        %shift_left3A_1298 = arith.shli %gather3A_1291, %shift_left3A_1297 : vector<16xi32>
        %bitcast3A_1299 = vector.bitcast %shift_left3A_1298 : vector<16xi32> to vector<16xf32>
        %and3A_1300 = arith.constant -65536 : i32
        %and3A_1301 = vector.broadcast %and3A_1300 : i32 to vector<16xi32>
        %and3A_1302 = arith.andi %gather3A_1291, %and3A_1301 : vector<16xi32>
        %bitcast3A_1303 = vector.bitcast %and3A_1302 : vector<16xi32> to vector<16xf32>
        %shift_left3A_1304 = arith.constant 16 : i32
        %shift_left3A_1305 = vector.broadcast %shift_left3A_1304 : i32 to vector<16xi32>
        %shift_left3A_1306 = arith.shli %gather3A_1295, %shift_left3A_1305 : vector<16xi32>
        %bitcast3A_1307 = vector.bitcast %shift_left3A_1306 : vector<16xi32> to vector<16xf32>
        %and3A_1308 = arith.constant -65536 : i32
        %and3A_1309 = vector.broadcast %and3A_1308 : i32 to vector<16xi32>
        %and3A_1310 = arith.andi %gather3A_1295, %and3A_1309 : vector<16xi32>
        %bitcast3A_1311 = vector.bitcast %and3A_1310 : vector<16xi32> to vector<16xf32>
        %add3A_1312 = arith.addf %add3A_1283, %bitcast3A_1299 : vector<16xf32>
        %add3A_1313 = arith.addf %add3A_1284, %bitcast3A_1303 : vector<16xf32>
        %add3A_1314 = arith.addf %add3A_1285, %bitcast3A_1307 : vector<16xf32>
        %add3A_1315 = arith.addf %add3A_1286, %bitcast3A_1311 : vector<16xf32>
        %mul3A_1316 = arith.mulf %get3A_155, %add3A_1312 : vector<16xf32>
        %add3A_1317 = arith.addf %add3A_1023, %mul3A_1316 : vector<16xf32>
        %mul3A_1318 = arith.mulf %get3A_155, %add3A_1313 : vector<16xf32>
        %add3A_1319 = arith.addf %add3A_1025, %mul3A_1318 : vector<16xf32>
        %mul3A_1320 = arith.mulf %get3A_155, %add3A_1314 : vector<16xf32>
        %add3A_1321 = arith.addf %add3A_1027, %mul3A_1320 : vector<16xf32>
        %mul3A_1322 = arith.mulf %get3A_155, %add3A_1315 : vector<16xf32>
        %add3A_1323 = arith.addf %add3A_1029, %mul3A_1322 : vector<16xf32>
        %shift_right_arithmetic3A = arith.constant 1 : i32
        %shift_right_arithmetic3A_1324 = arith.shrsi %scan3A_136, %shift_right_arithmetic3A : i32
        %mul3A_1325 = arith.constant 512 : i32
        %mul3A_1326 = arith.muli %shift_right_arithmetic3A_1324, %mul3A_1325 : i32
        %and3A_1327 = arith.constant 1 : i32
        %and3A_1328 = arith.andi %scan3A_136, %and3A_1327 : i32
        %mul3A_1329 = arith.constant 16 : i32
        %mul3A_1330 = arith.muli %and3A_1328, %mul3A_1329 : i32
        %add3A_1331 = arith.addi %mul3A_1326, %mul3A_1330 : i32
        %add3A_1332 = arith.constant 0 : i32
        %add3A_1333 = arith.addi %add3A_1331, %add3A_1332 : i32
        %get3A_1334 = arith.index_cast %add3A_1333 : i32 to index
        %get3A_1335 = tpu.vector_load %arg13[%get3A_1334] {strides = array<i32>} : memref<5120xi32, #tpu.memory_space<vmem>>, vector<16xi32>,
        %gather3A_1336 = tpu.vector_load_idx %arg17[%get3A_1335] : memref<20480xi32, #tpu.memory_space<vmem>>[vector<16xi32>], vector<16xi32>,
        %add3A_1337 = arith.constant 10240 : i32
        %add3A_1338 = vector.broadcast %add3A_1337 : i32 to vector<16xi32>
        %add3A_1339 = arith.addi %get3A_1335, %add3A_1338 : vector<16xi32>
        %gather3A_1340 = tpu.vector_load_idx %arg17[%add3A_1339] : memref<20480xi32, #tpu.memory_space<vmem>>[vector<16xi32>], vector<16xi32>,
        %get3A_1341 = arith.constant 0 : i32
        %get3A_1342 = arith.index_cast %get3A_1341 : i32 to index
        %get3A_1343 = arith.index_cast %mul3A_138 : i32 to index
        %get3A_1344 = tpu.vector_load %arg19[%get3A_1342, %get3A_1343] {strides = array<i32>} : memref<16x320xf32, #tpu.memory_space<vmem>>, vector<16xf32>,
        %shift_left3A_1345 = arith.constant 16 : i32
        %shift_left3A_1346 = vector.broadcast %shift_left3A_1345 : i32 to vector<16xi32>
        %shift_left3A_1347 = arith.shli %gather3A_1336, %shift_left3A_1346 : vector<16xi32>
        %bitcast3A_1348 = vector.bitcast %shift_left3A_1347 : vector<16xi32> to vector<16xf32>
        %and3A_1349 = arith.constant -65536 : i32
        %and3A_1350 = vector.broadcast %and3A_1349 : i32 to vector<16xi32>
        %and3A_1351 = arith.andi %gather3A_1336, %and3A_1350 : vector<16xi32>
        %bitcast3A_1352 = vector.bitcast %and3A_1351 : vector<16xi32> to vector<16xf32>
        %shift_left3A_1353 = arith.constant 16 : i32
        %shift_left3A_1354 = vector.broadcast %shift_left3A_1353 : i32 to vector<16xi32>
        %shift_left3A_1355 = arith.shli %gather3A_1340, %shift_left3A_1354 : vector<16xi32>
        %bitcast3A_1356 = vector.bitcast %shift_left3A_1355 : vector<16xi32> to vector<16xf32>
        %and3A_1357 = arith.constant -65536 : i32
        %and3A_1358 = vector.broadcast %and3A_1357 : i32 to vector<16xi32>
        %and3A_1359 = arith.andi %gather3A_1340, %and3A_1358 : vector<16xi32>
        %bitcast3A_1360 = vector.bitcast %and3A_1359 : vector<16xi32> to vector<16xf32>
        %mul3A_1361 = arith.mulf %get3A_1344, %bitcast3A_1348 : vector<16xf32>
        %mul3A_1362 = arith.mulf %get3A_1344, %bitcast3A_1352 : vector<16xf32>
        %mul3A_1363 = arith.mulf %get3A_1344, %bitcast3A_1356 : vector<16xf32>
        %mul3A_1364 = arith.mulf %get3A_1344, %bitcast3A_1360 : vector<16xf32>
        %add3A_1365 = arith.constant 32 : i32
        %add3A_1366 = arith.addi %add3A_1331, %add3A_1365 : i32
        %get3A_1367 = arith.index_cast %add3A_1366 : i32 to index
        %get3A_1368 = tpu.vector_load %arg13[%get3A_1367] {strides = array<i32>} : memref<5120xi32, #tpu.memory_space<vmem>>, vector<16xi32>,
        %gather3A_1369 = tpu.vector_load_idx %arg17[%get3A_1368] : memref<20480xi32, #tpu.memory_space<vmem>>[vector<16xi32>], vector<16xi32>,
        %add3A_1370 = arith.constant 10240 : i32
        %add3A_1371 = vector.broadcast %add3A_1370 : i32 to vector<16xi32>
        %add3A_1372 = arith.addi %get3A_1368, %add3A_1371 : vector<16xi32>
        %gather3A_1373 = tpu.vector_load_idx %arg17[%add3A_1372] : memref<20480xi32, #tpu.memory_space<vmem>>[vector<16xi32>], vector<16xi32>,
        %get3A_1374 = arith.constant 1 : i32
        %get3A_1375 = arith.index_cast %get3A_1374 : i32 to index
        %get3A_1376 = arith.index_cast %mul3A_138 : i32 to index
        %get3A_1377 = tpu.vector_load %arg19[%get3A_1375, %get3A_1376] {strides = array<i32>} : memref<16x320xf32, #tpu.memory_space<vmem>>, vector<16xf32>,
        %shift_left3A_1378 = arith.constant 16 : i32
        %shift_left3A_1379 = vector.broadcast %shift_left3A_1378 : i32 to vector<16xi32>
        %shift_left3A_1380 = arith.shli %gather3A_1369, %shift_left3A_1379 : vector<16xi32>
        %bitcast3A_1381 = vector.bitcast %shift_left3A_1380 : vector<16xi32> to vector<16xf32>
        %and3A_1382 = arith.constant -65536 : i32
        %and3A_1383 = vector.broadcast %and3A_1382 : i32 to vector<16xi32>
        %and3A_1384 = arith.andi %gather3A_1369, %and3A_1383 : vector<16xi32>
        %bitcast3A_1385 = vector.bitcast %and3A_1384 : vector<16xi32> to vector<16xf32>
        %shift_left3A_1386 = arith.constant 16 : i32
        %shift_left3A_1387 = vector.broadcast %shift_left3A_1386 : i32 to vector<16xi32>
        %shift_left3A_1388 = arith.shli %gather3A_1373, %shift_left3A_1387 : vector<16xi32>
        %bitcast3A_1389 = vector.bitcast %shift_left3A_1388 : vector<16xi32> to vector<16xf32>
        %and3A_1390 = arith.constant -65536 : i32
        %and3A_1391 = vector.broadcast %and3A_1390 : i32 to vector<16xi32>
        %and3A_1392 = arith.andi %gather3A_1373, %and3A_1391 : vector<16xi32>
        %bitcast3A_1393 = vector.bitcast %and3A_1392 : vector<16xi32> to vector<16xf32>
        %mul3A_1394 = arith.mulf %get3A_1377, %bitcast3A_1381 : vector<16xf32>
        %add3A_1395 = arith.addf %mul3A_1361, %mul3A_1394 : vector<16xf32>
        %mul3A_1396 = arith.mulf %get3A_1377, %bitcast3A_1385 : vector<16xf32>
        %add3A_1397 = arith.addf %mul3A_1362, %mul3A_1396 : vector<16xf32>
        %mul3A_1398 = arith.mulf %get3A_1377, %bitcast3A_1389 : vector<16xf32>
        %add3A_1399 = arith.addf %mul3A_1363, %mul3A_1398 : vector<16xf32>
        %mul3A_1400 = arith.mulf %get3A_1377, %bitcast3A_1393 : vector<16xf32>
        %add3A_1401 = arith.addf %mul3A_1364, %mul3A_1400 : vector<16xf32>
        %add3A_1402 = arith.constant 64 : i32
        %add3A_1403 = arith.addi %add3A_1331, %add3A_1402 : i32
        %get3A_1404 = arith.index_cast %add3A_1403 : i32 to index
        %get3A_1405 = tpu.vector_load %arg13[%get3A_1404] {strides = array<i32>} : memref<5120xi32, #tpu.memory_space<vmem>>, vector<16xi32>,
        %gather3A_1406 = tpu.vector_load_idx %arg17[%get3A_1405] : memref<20480xi32, #tpu.memory_space<vmem>>[vector<16xi32>], vector<16xi32>,
        %add3A_1407 = arith.constant 10240 : i32
        %add3A_1408 = vector.broadcast %add3A_1407 : i32 to vector<16xi32>
        %add3A_1409 = arith.addi %get3A_1405, %add3A_1408 : vector<16xi32>
        %gather3A_1410 = tpu.vector_load_idx %arg17[%add3A_1409] : memref<20480xi32, #tpu.memory_space<vmem>>[vector<16xi32>], vector<16xi32>,
        %get3A_1411 = arith.constant 2 : i32
        %get3A_1412 = arith.index_cast %get3A_1411 : i32 to index
        %get3A_1413 = arith.index_cast %mul3A_138 : i32 to index
        %get3A_1414 = tpu.vector_load %arg19[%get3A_1412, %get3A_1413] {strides = array<i32>} : memref<16x320xf32, #tpu.memory_space<vmem>>, vector<16xf32>,
        %shift_left3A_1415 = arith.constant 16 : i32
        %shift_left3A_1416 = vector.broadcast %shift_left3A_1415 : i32 to vector<16xi32>
        %shift_left3A_1417 = arith.shli %gather3A_1406, %shift_left3A_1416 : vector<16xi32>
        %bitcast3A_1418 = vector.bitcast %shift_left3A_1417 : vector<16xi32> to vector<16xf32>
        %and3A_1419 = arith.constant -65536 : i32
        %and3A_1420 = vector.broadcast %and3A_1419 : i32 to vector<16xi32>
        %and3A_1421 = arith.andi %gather3A_1406, %and3A_1420 : vector<16xi32>
        %bitcast3A_1422 = vector.bitcast %and3A_1421 : vector<16xi32> to vector<16xf32>
        %shift_left3A_1423 = arith.constant 16 : i32
        %shift_left3A_1424 = vector.broadcast %shift_left3A_1423 : i32 to vector<16xi32>
        %shift_left3A_1425 = arith.shli %gather3A_1410, %shift_left3A_1424 : vector<16xi32>
        %bitcast3A_1426 = vector.bitcast %shift_left3A_1425 : vector<16xi32> to vector<16xf32>
        %and3A_1427 = arith.constant -65536 : i32
        %and3A_1428 = vector.broadcast %and3A_1427 : i32 to vector<16xi32>
        %and3A_1429 = arith.andi %gather3A_1410, %and3A_1428 : vector<16xi32>
        %bitcast3A_1430 = vector.bitcast %and3A_1429 : vector<16xi32> to vector<16xf32>
        %mul3A_1431 = arith.mulf %get3A_1414, %bitcast3A_1418 : vector<16xf32>
        %add3A_1432 = arith.addf %add3A_1395, %mul3A_1431 : vector<16xf32>
        %mul3A_1433 = arith.mulf %get3A_1414, %bitcast3A_1422 : vector<16xf32>
        %add3A_1434 = arith.addf %add3A_1397, %mul3A_1433 : vector<16xf32>
        %mul3A_1435 = arith.mulf %get3A_1414, %bitcast3A_1426 : vector<16xf32>
        %add3A_1436 = arith.addf %add3A_1399, %mul3A_1435 : vector<16xf32>
        %mul3A_1437 = arith.mulf %get3A_1414, %bitcast3A_1430 : vector<16xf32>
        %add3A_1438 = arith.addf %add3A_1401, %mul3A_1437 : vector<16xf32>
        %add3A_1439 = arith.constant 96 : i32
        %add3A_1440 = arith.addi %add3A_1331, %add3A_1439 : i32
        %get3A_1441 = arith.index_cast %add3A_1440 : i32 to index
        %get3A_1442 = tpu.vector_load %arg13[%get3A_1441] {strides = array<i32>} : memref<5120xi32, #tpu.memory_space<vmem>>, vector<16xi32>,
        %gather3A_1443 = tpu.vector_load_idx %arg17[%get3A_1442] : memref<20480xi32, #tpu.memory_space<vmem>>[vector<16xi32>], vector<16xi32>,
        %add3A_1444 = arith.constant 10240 : i32
        %add3A_1445 = vector.broadcast %add3A_1444 : i32 to vector<16xi32>
        %add3A_1446 = arith.addi %get3A_1442, %add3A_1445 : vector<16xi32>
        %gather3A_1447 = tpu.vector_load_idx %arg17[%add3A_1446] : memref<20480xi32, #tpu.memory_space<vmem>>[vector<16xi32>], vector<16xi32>,
        %get3A_1448 = arith.constant 3 : i32
        %get3A_1449 = arith.index_cast %get3A_1448 : i32 to index
        %get3A_1450 = arith.index_cast %mul3A_138 : i32 to index
        %get3A_1451 = tpu.vector_load %arg19[%get3A_1449, %get3A_1450] {strides = array<i32>} : memref<16x320xf32, #tpu.memory_space<vmem>>, vector<16xf32>,
        %shift_left3A_1452 = arith.constant 16 : i32
        %shift_left3A_1453 = vector.broadcast %shift_left3A_1452 : i32 to vector<16xi32>
        %shift_left3A_1454 = arith.shli %gather3A_1443, %shift_left3A_1453 : vector<16xi32>
        %bitcast3A_1455 = vector.bitcast %shift_left3A_1454 : vector<16xi32> to vector<16xf32>
        %and3A_1456 = arith.constant -65536 : i32
        %and3A_1457 = vector.broadcast %and3A_1456 : i32 to vector<16xi32>
        %and3A_1458 = arith.andi %gather3A_1443, %and3A_1457 : vector<16xi32>
        %bitcast3A_1459 = vector.bitcast %and3A_1458 : vector<16xi32> to vector<16xf32>
        %shift_left3A_1460 = arith.constant 16 : i32
        %shift_left3A_1461 = vector.broadcast %shift_left3A_1460 : i32 to vector<16xi32>
        %shift_left3A_1462 = arith.shli %gather3A_1447, %shift_left3A_1461 : vector<16xi32>
        %bitcast3A_1463 = vector.bitcast %shift_left3A_1462 : vector<16xi32> to vector<16xf32>
        %and3A_1464 = arith.constant -65536 : i32
        %and3A_1465 = vector.broadcast %and3A_1464 : i32 to vector<16xi32>
        %and3A_1466 = arith.andi %gather3A_1447, %and3A_1465 : vector<16xi32>
        %bitcast3A_1467 = vector.bitcast %and3A_1466 : vector<16xi32> to vector<16xf32>
        %mul3A_1468 = arith.mulf %get3A_1451, %bitcast3A_1455 : vector<16xf32>
        %add3A_1469 = arith.addf %add3A_1432, %mul3A_1468 : vector<16xf32>
        %mul3A_1470 = arith.mulf %get3A_1451, %bitcast3A_1459 : vector<16xf32>
        %add3A_1471 = arith.addf %add3A_1434, %mul3A_1470 : vector<16xf32>
        %mul3A_1472 = arith.mulf %get3A_1451, %bitcast3A_1463 : vector<16xf32>
        %add3A_1473 = arith.addf %add3A_1436, %mul3A_1472 : vector<16xf32>
        %mul3A_1474 = arith.mulf %get3A_1451, %bitcast3A_1467 : vector<16xf32>
        %add3A_1475 = arith.addf %add3A_1438, %mul3A_1474 : vector<16xf32>
        %add3A_1476 = arith.constant 128 : i32
        %add3A_1477 = arith.addi %add3A_1331, %add3A_1476 : i32
        %get3A_1478 = arith.index_cast %add3A_1477 : i32 to index
        %get3A_1479 = tpu.vector_load %arg13[%get3A_1478] {strides = array<i32>} : memref<5120xi32, #tpu.memory_space<vmem>>, vector<16xi32>,
        %gather3A_1480 = tpu.vector_load_idx %arg17[%get3A_1479] : memref<20480xi32, #tpu.memory_space<vmem>>[vector<16xi32>], vector<16xi32>,
        %add3A_1481 = arith.constant 10240 : i32
        %add3A_1482 = vector.broadcast %add3A_1481 : i32 to vector<16xi32>
        %add3A_1483 = arith.addi %get3A_1479, %add3A_1482 : vector<16xi32>
        %gather3A_1484 = tpu.vector_load_idx %arg17[%add3A_1483] : memref<20480xi32, #tpu.memory_space<vmem>>[vector<16xi32>], vector<16xi32>,
        %get3A_1485 = arith.constant 4 : i32
        %get3A_1486 = arith.index_cast %get3A_1485 : i32 to index
        %get3A_1487 = arith.index_cast %mul3A_138 : i32 to index
        %get3A_1488 = tpu.vector_load %arg19[%get3A_1486, %get3A_1487] {strides = array<i32>} : memref<16x320xf32, #tpu.memory_space<vmem>>, vector<16xf32>,
        %shift_left3A_1489 = arith.constant 16 : i32
        %shift_left3A_1490 = vector.broadcast %shift_left3A_1489 : i32 to vector<16xi32>
        %shift_left3A_1491 = arith.shli %gather3A_1480, %shift_left3A_1490 : vector<16xi32>
        %bitcast3A_1492 = vector.bitcast %shift_left3A_1491 : vector<16xi32> to vector<16xf32>
        %and3A_1493 = arith.constant -65536 : i32
        %and3A_1494 = vector.broadcast %and3A_1493 : i32 to vector<16xi32>
        %and3A_1495 = arith.andi %gather3A_1480, %and3A_1494 : vector<16xi32>
        %bitcast3A_1496 = vector.bitcast %and3A_1495 : vector<16xi32> to vector<16xf32>
        %shift_left3A_1497 = arith.constant 16 : i32
        %shift_left3A_1498 = vector.broadcast %shift_left3A_1497 : i32 to vector<16xi32>
        %shift_left3A_1499 = arith.shli %gather3A_1484, %shift_left3A_1498 : vector<16xi32>
        %bitcast3A_1500 = vector.bitcast %shift_left3A_1499 : vector<16xi32> to vector<16xf32>
        %and3A_1501 = arith.constant -65536 : i32
        %and3A_1502 = vector.broadcast %and3A_1501 : i32 to vector<16xi32>
        %and3A_1503 = arith.andi %gather3A_1484, %and3A_1502 : vector<16xi32>
        %bitcast3A_1504 = vector.bitcast %and3A_1503 : vector<16xi32> to vector<16xf32>
        %mul3A_1505 = arith.mulf %get3A_1488, %bitcast3A_1492 : vector<16xf32>
        %add3A_1506 = arith.addf %add3A_1469, %mul3A_1505 : vector<16xf32>
        %mul3A_1507 = arith.mulf %get3A_1488, %bitcast3A_1496 : vector<16xf32>
        %add3A_1508 = arith.addf %add3A_1471, %mul3A_1507 : vector<16xf32>
        %mul3A_1509 = arith.mulf %get3A_1488, %bitcast3A_1500 : vector<16xf32>
        %add3A_1510 = arith.addf %add3A_1473, %mul3A_1509 : vector<16xf32>
        %mul3A_1511 = arith.mulf %get3A_1488, %bitcast3A_1504 : vector<16xf32>
        %add3A_1512 = arith.addf %add3A_1475, %mul3A_1511 : vector<16xf32>
        %add3A_1513 = arith.constant 160 : i32
        %add3A_1514 = arith.addi %add3A_1331, %add3A_1513 : i32
        %get3A_1515 = arith.index_cast %add3A_1514 : i32 to index
        %get3A_1516 = tpu.vector_load %arg13[%get3A_1515] {strides = array<i32>} : memref<5120xi32, #tpu.memory_space<vmem>>, vector<16xi32>,
        %gather3A_1517 = tpu.vector_load_idx %arg17[%get3A_1516] : memref<20480xi32, #tpu.memory_space<vmem>>[vector<16xi32>], vector<16xi32>,
        %add3A_1518 = arith.constant 10240 : i32
        %add3A_1519 = vector.broadcast %add3A_1518 : i32 to vector<16xi32>
        %add3A_1520 = arith.addi %get3A_1516, %add3A_1519 : vector<16xi32>
        %gather3A_1521 = tpu.vector_load_idx %arg17[%add3A_1520] : memref<20480xi32, #tpu.memory_space<vmem>>[vector<16xi32>], vector<16xi32>,
        %get3A_1522 = arith.constant 5 : i32
        %get3A_1523 = arith.index_cast %get3A_1522 : i32 to index
        %get3A_1524 = arith.index_cast %mul3A_138 : i32 to index
        %get3A_1525 = tpu.vector_load %arg19[%get3A_1523, %get3A_1524] {strides = array<i32>} : memref<16x320xf32, #tpu.memory_space<vmem>>, vector<16xf32>,
        %shift_left3A_1526 = arith.constant 16 : i32
        %shift_left3A_1527 = vector.broadcast %shift_left3A_1526 : i32 to vector<16xi32>
        %shift_left3A_1528 = arith.shli %gather3A_1517, %shift_left3A_1527 : vector<16xi32>
        %bitcast3A_1529 = vector.bitcast %shift_left3A_1528 : vector<16xi32> to vector<16xf32>
        %and3A_1530 = arith.constant -65536 : i32
        %and3A_1531 = vector.broadcast %and3A_1530 : i32 to vector<16xi32>
        %and3A_1532 = arith.andi %gather3A_1517, %and3A_1531 : vector<16xi32>
        %bitcast3A_1533 = vector.bitcast %and3A_1532 : vector<16xi32> to vector<16xf32>
        %shift_left3A_1534 = arith.constant 16 : i32
        %shift_left3A_1535 = vector.broadcast %shift_left3A_1534 : i32 to vector<16xi32>
        %shift_left3A_1536 = arith.shli %gather3A_1521, %shift_left3A_1535 : vector<16xi32>
        %bitcast3A_1537 = vector.bitcast %shift_left3A_1536 : vector<16xi32> to vector<16xf32>
        %and3A_1538 = arith.constant -65536 : i32
        %and3A_1539 = vector.broadcast %and3A_1538 : i32 to vector<16xi32>
        %and3A_1540 = arith.andi %gather3A_1521, %and3A_1539 : vector<16xi32>
        %bitcast3A_1541 = vector.bitcast %and3A_1540 : vector<16xi32> to vector<16xf32>
        %mul3A_1542 = arith.mulf %get3A_1525, %bitcast3A_1529 : vector<16xf32>
        %add3A_1543 = arith.addf %add3A_1506, %mul3A_1542 : vector<16xf32>
        %mul3A_1544 = arith.mulf %get3A_1525, %bitcast3A_1533 : vector<16xf32>
        %add3A_1545 = arith.addf %add3A_1508, %mul3A_1544 : vector<16xf32>
        %mul3A_1546 = arith.mulf %get3A_1525, %bitcast3A_1537 : vector<16xf32>
        %add3A_1547 = arith.addf %add3A_1510, %mul3A_1546 : vector<16xf32>
        %mul3A_1548 = arith.mulf %get3A_1525, %bitcast3A_1541 : vector<16xf32>
        %add3A_1549 = arith.addf %add3A_1512, %mul3A_1548 : vector<16xf32>
        %add3A_1550 = arith.constant 192 : i32
        %add3A_1551 = arith.addi %add3A_1331, %add3A_1550 : i32
        %get3A_1552 = arith.index_cast %add3A_1551 : i32 to index
        %get3A_1553 = tpu.vector_load %arg13[%get3A_1552] {strides = array<i32>} : memref<5120xi32, #tpu.memory_space<vmem>>, vector<16xi32>,
        %gather3A_1554 = tpu.vector_load_idx %arg17[%get3A_1553] : memref<20480xi32, #tpu.memory_space<vmem>>[vector<16xi32>], vector<16xi32>,
        %add3A_1555 = arith.constant 10240 : i32
        %add3A_1556 = vector.broadcast %add3A_1555 : i32 to vector<16xi32>
        %add3A_1557 = arith.addi %get3A_1553, %add3A_1556 : vector<16xi32>
        %gather3A_1558 = tpu.vector_load_idx %arg17[%add3A_1557] : memref<20480xi32, #tpu.memory_space<vmem>>[vector<16xi32>], vector<16xi32>,
        %get3A_1559 = arith.constant 6 : i32
        %get3A_1560 = arith.index_cast %get3A_1559 : i32 to index
        %get3A_1561 = arith.index_cast %mul3A_138 : i32 to index
        %get3A_1562 = tpu.vector_load %arg19[%get3A_1560, %get3A_1561] {strides = array<i32>} : memref<16x320xf32, #tpu.memory_space<vmem>>, vector<16xf32>,
        %shift_left3A_1563 = arith.constant 16 : i32
        %shift_left3A_1564 = vector.broadcast %shift_left3A_1563 : i32 to vector<16xi32>
        %shift_left3A_1565 = arith.shli %gather3A_1554, %shift_left3A_1564 : vector<16xi32>
        %bitcast3A_1566 = vector.bitcast %shift_left3A_1565 : vector<16xi32> to vector<16xf32>
        %and3A_1567 = arith.constant -65536 : i32
        %and3A_1568 = vector.broadcast %and3A_1567 : i32 to vector<16xi32>
        %and3A_1569 = arith.andi %gather3A_1554, %and3A_1568 : vector<16xi32>
        %bitcast3A_1570 = vector.bitcast %and3A_1569 : vector<16xi32> to vector<16xf32>
        %shift_left3A_1571 = arith.constant 16 : i32
        %shift_left3A_1572 = vector.broadcast %shift_left3A_1571 : i32 to vector<16xi32>
        %shift_left3A_1573 = arith.shli %gather3A_1558, %shift_left3A_1572 : vector<16xi32>
        %bitcast3A_1574 = vector.bitcast %shift_left3A_1573 : vector<16xi32> to vector<16xf32>
        %and3A_1575 = arith.constant -65536 : i32
        %and3A_1576 = vector.broadcast %and3A_1575 : i32 to vector<16xi32>
        %and3A_1577 = arith.andi %gather3A_1558, %and3A_1576 : vector<16xi32>
        %bitcast3A_1578 = vector.bitcast %and3A_1577 : vector<16xi32> to vector<16xf32>
        %mul3A_1579 = arith.mulf %get3A_1562, %bitcast3A_1566 : vector<16xf32>
        %add3A_1580 = arith.addf %add3A_1543, %mul3A_1579 : vector<16xf32>
        %mul3A_1581 = arith.mulf %get3A_1562, %bitcast3A_1570 : vector<16xf32>
        %add3A_1582 = arith.addf %add3A_1545, %mul3A_1581 : vector<16xf32>
        %mul3A_1583 = arith.mulf %get3A_1562, %bitcast3A_1574 : vector<16xf32>
        %add3A_1584 = arith.addf %add3A_1547, %mul3A_1583 : vector<16xf32>
        %mul3A_1585 = arith.mulf %get3A_1562, %bitcast3A_1578 : vector<16xf32>
        %add3A_1586 = arith.addf %add3A_1549, %mul3A_1585 : vector<16xf32>
        %add3A_1587 = arith.constant 224 : i32
        %add3A_1588 = arith.addi %add3A_1331, %add3A_1587 : i32
        %get3A_1589 = arith.index_cast %add3A_1588 : i32 to index
        %get3A_1590 = tpu.vector_load %arg13[%get3A_1589] {strides = array<i32>} : memref<5120xi32, #tpu.memory_space<vmem>>, vector<16xi32>,
        %gather3A_1591 = tpu.vector_load_idx %arg17[%get3A_1590] : memref<20480xi32, #tpu.memory_space<vmem>>[vector<16xi32>], vector<16xi32>,
        %add3A_1592 = arith.constant 10240 : i32
        %add3A_1593 = vector.broadcast %add3A_1592 : i32 to vector<16xi32>
        %add3A_1594 = arith.addi %get3A_1590, %add3A_1593 : vector<16xi32>
        %gather3A_1595 = tpu.vector_load_idx %arg17[%add3A_1594] : memref<20480xi32, #tpu.memory_space<vmem>>[vector<16xi32>], vector<16xi32>,
        %get3A_1596 = arith.constant 7 : i32
        %get3A_1597 = arith.index_cast %get3A_1596 : i32 to index
        %get3A_1598 = arith.index_cast %mul3A_138 : i32 to index
        %get3A_1599 = tpu.vector_load %arg19[%get3A_1597, %get3A_1598] {strides = array<i32>} : memref<16x320xf32, #tpu.memory_space<vmem>>, vector<16xf32>,
        %shift_left3A_1600 = arith.constant 16 : i32
        %shift_left3A_1601 = vector.broadcast %shift_left3A_1600 : i32 to vector<16xi32>
        %shift_left3A_1602 = arith.shli %gather3A_1591, %shift_left3A_1601 : vector<16xi32>
        %bitcast3A_1603 = vector.bitcast %shift_left3A_1602 : vector<16xi32> to vector<16xf32>
        %and3A_1604 = arith.constant -65536 : i32
        %and3A_1605 = vector.broadcast %and3A_1604 : i32 to vector<16xi32>
        %and3A_1606 = arith.andi %gather3A_1591, %and3A_1605 : vector<16xi32>
        %bitcast3A_1607 = vector.bitcast %and3A_1606 : vector<16xi32> to vector<16xf32>
        %shift_left3A_1608 = arith.constant 16 : i32
        %shift_left3A_1609 = vector.broadcast %shift_left3A_1608 : i32 to vector<16xi32>
        %shift_left3A_1610 = arith.shli %gather3A_1595, %shift_left3A_1609 : vector<16xi32>
        %bitcast3A_1611 = vector.bitcast %shift_left3A_1610 : vector<16xi32> to vector<16xf32>
        %and3A_1612 = arith.constant -65536 : i32
        %and3A_1613 = vector.broadcast %and3A_1612 : i32 to vector<16xi32>
        %and3A_1614 = arith.andi %gather3A_1595, %and3A_1613 : vector<16xi32>
        %bitcast3A_1615 = vector.bitcast %and3A_1614 : vector<16xi32> to vector<16xf32>
        %mul3A_1616 = arith.mulf %get3A_1599, %bitcast3A_1603 : vector<16xf32>
        %add3A_1617 = arith.addf %add3A_1580, %mul3A_1616 : vector<16xf32>
        %mul3A_1618 = arith.mulf %get3A_1599, %bitcast3A_1607 : vector<16xf32>
        %add3A_1619 = arith.addf %add3A_1582, %mul3A_1618 : vector<16xf32>
        %mul3A_1620 = arith.mulf %get3A_1599, %bitcast3A_1611 : vector<16xf32>
        %add3A_1621 = arith.addf %add3A_1584, %mul3A_1620 : vector<16xf32>
        %mul3A_1622 = arith.mulf %get3A_1599, %bitcast3A_1615 : vector<16xf32>
        %add3A_1623 = arith.addf %add3A_1586, %mul3A_1622 : vector<16xf32>
        %add3A_1624 = arith.constant 256 : i32
        %add3A_1625 = arith.addi %add3A_1331, %add3A_1624 : i32
        %get3A_1626 = arith.index_cast %add3A_1625 : i32 to index
        %get3A_1627 = tpu.vector_load %arg13[%get3A_1626] {strides = array<i32>} : memref<5120xi32, #tpu.memory_space<vmem>>, vector<16xi32>,
        %gather3A_1628 = tpu.vector_load_idx %arg17[%get3A_1627] : memref<20480xi32, #tpu.memory_space<vmem>>[vector<16xi32>], vector<16xi32>,
        %add3A_1629 = arith.constant 10240 : i32
        %add3A_1630 = vector.broadcast %add3A_1629 : i32 to vector<16xi32>
        %add3A_1631 = arith.addi %get3A_1627, %add3A_1630 : vector<16xi32>
        %gather3A_1632 = tpu.vector_load_idx %arg17[%add3A_1631] : memref<20480xi32, #tpu.memory_space<vmem>>[vector<16xi32>], vector<16xi32>,
        %get3A_1633 = arith.constant 8 : i32
        %get3A_1634 = arith.index_cast %get3A_1633 : i32 to index
        %get3A_1635 = arith.index_cast %mul3A_138 : i32 to index
        %get3A_1636 = tpu.vector_load %arg19[%get3A_1634, %get3A_1635] {strides = array<i32>} : memref<16x320xf32, #tpu.memory_space<vmem>>, vector<16xf32>,
        %shift_left3A_1637 = arith.constant 16 : i32
        %shift_left3A_1638 = vector.broadcast %shift_left3A_1637 : i32 to vector<16xi32>
        %shift_left3A_1639 = arith.shli %gather3A_1628, %shift_left3A_1638 : vector<16xi32>
        %bitcast3A_1640 = vector.bitcast %shift_left3A_1639 : vector<16xi32> to vector<16xf32>
        %and3A_1641 = arith.constant -65536 : i32
        %and3A_1642 = vector.broadcast %and3A_1641 : i32 to vector<16xi32>
        %and3A_1643 = arith.andi %gather3A_1628, %and3A_1642 : vector<16xi32>
        %bitcast3A_1644 = vector.bitcast %and3A_1643 : vector<16xi32> to vector<16xf32>
        %shift_left3A_1645 = arith.constant 16 : i32
        %shift_left3A_1646 = vector.broadcast %shift_left3A_1645 : i32 to vector<16xi32>
        %shift_left3A_1647 = arith.shli %gather3A_1632, %shift_left3A_1646 : vector<16xi32>
        %bitcast3A_1648 = vector.bitcast %shift_left3A_1647 : vector<16xi32> to vector<16xf32>
        %and3A_1649 = arith.constant -65536 : i32
        %and3A_1650 = vector.broadcast %and3A_1649 : i32 to vector<16xi32>
        %and3A_1651 = arith.andi %gather3A_1632, %and3A_1650 : vector<16xi32>
        %bitcast3A_1652 = vector.bitcast %and3A_1651 : vector<16xi32> to vector<16xf32>
        %mul3A_1653 = arith.mulf %get3A_1636, %bitcast3A_1640 : vector<16xf32>
        %add3A_1654 = arith.addf %add3A_1617, %mul3A_1653 : vector<16xf32>
        %mul3A_1655 = arith.mulf %get3A_1636, %bitcast3A_1644 : vector<16xf32>
        %add3A_1656 = arith.addf %add3A_1619, %mul3A_1655 : vector<16xf32>
        %mul3A_1657 = arith.mulf %get3A_1636, %bitcast3A_1648 : vector<16xf32>
        %add3A_1658 = arith.addf %add3A_1621, %mul3A_1657 : vector<16xf32>
        %mul3A_1659 = arith.mulf %get3A_1636, %bitcast3A_1652 : vector<16xf32>
        %add3A_1660 = arith.addf %add3A_1623, %mul3A_1659 : vector<16xf32>
        %add3A_1661 = arith.constant 288 : i32
        %add3A_1662 = arith.addi %add3A_1331, %add3A_1661 : i32
        %get3A_1663 = arith.index_cast %add3A_1662 : i32 to index
        %get3A_1664 = tpu.vector_load %arg13[%get3A_1663] {strides = array<i32>} : memref<5120xi32, #tpu.memory_space<vmem>>, vector<16xi32>,
        %gather3A_1665 = tpu.vector_load_idx %arg17[%get3A_1664] : memref<20480xi32, #tpu.memory_space<vmem>>[vector<16xi32>], vector<16xi32>,
        %add3A_1666 = arith.constant 10240 : i32
        %add3A_1667 = vector.broadcast %add3A_1666 : i32 to vector<16xi32>
        %add3A_1668 = arith.addi %get3A_1664, %add3A_1667 : vector<16xi32>
        %gather3A_1669 = tpu.vector_load_idx %arg17[%add3A_1668] : memref<20480xi32, #tpu.memory_space<vmem>>[vector<16xi32>], vector<16xi32>,
        %get3A_1670 = arith.constant 9 : i32
        %get3A_1671 = arith.index_cast %get3A_1670 : i32 to index
        %get3A_1672 = arith.index_cast %mul3A_138 : i32 to index
        %get3A_1673 = tpu.vector_load %arg19[%get3A_1671, %get3A_1672] {strides = array<i32>} : memref<16x320xf32, #tpu.memory_space<vmem>>, vector<16xf32>,
        %shift_left3A_1674 = arith.constant 16 : i32
        %shift_left3A_1675 = vector.broadcast %shift_left3A_1674 : i32 to vector<16xi32>
        %shift_left3A_1676 = arith.shli %gather3A_1665, %shift_left3A_1675 : vector<16xi32>
        %bitcast3A_1677 = vector.bitcast %shift_left3A_1676 : vector<16xi32> to vector<16xf32>
        %and3A_1678 = arith.constant -65536 : i32
        %and3A_1679 = vector.broadcast %and3A_1678 : i32 to vector<16xi32>
        %and3A_1680 = arith.andi %gather3A_1665, %and3A_1679 : vector<16xi32>
        %bitcast3A_1681 = vector.bitcast %and3A_1680 : vector<16xi32> to vector<16xf32>
        %shift_left3A_1682 = arith.constant 16 : i32
        %shift_left3A_1683 = vector.broadcast %shift_left3A_1682 : i32 to vector<16xi32>
        %shift_left3A_1684 = arith.shli %gather3A_1669, %shift_left3A_1683 : vector<16xi32>
        %bitcast3A_1685 = vector.bitcast %shift_left3A_1684 : vector<16xi32> to vector<16xf32>
        %and3A_1686 = arith.constant -65536 : i32
        %and3A_1687 = vector.broadcast %and3A_1686 : i32 to vector<16xi32>
        %and3A_1688 = arith.andi %gather3A_1669, %and3A_1687 : vector<16xi32>
        %bitcast3A_1689 = vector.bitcast %and3A_1688 : vector<16xi32> to vector<16xf32>
        %mul3A_1690 = arith.mulf %get3A_1673, %bitcast3A_1677 : vector<16xf32>
        %add3A_1691 = arith.addf %add3A_1654, %mul3A_1690 : vector<16xf32>
        %mul3A_1692 = arith.mulf %get3A_1673, %bitcast3A_1681 : vector<16xf32>
        %add3A_1693 = arith.addf %add3A_1656, %mul3A_1692 : vector<16xf32>
        %mul3A_1694 = arith.mulf %get3A_1673, %bitcast3A_1685 : vector<16xf32>
        %add3A_1695 = arith.addf %add3A_1658, %mul3A_1694 : vector<16xf32>
        %mul3A_1696 = arith.mulf %get3A_1673, %bitcast3A_1689 : vector<16xf32>
        %add3A_1697 = arith.addf %add3A_1660, %mul3A_1696 : vector<16xf32>
        %add3A_1698 = arith.constant 320 : i32
        %add3A_1699 = arith.addi %add3A_1331, %add3A_1698 : i32
        %get3A_1700 = arith.index_cast %add3A_1699 : i32 to index
        %get3A_1701 = tpu.vector_load %arg13[%get3A_1700] {strides = array<i32>} : memref<5120xi32, #tpu.memory_space<vmem>>, vector<16xi32>,
        %gather3A_1702 = tpu.vector_load_idx %arg17[%get3A_1701] : memref<20480xi32, #tpu.memory_space<vmem>>[vector<16xi32>], vector<16xi32>,
        %add3A_1703 = arith.constant 10240 : i32
        %add3A_1704 = vector.broadcast %add3A_1703 : i32 to vector<16xi32>
        %add3A_1705 = arith.addi %get3A_1701, %add3A_1704 : vector<16xi32>
        %gather3A_1706 = tpu.vector_load_idx %arg17[%add3A_1705] : memref<20480xi32, #tpu.memory_space<vmem>>[vector<16xi32>], vector<16xi32>,
        %get3A_1707 = arith.constant 10 : i32
        %get3A_1708 = arith.index_cast %get3A_1707 : i32 to index
        %get3A_1709 = arith.index_cast %mul3A_138 : i32 to index
        %get3A_1710 = tpu.vector_load %arg19[%get3A_1708, %get3A_1709] {strides = array<i32>} : memref<16x320xf32, #tpu.memory_space<vmem>>, vector<16xf32>,
        %shift_left3A_1711 = arith.constant 16 : i32
        %shift_left3A_1712 = vector.broadcast %shift_left3A_1711 : i32 to vector<16xi32>
        %shift_left3A_1713 = arith.shli %gather3A_1702, %shift_left3A_1712 : vector<16xi32>
        %bitcast3A_1714 = vector.bitcast %shift_left3A_1713 : vector<16xi32> to vector<16xf32>
        %and3A_1715 = arith.constant -65536 : i32
        %and3A_1716 = vector.broadcast %and3A_1715 : i32 to vector<16xi32>
        %and3A_1717 = arith.andi %gather3A_1702, %and3A_1716 : vector<16xi32>
        %bitcast3A_1718 = vector.bitcast %and3A_1717 : vector<16xi32> to vector<16xf32>
        %shift_left3A_1719 = arith.constant 16 : i32
        %shift_left3A_1720 = vector.broadcast %shift_left3A_1719 : i32 to vector<16xi32>
        %shift_left3A_1721 = arith.shli %gather3A_1706, %shift_left3A_1720 : vector<16xi32>
        %bitcast3A_1722 = vector.bitcast %shift_left3A_1721 : vector<16xi32> to vector<16xf32>
        %and3A_1723 = arith.constant -65536 : i32
        %and3A_1724 = vector.broadcast %and3A_1723 : i32 to vector<16xi32>
        %and3A_1725 = arith.andi %gather3A_1706, %and3A_1724 : vector<16xi32>
        %bitcast3A_1726 = vector.bitcast %and3A_1725 : vector<16xi32> to vector<16xf32>
        %mul3A_1727 = arith.mulf %get3A_1710, %bitcast3A_1714 : vector<16xf32>
        %add3A_1728 = arith.addf %add3A_1691, %mul3A_1727 : vector<16xf32>
        %mul3A_1729 = arith.mulf %get3A_1710, %bitcast3A_1718 : vector<16xf32>
        %add3A_1730 = arith.addf %add3A_1693, %mul3A_1729 : vector<16xf32>
        %mul3A_1731 = arith.mulf %get3A_1710, %bitcast3A_1722 : vector<16xf32>
        %add3A_1732 = arith.addf %add3A_1695, %mul3A_1731 : vector<16xf32>
        %mul3A_1733 = arith.mulf %get3A_1710, %bitcast3A_1726 : vector<16xf32>
        %add3A_1734 = arith.addf %add3A_1697, %mul3A_1733 : vector<16xf32>
        %add3A_1735 = arith.constant 352 : i32
        %add3A_1736 = arith.addi %add3A_1331, %add3A_1735 : i32
        %get3A_1737 = arith.index_cast %add3A_1736 : i32 to index
        %get3A_1738 = tpu.vector_load %arg13[%get3A_1737] {strides = array<i32>} : memref<5120xi32, #tpu.memory_space<vmem>>, vector<16xi32>,
        %gather3A_1739 = tpu.vector_load_idx %arg17[%get3A_1738] : memref<20480xi32, #tpu.memory_space<vmem>>[vector<16xi32>], vector<16xi32>,
        %add3A_1740 = arith.constant 10240 : i32
        %add3A_1741 = vector.broadcast %add3A_1740 : i32 to vector<16xi32>
        %add3A_1742 = arith.addi %get3A_1738, %add3A_1741 : vector<16xi32>
        %gather3A_1743 = tpu.vector_load_idx %arg17[%add3A_1742] : memref<20480xi32, #tpu.memory_space<vmem>>[vector<16xi32>], vector<16xi32>,
        %get3A_1744 = arith.constant 11 : i32
        %get3A_1745 = arith.index_cast %get3A_1744 : i32 to index
        %get3A_1746 = arith.index_cast %mul3A_138 : i32 to index
        %get3A_1747 = tpu.vector_load %arg19[%get3A_1745, %get3A_1746] {strides = array<i32>} : memref<16x320xf32, #tpu.memory_space<vmem>>, vector<16xf32>,
        %shift_left3A_1748 = arith.constant 16 : i32
        %shift_left3A_1749 = vector.broadcast %shift_left3A_1748 : i32 to vector<16xi32>
        %shift_left3A_1750 = arith.shli %gather3A_1739, %shift_left3A_1749 : vector<16xi32>
        %bitcast3A_1751 = vector.bitcast %shift_left3A_1750 : vector<16xi32> to vector<16xf32>
        %and3A_1752 = arith.constant -65536 : i32
        %and3A_1753 = vector.broadcast %and3A_1752 : i32 to vector<16xi32>
        %and3A_1754 = arith.andi %gather3A_1739, %and3A_1753 : vector<16xi32>
        %bitcast3A_1755 = vector.bitcast %and3A_1754 : vector<16xi32> to vector<16xf32>
        %shift_left3A_1756 = arith.constant 16 : i32
        %shift_left3A_1757 = vector.broadcast %shift_left3A_1756 : i32 to vector<16xi32>
        %shift_left3A_1758 = arith.shli %gather3A_1743, %shift_left3A_1757 : vector<16xi32>
        %bitcast3A_1759 = vector.bitcast %shift_left3A_1758 : vector<16xi32> to vector<16xf32>
        %and3A_1760 = arith.constant -65536 : i32
        %and3A_1761 = vector.broadcast %and3A_1760 : i32 to vector<16xi32>
        %and3A_1762 = arith.andi %gather3A_1743, %and3A_1761 : vector<16xi32>
        %bitcast3A_1763 = vector.bitcast %and3A_1762 : vector<16xi32> to vector<16xf32>
        %mul3A_1764 = arith.mulf %get3A_1747, %bitcast3A_1751 : vector<16xf32>
        %add3A_1765 = arith.addf %add3A_1728, %mul3A_1764 : vector<16xf32>
        %mul3A_1766 = arith.mulf %get3A_1747, %bitcast3A_1755 : vector<16xf32>
        %add3A_1767 = arith.addf %add3A_1730, %mul3A_1766 : vector<16xf32>
        %mul3A_1768 = arith.mulf %get3A_1747, %bitcast3A_1759 : vector<16xf32>
        %add3A_1769 = arith.addf %add3A_1732, %mul3A_1768 : vector<16xf32>
        %mul3A_1770 = arith.mulf %get3A_1747, %bitcast3A_1763 : vector<16xf32>
        %add3A_1771 = arith.addf %add3A_1734, %mul3A_1770 : vector<16xf32>
        %add3A_1772 = arith.constant 384 : i32
        %add3A_1773 = arith.addi %add3A_1331, %add3A_1772 : i32
        %get3A_1774 = arith.index_cast %add3A_1773 : i32 to index
        %get3A_1775 = tpu.vector_load %arg13[%get3A_1774] {strides = array<i32>} : memref<5120xi32, #tpu.memory_space<vmem>>, vector<16xi32>,
        %gather3A_1776 = tpu.vector_load_idx %arg17[%get3A_1775] : memref<20480xi32, #tpu.memory_space<vmem>>[vector<16xi32>], vector<16xi32>,
        %add3A_1777 = arith.constant 10240 : i32
        %add3A_1778 = vector.broadcast %add3A_1777 : i32 to vector<16xi32>
        %add3A_1779 = arith.addi %get3A_1775, %add3A_1778 : vector<16xi32>
        %gather3A_1780 = tpu.vector_load_idx %arg17[%add3A_1779] : memref<20480xi32, #tpu.memory_space<vmem>>[vector<16xi32>], vector<16xi32>,
        %get3A_1781 = arith.constant 12 : i32
        %get3A_1782 = arith.index_cast %get3A_1781 : i32 to index
        %get3A_1783 = arith.index_cast %mul3A_138 : i32 to index
        %get3A_1784 = tpu.vector_load %arg19[%get3A_1782, %get3A_1783] {strides = array<i32>} : memref<16x320xf32, #tpu.memory_space<vmem>>, vector<16xf32>,
        %shift_left3A_1785 = arith.constant 16 : i32
        %shift_left3A_1786 = vector.broadcast %shift_left3A_1785 : i32 to vector<16xi32>
        %shift_left3A_1787 = arith.shli %gather3A_1776, %shift_left3A_1786 : vector<16xi32>
        %bitcast3A_1788 = vector.bitcast %shift_left3A_1787 : vector<16xi32> to vector<16xf32>
        %and3A_1789 = arith.constant -65536 : i32
        %and3A_1790 = vector.broadcast %and3A_1789 : i32 to vector<16xi32>
        %and3A_1791 = arith.andi %gather3A_1776, %and3A_1790 : vector<16xi32>
        %bitcast3A_1792 = vector.bitcast %and3A_1791 : vector<16xi32> to vector<16xf32>
        %shift_left3A_1793 = arith.constant 16 : i32
        %shift_left3A_1794 = vector.broadcast %shift_left3A_1793 : i32 to vector<16xi32>
        %shift_left3A_1795 = arith.shli %gather3A_1780, %shift_left3A_1794 : vector<16xi32>
        %bitcast3A_1796 = vector.bitcast %shift_left3A_1795 : vector<16xi32> to vector<16xf32>
        %and3A_1797 = arith.constant -65536 : i32
        %and3A_1798 = vector.broadcast %and3A_1797 : i32 to vector<16xi32>
        %and3A_1799 = arith.andi %gather3A_1780, %and3A_1798 : vector<16xi32>
        %bitcast3A_1800 = vector.bitcast %and3A_1799 : vector<16xi32> to vector<16xf32>
        %mul3A_1801 = arith.mulf %get3A_1784, %bitcast3A_1788 : vector<16xf32>
        %add3A_1802 = arith.addf %add3A_1765, %mul3A_1801 : vector<16xf32>
        %mul3A_1803 = arith.mulf %get3A_1784, %bitcast3A_1792 : vector<16xf32>
        %add3A_1804 = arith.addf %add3A_1767, %mul3A_1803 : vector<16xf32>
        %mul3A_1805 = arith.mulf %get3A_1784, %bitcast3A_1796 : vector<16xf32>
        %add3A_1806 = arith.addf %add3A_1769, %mul3A_1805 : vector<16xf32>
        %mul3A_1807 = arith.mulf %get3A_1784, %bitcast3A_1800 : vector<16xf32>
        %add3A_1808 = arith.addf %add3A_1771, %mul3A_1807 : vector<16xf32>
        %add3A_1809 = arith.constant 416 : i32
        %add3A_1810 = arith.addi %add3A_1331, %add3A_1809 : i32
        %get3A_1811 = arith.index_cast %add3A_1810 : i32 to index
        %get3A_1812 = tpu.vector_load %arg13[%get3A_1811] {strides = array<i32>} : memref<5120xi32, #tpu.memory_space<vmem>>, vector<16xi32>,
        %gather3A_1813 = tpu.vector_load_idx %arg17[%get3A_1812] : memref<20480xi32, #tpu.memory_space<vmem>>[vector<16xi32>], vector<16xi32>,
        %add3A_1814 = arith.constant 10240 : i32
        %add3A_1815 = vector.broadcast %add3A_1814 : i32 to vector<16xi32>
        %add3A_1816 = arith.addi %get3A_1812, %add3A_1815 : vector<16xi32>
        %gather3A_1817 = tpu.vector_load_idx %arg17[%add3A_1816] : memref<20480xi32, #tpu.memory_space<vmem>>[vector<16xi32>], vector<16xi32>,
        %get3A_1818 = arith.constant 13 : i32
        %get3A_1819 = arith.index_cast %get3A_1818 : i32 to index
        %get3A_1820 = arith.index_cast %mul3A_138 : i32 to index
        %get3A_1821 = tpu.vector_load %arg19[%get3A_1819, %get3A_1820] {strides = array<i32>} : memref<16x320xf32, #tpu.memory_space<vmem>>, vector<16xf32>,
        %shift_left3A_1822 = arith.constant 16 : i32
        %shift_left3A_1823 = vector.broadcast %shift_left3A_1822 : i32 to vector<16xi32>
        %shift_left3A_1824 = arith.shli %gather3A_1813, %shift_left3A_1823 : vector<16xi32>
        %bitcast3A_1825 = vector.bitcast %shift_left3A_1824 : vector<16xi32> to vector<16xf32>
        %and3A_1826 = arith.constant -65536 : i32
        %and3A_1827 = vector.broadcast %and3A_1826 : i32 to vector<16xi32>
        %and3A_1828 = arith.andi %gather3A_1813, %and3A_1827 : vector<16xi32>
        %bitcast3A_1829 = vector.bitcast %and3A_1828 : vector<16xi32> to vector<16xf32>
        %shift_left3A_1830 = arith.constant 16 : i32
        %shift_left3A_1831 = vector.broadcast %shift_left3A_1830 : i32 to vector<16xi32>
        %shift_left3A_1832 = arith.shli %gather3A_1817, %shift_left3A_1831 : vector<16xi32>
        %bitcast3A_1833 = vector.bitcast %shift_left3A_1832 : vector<16xi32> to vector<16xf32>
        %and3A_1834 = arith.constant -65536 : i32
        %and3A_1835 = vector.broadcast %and3A_1834 : i32 to vector<16xi32>
        %and3A_1836 = arith.andi %gather3A_1817, %and3A_1835 : vector<16xi32>
        %bitcast3A_1837 = vector.bitcast %and3A_1836 : vector<16xi32> to vector<16xf32>
        %mul3A_1838 = arith.mulf %get3A_1821, %bitcast3A_1825 : vector<16xf32>
        %add3A_1839 = arith.addf %add3A_1802, %mul3A_1838 : vector<16xf32>
        %mul3A_1840 = arith.mulf %get3A_1821, %bitcast3A_1829 : vector<16xf32>
        %add3A_1841 = arith.addf %add3A_1804, %mul3A_1840 : vector<16xf32>
        %mul3A_1842 = arith.mulf %get3A_1821, %bitcast3A_1833 : vector<16xf32>
        %add3A_1843 = arith.addf %add3A_1806, %mul3A_1842 : vector<16xf32>
        %mul3A_1844 = arith.mulf %get3A_1821, %bitcast3A_1837 : vector<16xf32>
        %add3A_1845 = arith.addf %add3A_1808, %mul3A_1844 : vector<16xf32>
        %add3A_1846 = arith.constant 448 : i32
        %add3A_1847 = arith.addi %add3A_1331, %add3A_1846 : i32
        %get3A_1848 = arith.index_cast %add3A_1847 : i32 to index
        %get3A_1849 = tpu.vector_load %arg13[%get3A_1848] {strides = array<i32>} : memref<5120xi32, #tpu.memory_space<vmem>>, vector<16xi32>,
        %gather3A_1850 = tpu.vector_load_idx %arg17[%get3A_1849] : memref<20480xi32, #tpu.memory_space<vmem>>[vector<16xi32>], vector<16xi32>,
        %add3A_1851 = arith.constant 10240 : i32
        %add3A_1852 = vector.broadcast %add3A_1851 : i32 to vector<16xi32>
        %add3A_1853 = arith.addi %get3A_1849, %add3A_1852 : vector<16xi32>
        %gather3A_1854 = tpu.vector_load_idx %arg17[%add3A_1853] : memref<20480xi32, #tpu.memory_space<vmem>>[vector<16xi32>], vector<16xi32>,
        %get3A_1855 = arith.constant 14 : i32
        %get3A_1856 = arith.index_cast %get3A_1855 : i32 to index
        %get3A_1857 = arith.index_cast %mul3A_138 : i32 to index
        %get3A_1858 = tpu.vector_load %arg19[%get3A_1856, %get3A_1857] {strides = array<i32>} : memref<16x320xf32, #tpu.memory_space<vmem>>, vector<16xf32>,
        %shift_left3A_1859 = arith.constant 16 : i32
        %shift_left3A_1860 = vector.broadcast %shift_left3A_1859 : i32 to vector<16xi32>
        %shift_left3A_1861 = arith.shli %gather3A_1850, %shift_left3A_1860 : vector<16xi32>
        %bitcast3A_1862 = vector.bitcast %shift_left3A_1861 : vector<16xi32> to vector<16xf32>
        %and3A_1863 = arith.constant -65536 : i32
        %and3A_1864 = vector.broadcast %and3A_1863 : i32 to vector<16xi32>
        %and3A_1865 = arith.andi %gather3A_1850, %and3A_1864 : vector<16xi32>
        %bitcast3A_1866 = vector.bitcast %and3A_1865 : vector<16xi32> to vector<16xf32>
        %shift_left3A_1867 = arith.constant 16 : i32
        %shift_left3A_1868 = vector.broadcast %shift_left3A_1867 : i32 to vector<16xi32>
        %shift_left3A_1869 = arith.shli %gather3A_1854, %shift_left3A_1868 : vector<16xi32>
        %bitcast3A_1870 = vector.bitcast %shift_left3A_1869 : vector<16xi32> to vector<16xf32>
        %and3A_1871 = arith.constant -65536 : i32
        %and3A_1872 = vector.broadcast %and3A_1871 : i32 to vector<16xi32>
        %and3A_1873 = arith.andi %gather3A_1854, %and3A_1872 : vector<16xi32>
        %bitcast3A_1874 = vector.bitcast %and3A_1873 : vector<16xi32> to vector<16xf32>
        %mul3A_1875 = arith.mulf %get3A_1858, %bitcast3A_1862 : vector<16xf32>
        %add3A_1876 = arith.addf %add3A_1839, %mul3A_1875 : vector<16xf32>
        %mul3A_1877 = arith.mulf %get3A_1858, %bitcast3A_1866 : vector<16xf32>
        %add3A_1878 = arith.addf %add3A_1841, %mul3A_1877 : vector<16xf32>
        %mul3A_1879 = arith.mulf %get3A_1858, %bitcast3A_1870 : vector<16xf32>
        %add3A_1880 = arith.addf %add3A_1843, %mul3A_1879 : vector<16xf32>
        %mul3A_1881 = arith.mulf %get3A_1858, %bitcast3A_1874 : vector<16xf32>
        %add3A_1882 = arith.addf %add3A_1845, %mul3A_1881 : vector<16xf32>
        %add3A_1883 = arith.constant 480 : i32
        %add3A_1884 = arith.addi %add3A_1331, %add3A_1883 : i32
        %get3A_1885 = arith.index_cast %add3A_1884 : i32 to index
        %get3A_1886 = tpu.vector_load %arg13[%get3A_1885] {strides = array<i32>} : memref<5120xi32, #tpu.memory_space<vmem>>, vector<16xi32>,
        %gather3A_1887 = tpu.vector_load_idx %arg17[%get3A_1886] : memref<20480xi32, #tpu.memory_space<vmem>>[vector<16xi32>], vector<16xi32>,
        %add3A_1888 = arith.constant 10240 : i32
        %add3A_1889 = vector.broadcast %add3A_1888 : i32 to vector<16xi32>
        %add3A_1890 = arith.addi %get3A_1886, %add3A_1889 : vector<16xi32>
        %gather3A_1891 = tpu.vector_load_idx %arg17[%add3A_1890] : memref<20480xi32, #tpu.memory_space<vmem>>[vector<16xi32>], vector<16xi32>,
        %get3A_1892 = arith.constant 15 : i32
        %get3A_1893 = arith.index_cast %get3A_1892 : i32 to index
        %get3A_1894 = arith.index_cast %mul3A_138 : i32 to index
        %get3A_1895 = tpu.vector_load %arg19[%get3A_1893, %get3A_1894] {strides = array<i32>} : memref<16x320xf32, #tpu.memory_space<vmem>>, vector<16xf32>,
        %shift_left3A_1896 = arith.constant 16 : i32
        %shift_left3A_1897 = vector.broadcast %shift_left3A_1896 : i32 to vector<16xi32>
        %shift_left3A_1898 = arith.shli %gather3A_1887, %shift_left3A_1897 : vector<16xi32>
        %bitcast3A_1899 = vector.bitcast %shift_left3A_1898 : vector<16xi32> to vector<16xf32>
        %and3A_1900 = arith.constant -65536 : i32
        %and3A_1901 = vector.broadcast %and3A_1900 : i32 to vector<16xi32>
        %and3A_1902 = arith.andi %gather3A_1887, %and3A_1901 : vector<16xi32>
        %bitcast3A_1903 = vector.bitcast %and3A_1902 : vector<16xi32> to vector<16xf32>
        %shift_left3A_1904 = arith.constant 16 : i32
        %shift_left3A_1905 = vector.broadcast %shift_left3A_1904 : i32 to vector<16xi32>
        %shift_left3A_1906 = arith.shli %gather3A_1891, %shift_left3A_1905 : vector<16xi32>
        %bitcast3A_1907 = vector.bitcast %shift_left3A_1906 : vector<16xi32> to vector<16xf32>
        %and3A_1908 = arith.constant -65536 : i32
        %and3A_1909 = vector.broadcast %and3A_1908 : i32 to vector<16xi32>
        %and3A_1910 = arith.andi %gather3A_1891, %and3A_1909 : vector<16xi32>
        %bitcast3A_1911 = vector.bitcast %and3A_1910 : vector<16xi32> to vector<16xf32>
        %mul3A_1912 = arith.mulf %get3A_1895, %bitcast3A_1899 : vector<16xf32>
        %add3A_1913 = arith.addf %add3A_1876, %mul3A_1912 : vector<16xf32>
        %mul3A_1914 = arith.mulf %get3A_1895, %bitcast3A_1903 : vector<16xf32>
        %add3A_1915 = arith.addf %add3A_1878, %mul3A_1914 : vector<16xf32>
        %mul3A_1916 = arith.mulf %get3A_1895, %bitcast3A_1907 : vector<16xf32>
        %add3A_1917 = arith.addf %add3A_1880, %mul3A_1916 : vector<16xf32>
        %mul3A_1918 = arith.mulf %get3A_1895, %bitcast3A_1911 : vector<16xf32>
        %add3A_1919 = arith.addf %add3A_1882, %mul3A_1918 : vector<16xf32>
        %neg3A = arith.constant 0.000000e+00 : f32
        %neg3A_1920 = vector.broadcast %neg3A : f32 to vector<16xf32>
        %neg3A_1921 = arith.subf %neg3A_1920, %add3A_1317 : vector<16xf32>
        %exp3A = math.exp %neg3A_1921 : vector<16xf32>
        %add3A_1922 = arith.constant 1.000000e+00 : f32
        %add3A_1923 = vector.broadcast %add3A_1922 : f32 to vector<16xf32>
        %add3A_1924 = arith.addf %add3A_1923, %exp3A : vector<16xf32>
        %div3A = arith.constant 1.000000e+00 : f32
        %div3A_1925 = vector.broadcast %div3A : f32 to vector<16xf32>
        %div3A_1926 = arith.divf %div3A_1925, %add3A_1924 : vector<16xf32>
        %neg3A_1927 = arith.constant 0.000000e+00 : f32
        %neg3A_1928 = vector.broadcast %neg3A_1927 : f32 to vector<16xf32>
        %neg3A_1929 = arith.subf %neg3A_1928, %add3A_1913 : vector<16xf32>
        %exp3A_1930 = math.exp %neg3A_1929 : vector<16xf32>
        %add3A_1931 = arith.constant 1.000000e+00 : f32
        %add3A_1932 = vector.broadcast %add3A_1931 : f32 to vector<16xf32>
        %add3A_1933 = arith.addf %add3A_1932, %exp3A_1930 : vector<16xf32>
        %div3A_1934 = arith.constant 1.000000e+00 : f32
        %div3A_1935 = vector.broadcast %div3A_1934 : f32 to vector<16xf32>
        %div3A_1936 = arith.divf %div3A_1935, %add3A_1933 : vector<16xf32>
        %add3A_1937 = arith.addf %div3A_1926, %div3A_1936 : vector<16xf32>
        %mul3A_1938 = arith.constant 5.000000e-01 : f32
        %mul3A_1939 = vector.broadcast %mul3A_1938 : f32 to vector<16xf32>
        %mul3A_1940 = arith.mulf %mul3A_1939, %add3A_1937 : vector<16xf32>
        %add3A_1941 = arith.constant 0 : i32
        %add3A_1942 = vector.broadcast %add3A_1941 : i32 to vector<16xi32>
        %add3A_1943 = arith.addi %add3A_1942, %add3A_140 : vector<16xi32>
        tpu.vector_store_idx %arg20[%add3A_1943], %mul3A_1940 : memref<1280xf32, #tpu.memory_space<vmem>>[vector<16xi32>], vector<16xf32>,
        %neg3A_1944 = arith.constant 0.000000e+00 : f32
        %neg3A_1945 = vector.broadcast %neg3A_1944 : f32 to vector<16xf32>
        %neg3A_1946 = arith.subf %neg3A_1945, %add3A_1319 : vector<16xf32>
        %exp3A_1947 = math.exp %neg3A_1946 : vector<16xf32>
        %add3A_1948 = arith.constant 1.000000e+00 : f32
        %add3A_1949 = vector.broadcast %add3A_1948 : f32 to vector<16xf32>
        %add3A_1950 = arith.addf %add3A_1949, %exp3A_1947 : vector<16xf32>
        %div3A_1951 = arith.constant 1.000000e+00 : f32
        %div3A_1952 = vector.broadcast %div3A_1951 : f32 to vector<16xf32>
        %div3A_1953 = arith.divf %div3A_1952, %add3A_1950 : vector<16xf32>
        %neg3A_1954 = arith.constant 0.000000e+00 : f32
        %neg3A_1955 = vector.broadcast %neg3A_1954 : f32 to vector<16xf32>
        %neg3A_1956 = arith.subf %neg3A_1955, %add3A_1915 : vector<16xf32>
        %exp3A_1957 = math.exp %neg3A_1956 : vector<16xf32>
        %add3A_1958 = arith.constant 1.000000e+00 : f32
        %add3A_1959 = vector.broadcast %add3A_1958 : f32 to vector<16xf32>
        %add3A_1960 = arith.addf %add3A_1959, %exp3A_1957 : vector<16xf32>
        %div3A_1961 = arith.constant 1.000000e+00 : f32
        %div3A_1962 = vector.broadcast %div3A_1961 : f32 to vector<16xf32>
        %div3A_1963 = arith.divf %div3A_1962, %add3A_1960 : vector<16xf32>
        %add3A_1964 = arith.addf %div3A_1953, %div3A_1963 : vector<16xf32>
        %mul3A_1965 = arith.constant 5.000000e-01 : f32
        %mul3A_1966 = vector.broadcast %mul3A_1965 : f32 to vector<16xf32>
        %mul3A_1967 = arith.mulf %mul3A_1966, %add3A_1964 : vector<16xf32>
        %add3A_1968 = arith.constant 320 : i32
        %add3A_1969 = vector.broadcast %add3A_1968 : i32 to vector<16xi32>
        %add3A_1970 = arith.addi %add3A_1969, %add3A_140 : vector<16xi32>
        tpu.vector_store_idx %arg20[%add3A_1970], %mul3A_1967 : memref<1280xf32, #tpu.memory_space<vmem>>[vector<16xi32>], vector<16xf32>,
        %neg3A_1971 = arith.constant 0.000000e+00 : f32
        %neg3A_1972 = vector.broadcast %neg3A_1971 : f32 to vector<16xf32>
        %neg3A_1973 = arith.subf %neg3A_1972, %add3A_1321 : vector<16xf32>
        %exp3A_1974 = math.exp %neg3A_1973 : vector<16xf32>
        %add3A_1975 = arith.constant 1.000000e+00 : f32
        %add3A_1976 = vector.broadcast %add3A_1975 : f32 to vector<16xf32>
        %add3A_1977 = arith.addf %add3A_1976, %exp3A_1974 : vector<16xf32>
        %div3A_1978 = arith.constant 1.000000e+00 : f32
        %div3A_1979 = vector.broadcast %div3A_1978 : f32 to vector<16xf32>
        %div3A_1980 = arith.divf %div3A_1979, %add3A_1977 : vector<16xf32>
        %neg3A_1981 = arith.constant 0.000000e+00 : f32
        %neg3A_1982 = vector.broadcast %neg3A_1981 : f32 to vector<16xf32>
        %neg3A_1983 = arith.subf %neg3A_1982, %add3A_1917 : vector<16xf32>
        %exp3A_1984 = math.exp %neg3A_1983 : vector<16xf32>
        %add3A_1985 = arith.constant 1.000000e+00 : f32
        %add3A_1986 = vector.broadcast %add3A_1985 : f32 to vector<16xf32>
        %add3A_1987 = arith.addf %add3A_1986, %exp3A_1984 : vector<16xf32>
        %div3A_1988 = arith.constant 1.000000e+00 : f32
        %div3A_1989 = vector.broadcast %div3A_1988 : f32 to vector<16xf32>
        %div3A_1990 = arith.divf %div3A_1989, %add3A_1987 : vector<16xf32>
        %add3A_1991 = arith.addf %div3A_1980, %div3A_1990 : vector<16xf32>
        %mul3A_1992 = arith.constant 5.000000e-01 : f32
        %mul3A_1993 = vector.broadcast %mul3A_1992 : f32 to vector<16xf32>
        %mul3A_1994 = arith.mulf %mul3A_1993, %add3A_1991 : vector<16xf32>
        %add3A_1995 = arith.constant 640 : i32
        %add3A_1996 = vector.broadcast %add3A_1995 : i32 to vector<16xi32>
        %add3A_1997 = arith.addi %add3A_1996, %add3A_140 : vector<16xi32>
        tpu.vector_store_idx %arg20[%add3A_1997], %mul3A_1994 : memref<1280xf32, #tpu.memory_space<vmem>>[vector<16xi32>], vector<16xf32>,
        %neg3A_1998 = arith.constant 0.000000e+00 : f32
        %neg3A_1999 = vector.broadcast %neg3A_1998 : f32 to vector<16xf32>
        %neg3A_2000 = arith.subf %neg3A_1999, %add3A_1323 : vector<16xf32>
        %exp3A_2001 = math.exp %neg3A_2000 : vector<16xf32>
        %add3A_2002 = arith.constant 1.000000e+00 : f32
        %add3A_2003 = vector.broadcast %add3A_2002 : f32 to vector<16xf32>
        %add3A_2004 = arith.addf %add3A_2003, %exp3A_2001 : vector<16xf32>
        %div3A_2005 = arith.constant 1.000000e+00 : f32
        %div3A_2006 = vector.broadcast %div3A_2005 : f32 to vector<16xf32>
        %div3A_2007 = arith.divf %div3A_2006, %add3A_2004 : vector<16xf32>
        %neg3A_2008 = arith.constant 0.000000e+00 : f32
        %neg3A_2009 = vector.broadcast %neg3A_2008 : f32 to vector<16xf32>
        %neg3A_2010 = arith.subf %neg3A_2009, %add3A_1919 : vector<16xf32>
        %exp3A_2011 = math.exp %neg3A_2010 : vector<16xf32>
        %add3A_2012 = arith.constant 1.000000e+00 : f32
        %add3A_2013 = vector.broadcast %add3A_2012 : f32 to vector<16xf32>
        %add3A_2014 = arith.addf %add3A_2013, %exp3A_2011 : vector<16xf32>
        %div3A_2015 = arith.constant 1.000000e+00 : f32
        %div3A_2016 = vector.broadcast %div3A_2015 : f32 to vector<16xf32>
        %div3A_2017 = arith.divf %div3A_2016, %add3A_2014 : vector<16xf32>
        %add3A_2018 = arith.addf %div3A_2007, %div3A_2017 : vector<16xf32>
        %mul3A_2019 = arith.constant 5.000000e-01 : f32
        %mul3A_2020 = vector.broadcast %mul3A_2019 : f32 to vector<16xf32>
        %mul3A_2021 = arith.mulf %mul3A_2020, %add3A_2018 : vector<16xf32>
        %add3A_2022 = arith.constant 960 : i32
        %add3A_2023 = vector.broadcast %add3A_2022 : i32 to vector<16xi32>
        %add3A_2024 = arith.addi %add3A_2023, %add3A_140 : vector<16xi32>
        tpu.vector_store_idx %arg20[%add3A_2024], %mul3A_2021 : memref<1280xf32, #tpu.memory_space<vmem>>[vector<16xi32>], vector<16xf32>,
      }
      %scan3A_100 = arith.constant 20 : i32
      %mul3A_101 = arith.constant 4 : i32
      %mul3A_102 = arith.muli %mul3A_101, %add3A_41 : i32
      %add3A_103 = arith.constant 0 : i32
      %add3A_104 = arith.addi %mul3A_102, %add3A_103 : i32
      %mul3A_105 = arith.constant 10240 : i32
      %mul3A_106 = arith.muli %add3A_104, %mul3A_105 : i32
      %add3A_107 = arith.addi %mul3A_106, %mul3A_2 : i32
      "tpu.region"() ({
        %run_scoped3A = tpu.sem_alloc : memref<!tpu.dma_semaphore, #tpu.memory_space<semaphore_mem>>
        %dma_start3A_136 = arith.constant 0 : i32
        %dma_start3A_137 = tpu.memref_slice %arg20[%dma_start3A_136] : memref<1280xf32, #tpu.memory_space<vmem>> -> memref<320xf32, #tpu.memory_space<vmem>>
        %dma_start3A_138 = tpu.memref_slice %arg8[%add3A_107] : memref<327680xf32, #tpu.memory_space<hbm>> -> memref<320xf32, #tpu.memory_space<hbm>>
        %dma_start3A_139 = tpu.memref_slice %arg8[%add3A_107] : memref<327680xf32, #tpu.memory_space<hbm>> -> memref<320xf32, #tpu.memory_space<hbm>>
        %dma_start3A_140 = arith.constant 0 : i32
        %dma_start3A_141 = tpu.memref_slice %arg20[%dma_start3A_140] : memref<1280xf32, #tpu.memory_space<vmem>> -> memref<320xf32, #tpu.memory_space<vmem>>
        tpu.enqueue_dma source(%dma_start3A_141 : memref<320xf32, #tpu.memory_space<vmem>>) target(%dma_start3A_139 : memref<320xf32, #tpu.memory_space<hbm>>) target_semaphore(%run_scoped3A : memref<!tpu.dma_semaphore, #tpu.memory_space<semaphore_mem>>)
        %dma_wait3A_142 = arith.constant 0 : i32
        %dma_wait3A_143 = tpu.memref_slice %arg20[%dma_wait3A_142] : memref<1280xf32, #tpu.memory_space<vmem>> -> memref<320xf32, #tpu.memory_space<vmem>>
        %dma_wait3A_144 = tpu.memref_slice %arg8[%add3A_107] : memref<327680xf32, #tpu.memory_space<hbm>> -> memref<320xf32, #tpu.memory_space<hbm>>
        %dma_wait3A_145 = tpu.memref_slice %arg8[%add3A_107] : memref<327680xf32, #tpu.memory_space<hbm>> -> memref<320xf32, #tpu.memory_space<hbm>>
        %dma_wait3A_146 = arith.constant 0 : i32
        %dma_wait3A_147 = tpu.memref_slice %arg20[%dma_wait3A_146] : memref<1280xf32, #tpu.memory_space<vmem>> -> memref<320xf32, #tpu.memory_space<vmem>>
        tpu.wait_dma2 semaphore(%run_scoped3A : memref<!tpu.dma_semaphore, #tpu.memory_space<semaphore_mem>>) src(%dma_wait3A_147 : memref<320xf32, #tpu.memory_space<vmem>>) dst(%dma_wait3A_145 : memref<320xf32, #tpu.memory_space<hbm>>)
        tpu.yield
      }) : () -> ()
      %mul3A_108 = arith.constant 4 : i32
      %mul3A_109 = arith.muli %mul3A_108, %add3A_41 : i32
      %add3A_110 = arith.constant 1 : i32
      %add3A_111 = arith.addi %mul3A_109, %add3A_110 : i32
      %mul3A_112 = arith.constant 10240 : i32
      %mul3A_113 = arith.muli %add3A_111, %mul3A_112 : i32
      %add3A_114 = arith.addi %mul3A_113, %mul3A_2 : i32
      "tpu.region"() ({
        %run_scoped3A = tpu.sem_alloc : memref<!tpu.dma_semaphore, #tpu.memory_space<semaphore_mem>>
        %dma_start3A_136 = arith.constant 320 : i32
        %dma_start3A_137 = tpu.memref_slice %arg20[%dma_start3A_136] : memref<1280xf32, #tpu.memory_space<vmem>> -> memref<320xf32, #tpu.memory_space<vmem>>
        %dma_start3A_138 = tpu.memref_slice %arg8[%add3A_114] : memref<327680xf32, #tpu.memory_space<hbm>> -> memref<320xf32, #tpu.memory_space<hbm>>
        %dma_start3A_139 = tpu.memref_slice %arg8[%add3A_114] : memref<327680xf32, #tpu.memory_space<hbm>> -> memref<320xf32, #tpu.memory_space<hbm>>
        %dma_start3A_140 = arith.constant 320 : i32
        %dma_start3A_141 = tpu.memref_slice %arg20[%dma_start3A_140] : memref<1280xf32, #tpu.memory_space<vmem>> -> memref<320xf32, #tpu.memory_space<vmem>>
        tpu.enqueue_dma source(%dma_start3A_141 : memref<320xf32, #tpu.memory_space<vmem>>) target(%dma_start3A_139 : memref<320xf32, #tpu.memory_space<hbm>>) target_semaphore(%run_scoped3A : memref<!tpu.dma_semaphore, #tpu.memory_space<semaphore_mem>>)
        %dma_wait3A_142 = arith.constant 320 : i32
        %dma_wait3A_143 = tpu.memref_slice %arg20[%dma_wait3A_142] : memref<1280xf32, #tpu.memory_space<vmem>> -> memref<320xf32, #tpu.memory_space<vmem>>
        %dma_wait3A_144 = tpu.memref_slice %arg8[%add3A_114] : memref<327680xf32, #tpu.memory_space<hbm>> -> memref<320xf32, #tpu.memory_space<hbm>>
        %dma_wait3A_145 = tpu.memref_slice %arg8[%add3A_114] : memref<327680xf32, #tpu.memory_space<hbm>> -> memref<320xf32, #tpu.memory_space<hbm>>
        %dma_wait3A_146 = arith.constant 320 : i32
        %dma_wait3A_147 = tpu.memref_slice %arg20[%dma_wait3A_146] : memref<1280xf32, #tpu.memory_space<vmem>> -> memref<320xf32, #tpu.memory_space<vmem>>
        tpu.wait_dma2 semaphore(%run_scoped3A : memref<!tpu.dma_semaphore, #tpu.memory_space<semaphore_mem>>) src(%dma_wait3A_147 : memref<320xf32, #tpu.memory_space<vmem>>) dst(%dma_wait3A_145 : memref<320xf32, #tpu.memory_space<hbm>>)
        tpu.yield
      }) : () -> ()
      %mul3A_115 = arith.constant 4 : i32
      %mul3A_116 = arith.muli %mul3A_115, %add3A_41 : i32
      %add3A_117 = arith.constant 2 : i32
      %add3A_118 = arith.addi %mul3A_116, %add3A_117 : i32
      %mul3A_119 = arith.constant 10240 : i32
      %mul3A_120 = arith.muli %add3A_118, %mul3A_119 : i32
      %add3A_121 = arith.addi %mul3A_120, %mul3A_2 : i32
      "tpu.region"() ({
        %run_scoped3A = tpu.sem_alloc : memref<!tpu.dma_semaphore, #tpu.memory_space<semaphore_mem>>
        %dma_start3A_136 = arith.constant 640 : i32
        %dma_start3A_137 = tpu.memref_slice %arg20[%dma_start3A_136] : memref<1280xf32, #tpu.memory_space<vmem>> -> memref<320xf32, #tpu.memory_space<vmem>>
        %dma_start3A_138 = tpu.memref_slice %arg8[%add3A_121] : memref<327680xf32, #tpu.memory_space<hbm>> -> memref<320xf32, #tpu.memory_space<hbm>>
        %dma_start3A_139 = tpu.memref_slice %arg8[%add3A_121] : memref<327680xf32, #tpu.memory_space<hbm>> -> memref<320xf32, #tpu.memory_space<hbm>>
        %dma_start3A_140 = arith.constant 640 : i32
        %dma_start3A_141 = tpu.memref_slice %arg20[%dma_start3A_140] : memref<1280xf32, #tpu.memory_space<vmem>> -> memref<320xf32, #tpu.memory_space<vmem>>
        tpu.enqueue_dma source(%dma_start3A_141 : memref<320xf32, #tpu.memory_space<vmem>>) target(%dma_start3A_139 : memref<320xf32, #tpu.memory_space<hbm>>) target_semaphore(%run_scoped3A : memref<!tpu.dma_semaphore, #tpu.memory_space<semaphore_mem>>)
        %dma_wait3A_142 = arith.constant 640 : i32
        %dma_wait3A_143 = tpu.memref_slice %arg20[%dma_wait3A_142] : memref<1280xf32, #tpu.memory_space<vmem>> -> memref<320xf32, #tpu.memory_space<vmem>>
        %dma_wait3A_144 = tpu.memref_slice %arg8[%add3A_121] : memref<327680xf32, #tpu.memory_space<hbm>> -> memref<320xf32, #tpu.memory_space<hbm>>
        %dma_wait3A_145 = tpu.memref_slice %arg8[%add3A_121] : memref<327680xf32, #tpu.memory_space<hbm>> -> memref<320xf32, #tpu.memory_space<hbm>>
        %dma_wait3A_146 = arith.constant 640 : i32
        %dma_wait3A_147 = tpu.memref_slice %arg20[%dma_wait3A_146] : memref<1280xf32, #tpu.memory_space<vmem>> -> memref<320xf32, #tpu.memory_space<vmem>>
        tpu.wait_dma2 semaphore(%run_scoped3A : memref<!tpu.dma_semaphore, #tpu.memory_space<semaphore_mem>>) src(%dma_wait3A_147 : memref<320xf32, #tpu.memory_space<vmem>>) dst(%dma_wait3A_145 : memref<320xf32, #tpu.memory_space<hbm>>)
        tpu.yield
      }) : () -> ()
      %mul3A_122 = arith.constant 4 : i32
      %mul3A_123 = arith.muli %mul3A_122, %add3A_41 : i32
      %add3A_124 = arith.constant 3 : i32
      %add3A_125 = arith.addi %mul3A_123, %add3A_124 : i32
      %mul3A_126 = arith.constant 10240 : i32
      %mul3A_127 = arith.muli %add3A_125, %mul3A_126 : i32
      %add3A_128 = arith.addi %mul3A_127, %mul3A_2 : i32
      "tpu.region"() ({
        %run_scoped3A = tpu.sem_alloc : memref<!tpu.dma_semaphore, #tpu.memory_space<semaphore_mem>>
        %dma_start3A_136 = arith.constant 960 : i32
        %dma_start3A_137 = tpu.memref_slice %arg20[%dma_start3A_136] : memref<1280xf32, #tpu.memory_space<vmem>> -> memref<320xf32, #tpu.memory_space<vmem>>
        %dma_start3A_138 = tpu.memref_slice %arg8[%add3A_128] : memref<327680xf32, #tpu.memory_space<hbm>> -> memref<320xf32, #tpu.memory_space<hbm>>
        %dma_start3A_139 = tpu.memref_slice %arg8[%add3A_128] : memref<327680xf32, #tpu.memory_space<hbm>> -> memref<320xf32, #tpu.memory_space<hbm>>
        %dma_start3A_140 = arith.constant 960 : i32
        %dma_start3A_141 = tpu.memref_slice %arg20[%dma_start3A_140] : memref<1280xf32, #tpu.memory_space<vmem>> -> memref<320xf32, #tpu.memory_space<vmem>>
        tpu.enqueue_dma source(%dma_start3A_141 : memref<320xf32, #tpu.memory_space<vmem>>) target(%dma_start3A_139 : memref<320xf32, #tpu.memory_space<hbm>>) target_semaphore(%run_scoped3A : memref<!tpu.dma_semaphore, #tpu.memory_space<semaphore_mem>>)
        %dma_wait3A_142 = arith.constant 960 : i32
        %dma_wait3A_143 = tpu.memref_slice %arg20[%dma_wait3A_142] : memref<1280xf32, #tpu.memory_space<vmem>> -> memref<320xf32, #tpu.memory_space<vmem>>
        %dma_wait3A_144 = tpu.memref_slice %arg8[%add3A_128] : memref<327680xf32, #tpu.memory_space<hbm>> -> memref<320xf32, #tpu.memory_space<hbm>>
        %dma_wait3A_145 = tpu.memref_slice %arg8[%add3A_128] : memref<327680xf32, #tpu.memory_space<hbm>> -> memref<320xf32, #tpu.memory_space<hbm>>
        %dma_wait3A_146 = arith.constant 960 : i32
        %dma_wait3A_147 = tpu.memref_slice %arg20[%dma_wait3A_146] : memref<1280xf32, #tpu.memory_space<vmem>> -> memref<320xf32, #tpu.memory_space<vmem>>
        tpu.wait_dma2 semaphore(%run_scoped3A : memref<!tpu.dma_semaphore, #tpu.memory_space<semaphore_mem>>) src(%dma_wait3A_147 : memref<320xf32, #tpu.memory_space<vmem>>) dst(%dma_wait3A_145 : memref<320xf32, #tpu.memory_space<hbm>>)
        tpu.yield
      }) : () -> ()
      %add3A_129 = arith.constant 1 : i32
      %add3A_130 = arith.addi %scan3A_35, %add3A_129 : i32
      %lt3A_131 = arith.constant 4 : i32
      %lt3A_132 = arith.cmpi slt, %add3A_130, %lt3A_131 : i32
      %convert_element_type3A_133 = arith.extui %lt3A_132 : i1 to i32
      %cond3A_134 = arith.constant 0 : i32
      %cond3A_135 = arith.cmpi ne, %convert_element_type3A_133, %cond3A_134 : i32
      scf.if %cond3A_135 {
        %add3A_136 = arith.constant 2 : i32
        %add3A_137 = arith.addi %add3A_41, %add3A_136 : i32
        %mul3A_138 = arith.constant 2 : i32
        %mul3A_139 = arith.muli %mul3A_138, %add3A_137 : i32
        %mul3A_140 = arith.constant 10240 : i32
        %mul3A_141 = arith.muli %mul3A_139, %mul3A_140 : i32
        %dma_start3A_142 = tpu.memref_slice %arg2[%mul3A_141] : memref<163840xi32, #tpu.memory_space<hbm>> -> memref<20480xi32, #tpu.memory_space<hbm>>
        %dma_start3A_143 = tpu.memref_slice %arg2[%mul3A_141] : memref<163840xi32, #tpu.memory_space<hbm>> -> memref<20480xi32, #tpu.memory_space<hbm>>
        tpu.enqueue_dma source(%dma_start3A_143 : memref<20480xi32, #tpu.memory_space<hbm>>) target(%arg16 : memref<20480xi32, #tpu.memory_space<vmem>>) target_semaphore(%arg22 : memref<!tpu.dma_semaphore, #tpu.memory_space<semaphore_mem>>)
        %add3A_144 = arith.constant 2 : i32
        %add3A_145 = arith.addi %add3A_41, %add3A_144 : i32
        %mul3A_146 = arith.constant 2 : i32
        %mul3A_147 = arith.muli %mul3A_146, %add3A_145 : i32
        %mul3A_148 = arith.constant 10240 : i32
        %mul3A_149 = arith.muli %mul3A_147, %mul3A_148 : i32
        %dma_start3A_150 = tpu.memref_slice %arg3[%mul3A_149] : memref<163840xi32, #tpu.memory_space<hbm>> -> memref<20480xi32, #tpu.memory_space<hbm>>
        %dma_start3A_151 = tpu.memref_slice %arg3[%mul3A_149] : memref<163840xi32, #tpu.memory_space<hbm>> -> memref<20480xi32, #tpu.memory_space<hbm>>
        tpu.enqueue_dma source(%dma_start3A_151 : memref<20480xi32, #tpu.memory_space<hbm>>) target(%arg17 : memref<20480xi32, #tpu.memory_space<vmem>>) target_semaphore(%arg22 : memref<!tpu.dma_semaphore, #tpu.memory_space<semaphore_mem>>)
      } else {
      }
    }
    %scan3A_34 = arith.constant 4 : i32
    return
  }
}

module attributes {stable_mosaic.version = 14 : i64} {
  func.func @_tc_body(%arg0: i32, %arg1: memref<1024x128xf32, #tpu.memory_space<vmem>>, %arg2: memref<128x64xf32, #tpu.memory_space<vmem>>, %arg3: memref<64x8xf32, #tpu.memory_space<vmem>>, %arg4: memref<16x1024xi32, #tpu.memory_space<vmem>>, %arg5: memref<16x1024xi32, #tpu.memory_space<vmem>>, %arg6: memref<8x1024xf32, #tpu.memory_space<vmem>>) attributes {dimension_semantics = [#tpu.dimension_semantics<arbitrary>], iteration_bounds = array<i64: 10>, scalar_prefetch = 0 : i64, scratch_operands = 0 : i64, tpu.core_type = #tpu.core_type<tc>, window_params = [{transform_indices = @transform_0, window_bounds = array<i64: 1024, 128>}, {pipeline_mode = #tpu.pipeline_mode<synchronous>, transform_indices = @transform_1, window_bounds = array<i64: 128, 64>}, {pipeline_mode = #tpu.pipeline_mode<synchronous>, transform_indices = @transform_2, window_bounds = array<i64: 64, 8>}, {transform_indices = @transform_3, window_bounds = array<i64: 16, 1024>}, {transform_indices = @transform_4, window_bounds = array<i64: 16, 1024>}, {transform_indices = @transform_5, window_bounds = array<i64: 8, 1024>}]} {
    %get3A = arith.constant 0 : index
    %get3A_0 = arith.constant 0 : index
    %get3A_1 = vector.load %arg2[%get3A, %get3A_0] : memref<128x64xf32, #tpu.memory_space<vmem>>, vector<128x64xf32>
    %get3A_2 = arith.constant 0 : index
    %get3A_3 = arith.constant 0 : index
    %get3A_4 = vector.load %arg1[%get3A_2, %get3A_3] : memref<1024x128xf32, #tpu.memory_space<vmem>>, vector<1024x128xf32>
    %dot_general3A = arith.constant dense<0.000000e+00> : vector<64x1024xf32>
    %dot_general3A_5 = tpu.matmul %get3A_1, %get3A_4, %dot_general3A {dimension_numbers = #tpu.dot_dimension_numbers<[0], [1], [1], [0], [0, 1, 1, 0], [], []>, transpose_lhs_hint = false} : vector<128x64xf32>, vector<1024x128xf32>, vector<64x1024xf32> -> vector<64x1024xf32>
    %slice3A = vector.extract_strided_slice %dot_general3A_5 {offsets = [0, 0], sizes = [16, 1024], strides = [1, 1]} : vector<64x1024xf32> to vector<16x1024xf32>
    %slice3A_6 = vector.extract_strided_slice %dot_general3A_5 {offsets = [16, 0], sizes = [16, 1024], strides = [1, 1]} : vector<64x1024xf32> to vector<16x1024xf32>
    %convert_element_type3A = arith.truncf %slice3A : vector<16x1024xf32> to vector<16x1024xbf16>
    %bitcast_convert_type3A = tpu.bitcast %convert_element_type3A : vector<16x1024xbf16> -> vector<16x1024xi16>
    %convert_element_type3A_7 = arith.truncf %slice3A_6 : vector<16x1024xf32> to vector<16x1024xbf16>
    %bitcast_convert_type3A_8 = tpu.bitcast %convert_element_type3A_7 : vector<16x1024xbf16> -> vector<16x1024xi16>
    %convert_element_type3A_9 = arith.extui %bitcast_convert_type3A : vector<16x1024xi16> to vector<16x1024xi32>
    %convert_element_type3A_10 = arith.extui %bitcast_convert_type3A_8 : vector<16x1024xi16> to vector<16x1024xi32>
    %shift_left3A = arith.constant 16 : i32
    %shift_left3A_11 = vector.broadcast %shift_left3A : i32 to vector<16x1024xi32>
    %shift_left3A_12 = arith.shli %convert_element_type3A_10, %shift_left3A_11 : vector<16x1024xi32>
    %or3A = arith.ori %convert_element_type3A_9, %shift_left3A_12 : vector<16x1024xi32>
    %swap3A = arith.constant 0 : index
    %swap3A_13 = arith.constant 0 : index
    %swap3A_14 = vector.load %arg4[%swap3A, %swap3A_13] : memref<16x1024xi32, #tpu.memory_space<vmem>>, vector<16x1024xi32>
    tpu.vector_store %arg4[%swap3A, %swap3A_13], %or3A {strides = array<i32>} : memref<16x1024xi32, #tpu.memory_space<vmem>>, vector<16x1024xi32>,
    %slice3A_15 = vector.extract_strided_slice %dot_general3A_5 {offsets = [32, 0], sizes = [16, 1024], strides = [1, 1]} : vector<64x1024xf32> to vector<16x1024xf32>
    %slice3A_16 = vector.extract_strided_slice %dot_general3A_5 {offsets = [48, 0], sizes = [16, 1024], strides = [1, 1]} : vector<64x1024xf32> to vector<16x1024xf32>
    %convert_element_type3A_17 = arith.truncf %slice3A_15 : vector<16x1024xf32> to vector<16x1024xbf16>
    %bitcast_convert_type3A_18 = tpu.bitcast %convert_element_type3A_17 : vector<16x1024xbf16> -> vector<16x1024xi16>
    %convert_element_type3A_19 = arith.truncf %slice3A_16 : vector<16x1024xf32> to vector<16x1024xbf16>
    %bitcast_convert_type3A_20 = tpu.bitcast %convert_element_type3A_19 : vector<16x1024xbf16> -> vector<16x1024xi16>
    %convert_element_type3A_21 = arith.extui %bitcast_convert_type3A_18 : vector<16x1024xi16> to vector<16x1024xi32>
    %convert_element_type3A_22 = arith.extui %bitcast_convert_type3A_20 : vector<16x1024xi16> to vector<16x1024xi32>
    %shift_left3A_23 = arith.constant 16 : i32
    %shift_left3A_24 = vector.broadcast %shift_left3A_23 : i32 to vector<16x1024xi32>
    %shift_left3A_25 = arith.shli %convert_element_type3A_22, %shift_left3A_24 : vector<16x1024xi32>
    %or3A_26 = arith.ori %convert_element_type3A_21, %shift_left3A_25 : vector<16x1024xi32>
    %swap3A_27 = arith.constant 0 : index
    %swap3A_28 = arith.constant 0 : index
    %swap3A_29 = vector.load %arg5[%swap3A_27, %swap3A_28] : memref<16x1024xi32, #tpu.memory_space<vmem>>, vector<16x1024xi32>
    tpu.vector_store %arg5[%swap3A_27, %swap3A_28], %or3A_26 {strides = array<i32>} : memref<16x1024xi32, #tpu.memory_space<vmem>>, vector<16x1024xi32>,
    %get3A_30 = arith.constant 0 : index
    %get3A_31 = arith.constant 0 : index
    %get3A_32 = vector.load %arg3[%get3A_30, %get3A_31] : memref<64x8xf32, #tpu.memory_space<vmem>>, vector<64x8xf32>
    %dot_general3A_33 = arith.constant dense<0.000000e+00> : vector<8x1024xf32>
    %dot_general3A_34 = tpu.matmul %get3A_32, %dot_general3A_5, %dot_general3A_33 {dimension_numbers = #tpu.dot_dimension_numbers<[0], [0], [1], [1], [0, 1, 1, 1], [], []>, transpose_lhs_hint = false} : vector<64x8xf32>, vector<64x1024xf32>, vector<8x1024xf32> -> vector<8x1024xf32>
    %swap3A_35 = arith.constant 0 : index
    %swap3A_36 = arith.constant 0 : index
    %swap3A_37 = vector.load %arg6[%swap3A_35, %swap3A_36] : memref<8x1024xf32, #tpu.memory_space<vmem>>, vector<8x1024xf32>
    tpu.vector_store %arg6[%swap3A_35, %swap3A_36], %dot_general3A_34 {strides = array<i32>} : memref<8x1024xf32, #tpu.memory_space<vmem>>, vector<8x1024xf32>,
    return
  }
  func.func @transform_0(%arg0: i32) -> (i32, i32) {
    %c0_i32 = arith.constant 0 : i32
    %c0_i32_0 = arith.constant 0 : i32
    return %arg0, %c0_i32 : i32, i32
  }
  func.func @transform_1(%arg0: i32) -> (i32, i32) {
    %c0_i32 = arith.constant 0 : i32
    %c0_i32_0 = arith.constant 0 : i32
    %c0_i32_1 = arith.constant 0 : i32
    return %c0_i32, %c0_i32_0 : i32, i32
  }
  func.func @transform_2(%arg0: i32) -> (i32, i32) {
    %c0_i32 = arith.constant 0 : i32
    %c0_i32_0 = arith.constant 0 : i32
    %c0_i32_1 = arith.constant 0 : i32
    return %c0_i32, %c0_i32_0 : i32, i32
  }
  func.func @transform_3(%arg0: i32) -> (i32, i32) {
    %c0_i32 = arith.constant 0 : i32
    %c0_i32_0 = arith.constant 0 : i32
    return %c0_i32, %arg0 : i32, i32
  }
  func.func @transform_4(%arg0: i32) -> (i32, i32) {
    %c0_i32 = arith.constant 0 : i32
    %c0_i32_0 = arith.constant 0 : i32
    return %c0_i32, %arg0 : i32, i32
  }
  func.func @transform_5(%arg0: i32) -> (i32, i32) {
    %c0_i32 = arith.constant 0 : i32
    %c0_i32_0 = arith.constant 0 : i32
    return %c0_i32, %arg0 : i32, i32
  }
}

</mosaic_0001>

<sc_bundles>
// kernel: kernel.4.cloned.1.call-start
scs
__scs_entry_jumppad:
0x0: {  	(pc) =	sbr.rel $0x88, $3  }
0x1: {  	(tag) =	ssettag $0x0;
	lr =	simm.s32 $0x1  }
0x2: {  	[smem:$0x3F9A] =	sst lr;
	_ =	strace $0xD0000000  }
0x3: {  	_ = 	snop  }
0x4: {  	_ = 	snop  }
0x5: {  	_ = 	snop  }
0x6: {  	_ = 	snop  }
0x7: {  	_ = 	snop  }
__scs_overlays_trampoline_lowered:
0x8: {  	[smem:$0x3FA9] =	sst s0  }
0x9: {  	[smem:$0x3FAA] =	sst s1  }
0xa: {  	[smem:$0x3FAB] =	sst s2  }
0xb: {  	[smem:$0x3FAC] =	sst s3  }
0xc: {  	[smem:$0x3FAD] =	sst s4  }
0xd: {  	[smem:$0x3FAE] =	sst s5  }
0xe: {  	[smem:$0x3FAF] =	sst s6  }
0xf: {  	[smem:$0x3FB0] =	sst s7  }
0x10: {  	[smem:$0x3FB1] =	sst s8  }
0x11: {  	[smem:$0x3FB2] =	sst s9;
	s0 =	simm.s32 @!p0 $0x0  }
0x12: {  	s1 =	sld [smem:$0x3F98];
	s0 =	simm.s32 @p0 $0x1  }
0x13: {  	[smem:$0x3FB3] =	sst s0;
	s0 =	simm.s32 @!p1 $0x0  }
0x14: {  	s2 =	sld [smem:$0x3F97];
	s0 =	simm.s32 @p1 $0x1  }
0x15: {  	[smem:$0x3FB4] =	sst s0;
	s0 =	simm.s32 @!p2 $0x0  }
0x16: {  	s3 =	sld [smem:$0x3FDB];
	s0 =	simm.s32 @p2 $0x1  }
0x17: {  	s4 =	simm.s32 $0x1BF5;
	[smem:$0x3FB6] =	sst s0  }
0x18: {  	s0 =	sld [smem:$0x3F99];
	_ =	swait.ge [sflag:s4], $0x0  }
0x19: {  	s7 =	sld [smem:$0x3F9A]  }
0x1a: {  	s8 =	sadd.s32 $0xFFFFE003, lr  }
0x1b: {  	s9 =	sadd.s32 $0xFFFFFEF7, lr;
	s5 =	simm.s32 $0xFFFFFFFF;
	p2 =	slt.u32 s8, $0xFFFFF086  }
0x1c: {  	p1 =	slt.u32 s9, $0xF7A;
	s5 =	simm.s32 @!p2 $0x0  }
0x1d: {  	s5 =	simm.s32 @p1 $0x1;
	p0 =	seq.s32 s7, s2  }
0x1e: {  	s7 =	smul.u32 @!p0 $0xF7A, s2;
	p2 =	seq.s32 @!p0 s5, $0x0  }
0x1f: {  	s9 =	smul.u32 $0xF7A, s1;
	s8 =	simm.s32 @!p0 $0x1BF5;
	p2 =	por !p2, p0  }
0x20: {  	[sflag:s8] =	ssyncset.s32 @!p0 $0xFFFFF086;
	s6 =	sadd.s32 @!p0 s3, s7;
	s7 =	simm.s32 @!p0 $0x108  }
0x21: {  	s3 =	sadd.s32 s3, s9;
	s6 =	sadd.s32 @!p0 $0x88, s6;
	s7 =	simm.s32 @p2 $0x1082  }
0x22: {  	[simem:s7], [sflag:s8] =	dma.local @!p0 [hbm:s6], $0xF7A  }
0x23: {  	s9 =	sor.u32 $0xD0000000, s2;
	s6 =	simm.s32 $0x108;
	_ =	swait.ge @!p0 [sflag:s8], $0x0  }
0x24: {  	s3 =	sadd.s32 $0x88, s3;
	s6 =	simm.s32 @!p1 $0x1082;
	[sflag:s4] =	ssyncset.s32 $0xFFFFF086  }
0x25: {  	[simem:s6], [sflag:s4] =	dma.local [hbm:s3], $0xF7A  }
0x26: {  	[smem:$0x3F9A] =	sst s1;
	(tag) =	ssettag s2;
	_ =	strace s9  }
0x27: {  	s1 =	sld [smem:$0x3FAA]  }
0x28: {  	s2 =	sld [smem:$0x3FAB]  }
0x29: {  	s4 =	sld [smem:$0x3FAD]  }
0x2a: {  	p0 =	seq.s32 s5, $0x0;
	s5 =	sld [smem:$0x3FAE]  }
0x2b: {  	s6 =	sld [smem:$0x3FAF]  }
0x2c: {  	s7 =	sld [smem:$0x3FB0]  }
0x2d: {  	s3 =	simm.s32 $0x108;
	s8 =	sld [smem:$0x3FB1]  }
0x2e: {  	s3 =	simm.s32 @!p0 $0x1082;
	s9 =	sld [smem:$0x3FB2]  }
0x2f: {  	lr =	sadd.s32 s0, s3;
	s0 =	sld [smem:$0x3FA9]  }
0x30: {  	s3 =	sld [smem:$0x3FAC]  }
0x31: {  	[smem:$0x3FB5] =	sst s10  }
0x32: {  	s10 =	sld [smem:$0x3FB3];
	_ =	sdelay $0x3  }
0x33: {  	p0 =	seq.s32 s10, $0x1;
	s10 =	sld [smem:$0x3FB5];
	_ =	sdelay $0x3  }
0x34: {  	[smem:$0x3FB5] =	sst s10  }
0x35: {  	s10 =	sld [smem:$0x3FB4];
	_ =	sdelay $0x3  }
0x36: {  	p1 =	seq.s32 s10, $0x1;
	s10 =	sld [smem:$0x3FB5];
	_ =	sdelay $0x3  }
0x37: {  	[smem:$0x3FB5] =	sst s10  }
0x38: {  	s10 =	sld [smem:$0x3FB6]  }
0x39: {  	_ = 	snop;
	(pc) =	sbr.ind lr, $3  }
0x3a: {  	_ = 	snop  }
0x3b: {  	_ = 	snop  }
0x3c: {  	p2 =	seq.s32 s10, $0x1;
	s10 =	sld [smem:$0x3FB5]  }
0x3d: {  	_ =	shalt  }
0x3e: {  	_ =	shalt  }
0x3f: {  	_ =	shalt  }
0x40: {  	_ =	shalt  }
0x41: {  	_ =	shalt  }
0x42: {  	_ =	shalt  }
0x43: {  	_ =	shalt  }
0x44: {  	_ =	shalt  }
0x45: {  	_ =	shalt  }
0x46: {  	_ =	shalt  }
0x47: {  	_ =	shalt  }
0x48: {  	_ =	shalt  }
0x49: {  	_ =	shalt  }
0x4a: {  	_ =	shalt  }
0x4b: {  	_ =	shalt  }
0x4c: {  	_ =	shalt  }
0x4d: {  	_ =	shalt  }
0x4e: {  	_ =	shalt  }
0x4f: {  	_ =	shalt  }
0x50: {  	_ =	shalt  }
0x51: {  	_ =	shalt  }
0x52: {  	_ =	shalt  }
0x53: {  	_ =	shalt  }
0x54: {  	_ =	shalt  }
0x55: {  	_ =	shalt  }
0x56: {  	_ =	shalt  }
0x57: {  	_ =	shalt  }
0x58: {  	_ =	shalt  }
0x59: {  	_ =	shalt  }
0x5a: {  	_ =	shalt  }
0x5b: {  	_ =	shalt  }
0x5c: {  	_ =	shalt  }
0x5d: {  	_ =	shalt  }
0x5e: {  	_ =	shalt  }
0x5f: {  	_ =	shalt  }
0x60: {  	_ =	shalt  }
0x61: {  	_ =	shalt  }
0x62: {  	_ =	shalt  }
0x63: {  	_ =	shalt  }
0x64: {  	_ =	shalt  }
0x65: {  	_ =	shalt  }
0x66: {  	_ =	shalt  }
0x67: {  	_ =	shalt  }
0x68: {  	_ =	shalt  }
0x69: {  	_ =	shalt  }
0x6a: {  	_ =	shalt  }
0x6b: {  	_ =	shalt  }
0x6c: {  	_ =	shalt  }
0x6d: {  	_ =	shalt  }
0x6e: {  	_ =	shalt  }
0x6f: {  	_ =	shalt  }
0x70: {  	_ =	shalt  }
0x71: {  	_ =	shalt  }
0x72: {  	_ =	shalt  }
0x73: {  	_ =	shalt  }
0x74: {  	_ =	shalt  }
0x75: {  	_ =	shalt  }
0x76: {  	_ =	shalt  }
0x77: {  	_ =	shalt  }
0x78: {  	_ =	shalt  }
0x79: {  	_ =	shalt  }
0x7a: {  	_ =	shalt  }
0x7b: {  	_ =	shalt  }
0x7c: {  	_ =	shalt  }
0x7d: {  	_ =	shalt  }
0x7e: {  	_ =	shalt  }
0x7f: {  	_ =	shalt  }
0x80: {  	_ =	shalt  }
0x81: {  	_ =	shalt  }
0x82: {  	_ =	shalt  }
0x83: {  	_ =	shalt  }
0x84: {  	_ =	shalt  }
0x85: {  	_ =	shalt  }
0x86: {  	_ =	shalt  }
0x87: {  	_ =	shalt  }
.Lfunc_end0:
.L_simem_size_0:
called_computation_lowered:
.L_overlay_start_0:
0x88: {  	s2 =	sld [smem:$0x3FD9]  }
0x89: {  	s3 =	sld [smem:$0x3FFE];
	_ =	sdelay $0x1  }
0x8a: {  	s1 =	srdreg.scid  }
0x8b: {  	s0 =	sand.u32 $0x1, s1  }
0x8c: {  	s17 =	sshll.u32 s0, $0xA;
	s2 =	sadd.s32 s3, s2  }
0x8d: {  	s2 =	sadd.s32 s2, s17  }
0x8e: {  	[smem:$0x3FC1] =	sst s2  }
0x8f: {  	_ = 	snop  }
0x90: {  	s2 =	sld [smem:$0x3FD0];
	(tm) =	ssettm $0x1  }
0x91: {  	s18 =	sld [smem:$0x3FFB];
	_ =	sdelay $0x3  }
0x92: {  	_ =	strace s18  }
0x93: {  	s3 =	sld [smem:$0x3FFC];
	_ =	sdelay $0x3  }
0x94: {  	_ =	strace s3  }
0x95: {  	s3 =	sld [smem:$0x3FFD];
	_ =	sdelay $0x3  }
0x96: {  	_ =	strace s3  }
0x97: {  	_ =	strace $0x8FFFFFFF  }
0x98: {  	s19 =	sld [smem:$0x3FDB];
	_ =	sdelay $0x1  }
0x99: {  	s4 =	simm.s32 $_scs_section_size  }
0x9a: {  	s5 =	simm.s32 $_size__tile_overlayer_lowered;
	s6 =	simm.s32 $_tile_overlayer_lowered  }
0x9b: {  	s22 =	simm.s32 $0x1BFF;
	s21 =	sshll.u32 s6, $0x1;
	s3 =	sadd.s32 s4, s19  }
0x9c: {  	s7 =	simm.s32 $0x0;
	s20 =	sshll.u32 s5, $0x1;
	s5 =	sadd.s32 s21, s3  }
0x9d: {  	[timem:s7], [sflag:s22] =	dma.local [hbm:s5], s20  }
0x9e: {  	_ =	swait.ge [sflag:s22], s20  }
0x9f: {  	s4 =	ssub.s32 $0x0, s20;
	[sflag:s22] =	ssyncset.done $0x0  }
0xa0: {  	[sflag:s22] =	ssyncadd.s32 s4;
	_ =	sdelay $0x1  }
0xa1: {  	s23 =	simm.s32 $0x1B8B  }
0xa2: {  	_ =	swait.ge [sflag:s23], $0x1  }
0xa3: {  	[sflag:s23] =	ssyncset.done $0x0  }
0xa4: {  	s25 =	simm.s32 $0x1B8E;
	s24 =	sld [smem:$0x3FFE];
	[sflag:s23] =	ssyncadd.s32 $0xFFFFFFFF  }
0xa5: {  	s26 =	simm.s32 $execute0_lowered;
	[smem:$0x3FD2] =	sst s25  }
0xa6: {  	s5 =	sshll.u32 s26, $0x1;
	_ =	strace $0x80000046;
	[dreg:$0x1] =	wrdreg $0xFFFFFFFF  }
0xa7: {  	s28 =	simm.s32 $_size_execute0_lowered;
	s3 =	sadd.s32 s3, s5;
	[dreg:$0x0] =	wrdreg $0x0  }
0xa8: {  	s5 =	sshll.u32 s28, $0x1;
	[dreg:$0x2] =	wrdreg s3  }
0xa9: {  	[dreg:$0x3] =	wrdreg s5  }
0xaa: {  	[dreg:$0x4] =	wrdreg $0xC0  }
0xab: {  	_ =	task [dreg:s7], $0x5FFFF  }
0xac: {  	[dreg:$0x1] =	wrdreg $0xFFFFFFFF  }
0xad: {  	[dreg:$0x0] =	wrdreg $0x60  }
0xae: {  	[dreg:$0x2] =	wrdreg s2  }
0xaf: {  	[dreg:$0x3] =	wrdreg s24  }
0xb0: {  	[dreg:$0x4] =	wrdreg $0x9  }
0xb1: {  	_ =	task.clear_ibuf [dreg:s7], $0x5FFFF;
	_ =	strace $0x90000046  }
0xb2: {  	s29 =	simm.s32 $0x9;
	_ =	strace $0x80000048  }
0xb3: {  	_ =	swait.ge [sflag:s29], $0x1  }
0xb4: {  	[sflag:s29] =	ssyncadd.s32 $0xFFFFFFFF  }
0xb5: {  	_ =	strace $0x90000048  }
0xb6: {  	_ =	sfence  }
0xb7: {  	s30 =	sld [smem:$0x0];
	_ =	sdelay $0x2  }
0xb8: {  	s31 =	sshll.u32 s1, $0xD;
	s1 =	sshrl.u32 s1, $0x2  }
0xb9: {  	s3 =	sand.u32 $0x4000, s31;
	s1 =	sadd.s32 s1, s30  }
0xba: {  	s0 =	sor.u32 s3, s0;
	s1 =	sshll.u32 s1, $0x11  }
0xbb: {  	s0 =	sor.u32 s1, s0  }
0xbc: {  	s0 =	sadd.s32 $0x8F2B, s0  }
0xbd: {  	[sflag:s0] =	ssyncadd.remote.s32 $0x1  }
0xbe: {  	_ =	sfence.sel $0xFFFF  }
0xbf: {  	[dreg:$0x0] =	wrdreg $0xFFFFFFFF;
	(pc) =	sbr.abs _section_cstart, $3  }
0xc0: {  	[dreg:$0x1] =	wrdreg $0xFFFFFFFF  }
0xc1: {  	_ =	task.clear_ibuf [dreg:s7], $0x2FFFF;
	_ =	strace $0x9FFFFFFF  }
0xc2: {  	(tm) =	ssettm $0x7FFFFFFF  }
0xc3: {  	_ =	shalt  }
tec
execute0_lowered:
.L_overlay_start_1:
0x0: {  	(tag) =	ssettag $0x1  }
0x1: {  	s2 =	rddreg [dreg:$0x0];
	s0 =	srdreg.scid  }
0x2: {  	s3 =	stileid.u32;
	s1 =	rddreg [dreg:$0x1]  }
0x3: {  	s28 =	simm.s32 $0x11080;
	s29 =	simm.s32 $0x16080;
	s30 =	simm.s32 $0x1  }
0x4: {  	s31 =	simm.s32 $0x1C980;
	s0 =	sand.u32 $0x1, s0;
	s4 =	sshll.u32 s3, $0x1  }
0x5: {  	s3 =	simm.s32 $0x0;
	s9 =	sadd.s32 $0x1600, s1;
	s6 =	sadd.s32 $0x1000, s1  }
0x6: {  	s24 =	sadd.s32 $0xA00, s2;
	s5 =	sor.u32 s0, s4;
	[smem:$0x7FF] =	sst s3  }
0x7: {  	s4 =	sadd.s32 $0x3E00, s1;
	s0 =	ssub.s32 $0x2, s0;
	s7 =	smul.u32 $0x640, s5  }
0x8: {  	_ =	strace $0x80000047;
	s8 =	smul.u32 $0x280, s5;
	[dreg:$0x3] =	wrdreg s6  }
0x9: {  	s6 =	smul.u32 $0x140, s5;
	s10 =	sshrl.u32 s0, $0x1;
	[dreg:$0x8] =	wrdreg s24  }
0xa: {  	s24 =	simm.s32 $0x2;
	s0 =	ssub.s32 s0, s10;
	s21 =	sadd.s32 s7, s1  }
0xb: {  	s8 =	sadd.s32 s8, s1;
	s7 =	sadd.s32 $0x1A600, s1;
	s11 =	sadd.s32 $0x5000, s6  }
0xc: {  	s22 =	sshrl.u32 s6, $0x3;
	s1 =	sadd.s32 $0x4800, s1;
	s25 =	sadd.s32 $0x2800, s6  }
0xd: {  	s26 =	sadd.s32 $0x7800, s6;
	s17 =	sadd.s32 $0xA000, s6;
	s18 =	sadd.s32 $0xC800, s6  }
0xe: {  	s19 =	sadd.s32 $0xF000, s6;
	s20 =	sadd.s32 $0x11800, s6;
	[dreg:$0x9] =	wrdreg s1  }
0xf: {  	s0 =	smax.u32 s0, $0x1;
	s16 =	smov.u32 s11;
	[dreg:$0xa] =	wrdreg s25  }
0x10: {  	s11 =	sshrl.u32 s11, $0x3;
	s10 =	sadd.s32 s9, s22;
	[dreg:$0xb] =	wrdreg s26  }
0x11: {  	s5 =	sadd.s32 $0xDE00, s21;
	s23 =	sadd.s32 $0x8E00, s8;
	[dreg:$0xc] =	wrdreg s0  }
0x12: {  	s22 =	simm.s32 $0x3;
	s25 =	simm.s32 $0x7080;
	[dreg:$0x4] =	wrdreg s10  }
0x13: {  	s26 =	simm.s32 $0xC080;
	s1 =	simm.s32 $0x1CAC0;
	[dreg:$0x6] =	wrdreg s5  }
0x14: {  	s0 =	simm.s32 $0x1CC00;
	s9 =	sadd.s32 s9, s11;
	[dreg:$0x7] =	wrdreg s23  }
0x15: {  	s8 =	simm.s32 $0x0;
	s23 =	simm.s32 $0x1CD40;
	[dreg:$0x5] =	wrdreg s9  }
.LBB2_1:
0x16: {  	[dreg:$0xd] =	wrdreg s8  }
0x17: {  	s5 =	rddreg [dreg:$0x3]  }
0x18: {  	[tilespmem:s3], [sflag:$0x3] =	stream.linear.gather [hbm4b:s5+s3], $0x2800, $0x38;
	[tilespmem:$0x1CE80] =	vst v63  }
0x19: {  	_ =	swait.ge [sflag:s22], $0x2800  }
0x1a: {  	[sflag:s22] =	ssyncset.done $0x0  }
0x1b: {  	s5 =	simm.s32 $0x2800;
	s10 =	rddreg [dreg:$0x4];
	[sflag:s22] =	ssyncadd.s32 $0xFFFFD800  }
0x1c: {  	[tilespmem:s5], [sflag:$0x3] =	stream.linear.gather [hbm4b:s10+s3], $0x140, $0x38;
	[tilespmem:$0x1CE80] =	vst v63  }
0x1d: {  	_ =	swait.ge [sflag:s22], $0x140  }
0x1e: {  	[sflag:s22] =	ssyncset.done $0x0  }
0x1f: {  	s10 =	simm.s32 $0x2940;
	s11 =	rddreg [dreg:$0x5];
	[sflag:s22] =	ssyncadd.s32 $0xFFFFFEC0  }
0x20: {  	[tilespmem:s10], [sflag:$0x3] =	stream.linear.gather [hbm4b:s11+s3], $0x140, $0x38;
	[tilespmem:$0x1CE80] =	vst v63  }
0x21: {  	_ =	swait.ge [sflag:s22], $0x140  }
0x22: {  	[sflag:s22] =	ssyncset.done $0x0  }
0x23: {  	s9 =	simm.s32 $0x2A80;
	s12 =	rddreg [dreg:$0x6];
	[sflag:s22] =	ssyncadd.s32 $0xFFFFFEC0  }
0x24: {  	[tilespmem:s9], [sflag:$0x3] =	stream.linear.gather [hbm4b:s12+s3], $0x3200, $0x38;
	[tilespmem:$0x1CE80] =	vst v63  }
0x25: {  	_ =	swait.ge [sflag:s22], $0x3200  }
0x26: {  	[sflag:s22] =	ssyncset.done $0x0  }
0x27: {  	s14 =	simm.s32 $0x5C80;
	s13 =	rddreg [dreg:$0x7];
	[sflag:s22] =	ssyncadd.s32 $0xFFFFCE00  }
0x28: {  	[tilespmem:s14], [sflag:$0x3] =	stream.linear.gather [hbm4b:s13+s3], $0x1400, $0x38;
	[tilespmem:$0x1CE80] =	vst v63  }
0x29: {  	_ =	swait.ge [sflag:s22], $0x1400  }
0x2a: {  	[sflag:s22] =	ssyncset.done $0x0  }
0x2b: {  	[sflag:s22] =	ssyncadd.s32 $0xFFFFEC00  }
0x2c: {  	[tilespmem:s25], [sflag:$0x1] =	stream.linear.gather [hbm4b:s2+s3], $0x5000, $0x38;
	[tilespmem:$0x1CE80] =	vst v63  }
0x2d: {  	_ = 	snop  }
0x2e: {  	[tilespmem:s26], [sflag:$0x1] =	stream.linear.gather [hbm4b:s4+s3], $0x5000, $0x38;
	[tilespmem:$0x1CE80] =	vst v63  }
0x2f: {  	s15 =	rddreg [dreg:$0x8]  }
0x30: {  	[tilespmem:s28], [sflag:$0x2] =	stream.linear.gather [hbm4b:s15+s3], $0x5000, $0x38;
	[tilespmem:$0x1CE80] =	vst v63  }
0x31: {  	s11 =	simm.s32 $0x1BF80;
	s12 =	simm.s32 $0x1B300;
	s21 =	rddreg [dreg:$0x9]  }
0x32: {  	[tilespmem:s29], [sflag:$0x2] =	stream.linear.gather [hbm4b:s21+s3], $0x5000, $0x38;
	[tilespmem:$0x1CE80] =	vst v63  }
0x33: {  	s13 =	simm.s32 $0x4380;
	s14 =	simm.s32 $0x0;
	s21 =	simm.s32 $0x0  }
.LBB2_2:
0x34: {  	v1 =	vld [tilespmem:s13+$0xFFFFE700]  }
0x35: {  	v2 =	vld [tilespmem:s13+$0xFFFFEC00]  }
0x36: {  	v3 =	vld [tilespmem:s13+$0xFFFFF100]  }
0x37: {  	v4 =	vld [tilespmem:s13+$0xFFFFF600]  }
0x38: {  	v5 =	vld [tilespmem:s13+$0xFFFFFB00]  }
0x39: {  	v6 =	vld [tilespmem:s13+$0x0]  }
0x3a: {  	v7 =	vld [tilespmem:s13+$0x500]  }
0x3b: {  	v8 =	vld [tilespmem:s13+$0xA00]  }
0x3c: {  	v9 =	vld [tilespmem:s13+$0xF00]  }
0x3d: {  	v10 =	vld [tilespmem:s13+$0x1400]  }
0x3e: {  	v11 =	vld [tilespmem:s13+$0xFFFFE840]  }
0x3f: {  	v12 =	vld [tilespmem:s13+$0xFFFFED40]  }
0x40: {  	v13 =	vld [tilespmem:s13+$0xFFFFF240]  }
0x41: {  	v14 =	vld [tilespmem:s13+$0xFFFFF740]  }
0x42: {  	v15 =	vld [tilespmem:s13+$0xFFFFFC40]  }
0x43: {  	v16 =	vld [tilespmem:s13+$0x140]  }
0x44: {  	v17 =	vld [tilespmem:s13+$0x640]  }
0x45: {  	v18 =	vld [tilespmem:s13+$0xB40]  }
0x46: {  	v19 =	vld [tilespmem:s13+$0x1040]  }
0x47: {  	v20 =	vld [tilespmem:s13+$0x1540]  }
0x48: {  	v21 =	vld [tilespmem:s13+$0xFFFFE980]  }
0x49: {  	v22 =	vld [tilespmem:s13+$0xFFFFEE80]  }
0x4a: {  	v23 =	vld [tilespmem:s13+$0xFFFFF380]  }
0x4b: {  	v24 =	vld [tilespmem:s13+$0xFFFFF880]  }
0x4c: {  	v25 =	vld [tilespmem:s13+$0xFFFFFD80]  }
0x4d: {  	v26 =	vld [tilespmem:s13+$0x280]  }
0x4e: {  	v55 =	vld [tilespmem:s13+$0x780]  }
0x4f: {  	v56 =	vld [tilespmem:s13+$0xFFFFEAC0]  }
0x50: {  	v27 =	vld [tilespmem:s13+$0xC80]  }
0x51: {  	v57 =	vld [tilespmem:s13+$0xFFFFEFC0]  }
0x52: {  	v28 =	vld [tilespmem:s13+$0xFFFFF4C0]  }
0x53: {  	v58 =	vld [tilespmem:s13+$0x1180]  }
0x54: {  	v29 =	vld [tilespmem:s13+$0xFFFFF9C0]  }
0x55: {  	v59 =	vld [tilespmem:s13+$0x1680]  }
0x56: {  	v30 =	vld [tilespmem:s13+$0xFFFFFEC0]  }
0x57: {  	v61 =	vld [tilespmem:s13+$0x3C0]  }
0x58: {  	v32 =	vld [tilespmem:s13+$0x8C0]  }
0x59: {  	v36 =	vld [tilespmem:s13+$0xDC0]  }
0x5a: {  	v39 =	vld [tilespmem:s13+$0x12C0]  }
0x5b: {  	s9 =	simm.s32 $0x0;
	v42 =	vld [tilespmem:s13+$0x17C0]  }
0x5c: {  	v1 =	vld.idx.msk [tilespmem:v1+s9+$0x0], $0xffff  }
0x5d: {  	v2 =	vld.idx.msk [tilespmem:v2+s9+$0x0], $0xffff  }
0x5e: {  	v3 =	vld.idx.msk [tilespmem:v3+s9+$0x0], $0xffff  }
0x5f: {  	v4 =	vld.idx.msk [tilespmem:v4+s9+$0x0], $0xffff  }
0x60: {  	v5 =	vld.idx.msk [tilespmem:v5+s9+$0x0], $0xffff  }
0x61: {  	v6 =	vld.idx.msk [tilespmem:v6+s9+$0x0], $0xffff  }
0x62: {  	v7 =	vld.idx.msk [tilespmem:v7+s9+$0x0], $0xffff  }
0x63: {  	v8 =	vld.idx.msk [tilespmem:v8+s9+$0x0], $0xffff  }
0x64: {  	v9 =	vld.idx.msk [tilespmem:v9+s9+$0x0], $0xffff  }
0x65: {  	v10 =	vld.idx.msk [tilespmem:v10+s9+$0x0], $0xffff  }
0x66: {  	v11 =	vld.idx.msk [tilespmem:v11+s9+$0x0], $0xffff  }
0x67: {  	v12 =	vld.idx.msk [tilespmem:v12+s9+$0x0], $0xffff  }
0x68: {  	v13 =	vld.idx.msk [tilespmem:v13+s9+$0x0], $0xffff  }
0x69: {  	v14 =	vld.idx.msk [tilespmem:v14+s9+$0x0], $0xffff  }
0x6a: {  	v15 =	vld.idx.msk [tilespmem:v15+s9+$0x0], $0xffff;
	v1 =	vshll.u32 v1, $0x10;
	v2 =	vshll.u32 v2, $0x10  }
0x6b: {  	v16 =	vld.idx.msk [tilespmem:v16+s9+$0x0], $0xffff;
	v1 =	vadd.f32 v2, v1  }
0x6c: {  	v17 =	vld.idx.msk [tilespmem:v17+s9+$0x0], $0xffff;
	v3 =	vshll.u32 v3, $0x10  }
0x6d: {  	v18 =	vld.idx.msk [tilespmem:v18+s9+$0x0], $0xffff;
	v1 =	vadd.f32 v3, v1  }
0x6e: {  	v19 =	vld.idx.msk [tilespmem:v19+s9+$0x0], $0xffff;
	v4 =	vshll.u32 v4, $0x10  }
0x6f: {  	v21 =	vld.idx.msk [tilespmem:v21+s9+$0x0], $0xffff;
	v1 =	vadd.f32 v4, v1  }
0x70: {  	v22 =	vld.idx.msk [tilespmem:v22+s9+$0x0], $0xffff;
	v5 =	vshll.u32 v5, $0x10  }
0x71: {  	v3 =	vld.idx.msk [tilespmem:v56+s9+$0x0], $0xffff;
	v1 =	vadd.f32 v5, v1  }
0x72: {  	v6 =	vshll.u32 v6, $0x10;
	v4 =	vld.idx.msk [tilespmem:v57+s9+$0x0], $0xffff  }
0x73: {  	v23 =	vld.idx.msk [tilespmem:v23+s9+$0x0], $0xffff;
	v1 =	vadd.f32 v6, v1  }
0x74: {  	v63 =	vld.idx.msk [tilespmem:v28+s9+$0x0], $0xffff;
	v7 =	vshll.u32 v7, $0x10;
	v60 =	vshll.u32 v8, $0x10;
	v62 =	vshll.u32 v9, $0x10  }
0x75: {  	v20 =	vld.idx.msk [tilespmem:v20+s9+$0x0], $0xffff;
	v11 =	vshll.u32 v11, $0x10;
	v12 =	vshll.u32 v12, $0x10;
	v1 =	vadd.f32 v7, v1  }
0x76: {  	v24 =	vld.idx.msk [tilespmem:v24+s9+$0x0], $0xffff;
	v35 =	vshll.u32 v21, $0x10;
	v37 =	vshll.u32 v22, $0x10;
	v34 =	vadd.f32 v12, v11  }
0x77: {  	v33 =	vld.idx.msk [tilespmem:v29+s9+$0x0], $0xffff;
	v3 =	vshll.u32 v3, $0x10;
	v4 =	vshll.u32 v4, $0x10;
	v1 =	vadd.f32 v60, v1  }
0x78: {  	v25 =	vld.idx.msk [tilespmem:v25+s9+$0x0], $0xffff;
	v10 =	vshll.u32 v10, $0x10;
	v11 =	vadd.f32 v37, v35;
	v3 =	vadd.f32 v4, v3  }
0x79: {  	v38 =	vld.idx.msk [tilespmem:v30+s9+$0x0], $0xffff;
	v40 =	vshll.u32 v23, $0x10;
	v9 =	vshll.u32 v63, $0x10;
	v1 =	vadd.f32 v62, v1  }
0x7a: {  	v54 =	vld.idx.msk [tilespmem:v26+s9+$0x0], $0xffff;
	v13 =	vshll.u32 v13, $0x10;
	v11 =	vadd.f32 v40, v11;
	v3 =	vadd.f32 v9, v3  }
0x7b: {  	v8 =	vld.idx.msk [tilespmem:v61+s9+$0x0], $0xffff;
	v43 =	vshll.u32 v24, $0x10;
	v1 =	vadd.f32 v10, v1;
	v10 =	vadd.f32 v13, v34  }
0x7c: {  	v44 =	vld.idx.msk [tilespmem:v55+s9+$0x0], $0xffff;
	v41 =	vshll.u32 v14, $0x10;
	v45 =	vshll.u32 v33, $0x10;
	v11 =	vadd.f32 v43, v11  }
0x7d: {  	v47 =	vshll.u32 v25, $0x10;
	v7 =	vld.idx.msk [tilespmem:v32+s9+$0x0], $0xffff;
	v3 =	vadd.f32 v45, v3;
	v10 =	vadd.f32 v41, v10  }
0x7e: {  	v48 =	vld.idx.msk [tilespmem:v27+s9+$0x0], $0xffff;
	v46 =	vshll.u32 v15, $0x10;
	v49 =	vshll.u32 v38, $0x10;
	v11 =	vadd.f32 v47, v11  }
0x7f: {  	v12 =	vld.idx.msk [tilespmem:v36+s9+$0x0], $0xffff;
	v2 =	vshll.u32 v54, $0x10;
	v3 =	vadd.f32 v49, v3;
	v10 =	vadd.f32 v46, v10  }
0x80: {  	v50 =	vshll.u32 v16, $0x10;
	v8 =	vshll.u32 v8, $0x10;
	v5 =	vld.idx.msk [tilespmem:v58+s9+$0x0], $0xffff;
	v2 =	vadd.f32 v2, v11  }
0x81: {  	v53 =	vshll.u32 v44, $0x10;
	v4 =	vld.idx.msk [tilespmem:v39+s9+$0x0], $0xffff;
	v3 =	vadd.f32 v8, v3;
	v10 =	vadd.f32 v50, v10  }
0x82: {  	v51 =	vshll.u32 v17, $0x10;
	v6 =	vld.idx.msk [tilespmem:v59+s9+$0x0], $0xffff;
	v2 =	vadd.f32 v53, v2;
	v7 =	vshll.u32 v7, $0x10  }
0x83: {  	v55 =	vld.idx.msk [tilespmem:v42+s9+$0x0], $0xffff;
	v56 =	vshll.u32 v48, $0x10;
	v3 =	vadd.f32 v7, v3;
	v52 =	vadd.f32 v51, v10  }
0x84: {  	v54 =	vshll.u32 v18, $0x10;
	v57 =	vshll.u32 v12, $0x10;
	v2 =	vadd.f32 v56, v2  }
0x85: {  	v5 =	vshll.u32 v5, $0x10;
	v3 =	vadd.f32 v57, v3;
	v8 =	vadd.f32 v54, v52  }
0x86: {  	v58 =	vshll.u32 v19, $0x10;
	v2 =	vadd.f32 v5, v2;
	v4 =	vshll.u32 v4, $0x10  }
0x87: {  	v59 =	vld [tilespmem:s5+$0x0];
	v62 =	vshll.u32 v6, $0x10;
	v3 =	vadd.f32 v4, v3;
	v8 =	vadd.f32 v58, v8  }
0x88: {  	v63 =	vshll.u32 v55, $0x10;
	v60 =	vshll.u32 v20, $0x10;
	v2 =	vadd.f32 v62, v2  }
0x89: {  	v3 =	vadd.f32 v63, v3;
	v61 =	vadd.f32 v60, v8  }
0x8a: {  	v1 =	vmul.f32 $1.000000010e-01, v1;
	v2 =	vmul.f32 $1.000000010e-01, v2  }
0x8b: {  	v3 =	vmul.f32 $1.000000010e-01, v3;
	v4 =	vmul.f32 $1.000000010e-01, v61  }
0x8c: {  	v1 =	vadd.f32 v1, v59;
	v2 =	vadd.f32 v2, v59  }
0x8d: {  	v3 =	vadd.f32 v3, v59;
	v4 =	vadd.f32 v4, v59  }
0x8e: {  	vm0 =	vge.f32 v1, $0.0e+00;
	v12 =	vmul.f32 $2.000000030e-01, v2;
	v10 =	vmul.f32 $2.000000030e-01, v1  }
0x8f: {  	vm1 =	vge.f32 v2, $0.0e+00;
	v13 =	vmul.f32 $2.000000030e-01, v3;
	v11 =	vmul.f32 $2.000000030e-01, v4  }
0x90: {  	v2 =	vsel vm1, v2, v12;
	vm2 =	vge.f32 v3, $0.0e+00;
	vm11 =	vge.f32 v4, $0.0e+00  }
0x91: {  	v1 =	vsel vm0, v1, v10;
	v3 =	vsel vm2, v3, v13;
	v4 =	vsel vm11, v4, v11  }
0x92: {  	v15 =	vmax.f32 v2, v3;
	v14 =	vmax.f32 v1, v4  }
0x93: {  	v5 =	vmax.f32 v14, v15  }
0x94: {  	v1 =	vsub.f32 v1, v5  }
0x95: {  	v4 =	vsub.f32 v4, v5  }
0x96: {  	v2 =	vsub.f32 v2, v5;
	v1 =	vmul.f32 $1.442695020e+00, v1  }
0x97: {  	v3 =	vsub.f32 v3, v5;
	v4 =	vmul.f32 $1.442695020e+00, v4  }
0x98: {  	v16 =	vmul.f32 $1.442695020e+00, v2;
	(erf) = vpow2.f32 v1  }
0x99: {  	v17 =	vmul.f32 $1.442695020e+00, v3;
	(erf) = vpow2.f32 v4  }
0x9a: {  	(erf) = vpow2.f32 v16  }
0x9b: {  	(erf) = vpow2.f32 v17;
	_ =	sdelay $0x5  }
0x9c: {  	v18 =	vpop (erf)  }
0x9d: {  	v19 =	vpop (erf)  }
0x9e: {  	v20 =	vpop (erf)  }
0x9f: {  	v21 =	vpop (erf)  }
0xa0: {  	v22 =	vadd.f32 v19, v18;
	v23 =	vadd.f32 v21, v20;
	_ =	sdelay $0x1  }
0xa1: {  	v5 =	vadd.f32 v23, v22;
	_ =	sdelay $0x1  }
0xa2: {  	(erf) = vrcp.f32 v5;
	_ =	sdelay $0x8  }
0xa3: {  	v5 =	vpop (erf)  }
0xa4: {  	v5 =	vmul.f32 $1.000000010e-01, v5;
	_ =	sdelay $0x1  }
0xa5: {  	v1 =	vmul.f32 v5, v18  }
0xa6: {  	v2 =	vmul.f32 v5, v19  }
0xa7: {  	v24 =	vmul.f32 v5, v20;
	[tilespmem:s12+$0xFFFFFD80] =	vst v1  }
0xa8: {  	v25 =	vmul.f32 v5, v21;
	[tilespmem:s12+$0xFFFFFEC0] =	vst v2  }
0xa9: {  	s8 =	sand.u32 $0x1E00, s14;
	s15 =	sand.u32 $0x10, s21;
	[tilespmem:s12+$0x0] =	vst v24  }
0xaa: {  	s8 =	sor.u32 s15, s8;
	[tilespmem:s12+$0x140] =	vst v25  }
0xab: {  	v1 =	vld [tilespmem:s8+$0x5C80]  }
0xac: {  	v2 =	vld [tilespmem:s8+$0x5CA0]  }
0xad: {  	v26 =	vld [tilespmem:s8+$0x5CC0]  }
0xae: {  	v27 =	vld [tilespmem:s8+$0x5CE0]  }
0xaf: {  	v28 =	vld [tilespmem:s8+$0x5D00]  }
0xb0: {  	v29 =	vld [tilespmem:s10+$0x0]  }
0xb1: {  	v30 =	vld [tilespmem:s8+$0x5D20]  }
0xb2: {  	v31 =	vld [tilespmem:s8+$0x5D40]  }
0xb3: {  	v32 =	vld [tilespmem:s8+$0x5D60]  }
0xb4: {  	v33 =	vld [tilespmem:s8+$0x5D80]  }
0xb5: {  	v34 =	vld [tilespmem:s8+$0x5DA0]  }
0xb6: {  	v35 =	vld [tilespmem:s8+$0x5DC0]  }
0xb7: {  	v38 =	vld [tilespmem:s8+$0x5DE0]  }
0xb8: {  	v40 =	vld [tilespmem:s8+$0x5E00]  }
0xb9: {  	v44 =	vld [tilespmem:s8+$0x5E20]  }
0xba: {  	v46 =	vld [tilespmem:s8+$0x5E40]  }
0xbb: {  	v47 =	vld [tilespmem:s8+$0x5E60]  }
0xbc: {  	v1 =	vld.idx.msk [tilespmem:v1+s9+$0x0], $0xffff  }
0xbd: {  	v2 =	vld.idx.msk [tilespmem:v2+s9+$0x0], $0xffff  }
0xbe: {  	v3 =	vld.idx.msk [tilespmem:v26+s9+$0x0], $0xffff  }
0xbf: {  	v4 =	vld.idx.msk [tilespmem:v27+s9+$0x0], $0xffff  }
0xc0: {  	v5 =	vld.idx.msk [tilespmem:v28+s9+$0x0], $0xffff  }
0xc1: {  	v7 =	vld.idx.msk [tilespmem:v30+s9+$0x0], $0xffff  }
0xc2: {  	v8 =	vld.idx.msk [tilespmem:v31+s9+$0x0], $0xffff  }
0xc3: {  	v9 =	vld.idx.msk [tilespmem:v32+s9+$0x0], $0xffff  }
0xc4: {  	v10 =	vld.idx.msk [tilespmem:v33+s9+$0x0], $0xffff  }
0xc5: {  	v11 =	vld.idx.msk [tilespmem:v34+s9+$0x0], $0xffff  }
0xc6: {  	v12 =	vld.idx.msk [tilespmem:v35+s9+$0x0], $0xffff  }
0xc7: {  	v13 =	vld.idx.msk [tilespmem:v38+s9+$0x0], $0xffff;
	v1 =	vand.u32 $0xFFFF0000, v1;
	v2 =	vand.u32 $0xFFFF0000, v2;
	v3 =	vand.u32 $0xFFFF0000, v3  }
0xc8: {  	v15 =	vld.idx.msk [tilespmem:v40+s9+$0x0], $0xffff;
	v4 =	vand.u32 $0xFFFF0000, v4;
	v5 =	vand.u32 $0xFFFF0000, v5;
	v7 =	vand.u32 $0xFFFF0000, v7  }
0xc9: {  	v51 =	vld.idx.msk [tilespmem:v44+s9+$0x0], $0xffff;
	v8 =	vand.u32 $0xFFFF0000, v8;
	v9 =	vand.u32 $0xFFFF0000, v9;
	v10 =	vand.u32 $0xFFFF0000, v10  }
0xca: {  	v16 =	vld.idx.msk [tilespmem:v46+s9+$0x0], $0xffff;
	v11 =	vand.u32 $0xFFFF0000, v11;
	v1 =	vadd.f32 v1, v29;
	v2 =	vadd.f32 v2, v29  }
0xcb: {  	v14 =	vld.idx.msk [tilespmem:v47+s9+$0x0], $0xffff;
	v12 =	vand.u32 $0xFFFF0000, v12;
	v3 =	vadd.f32 v3, v29;
	v4 =	vadd.f32 v4, v29  }
0xcc: {  	v13 =	vand.u32 $0xFFFF0000, v13;
	v5 =	vadd.f32 v5, v29;
	v7 =	vadd.f32 v7, v29  }
0xcd: {  	v15 =	vand.u32 $0xFFFF0000, v15;
	v8 =	vadd.f32 v8, v29;
	v9 =	vadd.f32 v9, v29  }
0xce: {  	v17 =	vand.u32 $0xFFFF0000, v51;
	v10 =	vadd.f32 v10, v29;
	v11 =	vadd.f32 v11, v29  }
0xcf: {  	v16 =	vand.u32 $0xFFFF0000, v16;
	v12 =	vadd.f32 v12, v29;
	v13 =	vadd.f32 v13, v29  }
0xd0: {  	v14 =	vand.u32 $0xFFFF0000, v14;
	v15 =	vadd.f32 v15, v29;
	v17 =	vadd.f32 v17, v29  }
0xd1: {  	v16 =	vadd.f32 v16, v29;
	v6 =	vadd.f32 v14, v29  }
0xd2: {  	v36 =	vmul.f32 $2.000000030e-01, v1;
	vm12 =	vge.f32 v1, $0.0e+00;
	v37 =	vmul.f32 $2.000000030e-01, v2  }
0xd3: {  	vm13 =	vge.f32 v2, $0.0e+00;
	v39 =	vmul.f32 $2.000000030e-01, v3;
	vm14 =	vge.f32 v3, $0.0e+00  }
0xd4: {  	vm15 =	vge.f32 v4, $0.0e+00;
	v41 =	vmul.f32 $2.000000030e-01, v4;
	v42 =	vmul.f32 $2.000000030e-01, v5  }
0xd5: {  	v43 =	vmul.f32 $2.000000030e-01, v7;
	vm4 =	vge.f32 v5, $0.0e+00;
	vm5 =	vge.f32 v7, $0.0e+00  }
0xd6: {  	vm6 =	vge.f32 v8, $0.0e+00;
	v45 =	vmul.f32 $2.000000030e-01, v8;
	v48 =	vmul.f32 $2.000000030e-01, v9  }
0xd7: {  	vm7 =	vge.f32 v9, $0.0e+00;
	v49 =	vmul.f32 $2.000000030e-01, v10;
	v50 =	vmul.f32 $2.000000030e-01, v11  }
0xd8: {  	vm8 =	vge.f32 v10, $0.0e+00;
	v1 =	vsel vm12, v1, v36;
	v2 =	vsel vm13, v2, v37  }
0xd9: {  	vm9 =	vge.f32 v11, $0.0e+00;
	v3 =	vsel vm14, v3, v39;
	v53 =	vmax.f32 v1, v2  }
0xda: {  	vm10 =	vge.f32 v12, $0.0e+00;
	v4 =	vsel vm15, v4, v41;
	v19 =	vmax.f32 v53, v3  }
0xdb: {  	v52 =	vmul.f32 $2.000000030e-01, v12;
	v5 =	vsel vm4, v5, v42;
	v54 =	vmax.f32 v19, v4  }
0xdc: {  	vm11 =	vge.f32 v13, $0.0e+00;
	v7 =	vsel vm5, v7, v43;
	v18 =	vmax.f32 v54, v5  }
0xdd: {  	v55 =	vmul.f32 $2.000000030e-01, v13;
	v8 =	vsel vm6, v8, v45;
	v18 =	vmax.f32 v18, v7  }
0xde: {  	v56 =	vmul.f32 $2.000000030e-01, v15;
	v9 =	vsel vm7, v9, v48;
	v18 =	vmax.f32 v18, v8  }
0xdf: {  	v57 =	vmul.f32 $2.000000030e-01, v17;
	v10 =	vsel vm8, v10, v49;
	v18 =	vmax.f32 v18, v9  }
0xe0: {  	v59 =	vmul.f32 $2.000000030e-01, v16;
	v11 =	vsel vm9, v11, v50;
	v18 =	vmax.f32 v18, v10  }
0xe1: {  	v60 =	vmul.f32 $2.000000030e-01, v6;
	v12 =	vsel vm10, v12, v52;
	v18 =	vmax.f32 v18, v11  }
0xe2: {  	vm12 =	vge.f32 v15, $0.0e+00;
	v13 =	vsel vm11, v13, v55;
	v58 =	vmax.f32 v18, v12  }
0xe3: {  	vm13 =	vge.f32 v17, $0.0e+00;
	v15 =	vsel vm12, v15, v56;
	v14 =	vmax.f32 v58, v13  }
0xe4: {  	vm14 =	vge.f32 v16, $0.0e+00;
	v17 =	vsel vm13, v17, v57;
	v14 =	vmax.f32 v14, v15  }
0xe5: {  	vm15 =	vge.f32 v6, $0.0e+00;
	v16 =	vsel vm14, v16, v59;
	v14 =	vmax.f32 v14, v17  }
0xe6: {  	v6 =	vsel vm15, v6, v60;
	v14 =	vmax.f32 v14, v16  }
0xe7: {  	v14 =	vmax.f32 v14, v6  }
0xe8: {  	v1 =	vsub.f32 v1, v14  }
0xe9: {  	v2 =	vsub.f32 v2, v14  }
0xea: {  	v1 =	vmul.f32 $1.442695020e+00, v1  }
0xeb: {  	v3 =	vsub.f32 v3, v14;
	v2 =	vmul.f32 $1.442695020e+00, v2  }
0xec: {  	(erf) = vpow2.f32 v1  }
0xed: {  	v62 =	vsub.f32 v4, v14;
	v61 =	vmul.f32 $1.442695020e+00, v3;
	(erf) = vpow2.f32 v2;
	_ =	sdelay $0x1  }
0xee: {  	v4 =	vsub.f32 v5, v14;
	v63 =	vmul.f32 $1.442695020e+00, v62;
	(erf) = vpow2.f32 v61;
	_ =	sdelay $0x1  }
0xef: {  	v7 =	vsub.f32 v7, v14;
	v5 =	vmul.f32 $1.442695020e+00, v4;
	(erf) = vpow2.f32 v63;
	_ =	sdelay $0x1  }
0xf0: {  	v19 =	vsub.f32 v8, v14;
	v18 =	vmul.f32 $1.442695020e+00, v7;
	(erf) = vpow2.f32 v5;
	_ =	sdelay $0x1  }
0xf1: {  	v20 =	vsub.f32 v9, v14;
	v22 =	vmul.f32 $1.442695020e+00, v19;
	v21 =	vpop (erf);
	(erf) = vpow2.f32 v18  }
0xf2: {  	v24 =	vsub.f32 v10, v14;
	v23 =	vpop (erf)  }
0xf3: {  	v3 =	vmul.f32 $1.442695020e+00, v20;
	(erf) = vpow2.f32 v22;
	v25 =	vadd.f32 v23, v21  }
0xf4: {  	v27 =	vsub.f32 v11, v14;
	v26 =	vpop (erf)  }
0xf5: {  	v1 =	vmul.f32 $1.442695020e+00, v24;
	(erf) = vpow2.f32 v3;
	v5 =	vadd.f32 v25, v26  }
0xf6: {  	v29 =	vsub.f32 v12, v14;
	v28 =	vpop (erf)  }
0xf7: {  	v30 =	vmul.f32 $1.442695020e+00, v27;
	(erf) = vpow2.f32 v1;
	v31 =	vadd.f32 v5, v28  }
0xf8: {  	v33 =	vsub.f32 v13, v14;
	v32 =	vpop (erf)  }
0xf9: {  	v9 =	vmul.f32 $1.442695020e+00, v29;
	(erf) = vpow2.f32 v30;
	v3 =	vadd.f32 v31, v32  }
0xfa: {  	v35 =	vsub.f32 v15, v14;
	v34 =	vpop (erf)  }
0xfb: {  	v1 =	vmul.f32 $1.442695020e+00, v33;
	(erf) = vpow2.f32 v9;
	v3 =	vadd.f32 v3, v34  }
0xfc: {  	v37 =	vsub.f32 v17, v14;
	v36 =	vpop (erf)  }
0xfd: {  	v38 =	vmul.f32 $1.442695020e+00, v35;
	(erf) = vpow2.f32 v1;
	v3 =	vadd.f32 v3, v36  }
0xfe: {  	v40 =	vsub.f32 v16, v14;
	v39 =	vpop (erf)  }
0xff: {  	v12 =	vmul.f32 $1.442695020e+00, v37;
	(erf) = vpow2.f32 v38;
	v3 =	vadd.f32 v3, v39  }
0x100: {  	v6 =	vsub.f32 v6, v14;
	v41 =	vpop (erf)  }
0x101: {  	v1 =	vmul.f32 $1.442695020e+00, v40;
	(erf) = vpow2.f32 v12;
	v3 =	vadd.f32 v3, v41  }
0x102: {  	v42 =	vpop (erf)  }
0x103: {  	v43 =	vmul.f32 $1.442695020e+00, v6;
	(erf) = vpow2.f32 v1;
	v3 =	vadd.f32 v3, v42  }
0x104: {  	v44 =	vpop (erf)  }
0x105: {  	(erf) = vpow2.f32 v43;
	v45 =	vadd.f32 v3, v44  }
0x106: {  	v46 =	vpop (erf)  }
0x107: {  	v1 =	vadd.f32 v45, v46  }
0x108: {  	v47 =	vpop (erf)  }
0x109: {  	v1 =	vadd.f32 v1, v47  }
0x10a: {  	v48 =	vpop (erf)  }
0x10b: {  	v1 =	vadd.f32 v1, v48  }
0x10c: {  	v49 =	vpop (erf)  }
0x10d: {  	v1 =	vadd.f32 v1, v49  }
0x10e: {  	v50 =	vpop (erf)  }
0x10f: {  	v1 =	vadd.f32 v1, v50;
	_ =	sdelay $0x1  }
0x110: {  	(erf) = vrcp.f32 v1;
	_ =	sdelay $0x8  }
0x111: {  	v1 =	vpop (erf)  }
0x112: {  	v4 =	vmul.f32 v1, v21  }
0x113: {  	v2 =	vmul.f32 v1, v23  }
0x114: {  	v51 =	vmul.f32 v1, v26;
	[tilespmem:s11+$0xFFFFF600] =	vst v4  }
0x115: {  	v52 =	vmul.f32 v1, v28;
	[tilespmem:s11+$0xFFFFF740] =	vst v2  }
0x116: {  	v53 =	vmul.f32 v1, v32;
	[tilespmem:s11+$0xFFFFF880] =	vst v51  }
0x117: {  	v54 =	vmul.f32 v1, v34;
	[tilespmem:s11+$0xFFFFF9C0] =	vst v52  }
0x118: {  	v55 =	vmul.f32 v1, v36;
	[tilespmem:s11+$0xFFFFFB00] =	vst v53  }
0x119: {  	v56 =	vmul.f32 v1, v39;
	[tilespmem:s11+$0xFFFFFC40] =	vst v54  }
0x11a: {  	v57 =	vmul.f32 v1, v41;
	[tilespmem:s11+$0xFFFFFD80] =	vst v55  }
0x11b: {  	v58 =	vmul.f32 v1, v42;
	[tilespmem:s11+$0xFFFFFEC0] =	vst v56  }
0x11c: {  	v59 =	vmul.f32 v1, v44;
	[tilespmem:s11+$0x0] =	vst v57  }
0x11d: {  	v60 =	vmul.f32 v1, v46;
	[tilespmem:s11+$0x140] =	vst v58  }
0x11e: {  	p0 =	sne.s32 s21, $0x130;
	v61 =	vmul.f32 v1, v47;
	[tilespmem:s11+$0x280] =	vst v59  }
.Ltmp0:
0x11f: {  	v62 =	vmul.f32 v1, v48;
	[tilespmem:s11+$0x3C0] =	vst v60;
	(pc) =	sbr.rel @p0 .LBB2_2-.Ltmp0, $4  }
0x120: {  	v63 =	vmul.f32 v1, v49;
	[tilespmem:s11+$0x500] =	vst v61  }
0x121: {  	s14 =	sadd.s32 $0x100, s14;
	v1 =	vmul.f32 v1, v50;
	[tilespmem:s11+$0x640] =	vst v62  }
0x122: {  	s13 =	sadd.s32 $0x10, s13;
	s21 =	sadd.s32 $0x10, s21;
	s5 =	sadd.s32 $0x10, s5;
	[tilespmem:s11+$0x780] =	vst v63  }
0x123: {  	s12 =	sadd.s32 $0x10, s12;
	s10 =	sadd.s32 $0x10, s10;
	[tilespmem:s11+$0x8C0] =	vst v1;
	s11 =	sadd.s32 $0x10, s11  }
.LBB2_3:
0x124: {  	_ =	swait.ge [sflag:s30], $0x5000  }
0x125: {  	[sflag:s30] =	ssyncset.done $0x0  }
0x126: {  	[sflag:s30] =	ssyncadd.s32 $0xFFFFB000  }
0x127: {  	s10 =	simm.s32 $0x1B300;
	_ =	swait.ge [sflag:s30], $0x5000  }
0x128: {  	s11 =	simm.s32 $0x1BF80;
	s12 =	simm.s32 $0x4380;
	[sflag:s30] =	ssyncset.done $0x0  }
0x129: {  	s13 =	simm.s32 $0x0;
	s14 =	simm.s32 $0x0;
	[sflag:s30] =	ssyncadd.s32 $0xFFFFB000  }
.LBB2_4:
0x12a: {  	v3 =	vld [tilespmem:s12+$0xFFFFE700]  }
0x12b: {  	v5 =	vld [tilespmem:s10+$0xFFFFFD80]  }
0x12c: {  	v4 =	vld [tilespmem:s12+$0xFFFFEC00]  }
0x12d: {  	v7 =	vld [tilespmem:s10+$0xFFFFFEC0]  }
0x12e: {  	v0 =	vld [tilespmem:s10+$0x0]  }
0x12f: {  	v8 =	vld [tilespmem:s12+$0xFFFFF100]  }
0x130: {  	v50 =	vld [tilespmem:s10+$0x140]  }
0x131: {  	v10 =	vld [tilespmem:s12+$0xFFFFF600]  }
0x132: {  	v12 =	vld [tilespmem:s12+$0xFFFFFB00]  }
0x133: {  	v14 =	vld [tilespmem:s12+$0x0]  }
0x134: {  	v16 =	vld [tilespmem:s12+$0x500]  }
0x135: {  	v18 =	vld [tilespmem:s12+$0xA00]  }
0x136: {  	v19 =	vld [tilespmem:s12+$0xF00]  }
0x137: {  	v21 =	vld [tilespmem:s12+$0xFFFFE840]  }
0x138: {  	v27 =	vld [tilespmem:s12+$0xFFFFF240]  }
0x139: {  	v29 =	vld [tilespmem:s12+$0xFFFFFC40]  }
0x13a: {  	v30 =	vld [tilespmem:s12+$0x140]  }
0x13b: {  	v40 =	vld [tilespmem:s12+$0x640]  }
0x13c: {  	v41 =	vld [tilespmem:s12+$0xB40]  }
0x13d: {  	v49 =	vld [tilespmem:s12+$0x1040]  }
0x13e: {  	v53 =	vld [tilespmem:s12+$0x1540]  }
0x13f: {  	v56 =	vld [tilespmem:s12+$0xFFFFE980]  }
0x140: {  	v58 =	vld [tilespmem:s12+$0xFFFFEE80]  }
0x141: {  	v61 =	vld [tilespmem:s12+$0xFFFFF380]  }
0x142: {  	v6 =	vadd.s32 $0x2800, v3;
	v3 =	vld.idx.msk [tilespmem:v3+s25+$0x0], $0xffff  }
0x143: {  	v9 =	vadd.s32 $0x2800, v4;
	v4 =	vld.idx.msk [tilespmem:v4+s25+$0x0], $0xffff  }
0x144: {  	v11 =	vadd.s32 $0x2800, v8;
	v8 =	vld.idx.msk [tilespmem:v8+s25+$0x0], $0xffff  }
0x145: {  	v13 =	vadd.s32 $0x2800, v10;
	v10 =	vld.idx.msk [tilespmem:v10+s25+$0x0], $0xffff  }
0x146: {  	v15 =	vadd.s32 $0x2800, v12;
	v12 =	vld.idx.msk [tilespmem:v12+s25+$0x0], $0xffff  }
0x147: {  	v20 =	vld.idx.msk [tilespmem:v14+s25+$0x0], $0xffff  }
0x148: {  	v23 =	vld.idx.msk [tilespmem:v16+s25+$0x0], $0xffff  }
0x149: {  	v17 =	vadd.s32 $0x2800, v14;
	v14 =	vadd.s32 $0x2800, v16;
	v16 =	vadd.s32 $0x2800, v18;
	v18 =	vld.idx.msk [tilespmem:v18+s25+$0x0], $0xffff  }
0x14a: {  	v26 =	vld.idx.msk [tilespmem:v19+s25+$0x0], $0xffff  }
0x14b: {  	v35 =	vld.idx.msk [tilespmem:v21+s25+$0x0], $0xffff  }
0x14c: {  	v6 =	vld.idx.msk [tilespmem:v6+s25+$0x0], $0xffff  }
0x14d: {  	v9 =	vld.idx.msk [tilespmem:v9+s25+$0x0], $0xffff  }
0x14e: {  	v22 =	vld.idx.msk [tilespmem:v17+s25+$0x0], $0xffff  }
0x14f: {  	v17 =	vld [tilespmem:s12+$0x1400]  }
0x150: {  	v11 =	vld.idx.msk [tilespmem:v11+s25+$0x0], $0xffff  }
0x151: {  	v13 =	vld.idx.msk [tilespmem:v13+s25+$0x0], $0xffff  }
0x152: {  	v24 =	vld.idx.msk [tilespmem:v14+s25+$0x0], $0xffff;
	v14 =	vadd.s32 $0x2800, v19  }
0x153: {  	v25 =	vld.idx.msk [tilespmem:v16+s25+$0x0], $0xffff  }
0x154: {  	v19 =	vld [tilespmem:s12+$0xFFFFED40];
	v16 =	vadd.s32 $0x2800, v17;
	v63 =	vshll.u32 v6, $0x10  }
0x155: {  	v15 =	vld.idx.msk [tilespmem:v15+s25+$0x0], $0xffff;
	v6 =	vand.u32 $0xFFFF0000, v6;
	v39 =	vshll.u32 v9, $0x10;
	v9 =	vand.u32 $0xFFFF0000, v9  }
0x156: {  	v6 =	vadd.f32 v9, v6;
	v9 =	vld.idx.msk [tilespmem:v30+s25+$0x0], $0xffff  }
0x157: {  	v31 =	vld.idx.msk [tilespmem:v14+s25+$0x0], $0xffff  }
0x158: {  	v32 =	vld.idx.msk [tilespmem:v17+s25+$0x0], $0xffff;
	v14 =	vadd.s32 $0x2800, v21  }
0x159: {  	v28 =	vadd.s32 $0x2800, v27;
	v38 =	vadd.s32 $0x2800, v29;
	v21 =	vld [tilespmem:s12+$0xFFFFF740]  }
0x15a: {  	v45 =	vshll.u32 v11, $0x10;
	v11 =	vand.u32 $0xFFFF0000, v11;
	v34 =	vld.idx.msk [tilespmem:v16+s25+$0x0], $0xffff;
	v16 =	vadd.s32 $0x2800, v19  }
0x15b: {  	v2 =	vadd.s32 $0x2800, v30;
	v46 =	vadd.s32 $0x2800, v40;
	v6 =	vadd.f32 v11, v6;
	v11 =	vld.idx.msk [tilespmem:v41+s25+$0x0], $0xffff  }
0x15c: {  	v33 =	vshll.u32 v3, $0x10;
	v37 =	vand.u32 $0xFFFF0000, v3;
	v44 =	vshll.u32 v8, $0x10;
	v19 =	vld.idx.msk [tilespmem:v19+s25+$0x0], $0xffff  }
0x15d: {  	v8 =	vand.u32 $0xFFFF0000, v8;
	v47 =	vshll.u32 v10, $0x10;
	v10 =	vand.u32 $0xFFFF0000, v10;
	v36 =	vld.idx.msk [tilespmem:v14+s25+$0x0], $0xffff  }
0x15e: {  	v51 =	vshll.u32 v12, $0x10;
	v12 =	vand.u32 $0xFFFF0000, v12;
	v54 =	vshll.u32 v20, $0x10;
	v14 =	vld.idx.msk [tilespmem:v27+s25+$0x0], $0xffff  }
0x15f: {  	v20 =	vand.u32 $0xFFFF0000, v20;
	v59 =	vshll.u32 v18, $0x10;
	v18 =	vand.u32 $0xFFFF0000, v18;
	v17 =	vld.idx.msk [tilespmem:v16+s25+$0x0], $0xffff  }
0x160: {  	v48 =	vshll.u32 v13, $0x10;
	v13 =	vand.u32 $0xFFFF0000, v13;
	v52 =	vshll.u32 v15, $0x10;
	v16 =	vld.idx.msk [tilespmem:v28+s25+$0x0], $0xffff  }
0x161: {  	v15 =	vand.u32 $0xFFFF0000, v15;
	v55 =	vshll.u32 v22, $0x10;
	v62 =	vadd.s32 $0x2800, v21;
	v28 =	vld.idx.msk [tilespmem:v38+s25+$0x0], $0xffff  }
0x162: {  	v1 =	vadd.f32 v39, v63;
	v3 =	vld.idx.msk [tilespmem:v21+s25+$0x0], $0xffff;
	v21 =	vshll.u32 v4, $0x10;
	v4 =	vand.u32 $0xFFFF0000, v4  }
0x163: {  	v22 =	vand.u32 $0xFFFF0000, v22;
	v33 =	vadd.f32 v21, v33;
	v37 =	vadd.f32 v4, v37;
	v4 =	vld.idx.msk [tilespmem:v29+s25+$0x0], $0xffff  }
0x164: {  	v63 =	vadd.s32 $0x2800, v58;
	v57 =	vshll.u32 v24, $0x10;
	v6 =	vadd.f32 v13, v6;
	v29 =	vld.idx.msk [tilespmem:v2+s25+$0x0], $0xffff  }
0x165: {  	v24 =	vand.u32 $0xFFFF0000, v24;
	v60 =	vshll.u32 v25, $0x10;
	v2 =	vld [tilespmem:s12+$0xFFFFF880];
	v33 =	vadd.f32 v44, v33  }
0x166: {  	v13 =	vadd.s32 $0x2800, v41;
	v6 =	vadd.f32 v15, v6;
	v21 =	vld.idx.msk [tilespmem:v62+s25+$0x0], $0xffff;
	v8 =	vadd.f32 v8, v37  }
0x167: {  	v25 =	vand.u32 $0xFFFF0000, v25;
	v27 =	vadd.f32 v45, v1;
	v44 =	vld [tilespmem:s12+$0x780];
	v30 =	vadd.f32 v47, v33  }
0x168: {  	v15 =	vadd.s32 $0x2800, v49;
	v1 =	vshll.u32 v31, $0x10;
	v8 =	vadd.f32 v10, v8;
	v10 =	vld.idx.msk [tilespmem:v40+s25+$0x0], $0xffff  }
0x169: {  	v31 =	vand.u32 $0xFFFF0000, v31;
	v27 =	vadd.f32 v48, v27;
	v33 =	vld.idx.msk [tilespmem:v46+s25+$0x0], $0xffff;
	v30 =	vadd.f32 v51, v30  }
0x16a: {  	v48 =	vshll.u32 v32, $0x10;
	v32 =	vand.u32 $0xFFFF0000, v32;
	v8 =	vadd.f32 v12, v8;
	v51 =	vld [tilespmem:s12+$0xFFFFFD80]  }
0x16b: {  	v42 =	vshll.u32 v19, $0x10;
	v12 =	vadd.f32 v52, v27;
	v27 =	vadd.f32 v54, v30;
	v30 =	vld.idx.msk [tilespmem:v13+s25+$0x0], $0xffff  }
0x16c: {  	v19 =	vand.u32 $0xFFFF0000, v19;
	v52 =	vadd.s32 $0x2800, v2;
	v13 =	vadd.f32 v22, v6;
	v6 =	vld.idx.msk [tilespmem:v49+s25+$0x0], $0xffff  }
0x16d: {  	v8 =	vadd.f32 v20, v8;
	v20 =	vadd.s32 $0x2800, v53;
	v22 =	vshll.u32 v23, $0x10;
	v54 =	vld [tilespmem:s12+$0x280]  }
0x16e: {  	v12 =	vadd.f32 v55, v12;
	v23 =	vand.u32 $0xFFFF0000, v23;
	v22 =	vadd.f32 v22, v27;
	v27 =	vld.idx.msk [tilespmem:v15+s25+$0x0], $0xffff  }
0x16f: {  	v47 =	vadd.s32 $0x2800, v61;
	v23 =	vadd.f32 v23, v8;
	v13 =	vadd.f32 v24, v13;
	v8 =	vld.idx.msk [tilespmem:v53+s25+$0x0], $0xffff  }
0x170: {  	v45 =	vshll.u32 v3, $0x10;
	v3 =	vand.u32 $0xFFFF0000, v3;
	v49 =	vshll.u32 v34, $0x10;
	v24 =	vld.idx.msk [tilespmem:v63+s25+$0x0], $0xffff  }
0x171: {  	v12 =	vadd.f32 v57, v12;
	v15 =	vadd.s32 $0x2800, v56;
	v62 =	vadd.f32 v25, v13;
	v25 =	vld.idx.msk [tilespmem:v52+s25+$0x0], $0xffff  }
0x172: {  	v34 =	vand.u32 $0xFFFF0000, v34;
	v55 =	vshll.u32 v36, $0x10;
	v18 =	vadd.f32 v18, v23;
	v23 =	vld.idx.msk [tilespmem:v20+s25+$0x0], $0xffff  }
0x173: {  	v36 =	vand.u32 $0xFFFF0000, v36;
	v53 =	vand.u32 $0xFFFF0000, v35;
	v20 =	vadd.f32 v60, v12;
	v12 =	vld.idx.msk [tilespmem:v56+s25+$0x0], $0xffff  }
0x174: {  	v22 =	vadd.f32 v59, v22;
	v56 =	vshll.u32 v17, $0x10;
	v46 =	vadd.f32 v31, v62;
	v62 =	vld [tilespmem:s12+$0xC80]  }
0x175: {  	v43 =	vadd.s32 $0x2800, v51;
	v13 =	vshll.u32 v26, $0x10;
	v57 =	vadd.f32 v56, v55;
	v55 =	vld [tilespmem:s12+$0x1680]  }
0x176: {  	v63 =	vadd.s32 $0x2800, v44;
	v26 =	vand.u32 $0xFFFF0000, v26;
	v22 =	vadd.f32 v13, v22;
	v13 =	vld.idx.msk [tilespmem:v15+s25+$0x0], $0xffff  }
0x177: {  	v19 =	vadd.f32 v19, v53;
	v17 =	vand.u32 $0xFFFF0000, v17;
	v18 =	vadd.f32 v26, v18;
	v15 =	vld.idx.msk [tilespmem:v58+s25+$0x0], $0xffff  }
0x178: {  	v59 =	vshll.u32 v14, $0x10;
	v14 =	vand.u32 $0xFFFF0000, v14;
	v58 =	vadd.f32 v17, v36;
	v17 =	vld.idx.msk [tilespmem:v51+s25+$0x0], $0xffff  }
0x179: {  	v60 =	vshll.u32 v16, $0x10;
	v14 =	vadd.f32 v14, v19;
	v41 =	vadd.f32 v32, v18;
	v18 =	vld.idx.msk [tilespmem:v61+s25+$0x0], $0xffff  }
0x17a: {  	v16 =	vand.u32 $0xFFFF0000, v16;
	v56 =	vshll.u32 v29, $0x10;
	v29 =	vand.u32 $0xFFFF0000, v29;
	v26 =	vld.idx.msk [tilespmem:v43+s25+$0x0], $0xffff  }
0x17b: {  	v20 =	vadd.f32 v1, v20;
	v3 =	vadd.f32 v3, v14;
	v14 =	vshll.u32 v4, $0x10;
	v19 =	vld.idx.msk [tilespmem:v54+s25+$0x0], $0xffff  }
0x17c: {  	v22 =	vadd.f32 v48, v22;
	v34 =	vadd.f32 v34, v46;
	v61 =	vadd.s32 $0x2800, v54;
	v48 =	vld [tilespmem:s12+$0x1180]  }
0x17d: {  	v4 =	vand.u32 $0xFFFF0000, v4;
	v36 =	vadd.f32 v60, v57;
	v16 =	vadd.f32 v16, v58;
	v58 =	vld [tilespmem:s12+$0xFFFFEAC0]  }
0x17e: {  	v37 =	vadd.f32 v49, v20;
	v20 =	vshll.u32 v35, $0x10;
	v39 =	vmul.f32 v22, v5;
	v22 =	vld.idx.msk [tilespmem:v47+s25+$0x0], $0xffff  }
0x17f: {  	v46 =	vshll.u32 v21, $0x10;
	v21 =	vand.u32 $0xFFFF0000, v21;
	v42 =	vadd.f32 v42, v20;
	v20 =	vld.idx.msk [tilespmem:v2+s25+$0x0], $0xffff  }
0x180: {  	v54 =	vshll.u32 v9, $0x10;
	v9 =	vand.u32 $0xFFFF0000, v9;
	v16 =	vadd.f32 v21, v16;
	v21 =	vld.idx.msk [tilespmem:v44+s25+$0x0], $0xffff  }
0x181: {  	v60 =	vshll.u32 v33, $0x10;
	v33 =	vand.u32 $0xFFFF0000, v33;
	v3 =	vadd.f32 v4, v3;
	v31 =	vld.idx.msk [tilespmem:v61+s25+$0x0], $0xffff  }
0x182: {  	v49 =	vshll.u32 v28, $0x10;
	v36 =	vadd.f32 v46, v36;
	v35 =	vadd.f32 v59, v42;
	v32 =	vld.idx.msk [tilespmem:v62+s25+$0x0], $0xffff  }
0x183: {  	v28 =	vand.u32 $0xFFFF0000, v28;
	v51 =	vadd.s32 $0x2800, v62;
	v3 =	vadd.f32 v9, v3;
	v62 =	vld [tilespmem:s12+$0xFFFFEFC0]  }
0x184: {  	s5 =	sand.u32 $0x1E00, s13;
	s8 =	sand.u32 $0x10, s14;
	v53 =	vadd.f32 v49, v36;
	v59 =	vshll.u32 v10, $0x10;
	v47 =	vadd.f32 v45, v35;
	v45 =	vld [tilespmem:s12+$0xFFFFF4C0]  }
0x185: {  	s5 =	sor.u32 s8, s5;
	v10 =	vand.u32 $0xFFFF0000, v10;
	v16 =	vadd.f32 v28, v16;
	v57 =	vadd.s32 $0x2800, v48;
	v42 =	vld.idx.msk [tilespmem:v55+s25+$0x0], $0xffff  }
0x186: {  	v3 =	vadd.f32 v10, v3;
	v61 =	vadd.s32 $0x2800, v55;
	v4 =	vadd.f32 v56, v53;
	v35 =	vld [tilespmem:s5+$0x5D00]  }
0x187: {  	v49 =	vadd.s32 $0x2800, v58;
	v29 =	vadd.f32 v29, v16;
	v52 =	vadd.f32 v14, v47;
	v14 =	vld.idx.msk [tilespmem:v63+s25+$0x0], $0xffff  }
0x188: {  	v16 =	vld.idx.msk [tilespmem:v51+s25+$0x0], $0xffff;
	v63 =	vadd.f32 v60, v4;
	v4 =	vshll.u32 v11, $0x10;
	v11 =	vand.u32 $0xFFFF0000, v11  }
0x189: {  	v40 =	vld.idx.msk [tilespmem:v48+s25+$0x0], $0xffff;
	v48 =	vshll.u32 v30, $0x10;
	v30 =	vand.u32 $0xFFFF0000, v30;
	v29 =	vadd.f32 v33, v29  }
0x18a: {  	v11 =	vadd.f32 v11, v3;
	v33 =	vmul.f32 v41, v5;
	v43 =	vld.idx.msk [tilespmem:v58+s25+$0x0], $0xffff;
	v58 =	vshll.u32 v8, $0x10  }
0x18b: {  	v8 =	vand.u32 $0xFFFF0000, v8;
	v28 =	vadd.f32 v54, v52;
	v2 =	vld.idx.msk [tilespmem:v57+s25+$0x0], $0xffff;
	v51 =	vadd.f32 v48, v63  }
0x18c: {  	v52 =	vshll.u32 v6, $0x10;
	v6 =	vand.u32 $0xFFFF0000, v6;
	v1 =	vld.idx.msk [tilespmem:v61+s25+$0x0], $0xffff;
	v54 =	vshll.u32 v27, $0x10  }
0x18d: {  	v27 =	vand.u32 $0xFFFF0000, v27;
	v61 =	vld [tilespmem:s12+$0xFFFFFEC0];
	v29 =	vadd.f32 v30, v29;
	v53 =	vadd.s32 $0x2800, v62  }
0x18e: {  	v30 =	vld [tilespmem:s12+$0xFFFFF9C0];
	v55 =	vadd.f32 v6, v11;
	v57 =	vadd.s32 $0x2800, v45;
	v28 =	vadd.f32 v59, v28  }
0x18f: {  	v56 =	vadd.f32 v54, v51;
	v59 =	vshll.u32 v23, $0x10;
	v27 =	vadd.f32 v27, v29;
	v29 =	vld [tilespmem:s12+$0x3C0]  }
0x190: {  	v23 =	vand.u32 $0xFFFF0000, v23;
	v51 =	vshll.u32 v13, $0x10;
	v28 =	vadd.f32 v4, v28;
	v4 =	vld.idx.msk [tilespmem:v49+s25+$0x0], $0xffff  }
0x191: {  	v13 =	vand.u32 $0xFFFF0000, v13;
	v9 =	vadd.f32 v8, v55;
	v55 =	vshll.u32 v18, $0x10;
	v44 =	vld.idx.msk [tilespmem:v62+s25+$0x0], $0xffff  }
0x192: {  	v11 =	vadd.f32 v59, v56;
	v62 =	vmul.f32 v37, v5;
	v45 =	vld.idx.msk [tilespmem:v45+s25+$0x0], $0xffff;
	v5 =	vmul.f32 v34, v5  }
0x193: {  	v56 =	vshll.u32 v22, $0x10;
	v34 =	vld [tilespmem:s5+$0x5C80];
	v59 =	vshll.u32 v26, $0x10;
	v23 =	vadd.f32 v23, v27  }
0x194: {  	v9 =	vmul.f32 v9, v7;
	v41 =	vadd.s32 $0x2800, v61;
	v27 =	vld [tilespmem:s12+$0xDC0];
	v28 =	vadd.f32 v52, v28  }
0x195: {  	v60 =	vadd.s32 $0x2800, v30;
	v8 =	vld.idx.msk [tilespmem:v53+s25+$0x0], $0xffff;
	v53 =	vshll.u32 v24, $0x10;
	v24 =	vand.u32 $0xFFFF0000, v24  }
0x196: {  	v11 =	vmul.f32 v11, v7;
	v49 =	vld.idx.msk [tilespmem:v57+s25+$0x0], $0xffff;
	v13 =	vadd.f32 v24, v13;
	v28 =	vadd.f32 v58, v28  }
0x197: {  	v52 =	vshll.u32 v15, $0x10;
	v57 =	vand.u32 $0xFFFF0000, v22;
	v22 =	vld [tilespmem:s12+$0x17C0];
	v48 =	vadd.f32 v9, v33  }
0x198: {  	v33 =	vld [tilespmem:s12+$0x8C0];
	v36 =	vadd.f32 v11, v62;
	v13 =	vadd.f32 v57, v13;
	v63 =	vmul.f32 v28, v7  }
0x199: {  	v24 =	vld [tilespmem:s12+$0x12C0];
	v58 =	vshll.u32 v25, $0x10;
	v25 =	vand.u32 $0xFFFF0000, v25;
	v7 =	vmul.f32 v23, v7  }
0x19a: {  	v15 =	vand.u32 $0xFFFF0000, v15;
	v46 =	vld.idx.msk [tilespmem:v30+s25+$0x0], $0xffff;
	v13 =	vadd.f32 v25, v13;
	v47 =	vadd.f32 v63, v39  }
0x19b: {  	v23 =	vld.idx.msk [tilespmem:v61+s25+$0x0], $0xffff;
	v37 =	vadd.f32 v7, v5;
	v39 =	vshll.u32 v12, $0x10;
	v12 =	vand.u32 $0xFFFF0000, v12  }
0x19c: {  	v26 =	vand.u32 $0xFFFF0000, v26;
	v6 =	vld.idx.msk [tilespmem:v41+s25+$0x0], $0xffff;
	v54 =	vadd.f32 v52, v39;
	v12 =	vadd.f32 v15, v12  }
0x19d: {  	v18 =	vand.u32 $0xFFFF0000, v18;
	v41 =	vld [tilespmem:s5+$0x5CE0];
	v15 =	vadd.f32 v53, v51;
	v13 =	vadd.f32 v26, v13  }
0x19e: {  	v11 =	vld.idx.msk [tilespmem:v60+s25+$0x0], $0xffff;
	v62 =	vshll.u32 v8, $0x10;
	v30 =	vadd.f32 v55, v54;
	v12 =	vadd.f32 v18, v12  }
0x19f: {  	v28 =	vld.idx.msk [tilespmem:v29+s25+$0x0], $0xffff;
	v15 =	vadd.f32 v56, v15;
	v18 =	vshll.u32 v20, $0x10;
	v20 =	vand.u32 $0xFFFF0000, v20  }
0x1a0: {  	v25 =	vld.idx.msk [tilespmem:v34+s26+$0x0], $0xffff;
	v51 =	vshll.u32 v46, $0x10;
	v18 =	vadd.f32 v18, v30;
	v12 =	vadd.f32 v20, v12  }
0x1a1: {  	v39 =	vld [tilespmem:s5+$0x5CA0];
	v15 =	vadd.f32 v58, v15;
	v20 =	vshll.u32 v17, $0x10;
	v17 =	vand.u32 $0xFFFF0000, v17  }
0x1a2: {  	v10 =	vld.idx.msk [tilespmem:v27+s25+$0x0], $0xffff;
	v53 =	vand.u32 $0xFFFF0000, v46;
	v18 =	vadd.f32 v20, v18;
	v12 =	vadd.f32 v17, v12  }
0x1a3: {  	[tilespmem:$0x1FFF0] =	vst v37;
	v37 =	vld [tilespmem:s5+$0x5CC0];
	v15 =	vadd.f32 v59, v15;
	v17 =	vshll.u32 v19, $0x10;
	v19 =	vand.u32 $0xFFFF0000, v19  }
0x1a4: {  	[tilespmem:$0x1FF80] =	vst v36;
	v36 =	vld.idx.msk [tilespmem:v22+s25+$0x0], $0xffff;
	v20 =	vshll.u32 v31, $0x10;
	v17 =	vadd.f32 v17, v18;
	v18 =	vand.u32 $0xFFFF0000, v31  }
0x1a5: {  	v46 =	vld [tilespmem:s5+$0x5DC0];
	v12 =	vadd.f32 v19, v12;
	v19 =	vshll.u32 v21, $0x10;
	v15 =	vadd.f32 v20, v15  }
0x1a6: {  	v38 =	vld.idx.msk [tilespmem:v24+s25+$0x0], $0xffff;
	v20 =	vand.u32 $0xFFFF0000, v21;
	v21 =	vand.u32 $0xFFFF0000, v32;
	v18 =	vadd.f32 v18, v13  }
0x1a7: {  	v56 =	vld.idx.msk [tilespmem:v35+s26+$0x0], $0xffff;
	v17 =	vadd.f32 v19, v17;
	v12 =	vadd.f32 v20, v12;
	v20 =	vshll.u32 v14, $0x10  }
0x1a8: {  	v30 =	vld.idx.msk [tilespmem:v33+s25+$0x0], $0xffff;
	v19 =	vshll.u32 v32, $0x10;
	v15 =	vadd.f32 v20, v15;
	v20 =	vand.u32 $0xFFFF0000, v40  }
0x1a9: {  	v52 =	vld.idx.msk [tilespmem:v41+s26+$0x0], $0xffff;
	v17 =	vadd.f32 v19, v17;
	v12 =	vadd.f32 v21, v12;
	v21 =	vshll.u32 v16, $0x10  }
0x1aa: {  	v26 =	vld.idx.msk [tilespmem:v39+s26+$0x0], $0xffff;
	v19 =	vand.u32 $0xFFFF0000, v14;
	v14 =	vshll.u32 v40, $0x10;
	v21 =	vadd.f32 v21, v15  }
0x1ab: {  	v63 =	vshll.u32 v49, $0x10;
	v13 =	vld [tilespmem:s11+$0xFFFFF600];
	v17 =	vadd.f32 v14, v17;
	v12 =	vadd.f32 v20, v12  }
0x1ac: {  	v40 =	vld [tilespmem:s5+$0x5D20];
	v15 =	vand.u32 $0xFFFF0000, v42;
	v18 =	vadd.f32 v19, v18;
	v20 =	vshll.u32 v42, $0x10  }
0x1ad: {  	v31 =	vld.idx.msk [tilespmem:v37+s26+$0x0], $0xffff;
	v19 =	vshll.u32 v2, $0x10;
	v17 =	vadd.f32 v20, v17;
	v20 =	vadd.f32 v15, v12  }
0x1ae: {  	v14 =	vld [tilespmem:s11+$0xFFFFF740];
	v12 =	vand.u32 $0xFFFF0000, v16;
	v16 =	vadd.f32 v19, v21;
	v21 =	vand.u32 $0xFFFF0000, v44  }
0x1af: {  	[tilespmem:$0x1FFE0] =	vst v1;
	v42 =	vld [tilespmem:s5+$0x5D40];
	v60 =	vadd.f32 v12, v18;
	v18 =	vshll.u32 v1, $0x10;
	v1 =	vshll.u32 v26, $0x10  }
0x1b0: {  	v15 =	vld [tilespmem:s11+$0xFFFFF880];
	v17 =	vmul.f32 v17, v0;
	v19 =	vmul.f32 v20, v0;
	v61 =	vadd.f32 v18, v16  }
0x1b1: {  	v32 =	vmovc v0;
	v16 =	vld [tilespmem:s11+$0xFFFFF9C0];
	v18 =	vand.u32 $0xFFFF0000, v43;
	v20 =	vshll.u32 v44, $0x10;
	v0 =	vshll.u32 v25, $0x10  }
0x1b2: {  	v44 =	vld [tilespmem:s5+$0x5D80];
	v21 =	vadd.f32 v21, v18;
	v18 =	vshll.u32 v45, $0x10;
	v55 =	vadd.f32 v17, v47  }
0x1b3: {  	v54 =	vadd.f32 v19, v48;
	v17 =	vshll.u32 v43, $0x10;
	v19 =	vshll.u32 v4, $0x10;
	v43 =	vld [tilespmem:s5+$0x5D60]  }
0x1b4: {  	v45 =	vand.u32 $0xFFFF0000, v45;
	v57 =	vld.idx.msk [tilespmem:v40+s26+$0x0], $0xffff;
	v20 =	vadd.f32 v20, v17;
	v19 =	vadd.f32 v62, v19  }
0x1b5: {  	[tilespmem:$0x1FFB0] =	vst v49;
	v49 =	vmul.f32 v1, v14;
	v48 =	vmul.f32 v0, v13;
	v17 =	vld [tilespmem:s11+$0xFFFFFB00];
	v21 =	vadd.f32 v45, v21  }
0x1b6: {  	v45 =	vld [tilespmem:s5+$0x5DA0];
	v20 =	vadd.f32 v18, v20;
	v47 =	vadd.f32 v63, v19;
	v19 =	vshll.u32 v31, $0x10  }
0x1b7: {  	[tilespmem:$0x1FFC0] =	vst v2;
	v58 =	vld.idx.msk [tilespmem:v42+s26+$0x0], $0xffff;
	v48 =	vadd.f32 v49, v48;
	v2 =	vmul.f32 v19, v15  }
0x1b8: {  	v3 =	vshll.u32 v52, $0x10;
	v25 =	vand.u32 $0xFFFF0000, v25;
	v18 =	vld [tilespmem:s11+$0xFFFFFC40];
	v20 =	vadd.f32 v51, v20  }
0x1b9: {  	[tilespmem:$0x1FF90] =	vst v4;
	v4 =	vshll.u32 v23, $0x10;
	v49 =	vld [tilespmem:s5+$0x5E40];
	v5 =	vmul.f32 v3, v16;
	v48 =	vadd.f32 v2, v48  }
0x1ba: {  	[tilespmem:$0x1FFD0] =	vst v60;
	v60 =	vshll.u32 v11, $0x10;
	v19 =	vld [tilespmem:s11+$0xFFFFFD80];
	v51 =	vadd.f32 v4, v20;
	v20 =	vshll.u32 v56, $0x10  }
0x1bb: {  	[tilespmem:$0x1FF70] =	vst v61;
	v61 =	vshll.u32 v28, $0x10;
	v59 =	vld.idx.msk [tilespmem:v43+s26+$0x0], $0xffff;
	v48 =	vadd.f32 v5, v48;
	v7 =	vmul.f32 v20, v17  }
0x1bc: {  	v53 =	vadd.f32 v53, v21;
	v3 =	vmul.f32 v25, v13;
	v21 =	vshll.u32 v57, $0x10;
	v20 =	vld [tilespmem:s11+$0xFFFFFEC0]  }
0x1bd: {  	[tilespmem:$0x1FFA0] =	vst v8;
	v25 =	vld [tilespmem:s11+$0x280];
	v8 =	vmul.f32 v21, v18;
	v51 =	vadd.f32 v61, v51;
	v48 =	vadd.f32 v7, v48  }
0x1be: {  	v62 =	vshll.u32 v30, $0x10;
	v60 =	vadd.f32 v60, v47;
	v47 =	vld [tilespmem:s5+$0x5E00];
	v4 =	vshll.u32 v58, $0x10  }
0x1bf: {  	v61 =	vld.idx.msk [tilespmem:v44+s26+$0x0], $0xffff;
	v5 =	vmul.f32 v4, v19;
	v9 =	vadd.f32 v62, v51;
	v48 =	vadd.f32 v8, v48  }
0x1c0: {  	v63 =	vshll.u32 v10, $0x10;
	v7 =	vand.u32 $0xFFFF0000, v23;
	v51 =	vld [tilespmem:s5+$0x5DE0];
	v23 =	vshll.u32 v59, $0x10  }
0x1c1: {  	v21 =	vld [tilespmem:s11+$0x0];
	v63 =	vadd.f32 v63, v9;
	v48 =	vadd.f32 v5, v48;
	v9 =	vmul.f32 v23, v20  }
0x1c2: {  	v62 =	vld.idx.msk [tilespmem:v45+s26+$0x0], $0xffff  }
0x1c3: {  	v26 =	vand.u32 $0xFFFF0000, v26;
	v4 =	vadd.f32 v9, v48;
	v48 =	vld [tilespmem:s5+$0x5E20]  }
0x1c4: {  	v26 =	vmul.f32 v26, v14;
	v28 =	vand.u32 $0xFFFF0000, v28;
	v8 =	vshll.u32 v38, $0x10;
	v23 =	vld [tilespmem:s11+$0x140]  }
0x1c5: {  	v5 =	vadd.f32 v7, v53;
	v7 =	vshll.u32 v61, $0x10;
	v53 =	vadd.f32 v8, v63;
	v63 =	vld.idx.msk [tilespmem:v46+s26+$0x0], $0xffff  }
0x1c6: {  	v3 =	vadd.f32 v26, v3;
	v26 =	vld [tilespmem:s11+$0x3C0];
	v2 =	vmul.f32 v7, v21;
	v9 =	vshll.u32 v36, $0x10  }
0x1c7: {  	v8 =	vshll.u32 v6, $0x10;
	v5 =	vadd.f32 v28, v5;
	v28 =	vld [tilespmem:s11+$0x500];
	v1 =	vadd.f32 v9, v53  }
0x1c8: {  	v12 =	vmovc v6;
	v31 =	vand.u32 $0xFFFF0000, v31;
	v6 =	vadd.f32 v8, v60;
	v53 =	vshll.u32 v62, $0x10;
	v60 =	vld.idx.msk [tilespmem:v51+s26+$0x0], $0xffff  }
0x1c9: {  	v9 =	vld [tilespmem:s5+$0x5E60];
	v2 =	vadd.f32 v2, v4;
	v4 =	vmul.f32 v53, v23;
	v1 =	vmul.f32 v1, v50  }
0x1ca: {  	v31 =	vmul.f32 v31, v15;
	v53 =	vld.idx.msk [tilespmem:v47+s26+$0x0], $0xffff;
	v0 =	vshll.u32 v63, $0x10  }
0x1cb: {  	v2 =	vadd.f32 v4, v2;
	v0 =	vmul.f32 v0, v25;
	v1 =	vadd.f32 v1, v55;
	v7 =	vld.idx.msk [tilespmem:v48+s26+$0x0], $0xffff  }
0x1cc: {  	v3 =	vadd.f32 v31, v3;
	v8 =	vand.u32 $0xFFFF0000, v52;
	v4 =	vadd.s32 $0x2800, v29;
	v29 =	vld [tilespmem:s11+$0x640]  }
0x1cd: {  	v2 =	vadd.f32 v0, v2;
	v1 =	vsub.f32 $0.0e+00, v1;
	v0 =	vshll.u32 v60, $0x10  }
0x1ce: {  	v52 =	vld.idx.msk [tilespmem:v49+s26+$0x0], $0xffff;
	v55 =	vand.u32 $0xFFFF0000, v30;
	v30 =	vmul.f32 v8, v16;
	v31 =	vmul.f32 v0, v26  }
0x1cf: {  	v8 =	vld [tilespmem:s11+$0x780];
	v5 =	vadd.f32 v55, v5;
	v0 =	vshll.u32 v53, $0x10;
	v1 =	vmul.f32 $1.442695020e+00, v1  }
0x1d0: {  	v0 =	vmul.f32 v0, v28;
	v2 =	vadd.f32 v31, v2;
	v55 =	vshll.u32 v7, $0x10  }
0x1d1: {  	v3 =	vadd.f32 v30, v3;
	v30 =	vmul.f32 v55, v29;
	v55 =	vld.idx.msk [tilespmem:v9+s26+$0x0], $0xffff  }
0x1d2: {  	(erf) = vpow2.f32 v1;
	v31 =	vld [tilespmem:s11+$0x8C0];
	v0 =	vadd.f32 v0, v2;
	v2 =	vand.u32 $0xFFFF0000, v56  }
0x1d3: {  	v10 =	vand.u32 $0xFFFF0000, v10;
	v56 =	vshll.u32 v52, $0x10;
	v1 =	vmul.f32 v2, v17  }
0x1d4: {  	v2 =	vmul.f32 v56, v8;
	v56 =	vand.u32 $0xFFFF0000, v57;
	v30 =	vadd.f32 v30, v0  }
0x1d5: {  	v0 =	vld.idx.msk [tilespmem:v4+s25+$0x0], $0xffff;
	v4 =	vadd.f32 v10, v5;
	v1 =	vadd.f32 v1, v3;
	v10 =	vand.u32 $0xFFFF0000, v58  }
0x1d6: {  	v5 =	vmul.f32 v56, v18;
	v56 =	vmul.f32 v10, v19;
	v57 =	vshll.u32 v55, $0x10  }
0x1d7: {  	v2 =	vadd.f32 v2, v30;
	v30 =	vadd.s32 $0x2800, v33;
	v33 =	vmul.f32 v57, v31  }
0x1d8: {  	v22 =	vadd.s32 $0x2800, v22;
	v7 =	vand.u32 $0xFFFF0000, v7  }
0x1d9: {  	v3 =	vadd.s32 $0x2800, v34;
	v1 =	vadd.f32 v5, v1;
	v2 =	vadd.f32 v33, v2  }
0x1da: {  	v35 =	vadd.s32 $0x2800, v35;
	v11 =	vand.u32 $0xFFFF0000, v11;
	v7 =	vmul.f32 v7, v29  }
0x1db: {  	v9 =	vadd.s32 $0x2800, v9;
	v1 =	vadd.f32 v56, v1;
	v56 =	vpop (erf);
	v2 =	vsub.f32 $0.0e+00, v2  }
0x1dc: {  	v34 =	vadd.s32 $0x2800, v39;
	v58 =	vand.u32 $0xFFFF0000, v38;
	v33 =	vld.idx.msk [tilespmem:v30+s25+$0x0], $0xffff;
	v30 =	vadd.f32 $1.000000000e+00, v56  }
0x1dd: {  	v10 =	vand.u32 $0xFFFF0000, v59;
	v4 =	vadd.f32 v58, v4;
	v2 =	vmul.f32 $1.442695020e+00, v2  }
0x1de: {  	v5 =	vmul.f32 v10, v20;
	v38 =	vld.idx.msk [tilespmem:v3+s26+$0x0], $0xffff;
	v3 =	vadd.s32 $0x2800, v37;
	(erf) = vrcp.f32 v30  }
0x1df: {  	v58 =	vadd.s32 $0x2800, v41;
	v57 =	vshll.u32 v0, $0x10;
	(erf) = vpow2.f32 v2  }
0x1e0: {  	v59 =	vand.u32 $0xFFFF0000, v61;
	v41 =	vand.u32 $0xFFFF0000, v62;
	v6 =	vadd.f32 v57, v6  }
0x1e1: {  	v57 =	vand.u32 $0xFFFF0000, v36;
	v36 =	vld.idx.msk [tilespmem:v34+s26+$0x0], $0xffff;
	v1 =	vadd.f32 v5, v1;
	v5 =	vmul.f32 v59, v21  }
0x1e2: {  	v62 =	vadd.s32 $0x2800, v42;
	v59 =	vand.u32 $0xFFFF0000, v60;
	v4 =	vadd.f32 v57, v4  }
0x1e3: {  	v57 =	vadd.s32 $0x2800, v40;
	v1 =	vadd.f32 v5, v1;
	v5 =	vmul.f32 v41, v23;
	v37 =	vld.idx.msk [tilespmem:v3+s26+$0x0], $0xffff  }
0x1e4: {  	v34 =	vld.idx.msk [tilespmem:v58+s26+$0x0], $0xffff;
	v58 =	vadd.s32 $0x2800, v27;
	v4 =	vmul.f32 v4, v50;
	v61 =	vshll.u32 v38, $0x10  }
0x1e5: {  	v1 =	vadd.f32 v5, v1;
	v30 =	vmul.f32 v61, v13;
	v10 =	vshll.u32 v33, $0x10  }
0x1e6: {  	v39 =	vshll.u32 v36, $0x10;
	v4 =	vadd.f32 v4, v54;
	v54 =	vand.u32 $0xFFFF0000, v63  }
0x1e7: {  	v61 =	vmul.f32 v59, v26;
	v63 =	vand.u32 $0xFFFF0000, v53;
	v5 =	vmul.f32 v54, v25;
	v27 =	vpop (erf)  }
0x1e8: {  	v2 =	vadd.f32 v10, v6;
	v4 =	vsub.f32 $0.0e+00, v4;
	v56 =	vshll.u32 v37, $0x10;
	v10 =	vpop (erf)  }
0x1e9: {  	v1 =	vadd.f32 v5, v1;
	v6 =	vmul.f32 v56, v15;
	v56 =	vadd.f32 $1.000000000e+00, v10  }
0x1ea: {  	v53 =	vadd.s32 $0x2800, v24;
	v3 =	vmul.f32 v39, v14;
	v4 =	vmul.f32 $1.442695020e+00, v4  }
0x1eb: {  	v35 =	vld.idx.msk [tilespmem:v35+s26+$0x0], $0xffff;
	v54 =	vmul.f32 v63, v28;
	v1 =	vadd.f32 v61, v1;
	(erf) = vrcp.f32 v56  }
0x1ec: {  	v24 =	vld.idx.msk [tilespmem:v57+s26+$0x0], $0xffff;
	v63 =	vadd.s32 $0x2800, v45;
	v3 =	vadd.f32 v3, v30;
	(erf) = vpow2.f32 v4  }
0x1ed: {  	v0 =	vand.u32 $0xFFFF0000, v0;
	v60 =	vshll.u32 v34, $0x10;
	v30 =	vld.idx.msk [tilespmem:v58+s25+$0x0], $0xffff;
	v1 =	vadd.f32 v54, v1  }
0x1ee: {  	v57 =	vadd.s32 $0x2800, v43;
	v3 =	vadd.f32 v6, v3;
	v6 =	vld.idx.msk [tilespmem:v62+s26+$0x0], $0xffff;
	v62 =	vand.u32 $0xFFFF0000, v52  }
0x1ef: {  	v5 =	vmul.f32 v60, v16;
	v1 =	vadd.f32 v7, v1;
	v10 =	vmul.f32 v62, v8  }
0x1f0: {  	v58 =	vshll.u32 v35, $0x10;
	v60 =	vadd.s32 $0x2800, v44;
	v52 =	vand.u32 $0xFFFF0000, v55  }
0x1f1: {  	v59 =	vmul.f32 v58, v17;
	v42 =	vld.idx.msk [tilespmem:v63+s26+$0x0], $0xffff;
	v43 =	vmul.f32 v52, v31;
	v1 =	vadd.f32 v10, v1  }
0x1f2: {  	v36 =	vand.u32 $0xFFFF0000, v36;
	v58 =	vadd.s32 $0x2800, v51;
	v40 =	vld.idx.msk [tilespmem:v53+s25+$0x0], $0xffff;
	v61 =	vshll.u32 v24, $0x10  }
0x1f3: {  	v45 =	vshll.u32 v30, $0x10;
	v3 =	vadd.f32 v5, v3;
	v5 =	vld.idx.msk [tilespmem:v57+s26+$0x0], $0xffff;
	v1 =	vadd.f32 v43, v1  }
0x1f4: {  	v41 =	vld.idx.msk [tilespmem:v22+s25+$0x0], $0xffff;
	v63 =	vadd.s32 $0x2800, v47;
	v55 =	vadd.s32 $0x2800, v46;
	v2 =	vadd.f32 v45, v2;
	v22 =	vpop (erf)  }
0x1f5: {  	v7 =	vld.idx.msk [tilespmem:v60+s26+$0x0], $0xffff;
	v3 =	vadd.f32 v59, v3;
	v4 =	vmul.f32 v61, v18;
	v1 =	vsub.f32 $0.0e+00, v1;
	v59 =	vpop (erf)  }
0x1f6: {  	v60 =	vld [tilespmem:$0x1FF70];
	v46 =	vshll.u32 v42, $0x10;
	v53 =	vshll.u32 v6, $0x10;
	v61 =	vadd.f32 $1.000000000e+00, v59  }
0x1f7: {  	v47 =	vld [tilespmem:$0x1FF80];
	v54 =	vmul.f32 v53, v19;
	v3 =	vadd.f32 v4, v3;
	v1 =	vmul.f32 $1.442695020e+00, v1  }
0x1f8: {  	v52 =	vld [tilespmem:$0x1FF90];
	v56 =	vshll.u32 v40, $0x10;
	v57 =	vshll.u32 v5, $0x10;
	(erf) = vrcp.f32 v61  }
0x1f9: {  	v39 =	vld.idx.msk [tilespmem:v55+s26+$0x0], $0xffff;
	v4 =	vmul.f32 v57, v20;
	v3 =	vadd.f32 v54, v3;
	(erf) = vpow2.f32 v1  }
0x1fa: {  	v10 =	vshll.u32 v41, $0x10;
	v2 =	vadd.f32 v56, v2;
	v62 =	vshll.u32 v7, $0x10;
	v56 =	vld [tilespmem:$0x1FFA0]  }
0x1fb: {  	v51 =	vmovc v32;
	v32 =	vmul.f32 v60, v32;
	v3 =	vadd.f32 v4, v3;
	v4 =	vmul.f32 v62, v21  }
0x1fc: {  	v6 =	vand.u32 $0xFFFF0000, v6;
	v2 =	vadd.f32 v10, v2;
	v54 =	vadd.s32 $0x2800, v48;
	v59 =	vld [tilespmem:$0x1FFB0]  }
0x1fd: {  	v53 =	vand.u32 $0xFFFF0000, v52;
	v32 =	vadd.f32 v32, v47;
	v3 =	vadd.f32 v4, v3;
	v4 =	vld.idx.msk [tilespmem:v58+s26+$0x0], $0xffff  }
0x1fe: {  	v52 =	vand.u32 $0xFFFF0000, v37;
	v2 =	vmul.f32 v2, v50;
	v58 =	vadd.s32 $0x2800, v49  }
0x1ff: {  	v45 =	vld.idx.msk [tilespmem:v63+s26+$0x0], $0xffff;
	v55 =	vshll.u32 v39, $0x10;
	v57 =	vand.u32 $0xFFFF0000, v56;
	v1 =	vmul.f32 v46, v23  }
0x200: {  	v43 =	vadd.f32 v57, v53;
	v2 =	vadd.f32 v2, v32;
	v61 =	vand.u32 $0xFFFF0000, v38  }
0x201: {  	v38 =	vld.idx.msk [tilespmem:v54+s26+$0x0], $0xffff;
	v1 =	vadd.f32 v1, v3;
	v3 =	vmul.f32 v55, v25;
	v10 =	vand.u32 $0xFFFF0000, v59;
	v32 =	vpop (erf)  }
0x202: {  	v2 =	vsub.f32 $0.0e+00, v2;
	v60 =	vshll.u32 v4, $0x10;
	v10 =	vadd.f32 v10, v43;
	v63 =	vpop (erf)  }
0x203: {  	v43 =	vld.idx.msk [tilespmem:v58+s26+$0x0], $0xffff;
	v1 =	vadd.f32 v3, v1;
	v3 =	vmul.f32 v60, v26;
	v44 =	vadd.f32 $1.000000000e+00, v63  }
0x204: {  	v9 =	vld.idx.msk [tilespmem:v9+s26+$0x0], $0xffff;
	v48 =	vmul.f32 v36, v14;
	v62 =	vshll.u32 v45, $0x10;
	v2 =	vmul.f32 $1.442695020e+00, v2  }
0x205: {  	v1 =	vadd.f32 v3, v1;
	v3 =	vmul.f32 v62, v28;
	(erf) = vrcp.f32 v44  }
0x206: {  	v13 =	vmul.f32 v61, v13;
	v49 =	vshll.u32 v38, $0x10;
	(erf) = vpow2.f32 v2  }
0x207: {  	v10 =	vadd.f32 v11, v10;
	v1 =	vadd.f32 v3, v1;
	v3 =	vmul.f32 v49, v29  }
0x208: {  	v11 =	vadd.f32 v48, v13;
	v13 =	vshll.u32 v43, $0x10;
	v2 =	vmul.f32 v52, v15  }
0x209: {  	v57 =	vld [tilespmem:$0x1FFC0];
	v55 =	vshll.u32 v9, $0x10;
	v13 =	vmul.f32 v13, v8;
	v1 =	vadd.f32 v3, v1  }
0x20a: {  	v53 =	vand.u32 $0xFFFF0000, v12;
	v12 =	vld [tilespmem:$0x1FFD0];
	v2 =	vadd.f32 v2, v11;
	v11 =	vmul.f32 v55, v31  }
0x20b: {  	v54 =	vand.u32 $0xFFFF0000, v34;
	v59 =	vand.u32 $0xFFFF0000, v24;
	v1 =	vadd.f32 v13, v1  }
0x20c: {  	v58 =	vand.u32 $0xFFFF0000, v33;
	v3 =	vadd.f32 v53, v10;
	v10 =	vmul.f32 v54, v16  }
0x20d: {  	v60 =	vmul.f32 v6, v19;
	v13 =	vand.u32 $0xFFFF0000, v35;
	v1 =	vadd.f32 v11, v1  }
0x20e: {  	v61 =	vld [tilespmem:$0x1FFE0];
	v0 =	vadd.f32 v0, v3;
	v2 =	vadd.f32 v10, v2;
	v10 =	vand.u32 $0xFFFF0000, v57;
	v11 =	vpop (erf)  }
0x20f: {  	v56 =	vmul.f32 v13, v17;
	v10 =	vadd.f32 v10, v12;
	v1 =	vsub.f32 $0.0e+00, v1;
	v12 =	vpop (erf)  }
0x210: {  	v3 =	vmul.f32 v59, v18;
	v0 =	vadd.f32 v58, v0;
	v12 =	vadd.f32 $1.000000000e+00, v12  }
0x211: {  	v13 =	vand.u32 $0xFFFF0000, v30;
	v2 =	vadd.f32 v56, v2;
	v1 =	vmul.f32 $1.442695020e+00, v1  }
0x212: {  	v62 =	vand.u32 $0xFFFF0000, v40;
	v0 =	vadd.f32 v13, v0;
	(erf) = vrcp.f32 v12  }
0x213: {  	v33 =	vld [tilespmem:$0x1FFF0];
	v2 =	vadd.f32 v3, v2;
	(erf) = vpow2.f32 v1;
	v1 =	vand.u32 $0xFFFF0000, v61  }
0x214: {  	v5 =	vand.u32 $0xFFFF0000, v5;
	v0 =	vadd.f32 v62, v0;
	v1 =	vadd.f32 v1, v10  }
0x215: {  	v63 =	vmul.f32 v5, v20;
	v2 =	vadd.f32 v60, v2;
	v10 =	vand.u32 $0xFFFF0000, v41  }
0x216: {  	v24 =	vand.u32 $0xFFFF0000, v7;
	v0 =	vadd.f32 v10, v0;
	v1 =	vmul.f32 v1, v51  }
0x217: {  	v30 =	vmul.f32 v24, v21;
	v2 =	vadd.f32 v63, v2  }
0x218: {  	v34 =	vand.u32 $0xFFFF0000, v42;
	v0 =	vmul.f32 v0, v50;
	v1 =	vadd.f32 v1, v33  }
0x219: {  	v35 =	vmul.f32 v34, v23;
	v2 =	vadd.f32 v30, v2  }
0x21a: {  	v36 =	vand.u32 $0xFFFF0000, v39;
	v0 =	vadd.f32 v0, v1  }
0x21b: {  	v2 =	vadd.f32 v35, v2;
	v1 =	vmul.f32 v36, v25;
	v37 =	vpop (erf)  }
0x21c: {  	v39 =	vand.u32 $0xFFFF0000, v4;
	v40 =	vpop (erf);
	v0 =	vsub.f32 $0.0e+00, v0  }
0x21d: {  	v41 =	vmul.f32 v39, v26;
	v1 =	vadd.f32 v1, v2;
	v42 =	vadd.f32 $1.000000000e+00, v40  }
0x21e: {  	v44 =	vand.u32 $0xFFFF0000, v45;
	v0 =	vmul.f32 $1.442695020e+00, v0  }
0x21f: {  	v45 =	vmul.f32 v44, v28;
	v1 =	vadd.f32 v41, v1;
	(erf) = vrcp.f32 v42  }
0x220: {  	v46 =	vand.u32 $0xFFFF0000, v38;
	(erf) = vpow2.f32 v0  }
0x221: {  	v48 =	vmul.f32 v46, v29;
	v47 =	vadd.f32 v45, v1  }
0x222: {  	v49 =	vand.u32 $0xFFFF0000, v43  }
0x223: {  	v50 =	vmul.f32 v49, v8;
	v0 =	vadd.f32 v48, v47  }
0x224: {  	v51 =	vand.u32 $0xFFFF0000, v9  }
0x225: {  	v52 =	vmul.f32 v51, v31;
	v0 =	vadd.f32 v50, v0;
	_ =	sdelay $0x1  }
0x226: {  	v0 =	vadd.f32 v52, v0  }
0x227: {  	v54 =	vpop (erf)  }
0x228: {  	v0 =	vsub.f32 $0.0e+00, v0;
	v55 =	vpop (erf)  }
0x229: {  	v1 =	vadd.f32 $1.000000000e+00, v55  }
0x22a: {  	v0 =	vmul.f32 $1.442695020e+00, v0  }
0x22b: {  	(erf) = vrcp.f32 v1  }
0x22c: {  	(erf) = vpow2.f32 v0;
	_ =	sdelay $0x7  }
0x22d: {  	v56 =	vpop (erf)  }
0x22e: {  	v57 =	vpop (erf)  }
0x22f: {  	v1 =	vadd.f32 $1.000000000e+00, v57;
	_ =	sdelay $0x1  }
0x230: {  	(erf) = vrcp.f32 v1;
	_ =	sdelay $0x1  }
0x231: {  	v53 =	vlaneseq.u32  }
0x232: {  	v14 =	vand.u32 $0x7, v53;
	v19 =	vor.u32 $0x280, v53  }
0x233: {  	v20 =	vor.u32 $0x3C0, v53;
	v59 =	vadd.f32 v22, v27;
	v17 =	vor.u32 $0x140, v53  }
0x234: {  	v16 =	vor.u32 $0xFFFFFFF8, v14;
	v58 =	vor.u32 s14, v53;
	v61 =	vadd.s32 s14, v17  }
0x235: {  	v60 =	vand.u32 v16, v58;
	v12 =	vadd.s32 s14, v19;
	v62 =	vand.u32 $0x3F8, v61  }
0x236: {  	v13 =	vadd.s32 s14, v20;
	v12 =	vand.u32 $0x7F8, v12;
	v10 =	vor.u32 v14, v62  }
0x237: {  	v13 =	vand.u32 $0x7F8, v13;
	v11 =	vadd.f32 v11, v32;
	v12 =	vor.u32 v14, v12  }
0x238: {  	p0 =	sne.s32 s14, $0x130;
	v13 =	vor.u32 v14, v13;
	v8 =	vmul.f32 $5.000000000e-01, v59;
	v6 =	vadd.f32 v54, v37;
	v63 =	vpop (erf)  }
.Ltmp1:
0x239: {  	v11 =	vmul.f32 $5.000000000e-01, v11;
	v0 =	vadd.f32 v63, v56;
	(pc) =	sbr.rel @p0 .LBB2_4-.Ltmp1, $4  }
0x23a: {  	[tilespmem:v60+s31+$0x0] =	vst.idx.msk $0xffff, v8;
	v6 =	vmul.f32 $5.000000000e-01, v6  }
0x23b: {  	[tilespmem:v10+s31+$0x0] =	vst.idx.msk $0xffff, v11;
	v0 =	vmul.f32 $5.000000000e-01, v0  }
0x23c: {  	s13 =	sadd.s32 $0x100, s13;
	s10 =	sadd.s32 $0x10, s10;
	[tilespmem:v12+s31+$0x0] =	vst.idx.msk $0xffff, v6  }
0x23d: {  	s12 =	sadd.s32 $0x10, s12;
	s11 =	sadd.s32 $0x10, s11;
	s14 =	sadd.s32 $0x10, s14;
	[tilespmem:v13+s31+$0x0] =	vst.idx.msk $0xffff, v0  }
0x23e: {  	s10 =	smul.u32 $0x14000, s9;
	_ =	sdelay $0x1  }
0x23f: {  	s5 =	sor.u32 s6, s10  }
0x240: {  	s5 =	sshrl.u32 s5, $0x3  }
0x241: {  	s5 =	sadd.s32 s7, s5  }
0x242: {  	[hbm4b:s5+s3] =	stream.linear.scatter [tilespmem:s31], [sflag:$0x3], $0x140, $0x38;
	[tilespmem:$0x1CE80] =	vst v63  }
0x243: {  	_ =	swait.ge [sflag:s22], $0x140  }
0x244: {  	s14 =	rddreg [dreg:$0xa]  }
0x245: {  	s5 =	sadd.s32 s10, s14  }
0x246: {  	[sflag:s22] =	ssyncset.done $0x0;
	s5 =	sshrl.u32 s5, $0x3  }
0x247: {  	[sflag:s22] =	ssyncadd.s32 $0xFFFFFEC0;
	s5 =	sadd.s32 s7, s5  }
0x248: {  	[hbm4b:s5+s3] =	stream.linear.scatter [tilespmem:s1], [sflag:$0x3], $0x140, $0x38;
	[tilespmem:$0x1CE80] =	vst v63  }
0x249: {  	s15 =	sadd.s32 s10, s16;
	_ =	swait.ge [sflag:s22], $0x140  }
0x24a: {  	s5 =	sshrl.u32 s15, $0x3;
	[sflag:s22] =	ssyncset.done $0x0  }
0x24b: {  	s5 =	sadd.s32 s7, s5;
	[sflag:s22] =	ssyncadd.s32 $0xFFFFFEC0  }
0x24c: {  	[hbm4b:s5+s3] =	stream.linear.scatter [tilespmem:s0], [sflag:$0x3], $0x140, $0x38;
	[tilespmem:$0x1CE80] =	vst v63  }
0x24d: {  	_ =	swait.ge [sflag:s22], $0x140  }
0x24e: {  	s21 =	rddreg [dreg:$0xb]  }
0x24f: {  	s5 =	sadd.s32 s10, s21  }
0x250: {  	[sflag:s22] =	ssyncset.done $0x0;
	s5 =	sshrl.u32 s5, $0x3  }
0x251: {  	p0 =	seq.s32 s9, $0x3;
	[sflag:s22] =	ssyncadd.s32 $0xFFFFFEC0;
	s5 =	sadd.s32 s7, s5  }
0x252: {  	[hbm4b:s5+s3] =	stream.linear.scatter [tilespmem:s23], [sflag:$0x3], $0x140, $0x38;
	[tilespmem:$0x1CE80] =	vst v63  }
0x253: {  	s5 =	smul.u32 @!p0 $0xA000, s9;
	_ =	sdelay $0x1  }
0x254: {  	_ =	swait.ge [sflag:s22], $0x140;
	s11 =	sshrl.u32 @!p0 s5, $0x3  }
0x255: {  	s12 =	simm.s32 @!p0 $0x0;
	[sflag:s22] =	ssyncset.done $0x0;
	s5 =	sadd.s32 @!p0 $0x1400, s11  }
0x256: {  	s13 =	simm.s32 @!p0 $0x7080;
	[sflag:s22] =	ssyncadd.s32 $0xFFFFFEC0;
	s8 =	sadd.s32 @!p0 s2, s5  }
0x257: {  	[tilespmem:s13], [sflag:$0x1] =	stream.linear.gather @!p0 [hbm4b:s8+s12], $0x5000, $0x38;
	[tilespmem:$0x1CE80] =	vst v63  }
0x258: {  	s5 =	sadd.s32 @!p0 s4, s5;
	s8 =	simm.s32 @!p0 $0xC080  }
0x259: {  	[tilespmem:s8], [sflag:$0x1] =	stream.linear.gather @!p0 [hbm4b:s5+s12], $0x5000, $0x38;
	[tilespmem:$0x1CE80] =	vst v63  }
0x25a: {  	_ =	swait.ge [sflag:s24], $0x5000  }
0x25b: {  	[sflag:s24] =	ssyncset.done $0x0  }
0x25c: {  	[sflag:s24] =	ssyncadd.s32 $0xFFFFB000  }
0x25d: {  	_ =	swait.ge [sflag:s24], $0x5000  }
0x25e: {  	[tilespmem:$0x1FF20] =	vst v14  }
0x25f: {  	[tilespmem:$0x1FF30] =	vst v16  }
0x260: {  	s14 =	simm.s32 $0x1BF80;
	s21 =	simm.s32 $0x4380;
	[tilespmem:$0x1FF40] =	vst v17  }
0x261: {  	s9 =	sadd.s32 $0x1, s9;
	s13 =	simm.s32 $0x1B300;
	[sflag:s24] =	ssyncset.done $0x0;
	[tilespmem:$0x1FF50] =	vst v19  }
0x262: {  	s12 =	simm.s32 $0x0;
	s5 =	simm.s32 $0x0;
	[tilespmem:$0x1FF60] =	vst v20;
	[sflag:s24] =	ssyncadd.s32 $0xFFFFB000  }
.LBB2_6:
0x263: {  	v0 =	vld [tilespmem:s21+$0xFFFFE700]  }
0x264: {  	v10 =	vld [tilespmem:s13+$0xFFFFFD80]  }
0x265: {  	v8 =	vld [tilespmem:s21+$0xFFFFEC00]  }
0x266: {  	v12 =	vld [tilespmem:s13+$0xFFFFFEC0]  }
0x267: {  	v1 =	vld [tilespmem:s13+$0x0]  }
0x268: {  	v11 =	vld [tilespmem:s21+$0xFFFFF100]  }
0x269: {  	v55 =	vld [tilespmem:s13+$0x140]  }
0x26a: {  	v14 =	vld [tilespmem:s21+$0xFFFFF600]  }
0x26b: {  	v16 =	vld [tilespmem:s21+$0xFFFFFB00]  }
0x26c: {  	v18 =	vld [tilespmem:s21+$0x0]  }
0x26d: {  	v51 =	vld [tilespmem:s21+$0x500]  }
0x26e: {  	v21 =	vld [tilespmem:s21+$0xA00]  }
0x26f: {  	v22 =	vld [tilespmem:s21+$0xF00]  }
0x270: {  	v54 =	vld [tilespmem:s21+$0x1400]  }
0x271: {  	v57 =	vld [tilespmem:s21+$0xFFFFE840]  }
0x272: {  	v59 =	vld [tilespmem:s21+$0xFFFFED40]  }
0x273: {  	v61 =	vld [tilespmem:s21+$0xFFFFF240]  }
0x274: {  	v26 =	vld [tilespmem:s21+$0xFFFFF740]  }
0x275: {  	v32 =	vld [tilespmem:s21+$0xFFFFFC40]  }
0x276: {  	v34 =	vld [tilespmem:s21+$0x140]  }
0x277: {  	v44 =	vld [tilespmem:s21+$0x640]  }
0x278: {  	v48 =	vld [tilespmem:s21+$0xB40]  }
0x279: {  	v45 =	vld [tilespmem:s21+$0x1040]  }
0x27a: {  	v9 =	vadd.s32 $0x2800, v0;
	v0 =	vld.idx.msk [tilespmem:v0+s28+$0x0], $0xffff  }
0x27b: {  	v15 =	vld.idx.msk [tilespmem:v8+s28+$0x0], $0xffff  }
0x27c: {  	v49 =	vadd.s32 $0x2800, v11;
	v11 =	vld.idx.msk [tilespmem:v11+s28+$0x0], $0xffff  }
0x27d: {  	v23 =	vld.idx.msk [tilespmem:v14+s28+$0x0], $0xffff  }
0x27e: {  	v50 =	vadd.s32 $0x2800, v16;
	v16 =	vld.idx.msk [tilespmem:v16+s28+$0x0], $0xffff  }
0x27f: {  	v19 =	vadd.s32 $0x2800, v18;
	v18 =	vld.idx.msk [tilespmem:v18+s28+$0x0], $0xffff  }
0x280: {  	v28 =	vld.idx.msk [tilespmem:v51+s28+$0x0], $0xffff  }
0x281: {  	v30 =	vld.idx.msk [tilespmem:v21+s28+$0x0], $0xffff  }
0x282: {  	v36 =	vld.idx.msk [tilespmem:v22+s28+$0x0], $0xffff  }
0x283: {  	v39 =	vld.idx.msk [tilespmem:v54+s28+$0x0], $0xffff  }
0x284: {  	v41 =	vld.idx.msk [tilespmem:v57+s28+$0x0], $0xffff  }
0x285: {  	v13 =	vadd.s32 $0x2800, v8;
	v24 =	vld.idx.msk [tilespmem:v59+s28+$0x0], $0xffff  }
0x286: {  	v8 =	vld.idx.msk [tilespmem:v26+s28+$0x0], $0xffff  }
0x287: {  	v17 =	vadd.s32 $0x2800, v14;
	v14 =	vld.idx.msk [tilespmem:v34+s28+$0x0], $0xffff  }
0x288: {  	v60 =	vadd.s32 $0x2800, v57;
	v57 =	vld [tilespmem:s21+$0x1540]  }
0x289: {  	v9 =	vld.idx.msk [tilespmem:v9+s28+$0x0], $0xffff  }
0x28a: {  	v52 =	vadd.s32 $0x2800, v51;
	v13 =	vld.idx.msk [tilespmem:v13+s28+$0x0], $0xffff  }
0x28b: {  	v53 =	vadd.s32 $0x2800, v21;
	v20 =	vld.idx.msk [tilespmem:v49+s28+$0x0], $0xffff  }
0x28c: {  	v56 =	vadd.s32 $0x2800, v22;
	v17 =	vld.idx.msk [tilespmem:v17+s28+$0x0], $0xffff  }
0x28d: {  	v58 =	vadd.s32 $0x2800, v54;
	v25 =	vld.idx.msk [tilespmem:v50+s28+$0x0], $0xffff  }
0x28e: {  	v27 =	vld.idx.msk [tilespmem:v19+s28+$0x0], $0xffff  }
0x28f: {  	v62 =	vadd.s32 $0x2800, v59;
	v29 =	vld.idx.msk [tilespmem:v52+s28+$0x0], $0xffff  }
0x290: {  	v31 =	vld.idx.msk [tilespmem:v53+s28+$0x0], $0xffff  }
0x291: {  	v63 =	vadd.s32 $0x2800, v61;
	v4 =	vadd.s32 $0x2800, v26;
	v37 =	vld.idx.msk [tilespmem:v56+s28+$0x0], $0xffff  }
0x292: {  	v38 =	vadd.s32 $0x2800, v32;
	v7 =	vadd.s32 $0x2800, v34;
	v40 =	vld.idx.msk [tilespmem:v58+s28+$0x0], $0xffff;
	v50 =	vadd.s32 $0x2800, v44  }
0x293: {  	v42 =	vld.idx.msk [tilespmem:v60+s28+$0x0], $0xffff;
	v53 =	vadd.s32 $0x2800, v48;
	v58 =	vadd.s32 $0x2800, v45;
	v33 =	vshll.u32 v0, $0x10  }
0x294: {  	v22 =	vld.idx.msk [tilespmem:v62+s28+$0x0], $0xffff;
	v0 =	vand.u32 $0xFFFF0000, v0;
	v5 =	vshll.u32 v15, $0x10;
	v15 =	vand.u32 $0xFFFF0000, v15  }
0x295: {  	v19 =	vld.idx.msk [tilespmem:v61+s28+$0x0], $0xffff;
	v46 =	vshll.u32 v11, $0x10;
	v11 =	vand.u32 $0xFFFF0000, v11;
	v51 =	vshll.u32 v23, $0x10  }
0x296: {  	v21 =	vld.idx.msk [tilespmem:v63+s28+$0x0], $0xffff;
	v23 =	vand.u32 $0xFFFF0000, v23;
	v54 =	vshll.u32 v16, $0x10;
	v16 =	vand.u32 $0xFFFF0000, v16  }
0x297: {  	v26 =	vld.idx.msk [tilespmem:v4+s28+$0x0], $0xffff;
	v59 =	vshll.u32 v18, $0x10;
	v18 =	vand.u32 $0xFFFF0000, v18;
	v63 =	vadd.s32 $0x2800, v57  }
0x298: {  	v34 =	vld.idx.msk [tilespmem:v7+s28+$0x0], $0xffff;
	v2 =	vshll.u32 v28, $0x10;
	v3 =	vand.u32 $0xFFFF0000, v28;
	v33 =	vadd.f32 v5, v33  }
0x299: {  	v61 =	vld [tilespmem:s21+$0xFFFFE980];
	v0 =	vadd.f32 v15, v0;
	v35 =	vshll.u32 v9, $0x10;
	v9 =	vand.u32 $0xFFFF0000, v9  }
0x29a: {  	v15 =	vld.idx.msk [tilespmem:v44+s28+$0x0], $0xffff;
	v43 =	vshll.u32 v13, $0x10;
	v13 =	vand.u32 $0xFFFF0000, v13;
	v47 =	vshll.u32 v20, $0x10  }
0x29b: {  	v5 =	vld [tilespmem:s21+$0xFFFFEE80];
	v20 =	vand.u32 $0xFFFF0000, v20;
	v52 =	vshll.u32 v17, $0x10;
	v17 =	vand.u32 $0xFFFF0000, v17  }
0x29c: {  	v56 =	vshll.u32 v25, $0x10;
	v25 =	vand.u32 $0xFFFF0000, v25;
	v13 =	vadd.f32 v13, v9;
	v9 =	vld.idx.msk [tilespmem:v32+s28+$0x0], $0xffff  }
0x29d: {  	v60 =	vshll.u32 v27, $0x10;
	v6 =	vadd.f32 v43, v35;
	v32 =	vadd.f32 v46, v33;
	v33 =	vld.idx.msk [tilespmem:v38+s28+$0x0], $0xffff  }
0x29e: {  	v27 =	vand.u32 $0xFFFF0000, v27;
	v4 =	vshll.u32 v29, $0x10;
	v0 =	vadd.f32 v11, v0;
	v38 =	vld.idx.msk [tilespmem:v50+s28+$0x0], $0xffff  }
0x29f: {  	v29 =	vand.u32 $0xFFFF0000, v29;
	v7 =	vadd.s32 $0x2800, v61;
	v35 =	vld.idx.msk [tilespmem:v53+s28+$0x0], $0xffff;
	v49 =	vadd.f32 v47, v6  }
0x2a0: {  	v46 =	vshll.u32 v30, $0x10;
	v13 =	vadd.f32 v20, v13;
	v0 =	vadd.f32 v23, v0;
	v28 =	vld.idx.msk [tilespmem:v63+s28+$0x0], $0xffff  }
0x2a1: {  	v53 =	vand.u32 $0xFFFF0000, v36;
	v32 =	vadd.f32 v51, v32;
	v63 =	vld [tilespmem:s21+$0xFFFFFD80];
	v11 =	vadd.f32 v52, v49  }
0x2a2: {  	v47 =	vand.u32 $0xFFFF0000, v30;
	v13 =	vadd.f32 v17, v13;
	v0 =	vadd.f32 v16, v0;
	v16 =	vld.idx.msk [tilespmem:v48+s28+$0x0], $0xffff  }
0x2a3: {  	v51 =	vadd.s32 $0x2800, v5;
	v23 =	vadd.f32 v54, v32;
	v32 =	vld.idx.msk [tilespmem:v58+s28+$0x0], $0xffff;
	v48 =	vshll.u32 v31, $0x10  }
0x2a4: {  	v49 =	vld [tilespmem:s21+$0xFFFFF380];
	v31 =	vand.u32 $0xFFFF0000, v31;
	v11 =	vadd.f32 v56, v11;
	v13 =	vadd.f32 v25, v13  }
0x2a5: {  	v52 =	vshll.u32 v36, $0x10;
	v23 =	vadd.f32 v59, v23;
	v0 =	vadd.f32 v18, v0;
	v56 =	vld [tilespmem:s21+$0xFFFFF880]  }
0x2a6: {  	v54 =	vshll.u32 v37, $0x10;
	v18 =	vld.idx.msk [tilespmem:v7+s28+$0x0], $0xffff;
	v62 =	vadd.f32 v60, v11;
	v13 =	vadd.f32 v27, v13  }
0x2a7: {  	v37 =	vand.u32 $0xFFFF0000, v37;
	v7 =	vshll.u32 v42, $0x10;
	v11 =	vld.idx.msk [tilespmem:v45+s28+$0x0], $0xffff;
	v23 =	vadd.f32 v2, v23  }
0x2a8: {  	v42 =	vand.u32 $0xFFFF0000, v42;
	v17 =	vadd.f32 v4, v62;
	v6 =	vadd.f32 v29, v13;
	v13 =	vld.idx.msk [tilespmem:v57+s28+$0x0], $0xffff  }
0x2a9: {  	v0 =	vadd.f32 v3, v0;
	v60 =	vshll.u32 v39, $0x10;
	v23 =	vadd.f32 v46, v23;
	v29 =	vld.idx.msk [tilespmem:v51+s28+$0x0], $0xffff  }
0x2aa: {  	v59 =	vadd.s32 $0x2800, v49;
	v50 =	vadd.f32 v48, v17;
	v20 =	vadd.f32 v31, v6;
	v17 =	vld.idx.msk [tilespmem:v61+s28+$0x0], $0xffff  }
0x2ab: {  	v3 =	vshll.u32 v41, $0x10;
	v0 =	vadd.f32 v47, v0;
	v23 =	vadd.f32 v52, v23;
	v48 =	vld [tilespmem:s21+$0x780]  }
0x2ac: {  	v62 =	vshll.u32 v40, $0x10;
	v40 =	vand.u32 $0xFFFF0000, v40;
	v58 =	vadd.f32 v37, v20;
	v20 =	vld.idx.msk [tilespmem:v5+s28+$0x0], $0xffff  }
0x2ad: {  	v4 =	vand.u32 $0xFFFF0000, v41;
	v47 =	vadd.s32 $0x2800, v63;
	v36 =	vadd.f32 v60, v23;
	v23 =	vld.idx.msk [tilespmem:v49+s28+$0x0], $0xffff  }
0x2ae: {  	v2 =	vadd.s32 $0x2800, v56;
	v0 =	vadd.f32 v53, v0;
	v52 =	vshll.u32 v24, $0x10;
	v5 =	vld [tilespmem:s21+$0x280]  }
0x2af: {  	v24 =	vand.u32 $0xFFFF0000, v24;
	v53 =	vshll.u32 v22, $0x10;
	v45 =	vadd.f32 v52, v3;
	v27 =	vld.idx.msk [tilespmem:v59+s28+$0x0], $0xffff  }
0x2b0: {  	v22 =	vand.u32 $0xFFFF0000, v22;
	v24 =	vadd.f32 v24, v4;
	v31 =	vadd.f32 v53, v7;
	v25 =	vld.idx.msk [tilespmem:v56+s28+$0x0], $0xffff  }
0x2b1: {  	v61 =	vand.u32 $0xFFFF0000, v39;
	v57 =	vadd.f32 v54, v50;
	v54 =	vadd.f32 v22, v42;
	v22 =	vld.idx.msk [tilespmem:v63+s28+$0x0], $0xffff  }
0x2b2: {  	v3 =	vshll.u32 v9, $0x10;
	v9 =	vand.u32 $0xFFFF0000, v9;
	v4 =	vshll.u32 v33, $0x10;
	v59 =	vld [tilespmem:s21+$0xC80]  }
0x2b3: {  	v33 =	vand.u32 $0xFFFF0000, v33;
	v7 =	vshll.u32 v16, $0x10;
	v56 =	vshll.u32 v19, $0x10;
	v50 =	vld [tilespmem:s21+$0xFFFFF4C0]  }
0x2b4: {  	v0 =	vadd.f32 v61, v0;
	v19 =	vand.u32 $0xFFFF0000, v19;
	v41 =	vadd.f32 v56, v45;
	v56 =	vld [tilespmem:s21+$0x1680]  }
0x2b5: {  	v61 =	vshll.u32 v8, $0x10;
	v39 =	vadd.f32 v62, v57;
	v30 =	vld.idx.msk [tilespmem:v2+s28+$0x0], $0xffff;
	v57 =	vshll.u32 v21, $0x10  }
0x2b6: {  	v21 =	vand.u32 $0xFFFF0000, v21;
	v2 =	vld [tilespmem:s21+$0x1180];
	v42 =	vadd.f32 v57, v31;
	v63 =	vadd.f32 v61, v41  }
0x2b7: {  	v62 =	vshll.u32 v26, $0x10;
	v21 =	vadd.f32 v21, v54;
	v31 =	vld.idx.msk [tilespmem:v47+s28+$0x0], $0xffff;
	v60 =	vadd.s32 $0x2800, v48  }
0x2b8: {  	s8 =	sand.u32 $0x1E00, s12;
	s15 =	sand.u32 $0x10, s5;
	v26 =	vand.u32 $0xFFFF0000, v26;
	v42 =	vadd.f32 v62, v42;
	v52 =	vadd.f32 v3, v63;
	v63 =	vld [tilespmem:s21+$0xFFFFEFC0]  }
0x2b9: {  	s8 =	sor.u32 s15, s8;
	v16 =	vand.u32 $0xFFFF0000, v16;
	v19 =	vadd.f32 v19, v24;
	v21 =	vadd.f32 v26, v21;
	v26 =	vld.idx.msk [tilespmem:v48+s28+$0x0], $0xffff  }
0x2ba: {  	v8 =	vand.u32 $0xFFFF0000, v8;
	v40 =	vadd.f32 v40, v58;
	v53 =	vadd.f32 v4, v42;
	v42 =	vld [tilespmem:s8+$0x5CC0]  }
0x2bb: {  	v46 =	vmul.f32 v36, v10;
	v8 =	vadd.f32 v8, v19;
	v58 =	vadd.s32 $0x2800, v5;
	v24 =	vld.idx.msk [tilespmem:v5+s28+$0x0], $0xffff  }
0x2bc: {  	v54 =	vshll.u32 v14, $0x10;
	v14 =	vand.u32 $0xFFFF0000, v14;
	v57 =	vshll.u32 v34, $0x10;
	v19 =	vld.idx.msk [tilespmem:v60+s28+$0x0], $0xffff  }
0x2bd: {  	v34 =	vand.u32 $0xFFFF0000, v34;
	v61 =	vshll.u32 v38, $0x10;
	v62 =	vadd.s32 $0x2800, v56;
	v37 =	vld.idx.msk [tilespmem:v59+s28+$0x0], $0xffff  }
0x2be: {  	v38 =	vand.u32 $0xFFFF0000, v38;
	v8 =	vadd.f32 v9, v8;
	v5 =	vadd.s32 $0x2800, v59;
	v59 =	vld [tilespmem:s21+$0xFFFFEAC0]  }
0x2bf: {  	v44 =	vshll.u32 v17, $0x10;
	v21 =	vadd.f32 v33, v21;
	v33 =	vadd.f32 v54, v52;
	v47 =	vld.idx.msk [tilespmem:v56+s28+$0x0], $0xffff  }
0x2c0: {  	v8 =	vadd.f32 v14, v8;
	v60 =	vshll.u32 v15, $0x10;
	v15 =	vand.u32 $0xFFFF0000, v15;
	v36 =	vld.idx.msk [tilespmem:v58+s28+$0x0], $0xffff  }
0x2c1: {  	v9 =	vadd.f32 v57, v53;
	v34 =	vadd.f32 v34, v21;
	v58 =	vadd.s32 $0x2800, v2;
	v45 =	vld.idx.msk [tilespmem:v2+s28+$0x0], $0xffff  }
0x2c2: {  	v33 =	vadd.f32 v60, v33;
	v8 =	vadd.f32 v15, v8;
	v54 =	vadd.s32 $0x2800, v63;
	v2 =	vld.idx.msk [tilespmem:v62+s28+$0x0], $0xffff  }
0x2c3: {  	v53 =	vshll.u32 v11, $0x10;
	v11 =	vand.u32 $0xFFFF0000, v11;
	v34 =	vadd.f32 v38, v34;
	v38 =	vld [tilespmem:s21+$0x8C0]  }
0x2c4: {  	v6 =	vadd.f32 v61, v9;
	v9 =	vshll.u32 v35, $0x10;
	v35 =	vand.u32 $0xFFFF0000, v35;
	v21 =	vld.idx.msk [tilespmem:v5+s28+$0x0], $0xffff  }
0x2c5: {  	v56 =	vshll.u32 v32, $0x10;
	v33 =	vadd.f32 v7, v33;
	v34 =	vadd.f32 v35, v34;
	v35 =	vld [tilespmem:s21+$0xFFFFF9C0]  }
0x2c6: {  	v32 =	vand.u32 $0xFFFF0000, v32;
	v60 =	vshll.u32 v13, $0x10;
	v16 =	vadd.f32 v16, v8;
	v3 =	vld.idx.msk [tilespmem:v58+s28+$0x0], $0xffff  }
0x2c7: {  	v13 =	vand.u32 $0xFFFF0000, v13;
	v52 =	vadd.f32 v9, v6;
	v33 =	vadd.f32 v53, v33;
	v6 =	vld.idx.msk [tilespmem:v54+s28+$0x0], $0xffff  }
0x2c8: {  	v49 =	vadd.s32 $0x2800, v59;
	v57 =	vadd.f32 v11, v16;
	v32 =	vadd.f32 v32, v34;
	v34 =	vld [tilespmem:s21+$0x3C0]  }
0x2c9: {  	v53 =	vshll.u32 v18, $0x10;
	v18 =	vand.u32 $0xFFFF0000, v18;
	v58 =	vadd.f32 v56, v52;
	v48 =	vld.idx.msk [tilespmem:v59+s28+$0x0], $0xffff  }
0x2ca: {  	v56 =	vshll.u32 v29, $0x10;
	v29 =	vand.u32 $0xFFFF0000, v29;
	v59 =	vadd.s32 $0x2800, v50;
	v50 =	vld.idx.msk [tilespmem:v50+s28+$0x0], $0xffff  }
0x2cb: {  	v61 =	vshll.u32 v28, $0x10;
	v54 =	vshll.u32 v20, $0x10;
	v18 =	vadd.f32 v29, v18;
	v29 =	vld [tilespmem:s21+$0x12C0]  }
0x2cc: {  	v28 =	vand.u32 $0xFFFF0000, v28;
	v14 =	vadd.f32 v13, v57;
	v57 =	vadd.f32 v54, v44;
	v44 =	vld [tilespmem:s8+$0x5CA0]  }
0x2cd: {  	v33 =	vadd.f32 v60, v33;
	v28 =	vadd.f32 v28, v32;
	v32 =	vld [tilespmem:s21+$0xDC0]  }
0x2ce: {  	v60 =	vshll.u32 v27, $0x10;
	v16 =	vadd.f32 v61, v58;
	v61 =	vand.u32 $0xFFFF0000, v27;
	v27 =	vld [tilespmem:s21+$0x17C0]  }
0x2cf: {  	v54 =	vshll.u32 v45, $0x10;
	v58 =	vadd.f32 v56, v53;
	v56 =	vand.u32 $0xFFFF0000, v45;
	v45 =	vld [tilespmem:s8+$0x5D20]  }
0x2d0: {  	v0 =	vmul.f32 v0, v10;
	v5 =	vld.idx.msk [tilespmem:v49+s28+$0x0], $0xffff  }
0x2d1: {  	v17 =	vand.u32 $0xFFFF0000, v17;
	v39 =	vmul.f32 v39, v10;
	v10 =	vmul.f32 v40, v10;
	v49 =	vld.idx.msk [tilespmem:v63+s28+$0x0], $0xffff  }
0x2d2: {  	v20 =	vand.u32 $0xFFFF0000, v20;
	v41 =	vmul.f32 v33, v12;
	v14 =	vmul.f32 v14, v12;
	v63 =	vld [tilespmem:s21+$0xFFFFFEC0]  }
0x2d3: {  	v62 =	vadd.s32 $0x2800, v35;
	v16 =	vmul.f32 v16, v12;
	v12 =	vmul.f32 v28, v12;
	v8 =	vld.idx.msk [tilespmem:v59+s28+$0x0], $0xffff  }
0x2d4: {  	v11 =	vshll.u32 v36, $0x10;
	v17 =	vadd.f32 v20, v17;
	v20 =	vadd.f32 v60, v58;
	v51 =	vld.idx.msk [tilespmem:v35+s28+$0x0], $0xffff  }
0x2d5: {  	v53 =	vand.u32 $0xFFFF0000, v19;
	v4 =	vadd.f32 v16, v39;
	v43 =	vadd.f32 v12, v10;
	v39 =	vld [tilespmem:s8+$0x5C80]  }
0x2d6: {  	v59 =	vshll.u32 v23, $0x10;
	v12 =	vand.u32 $0xFFFF0000, v36;
	v36 =	vshll.u32 v19, $0x10;
	v19 =	vld [tilespmem:s14+$0xFFFFF740]  }
0x2d7: {  	v58 =	vshll.u32 v47, $0x10;
	v35 =	vadd.f32 v59, v57;
	v59 =	vand.u32 $0xFFFF0000, v47;
	v47 =	vld [tilespmem:s8+$0x5D40]  }
0x2d8: {  	v15 =	vand.u32 $0xFFFF0000, v26;
	v9 =	vshll.u32 v31, $0x10;
	v16 =	vld.idx.msk [tilespmem:v62+s28+$0x0], $0xffff  }
0x2d9: {  	v18 =	vadd.f32 v61, v18;
	v23 =	vand.u32 $0xFFFF0000, v23;
	v62 =	vshll.u32 v25, $0x10;
	v33 =	vld.idx.msk [tilespmem:v34+s28+$0x0], $0xffff  }
0x2da: {  	v31 =	vand.u32 $0xFFFF0000, v31;
	v17 =	vadd.f32 v23, v17;
	v23 =	vadd.f32 v62, v35;
	v35 =	vld.idx.msk [tilespmem:v38+s28+$0x0], $0xffff  }
0x2db: {  	v52 =	vadd.f32 v41, v46;
	v0 =	vadd.f32 v14, v0;
	v60 =	vshll.u32 v3, $0x10;
	[tilespmem:$0x1FF10] =	vst v43;
	v43 =	vld.idx.msk [tilespmem:v29+s28+$0x0], $0xffff  }
0x2dc: {  	v57 =	vshll.u32 v21, $0x10;
	v46 =	vadd.s32 $0x2800, v63;
	v62 =	vand.u32 $0xFFFF0000, v21;
	v21 =	vld [tilespmem:s14+$0xFFFFF9C0]  }
0x2dd: {  	[tilespmem:$0x1FEE0] =	vst v3;
	v10 =	vshll.u32 v24, $0x10;
	v3 =	vshll.u32 v50, $0x10;
	v25 =	vand.u32 $0xFFFF0000, v25;
	v14 =	vld.idx.msk [tilespmem:v32+s28+$0x0], $0xffff  }
0x2de: {  	[tilespmem:$0x1FEA0] =	vst v4;
	v4 =	vshll.u32 v22, $0x10;
	v22 =	vand.u32 $0xFFFF0000, v22;
	v17 =	vadd.f32 v25, v17;
	v41 =	vld.idx.msk [tilespmem:v27+s28+$0x0], $0xffff  }
0x2df: {  	v28 =	vld.idx.msk [tilespmem:v63+s28+$0x0], $0xffff;
	v63 =	vshll.u32 v30, $0x10;
	v30 =	vand.u32 $0xFFFF0000, v30;
	v23 =	vadd.f32 v4, v23  }
0x2e0: {  	v17 =	vadd.f32 v22, v17;
	v4 =	vand.u32 $0xFFFF0000, v50;
	v50 =	vld [tilespmem:s8+$0x5DA0];
	v20 =	vadd.f32 v63, v20  }
0x2e1: {  	v24 =	vand.u32 $0xFFFF0000, v24;
	v18 =	vadd.f32 v30, v18;
	v7 =	vld.idx.msk [tilespmem:v46+s28+$0x0], $0xffff;
	v22 =	vadd.f32 v10, v23  }
0x2e2: {  	v13 =	vshll.u32 v26, $0x10;
	v17 =	vadd.f32 v24, v17;
	v46 =	vld [tilespmem:s8+$0x5CE0];
	v20 =	vadd.f32 v9, v20  }
0x2e3: {  	v40 =	vand.u32 $0xFFFF0000, v37;
	v24 =	vld [tilespmem:s14+$0xFFFFFD80];
	v18 =	vadd.f32 v31, v18;
	v22 =	vadd.f32 v13, v22  }
0x2e4: {  	v30 =	vld.idx.msk [tilespmem:v39+s29+$0x0], $0xffff;
	v31 =	vshll.u32 v37, $0x10;
	v17 =	vadd.f32 v15, v17;
	v20 =	vadd.f32 v11, v20  }
0x2e5: {  	v10 =	vshll.u32 v2, $0x10;
	v23 =	vadd.f32 v12, v18;
	v18 =	vld [tilespmem:s14+$0xFFFFF600];
	v22 =	vadd.f32 v31, v22  }
0x2e6: {  	v13 =	vshll.u32 v48, $0x10;
	v31 =	vld.idx.msk [tilespmem:v44+s29+$0x0], $0xffff;
	v17 =	vadd.f32 v40, v17;
	v20 =	vadd.f32 v36, v20  }
0x2e7: {  	v40 =	vld [tilespmem:s8+$0x5D00];
	v23 =	vadd.f32 v53, v23;
	v53 =	vshll.u32 v49, $0x10;
	v22 =	vadd.f32 v54, v22  }
0x2e8: {  	v36 =	vld.idx.msk [tilespmem:v42+s29+$0x0], $0xffff;
	v17 =	vadd.f32 v56, v17;
	v54 =	vand.u32 $0xFFFF0000, v49;
	v56 =	vshll.u32 v6, $0x10  }
0x2e9: {  	[tilespmem:$0x1FEC0] =	vst v6;
	v6 =	vshll.u32 v30, $0x10;
	v49 =	vld [tilespmem:s8+$0x5D80];
	v26 =	vadd.f32 v57, v20;
	v22 =	vadd.f32 v58, v22  }
0x2ea: {  	v30 =	vand.u32 $0xFFFF0000, v30;
	v20 =	vld [tilespmem:s14+$0xFFFFF880];
	v9 =	vadd.f32 v62, v23;
	v61 =	vadd.f32 v59, v17  }
0x2eb: {  	v62 =	vld.idx.msk [tilespmem:v45+s29+$0x0], $0xffff;
	v17 =	vand.u32 $0xFFFF0000, v48;
	v63 =	vadd.f32 v60, v26;
	v22 =	vmul.f32 v22, v1  }
0x2ec: {  	v23 =	vld [tilespmem:s14+$0xFFFFFC40];
	[tilespmem:$0x1FEF0] =	vst v9;
	v58 =	vadd.f32 v54, v17;
	v9 =	vshll.u32 v51, $0x10;
	v11 =	vmul.f32 v61, v1  }
0x2ed: {  	v57 =	vld.idx.msk [tilespmem:v46+s29+$0x0], $0xffff;
	v17 =	vshll.u32 v33, $0x10;
	v12 =	vadd.f32 v10, v63;
	v60 =	vadd.f32 v22, v52  }
0x2ee: {  	[tilespmem:$0x1FEB0] =	vst v5;
	v48 =	vld [tilespmem:s8+$0x5D60];
	v15 =	vadd.f32 v11, v0;
	v52 =	vshll.u32 v5, $0x10;
	v0 =	vadd.f32 v53, v13  }
0x2ef: {  	[tilespmem:$0x1FED0] =	vst v8;
	v63 =	vld.idx.msk [tilespmem:v47+s29+$0x0], $0xffff;
	v5 =	vshll.u32 v8, $0x10;
	v53 =	vshll.u32 v31, $0x10;
	v8 =	vshll.u32 v36, $0x10  }
0x2f0: {  	v61 =	vld.idx.msk [tilespmem:v40+s29+$0x0], $0xffff;
	v59 =	vadd.f32 v56, v52;
	v52 =	vmul.f32 v6, v18;
	v53 =	vmul.f32 v53, v19  }
0x2f1: {  	v26 =	vadd.f32 v4, v58;
	v22 =	vld [tilespmem:s14+$0xFFFFFB00];
	v10 =	vmul.f32 v8, v20;
	v56 =	vand.u32 $0xFFFF0000, v51  }
0x2f2: {  	v11 =	vshll.u32 v57, $0x10;
	v51 =	vld [tilespmem:s8+$0x5DC0];
	v0 =	vadd.f32 v3, v0;
	v52 =	vadd.f32 v53, v52  }
0x2f3: {  	[tilespmem:$0x1FE90] =	vst v12;
	v12 =	vshll.u32 v28, $0x10;
	v6 =	vshll.u32 v62, $0x10;
	v4 =	vadd.f32 v56, v26;
	v26 =	vld [tilespmem:s14+$0x0]  }
0x2f4: {  	v25 =	vmul.f32 v11, v21;
	v56 =	vld [tilespmem:s8+$0x5DE0];
	v0 =	vadd.f32 v9, v0;
	v52 =	vadd.f32 v10, v52  }
0x2f5: {  	v54 =	vadd.f32 v5, v59;
	v59 =	vand.u32 $0xFFFF0000, v28;
	v28 =	vld [tilespmem:s14+$0x140];
	v58 =	vshll.u32 v61, $0x10  }
0x2f6: {  	v11 =	vld.idx.msk [tilespmem:v48+s29+$0x0], $0xffff;
	v0 =	vadd.f32 v12, v0;
	v58 =	vmul.f32 v58, v22;
	v52 =	vadd.f32 v25, v52  }
0x2f7: {  	v33 =	vand.u32 $0xFFFF0000, v33;
	v3 =	vmul.f32 v6, v23;
	v6 =	vadd.f32 v59, v4;
	v10 =	vld.idx.msk [tilespmem:v49+s29+$0x0], $0xffff  }
0x2f8: {  	v13 =	vshll.u32 v16, $0x10;
	v25 =	vld [tilespmem:s14+$0xFFFFFEC0];
	v0 =	vadd.f32 v17, v0;
	v52 =	vadd.f32 v58, v52  }
0x2f9: {  	v9 =	vshll.u32 v35, $0x10;
	v12 =	vshll.u32 v63, $0x10;
	v6 =	vadd.f32 v33, v6;
	v33 =	vld [tilespmem:s14+$0x500]  }
0x2fa: {  	v53 =	vmul.f32 v12, v24;
	v0 =	vadd.f32 v9, v0;
	v9 =	vld.idx.msk [tilespmem:v50+s29+$0x0], $0xffff;
	v3 =	vadd.f32 v3, v52  }
0x2fb: {  	v37 =	vmovc v1;
	v1 =	vshll.u32 v43, $0x10;
	v58 =	vadd.f32 v13, v54;
	v13 =	vshll.u32 v14, $0x10;
	v52 =	vld [tilespmem:s8+$0x5E00]  }
0x2fc: {  	v17 =	vshll.u32 v11, $0x10;
	v0 =	vadd.f32 v13, v0;
	v3 =	vadd.f32 v53, v3;
	v53 =	vld [tilespmem:s8+$0x5E20]  }
0x2fd: {  	[tilespmem:$0x1FF00] =	vst v2;
	v31 =	vand.u32 $0xFFFF0000, v31;
	v36 =	vand.u32 $0xFFFF0000, v36;
	v59 =	vld.idx.msk [tilespmem:v51+s29+$0x0], $0xffff;
	v2 =	vmul.f32 v17, v25  }
0x2fe: {  	v31 =	vmul.f32 v31, v19;
	v54 =	vld [tilespmem:s8+$0x5E40];
	v8 =	vshll.u32 v10, $0x10;
	v5 =	vadd.f32 v1, v0  }
0x2ff: {  	v13 =	vshll.u32 v41, $0x10;
	v4 =	vadd.f32 v2, v3;
	v3 =	vmul.f32 v30, v18;
	v30 =	vld [tilespmem:s14+$0x280]  }
0x300: {  	v12 =	vshll.u32 v7, $0x10;
	v2 =	vmul.f32 v8, v26;
	v1 =	vadd.f32 v13, v5;
	v5 =	vld.idx.msk [tilespmem:v56+s29+$0x0], $0xffff  }
0x301: {  	v36 =	vmul.f32 v36, v20;
	v17 =	vmovc v7;
	v7 =	vadd.f32 v12, v58;
	v58 =	vshll.u32 v9, $0x10;
	v13 =	vld [tilespmem:s8+$0x5E60]  }
0x302: {  	v3 =	vadd.f32 v31, v3;
	v2 =	vadd.f32 v2, v4;
	v31 =	vld [tilespmem:s14+$0x3C0];
	v4 =	vmul.f32 v58, v28  }
0x303: {  	v12 =	vand.u32 $0xFFFF0000, v57;
	v0 =	vshll.u32 v59, $0x10;
	v1 =	vmul.f32 v1, v55;
	v58 =	vld.idx.msk [tilespmem:v52+s29+$0x0], $0xffff  }
0x304: {  	v2 =	vadd.f32 v4, v2;
	v3 =	vadd.f32 v36, v3;
	v0 =	vmul.f32 v0, v30;
	v8 =	vld.idx.msk [tilespmem:v53+s29+$0x0], $0xffff  }
0x305: {  	v4 =	vadd.s32 $0x2800, v34;
	v34 =	vld [tilespmem:s14+$0x640];
	v1 =	vadd.f32 v1, v60;
	v60 =	vand.u32 $0xFFFF0000, v35  }
0x306: {  	v57 =	vld.idx.msk [tilespmem:v54+s29+$0x0], $0xffff;
	v35 =	vmul.f32 v12, v21;
	v2 =	vadd.f32 v0, v2;
	v0 =	vshll.u32 v5, $0x10  }
0x307: {  	v12 =	vld [tilespmem:s14+$0x780];
	v1 =	vsub.f32 $0.0e+00, v1;
	v36 =	vmul.f32 v0, v31  }
0x308: {  	v6 =	vadd.f32 v60, v6;
	v3 =	vadd.f32 v35, v3;
	v0 =	vshll.u32 v58, $0x10  }
0x309: {  	v1 =	vmul.f32 $1.442695020e+00, v1;
	v2 =	vadd.f32 v36, v2;
	v60 =	vshll.u32 v8, $0x10  }
0x30a: {  	v0 =	vmul.f32 v0, v33;
	v36 =	vand.u32 $0xFFFF0000, v61;
	v35 =	vmul.f32 v60, v34;
	v60 =	vld.idx.msk [tilespmem:v13+s29+$0x0], $0xffff  }
0x30b: {  	v61 =	vshll.u32 v57, $0x10;
	(erf) = vpow2.f32 v1;
	v1 =	vmul.f32 v36, v22;
	v36 =	vld [tilespmem:s14+$0x8C0]  }
0x30c: {  	v14 =	vand.u32 $0xFFFF0000, v14;
	v0 =	vadd.f32 v0, v2;
	v2 =	vmul.f32 v61, v12  }
0x30d: {  	v1 =	vadd.f32 v1, v3;
	v3 =	vadd.s32 $0x2800, v39;
	v39 =	vand.u32 $0xFFFF0000, v62  }
0x30e: {  	v62 =	vand.u32 $0xFFFF0000, v63;
	v35 =	vadd.f32 v35, v0;
	v0 =	vld.idx.msk [tilespmem:v4+s28+$0x0], $0xffff;
	v4 =	vadd.f32 v14, v6  }
0x30f: {  	v6 =	vmul.f32 v39, v23;
	v63 =	vmul.f32 v62, v24;
	v61 =	vshll.u32 v60, $0x10  }
0x310: {  	v2 =	vadd.f32 v2, v35;
	v35 =	vadd.s32 $0x2800, v38;
	v38 =	vmul.f32 v61, v36  }
0x311: {  	v16 =	vand.u32 $0xFFFF0000, v16;
	v50 =	vadd.s32 $0x2800, v50;
	v5 =	vand.u32 $0xFFFF0000, v5  }
0x312: {  	v8 =	vand.u32 $0xFFFF0000, v8;
	v1 =	vadd.f32 v6, v1;
	v2 =	vadd.f32 v38, v2  }
0x313: {  	v5 =	vmul.f32 v5, v31;
	v8 =	vmul.f32 v8, v34;
	v13 =	vadd.s32 $0x2800, v13  }
0x314: {  	v39 =	vadd.s32 $0x2800, v44;
	v1 =	vadd.f32 v63, v1;
	v63 =	vpop (erf);
	v2 =	vsub.f32 $0.0e+00, v2  }
0x315: {  	v62 =	vand.u32 $0xFFFF0000, v11;
	v44 =	vand.u32 $0xFFFF0000, v10;
	v11 =	vadd.f32 $1.000000000e+00, v63  }
0x316: {  	v6 =	vmul.f32 v62, v25;
	v60 =	vand.u32 $0xFFFF0000, v60;
	v2 =	vmul.f32 $1.442695020e+00, v2  }
0x317: {  	v61 =	vand.u32 $0xFFFF0000, v43;
	v43 =	vld.idx.msk [tilespmem:v3+s29+$0x0], $0xffff;
	v3 =	vadd.s32 $0x2800, v42;
	(erf) = vrcp.f32 v11  }
0x318: {  	v14 =	vshll.u32 v0, $0x10;
	v4 =	vadd.f32 v61, v4;
	(erf) = vpow2.f32 v2  }
0x319: {  	v7 =	vadd.f32 v14, v7;
	v14 =	vand.u32 $0xFFFF0000, v41;
	v41 =	vld.idx.msk [tilespmem:v39+s29+$0x0], $0xffff;
	v39 =	vadd.s32 $0x2800, v46  }
0x31a: {  	v1 =	vadd.f32 v6, v1;
	v6 =	vmul.f32 v44, v26;
	v44 =	vadd.s32 $0x2800, v45  }
0x31b: {  	v45 =	vadd.s32 $0x2800, v32;
	v38 =	vld.idx.msk [tilespmem:v35+s28+$0x0], $0xffff;
	v4 =	vadd.f32 v14, v4;
	v63 =	vand.u32 $0xFFFF0000, v9  }
0x31c: {  	v14 =	vadd.s32 $0x2800, v40;
	v1 =	vadd.f32 v6, v1;
	v6 =	vmul.f32 v63, v28  }
0x31d: {  	v35 =	vand.u32 $0xFFFF0000, v59;
	v59 =	vadd.s32 $0x2800, v47;
	v4 =	vmul.f32 v4, v55;
	v42 =	vld.idx.msk [tilespmem:v3+s29+$0x0], $0xffff  }
0x31e: {  	v1 =	vadd.f32 v6, v1;
	v6 =	vmul.f32 v35, v30;
	v62 =	vshll.u32 v41, $0x10  }
0x31f: {  	v63 =	vadd.s32 $0x2800, v29;
	v46 =	vshll.u32 v43, $0x10;
	v4 =	vadd.f32 v4, v15  }
0x320: {  	v10 =	vmul.f32 v46, v18;
	v61 =	vshll.u32 v38, $0x10;
	v1 =	vadd.f32 v6, v1;
	v32 =	vpop (erf)  }
0x321: {  	v39 =	vld.idx.msk [tilespmem:v39+s29+$0x0], $0xffff;
	v3 =	vmul.f32 v62, v19;
	v2 =	vadd.f32 v61, v7;
	v4 =	vsub.f32 $0.0e+00, v4;
	v62 =	vpop (erf)  }
0x322: {  	v61 =	vand.u32 $0xFFFF0000, v58;
	v40 =	vshll.u32 v42, $0x10;
	v9 =	vadd.f32 $1.000000000e+00, v62  }
0x323: {  	v1 =	vadd.f32 v5, v1;
	v5 =	vmul.f32 v61, v33;
	v4 =	vmul.f32 $1.442695020e+00, v4  }
0x324: {  	v0 =	vand.u32 $0xFFFF0000, v0;
	v7 =	vmul.f32 v40, v20;
	v40 =	vld.idx.msk [tilespmem:v14+s29+$0x0], $0xffff;
	(erf) = vrcp.f32 v9  }
0x325: {  	v35 =	vadd.s32 $0x2800, v48;
	v29 =	vld.idx.msk [tilespmem:v44+s29+$0x0], $0xffff;
	v3 =	vadd.f32 v3, v10;
	(erf) = vpow2.f32 v4  }
0x326: {  	v47 =	vadd.s32 $0x2800, v49;
	v46 =	vshll.u32 v39, $0x10;
	v1 =	vadd.f32 v5, v1;
	v5 =	vld.idx.msk [tilespmem:v45+s28+$0x0], $0xffff  }
0x327: {  	v49 =	vand.u32 $0xFFFF0000, v57;
	v11 =	vld.idx.msk [tilespmem:v63+s28+$0x0], $0xffff;
	v3 =	vadd.f32 v7, v3;
	v6 =	vmul.f32 v46, v21  }
0x328: {  	v41 =	vand.u32 $0xFFFF0000, v41;
	v58 =	vmul.f32 v49, v12;
	v7 =	vld.idx.msk [tilespmem:v59+s29+$0x0], $0xffff;
	v1 =	vadd.f32 v8, v1  }
0x329: {  	v46 =	vadd.s32 $0x2800, v27;
	v3 =	vadd.f32 v6, v3;
	v44 =	vshll.u32 v40, $0x10  }
0x32a: {  	v6 =	vld.idx.msk [tilespmem:v35+s29+$0x0], $0xffff;
	v35 =	vmul.f32 v60, v36;
	v1 =	vadd.f32 v58, v1;
	v45 =	vmul.f32 v44, v22  }
0x32b: {  	v63 =	vadd.s32 $0x2800, v51;
	v48 =	vshll.u32 v29, $0x10;
	v59 =	vshll.u32 v5, $0x10  }
0x32c: {  	v8 =	vld.idx.msk [tilespmem:v47+s29+$0x0], $0xffff;
	v1 =	vadd.f32 v35, v1;
	v3 =	vadd.f32 v45, v3;
	v4 =	vmul.f32 v48, v23  }
0x32d: {  	v49 =	vld [tilespmem:$0x1FEB0];
	v51 =	vshll.u32 v11, $0x10;
	v61 =	vshll.u32 v7, $0x10;
	v2 =	vadd.f32 v59, v2;
	v27 =	vpop (erf)  }
0x32e: {  	v60 =	vld [tilespmem:$0x1FE90];
	v62 =	vmul.f32 v61, v24;
	v1 =	vsub.f32 $0.0e+00, v1;
	v3 =	vadd.f32 v4, v3;
	v59 =	vpop (erf)  }
0x32f: {  	v58 =	vadd.s32 $0x2800, v56;
	v9 =	vld.idx.msk [tilespmem:v46+s28+$0x0], $0xffff;
	v57 =	vshll.u32 v6, $0x10;
	v61 =	vadd.f32 $1.000000000e+00, v59  }
0x330: {  	v10 =	vld.idx.msk [tilespmem:v63+s29+$0x0], $0xffff;
	v1 =	vmul.f32 $1.442695020e+00, v1;
	v4 =	vmul.f32 v57, v25;
	v3 =	vadd.f32 v62, v3  }
0x331: {  	v63 =	vadd.s32 $0x2800, v52;
	v47 =	vld [tilespmem:$0x1FEA0];
	v62 =	vshll.u32 v8, $0x10;
	(erf) = vrcp.f32 v61  }
0x332: {  	v35 =	vld.idx.msk [tilespmem:v50+s29+$0x0], $0xffff;
	v3 =	vadd.f32 v4, v3;
	v4 =	vmul.f32 v62, v26;
	(erf) = vpow2.f32 v1  }
0x333: {  	v5 =	vand.u32 $0xFFFF0000, v5;
	v2 =	vadd.f32 v51, v2;
	v51 =	vadd.s32 $0x2800, v53;
	v53 =	vld [tilespmem:$0x1FEC0]  }
0x334: {  	v14 =	vmul.f32 v60, v37;
	v15 =	vshll.u32 v9, $0x10;
	v3 =	vadd.f32 v4, v3;
	v4 =	vld.idx.msk [tilespmem:v58+s29+$0x0], $0xffff  }
0x335: {  	v50 =	vand.u32 $0xFFFF0000, v49;
	v49 =	vand.u32 $0xFFFF0000, v39;
	v2 =	vadd.f32 v15, v2;
	v58 =	vld [tilespmem:$0x1FED0]  }
0x336: {  	v52 =	vshll.u32 v10, $0x10;
	v45 =	vld.idx.msk [tilespmem:v63+s29+$0x0], $0xffff;
	v63 =	vmul.f32 v41, v19;
	v14 =	vadd.f32 v14, v47  }
0x337: {  	v46 =	vshll.u32 v35, $0x10;
	v57 =	vadd.s32 $0x2800, v54;
	v2 =	vmul.f32 v2, v55  }
0x338: {  	v13 =	vld.idx.msk [tilespmem:v13+s29+$0x0], $0xffff;
	v60 =	vand.u32 $0xFFFF0000, v43;
	v56 =	vand.u32 $0xFFFF0000, v53;
	v1 =	vmul.f32 v46, v28  }
0x339: {  	v48 =	vmovc v37;
	v37 =	vadd.f32 v56, v50;
	v15 =	vmul.f32 v60, v18;
	v2 =	vadd.f32 v2, v14  }
0x33a: {  	v43 =	vld.idx.msk [tilespmem:v51+s29+$0x0], $0xffff;
	v14 =	vand.u32 $0xFFFF0000, v58;
	v1 =	vadd.f32 v1, v3;
	v3 =	vmul.f32 v52, v30;
	v18 =	vpop (erf)  }
0x33b: {  	v2 =	vsub.f32 $0.0e+00, v2;
	v59 =	vshll.u32 v4, $0x10;
	v14 =	vadd.f32 v14, v37;
	v62 =	vpop (erf)  }
0x33c: {  	v37 =	vld.idx.msk [tilespmem:v57+s29+$0x0], $0xffff;
	v1 =	vadd.f32 v3, v1;
	v3 =	vmul.f32 v59, v31;
	v44 =	vadd.f32 $1.000000000e+00, v62  }
0x33d: {  	v47 =	vand.u32 $0xFFFF0000, v17;
	v61 =	vshll.u32 v45, $0x10;
	v2 =	vmul.f32 $1.442695020e+00, v2  }
0x33e: {  	v1 =	vadd.f32 v3, v1;
	v3 =	vmul.f32 v61, v33;
	(erf) = vrcp.f32 v44  }
0x33f: {  	v50 =	vshll.u32 v13, $0x10;
	v41 =	vshll.u32 v43, $0x10;
	(erf) = vpow2.f32 v2  }
0x340: {  	v1 =	vadd.f32 v3, v1;
	v3 =	vmul.f32 v41, v34;
	v44 =	vand.u32 $0xFFFF0000, v42  }
0x341: {  	v15 =	vadd.f32 v63, v15;
	v46 =	vshll.u32 v37, $0x10;
	v2 =	vmul.f32 v44, v20  }
0x342: {  	v14 =	vadd.f32 v16, v14;
	v16 =	vmul.f32 v46, v12;
	v1 =	vadd.f32 v3, v1  }
0x343: {  	v54 =	vand.u32 $0xFFFF0000, v38;
	v2 =	vadd.f32 v2, v15;
	v15 =	vmul.f32 v50, v36  }
0x344: {  	v51 =	vand.u32 $0xFFFF0000, v40;
	v63 =	vand.u32 $0xFFFF0000, v11;
	v1 =	vadd.f32 v16, v1  }
0x345: {  	v53 =	vld [tilespmem:$0x1FEE0];
	v11 =	vand.u32 $0xFFFF0000, v6;
	v57 =	vand.u32 $0xFFFF0000, v29;
	v3 =	vadd.f32 v47, v14  }
0x346: {  	v56 =	vld [tilespmem:$0x1FEF0];
	v59 =	vand.u32 $0xFFFF0000, v7;
	v14 =	vmul.f32 v49, v21;
	v1 =	vadd.f32 v15, v1  }
0x347: {  	v52 =	vmul.f32 v51, v22;
	v60 =	vmul.f32 v59, v24;
	v62 =	vld [tilespmem:$0x1FF00];
	v0 =	vadd.f32 v0, v3;
	v15 =	vpop (erf)  }
0x348: {  	v21 =	vmul.f32 v11, v25;
	v2 =	vadd.f32 v14, v2;
	v1 =	vsub.f32 $0.0e+00, v1;
	v58 =	vpop (erf)  }
0x349: {  	v3 =	vmul.f32 v57, v23;
	v0 =	vadd.f32 v54, v0;
	v16 =	vadd.f32 $1.000000000e+00, v58  }
0x34a: {  	v14 =	vand.u32 $0xFFFF0000, v53;
	v2 =	vadd.f32 v52, v2;
	v1 =	vmul.f32 $1.442695020e+00, v1  }
0x34b: {  	v0 =	vadd.f32 v5, v0;
	v14 =	vadd.f32 v14, v56;
	(erf) = vrcp.f32 v16  }
0x34c: {  	v25 =	vld [tilespmem:$0x1FF10];
	v2 =	vadd.f32 v3, v2;
	(erf) = vpow2.f32 v1;
	v1 =	vand.u32 $0xFFFF0000, v62  }
0x34d: {  	v0 =	vadd.f32 v63, v0;
	v1 =	vadd.f32 v1, v14  }
0x34e: {  	v22 =	vand.u32 $0xFFFF0000, v9;
	v2 =	vadd.f32 v60, v2  }
0x34f: {  	v23 =	vand.u32 $0xFFFF0000, v8;
	v0 =	vadd.f32 v22, v0;
	v1 =	vmul.f32 v1, v48  }
0x350: {  	v24 =	vmul.f32 v23, v26;
	v2 =	vadd.f32 v21, v2  }
0x351: {  	v26 =	vand.u32 $0xFFFF0000, v35;
	v0 =	vmul.f32 v0, v55;
	v1 =	vadd.f32 v1, v25  }
0x352: {  	v29 =	vmul.f32 v26, v28;
	v2 =	vadd.f32 v24, v2  }
0x353: {  	v35 =	vand.u32 $0xFFFF0000, v10;
	v0 =	vadd.f32 v0, v1  }
0x354: {  	v2 =	vadd.f32 v29, v2;
	v1 =	vmul.f32 v35, v30;
	v38 =	vpop (erf)  }
0x355: {  	v4 =	vand.u32 $0xFFFF0000, v4;
	v39 =	vpop (erf);
	v0 =	vsub.f32 $0.0e+00, v0  }
0x356: {  	v40 =	vmul.f32 v4, v31;
	v1 =	vadd.f32 v1, v2;
	v42 =	vadd.f32 $1.000000000e+00, v39  }
0x357: {  	v44 =	vand.u32 $0xFFFF0000, v45;
	v0 =	vmul.f32 $1.442695020e+00, v0  }
0x358: {  	v45 =	vmul.f32 v44, v33;
	v1 =	vadd.f32 v40, v1;
	(erf) = vrcp.f32 v42  }
0x359: {  	v46 =	vand.u32 $0xFFFF0000, v43;
	(erf) = vpow2.f32 v0  }
0x35a: {  	v48 =	vmul.f32 v46, v34;
	v47 =	vadd.f32 v45, v1  }
0x35b: {  	v49 =	vand.u32 $0xFFFF0000, v37  }
0x35c: {  	v50 =	vmul.f32 v49, v12;
	v0 =	vadd.f32 v48, v47  }
0x35d: {  	v51 =	vand.u32 $0xFFFF0000, v13  }
0x35e: {  	v52 =	vmul.f32 v51, v36;
	v0 =	vadd.f32 v50, v0;
	_ =	sdelay $0x1  }
0x35f: {  	v0 =	vadd.f32 v52, v0  }
0x360: {  	v53 =	vpop (erf)  }
0x361: {  	v0 =	vsub.f32 $0.0e+00, v0;
	v54 =	vpop (erf)  }
0x362: {  	v2 =	vadd.f32 $1.000000000e+00, v54  }
0x363: {  	v0 =	vmul.f32 $1.442695020e+00, v0  }
0x364: {  	(erf) = vrcp.f32 v2  }
0x365: {  	(erf) = vpow2.f32 v0;
	_ =	sdelay $0x7  }
0x366: {  	v55 =	vpop (erf)  }
0x367: {  	v56 =	vpop (erf)  }
0x368: {  	v19 =	vld [tilespmem:$0x1FF50];
	v2 =	vadd.f32 $1.000000000e+00, v56  }
0x369: {  	v17 =	vld [tilespmem:$0x1FF40]  }
0x36a: {  	v61 =	vld [tilespmem:$0x1FF30];
	(erf) = vrcp.f32 v2  }
0x36b: {  	v20 =	vld [tilespmem:$0x1FF60]  }
0x36c: {  	v14 =	vld [tilespmem:$0x1FF20];
	_ =	sdelay $0x1  }
0x36d: {  	v59 =	vadd.s32 s5, v17;
	v41 =	vlaneseq.u32  }
0x36e: {  	v57 =	vor.u32 s5, v41;
	v5 =	vand.u32 $0x3F8, v59  }
0x36f: {  	v58 =	vadd.f32 v27, v32;
	v60 =	vadd.s32 s5, v19;
	v2 =	vand.u32 v61, v57  }
0x370: {  	v6 =	vand.u32 $0x7F8, v60;
	v5 =	vor.u32 v14, v5;
	v61 =	vadd.s32 s5, v20  }
0x371: {  	v62 =	vadd.f32 v15, v18;
	v6 =	vor.u32 v14, v6;
	v7 =	vand.u32 $0x7F8, v61  }
0x372: {  	p1 =	sne.s32 s5, $0x130;
	v4 =	vmul.f32 $5.000000000e-01, v58;
	v1 =	vadd.f32 v53, v38;
	v7 =	vor.u32 v14, v7;
	v63 =	vpop (erf)  }
.Ltmp2:
0x373: {  	v8 =	vmul.f32 $5.000000000e-01, v62;
	v0 =	vadd.f32 v63, v55;
	(pc) =	sbr.rel @p1 .LBB2_6-.Ltmp2, $4  }
0x374: {  	v1 =	vmul.f32 $5.000000000e-01, v1;
	[tilespmem:v2+s31+$0x0] =	vst.idx.msk $0xffff, v4  }
0x375: {  	[tilespmem:v5+s31+$0x0] =	vst.idx.msk $0xffff, v8;
	v0 =	vmul.f32 $5.000000000e-01, v0  }
0x376: {  	s12 =	sadd.s32 $0x100, s12;
	s13 =	sadd.s32 $0x10, s13;
	[tilespmem:v6+s31+$0x0] =	vst.idx.msk $0xffff, v1  }
0x377: {  	s21 =	sadd.s32 $0x10, s21;
	s14 =	sadd.s32 $0x10, s14;
	s5 =	sadd.s32 $0x10, s5;
	[tilespmem:v7+s31+$0x0] =	vst.idx.msk $0xffff, v0  }
0x378: {  	s5 =	sadd.s32 s10, s17  }
0x379: {  	s5 =	sshrl.u32 s5, $0x3  }
0x37a: {  	s5 =	sadd.s32 s7, s5  }
0x37b: {  	[hbm4b:s5+s3] =	stream.linear.scatter [tilespmem:s31], [sflag:$0x3], $0x140, $0x38;
	[tilespmem:$0x1CE80] =	vst v63  }
0x37c: {  	s14 =	sadd.s32 s10, s18;
	_ =	swait.ge [sflag:s22], $0x140  }
0x37d: {  	s5 =	sshrl.u32 s14, $0x3;
	[sflag:s22] =	ssyncset.done $0x0  }
0x37e: {  	s5 =	sadd.s32 s7, s5;
	[sflag:s22] =	ssyncadd.s32 $0xFFFFFEC0  }
0x37f: {  	[hbm4b:s5+s3] =	stream.linear.scatter [tilespmem:s1], [sflag:$0x3], $0x140, $0x38;
	[tilespmem:$0x1CE80] =	vst v63  }
0x380: {  	s15 =	sadd.s32 s10, s19;
	_ =	swait.ge [sflag:s22], $0x140  }
0x381: {  	s5 =	sshrl.u32 s15, $0x3;
	[sflag:s22] =	ssyncset.done $0x0  }
0x382: {  	s5 =	sadd.s32 s7, s5;
	[sflag:s22] =	ssyncadd.s32 $0xFFFFFEC0  }
0x383: {  	[hbm4b:s5+s3] =	stream.linear.scatter [tilespmem:s0], [sflag:$0x3], $0x140, $0x38;
	[tilespmem:$0x1CE80] =	vst v63  }
0x384: {  	s21 =	sadd.s32 s10, s20;
	_ =	swait.ge [sflag:s22], $0x140  }
0x385: {  	s5 =	sshrl.u32 s21, $0x3;
	[sflag:s22] =	ssyncset.done $0x0  }
0x386: {  	s5 =	sadd.s32 s7, s5;
	[sflag:s22] =	ssyncadd.s32 $0xFFFFFEC0  }
0x387: {  	[hbm4b:s5+s3] =	stream.linear.scatter [tilespmem:s23], [sflag:$0x3], $0x140, $0x38;
	[tilespmem:$0x1CE80] =	vst v63  }
0x388: {  	_ =	swait.ge [sflag:s22], $0x140  }
0x389: {  	s10 =	simm.s32 @!p0 $0x0;
	s5 =	sadd.s32 @!p0 $0x1E00, s11;
	[sflag:s22] =	ssyncset.done $0x0  }
0x38a: {  	s11 =	simm.s32 @!p0 $0x11080;
	s8 =	sadd.s32 @!p0 s2, s5;
	[sflag:s22] =	ssyncadd.s32 $0xFFFFFEC0  }
0x38b: {  	[tilespmem:s11], [sflag:$0x2] =	stream.linear.gather @!p0 [hbm4b:s8+s10], $0x5000, $0x38;
	[tilespmem:$0x1CE80] =	vst v63  }
0x38c: {  	p1 =	sne.s32 @!p0 s9, $0x4;
	s5 =	sadd.s32 @!p0 s4, s5;
	s8 =	simm.s32 @!p0 $0x16080  }
0x38d: {  	[tilespmem:s8], [sflag:$0x2] =	stream.linear.gather @!p0 [hbm4b:s5+s10], $0x5000, $0x38;
	[tilespmem:$0x1CE80] =	vst v63  }
0x38e: {  	p0 =	por p0, !p1  }
.Ltmp3:
0x38f: {  	_ = 	snop;
	(pc) =	sbr.rel @!p0 .LBB2_3-.Ltmp3, $1  }
0x390: {  	_ =	sdelay $0x3  }
0x391: {  	s8 =	rddreg [dreg:$0xd]  }
0x392: {  	s5 =	rddreg [dreg:$0xc];
	s8 =	sadd.s32 $0x1, s8  }
0x393: {  	p0 =	sne.s32 s8, s5  }
.Ltmp4:
0x394: {  	_ = 	snop;
	(pc) =	sbr.rel @p0 .LBB2_1-.Ltmp4, $1  }
0x395: {  	_ =	sdelay $0x3  }
0x396: {  	_ =	sfence.sel $0x180000  }
0x397: {  	[bflag:$0x0] =	sbarrier.arrive $0xFFFF  }
0x398: {  	_ =	strace $0x90000047  }
0x399: {  	s0 =	stileid.u32;
	[bflag:$0x2] =	sbarrier.arrive $0xFFFF  }
0x39a: {  	p0 =	sne.s32 s0, $0x0;
	s0 =	rddreg [dreg:$0x2]  }
0x39b: {  	s0 =	sadd.s32 @!p0 $0x100000, s0  }
0x39c: {  	[sflag:s0] =	ssyncadd.tile.s32 @!p0 $0x1;
	_ =	shalt  }
.Lfunc_end2:
_tile_overlayer_lowered:
.L_overlay_start_2:
0x39d: {  	(tag) =	ssettag $0x2  }
0x39e: {  	s0 =	rddreg [dreg:$0x0];
	s2 =	stileid.u32  }
0x39f: {  	s1 =	rddreg [dreg:$0x1];
	p0 =	sne.s32 s2, $0x0  }
0x3a0: {  	s3 =	rddreg [dreg:$0x2];
	[bflag:$0x3] =	sbarrier.arrive $0xFFFF;
	s2 =	simm.s32 @!p0 $0x1C03  }
0x3a1: {  	[timem:s3], [sflag:s2] =	dma.local @!p0 [hbm:s0], s1  }
0x3a2: {  	s0 =	simm.s32 @!p0 $0x3  }
0x3a3: {  	_ =	swait.ge @!p0 [sflag:s0], s1  }
0x3a4: {  	s1 =	ssub.s32 @!p0 $0x0, s1;
	[sflag:s0] =	ssyncset.done @!p0 $0x0  }
0x3a5: {  	[sflag:s0] =	ssyncadd.s32 @!p0 s1  }
0x3a6: {  	[bflag:$0x3] =	sbarrier.arrive $0xFFFF  }
0x3a7: {  	_ =	shalt  }

</sc_bundles>
